<compile_context>
chip_gen: v7x
topology: tpu7x:2x2x1
jax: 0.10.2.dev20260603
libtpu: 0.0.44.dev20260713+nightly
codegen_flags: <defaults>
</compile_context>

<pallas_src>
import functools

import jax
import jax.numpy as jnp
from jax import lax
from jax.experimental import pallas as pl
from jax.experimental.pallas import tpu as pltpu
from jax.experimental.pallas import tpu_sc as plsc

NN = 10000
NE = 160000
F = 256
DE = 16
NG = 64

NODE_BLK = 1000
EDGE_BLK = 1000
N_TILES = 16
KG = 80
KS = 80
EPT = NE // N_TILES


def _idx_body(ei_ref, out_ref):
    s = ei_ref[0:1, :]
    d = ei_ref[1:2, :]
    out_ref[0:1, :] = d * 4
    out_ref[1:2, :] = d * 4 + 1
    out_ref[2:3, :] = s * 4 + 2
    out_ref[3:4, :] = s * 4 + 3
    out_ref[4:5, :] = d
    out_ref[5:6, :] = d
    out_ref[6:7, :] = d
    out_ref[7:8, :] = d


def _build_idx(ei):
    return pl.pallas_call(
        _idx_body,
        out_shape=jax.ShapeDtypeStruct((8, NE), jnp.int32),
    )(ei)


def _tab1_body(x_ref, w_ref, p_ref):
    p_ref[...] = jnp.dot(x_ref[...], w_ref[...],
                         preferred_element_type=jnp.float32, precision=lax.Precision.HIGHEST)


def _tables1(x, w4):
    return pl.pallas_call(
        _tab1_body,
        grid=(NN // NODE_BLK,),
        in_specs=[
            pl.BlockSpec((NODE_BLK, F), lambda i: (i, 0)),
            pl.BlockSpec((F, 4 * F), lambda i: (0, 0)),
        ],
        out_specs=pl.BlockSpec((NODE_BLK, 4 * F), lambda i: (i, 0)),
        out_shape=jax.ShapeDtypeStruct((NN, 4 * F), jnp.float32),
    )(x, w4)


def _tab2_body(x_ref, agg_ref, w_ref, h_ref, p_ref):
    h = x_ref[...] + jnp.concatenate([agg_ref[0], agg_ref[1]], axis=-1)
    h_ref[...] = h
    p_ref[...] = jnp.dot(h, w_ref[...], preferred_element_type=jnp.float32, precision=lax.Precision.HIGHEST)


def _tables2(x, agg, w4):
    return pl.pallas_call(
        _tab2_body,
        grid=(NN // NODE_BLK,),
        in_specs=[
            pl.BlockSpec((NODE_BLK, F), lambda i: (i, 0)),
            pl.BlockSpec((2, NODE_BLK, F // 2), lambda i: (0, i, 0)),
            pl.BlockSpec((F, 4 * F), lambda i: (0, 0)),
        ],
        out_specs=[
            pl.BlockSpec((NODE_BLK, F), lambda i: (i, 0)),
            pl.BlockSpec((NODE_BLK, 4 * F), lambda i: (i, 0)),
        ],
        out_shape=[
            jax.ShapeDtypeStruct((NN, F), jnp.float32),
            jax.ShapeDtypeStruct((NN, 4 * F), jnp.float32),
        ],
    )(x, agg, w4)


def _edge_body(g_ref, ea_ref, we_ref, b_ref, m_ref):
    e = jnp.dot(ea_ref[...], we_ref[...], preferred_element_type=jnp.float32, precision=lax.Precision.HIGHEST)
    zf = g_ref[0] + e[:, :F] + b_ref[0:1, :F]
    zs = g_ref[1] + e[:, F:] + b_ref[0:1, F:]
    gate = jax.nn.sigmoid(zf)
    sp = jnp.maximum(zs, 0.0) + jnp.log1p(jnp.exp(-jnp.abs(zs)))
    m = gate * sp
    m_ref[0] = m[:, : F // 2]
    m_ref[1] = m[:, F // 2:]


def _edge_mlp(g, ea, we, b):
    return pl.pallas_call(
        _edge_body,
        grid=(NE // EDGE_BLK,),
        in_specs=[
            pl.BlockSpec((2, EDGE_BLK, F), lambda i: (0, i, 0)),
            pl.BlockSpec((EDGE_BLK, DE), lambda i: (i, 0)),
            pl.BlockSpec((DE, 2 * F), lambda i: (0, 0)),
            pl.BlockSpec((8, 2 * F), lambda i: (0, 0)),
        ],
        out_specs=pl.BlockSpec((2, EDGE_BLK, F // 2), lambda i: (0, i, 0)),
        out_shape=jax.ShapeDtypeStruct((2, NE, F // 2), jnp.float32),
    )(g, ea, we, b)


def _final_body(h_ref, agg_ref, batch_ref, wfc_ref, bfc_ref, out_ref,
                pooled, cnt):
    i = pl.program_id(0)

    @pl.when(i == 0)
    def _():
        pooled[...] = jnp.zeros_like(pooled)
        cnt[...] = jnp.zeros_like(cnt)

    h2 = h_ref[...] + jnp.concatenate([agg_ref[0], agg_ref[1]], axis=-1)
    b = batch_ref[0, 0, :]
    ids = lax.broadcasted_iota(jnp.int32, (NG, NODE_BLK), 0)
    mask_t = (ids == b[None, :]).astype(jnp.float32)
    pooled[...] += jnp.dot(mask_t, h2, preferred_element_type=jnp.float32, precision=lax.Precision.HIGHEST)
    cnt[...] += jnp.broadcast_to(
        jnp.sum(mask_t, axis=1, keepdims=True), (NG, 128))

    @pl.when(i == pl.num_programs(0) - 1)
    def _():
        out_ref[...] = (jnp.dot(pooled[...], wfc_ref[...],
                                preferred_element_type=jnp.float32, precision=lax.Precision.HIGHEST)
                        + cnt[:, 0:1] * bfc_ref[0, 0])


def _final(h1, agg2, batch3, wfc, bfc11):
    return pl.pallas_call(
        _final_body,
        grid=(NN // NODE_BLK,),
        in_specs=[
            pl.BlockSpec((NODE_BLK, F), lambda i: (i, 0)),
            pl.BlockSpec((2, NODE_BLK, F // 2), lambda i: (0, i, 0)),
            pl.BlockSpec((1, 1, NODE_BLK), lambda i: (i, 0, 0)),
            pl.BlockSpec((F, 1), lambda i: (0, 0)),
            pl.BlockSpec((1, 1), lambda i: (0, 0),
                         memory_space=pltpu.SMEM),
        ],
        out_specs=pl.BlockSpec((NG, 1), lambda i: (0, 0)),
        out_shape=jax.ShapeDtypeStruct((NG, 1), jnp.float32),
        scratch_shapes=[
            pltpu.VMEM((NG, F), jnp.float32),
            pltpu.VMEM((NG, 128), jnp.float32),
        ],
    )(h1, agg2, batch3, wfc, bfc11)


def _mesh():
    return plsc.VectorSubcoreMesh(core_axis_name="c", subcore_axis_name="s",
                                  num_cores=2, num_subcores=N_TILES)


def _sc_gather(p40, idx8):

    nch = EPT // KG

    @functools.partial(
        pl.kernel,
        out_type=jax.ShapeDtypeStruct((2, NE, F), jnp.float32),
        mesh=_mesh(),
        scratch_types=[
            pltpu.VMEM((EPT,), jnp.int32),
            pltpu.VMEM((EPT,), jnp.int32),
            pltpu.VMEM((KG, F), jnp.float32),
            pltpu.VMEM((KG, F), jnp.float32),
            pltpu.VMEM((KG, F), jnp.float32),
            pltpu.VMEM((KG, F), jnp.float32),
            pltpu.SemaphoreType.DMA,
            pltpu.SemaphoreType.DMA,
            pltpu.SemaphoreType.DMA,
            pltpu.SemaphoreType.DMA,
        ],
    )
    def k(p_hbm, i8_hbm, g_hbm, idxd, idxs,
          bda, bsa, bdb, bsb, sda, ssa, sdb, ssb):
        c = lax.axis_index("c")
        s = lax.axis_index("s")
        base = s * EPT
        pltpu.sync_copy(i8_hbm.at[pl.ds(c * NE + base, EPT)], idxd)
        pltpu.sync_copy(i8_hbm.at[pl.ds((2 + c) * NE + base, EPT)], idxs)

        def start(a, bufd, bufs, semd, sems):
            sl = pl.ds(a * KG, KG)
            pltpu.async_copy(p_hbm.at[idxd.at[sl]], bufd, semd)
            pltpu.async_copy(p_hbm.at[idxs.at[sl]], bufs, sems)

        def finish(a, bufd, bufs, semd, sems):
            sl = pl.ds(a * KG, KG)
            pltpu.make_async_copy(p_hbm.at[idxd.at[sl]], bufd, semd).wait()
            pltpu.make_async_copy(p_hbm.at[idxs.at[sl]], bufs, sems).wait()

            @pl.loop(0, KG)
            def _row(i):
                for j in range(F // 16):
                    fsl = pl.ds(j * 16, 16)
                    bufd[i, fsl] = bufd[i, fsl] + bufs[i, fsl]

            pltpu.sync_copy(bufd, g_hbm.at[c, pl.ds(base + a * KG, KG), :])

        start(0, bda, bsa, sda, ssa)

        @pl.loop(0, nch // 2)
        def _pair(p):
            a = 2 * p
            start(a + 1, bdb, bsb, sdb, ssb)
            finish(a, bda, bsa, sda, ssa)

            @pl.when(a + 2 < nch)
            def _():
                start(a + 2, bda, bsa, sda, ssa)

            finish(a + 1, bdb, bsb, sdb, ssb)

        finish(nch - 1, bda, bsa, sda, ssa)

    return k(p40, idx8)


def _sc_scatter(m2, idx8):
    nch = EPT // KS
    zrows = 80
    n_zchunks = NN // zrows

    @functools.partial(
        pl.kernel,
        out_type=jax.ShapeDtypeStruct((2, NN, F // 2), jnp.float32),
        mesh=_mesh(),
        scratch_types=[
            pltpu.VMEM((KS,), jnp.int32),
            pltpu.VMEM((KS,), jnp.int32),
            pltpu.VMEM((KS, F // 2), jnp.float32),
            pltpu.VMEM((KS, F // 2), jnp.float32),
            pltpu.VMEM((zrows, F // 2), jnp.float32),
            pltpu.VMEM_SHARED((NN, F // 2), jnp.float32),
            pltpu.SemaphoreType.DMA,
            pltpu.SemaphoreType.DMA,
            pltpu.SemaphoreType.DMA,
            pltpu.SemaphoreType.DMA,
        ],
    )
    def k(m_hbm, i8_hbm, agg_hbm, ida, idb, mba, mbb, zbuf, acc,
          sia, sib, sma, smb):
        c = lax.axis_index("c")
        s = lax.axis_index("s")
        base = s * EPT

        @pl.loop(0, zrows)
        def _zrow(i):
            for j in range(F // 2 // 16):
                zbuf[i, pl.ds(j * 16, 16)] = jnp.zeros((16,), jnp.float32)

        @pl.loop(0, (n_zchunks + N_TILES - 1) // N_TILES)
        def _zcp(t):
            ch = t * N_TILES + s

            @pl.when(ch < n_zchunks)
            def _():
                pltpu.sync_copy(zbuf, acc.at[pl.ds(ch * zrows, zrows), :])

        plsc.subcore_barrier()

        def start(a, idxv, mbuf, si, sm):
            e0 = base + a * KS
            pltpu.async_copy(i8_hbm.at[pl.ds(4 * NE + e0, KS)], idxv, si)
            pltpu.async_copy(m_hbm.at[c, pl.ds(e0, KS), :], mbuf, sm)

        def finish(a, idxv, mbuf, si, sm):
            e0 = base + a * KS
            pltpu.make_async_copy(
                i8_hbm.at[pl.ds(4 * NE + e0, KS)], idxv, si).wait()
            pltpu.make_async_copy(
                m_hbm.at[c, pl.ds(e0, KS), :], mbuf, sm).wait()
            pltpu.sync_copy(mbuf, acc.at[idxv], add=True)

        start(0, ida, mba, sia, sma)

        @pl.loop(0, nch // 2)
        def _pair(p):
            a = 2 * p

            @pl.when(a + 1 < nch)
            def _():
                start(a + 1, idb, mbb, sib, smb)

            finish(a, ida, mba, sia, sma)

            @pl.when(a + 2 < nch)
            def _():
                start(a + 2, ida, mba, sia, sma)

            @pl.when(a + 1 < nch)
            def _():
                finish(a + 1, idb, mbb, sib, smb)

        if nch % 2 == 1:
            finish(nch - 1, ida, mba, sia, sma)

        plsc.subcore_barrier()

        @pl.loop(0, (n_zchunks + N_TILES - 1) // N_TILES)
        def _dump(t):
            ch = t * N_TILES + s

            @pl.when(ch < n_zchunks)
            def _():
                r0 = ch * zrows
                pltpu.sync_copy(acc.at[pl.ds(r0, zrows), :],
                                agg_hbm.at[c, pl.ds(r0, zrows), :])

    return k(m2, idx8)


def kernel(x, edge_index, edge_attr, batch,
           Wf1, bf1, Ws1, bs1, Wf2, bf2, Ws2, bs2, Wfc, bfc):
    ei = edge_index.astype(jnp.int32)
    idx8 = _build_idx(ei)

    w4_1 = jnp.concatenate(
        [Wf1[:F], Ws1[:F], Wf1[F:2 * F], Ws1[F:2 * F]], axis=1)
    w4_2 = jnp.concatenate(
        [Wf2[:F], Ws2[:F], Wf2[F:2 * F], Ws2[F:2 * F]], axis=1)
    we1 = jnp.concatenate([Wf1[2 * F:], Ws1[2 * F:]], axis=1)
    we2 = jnp.concatenate([Wf2[2 * F:], Ws2[2 * F:]], axis=1)
    b1 = jnp.broadcast_to(jnp.concatenate([bf1, bs1])[None, :], (8, 2 * F))
    b2 = jnp.broadcast_to(jnp.concatenate([bf2, bs2])[None, :], (8, 2 * F))

    p1 = _tables1(x, w4_1)
    idxf = idx8.reshape(8 * NE)
    g1 = _sc_gather(p1.reshape(4 * NN, F), idxf)
    m1 = _edge_mlp(g1, edge_attr, we1, b1)
    agg1 = _sc_scatter(m1, idxf)

    h1, p2 = _tables2(x, agg1, w4_2)
    g2 = _sc_gather(p2.reshape(4 * NN, F), idxf)
    m2 = _edge_mlp(g2, edge_attr, we2, b2)
    agg2 = _sc_scatter(m2, idxf)

    batch3 = batch.astype(jnp.int32).reshape(NN // NODE_BLK, 1, NODE_BLK)
    return _final(h1, agg2, batch3, Wfc, jnp.reshape(bfc, (1, 1)))

# --- scband reference (transcript-rebuilt; emitter-appended) ---
"""Pipeline reference for scband-polyhedron-regular-model-84353157693984 (READ-ONLY COPY).

The authoritative reference and input builder live on the scoring server;
editing this copy changes nothing except your own understanding.
"""

import jax, jax.numpy as jnp
import numpy as np

N_NODES = 10000
N_EDGES = 160000
F = 256
D_EDGE = 16
N_GRAPHS = 64


def setup_inputs(seed: int = 0) -> dict:
    key = jax.random.key(seed)
    ks = jax.random.split(key, 16)
    x = jax.random.normal(ks[0], (N_NODES, F), dtype=jnp.float32)
    edge_index = jax.random.randint(ks[1], (2, N_EDGES), 0, N_NODES, dtype=jnp.int64)
    edge_attr = jax.random.normal(ks[2], (N_EDGES, D_EDGE), dtype=jnp.float32)
    batch = jnp.sort(jax.random.randint(ks[3], (N_NODES,), 0, N_GRAPHS, dtype=jnp.int64))
    zdim = 2 * F + D_EDGE
    s = 1.0 / np.sqrt(zdim)
    Wf1 = jax.random.uniform(ks[4], (zdim, F), dtype=jnp.float32, minval=-s, maxval=s)
    bf1 = jax.random.uniform(ks[5], (F,), dtype=jnp.float32, minval=-s, maxval=s)
    Ws1 = jax.random.uniform(ks[6], (zdim, F), dtype=jnp.float32, minval=-s, maxval=s)
    bs1 = jax.random.uniform(ks[7], (F,), dtype=jnp.float32, minval=-s, maxval=s)
    Wf2 = jax.random.uniform(ks[8], (zdim, F), dtype=jnp.float32, minval=-s, maxval=s)
    bf2 = jax.random.uniform(ks[9], (F,), dtype=jnp.float32, minval=-s, maxval=s)
    Ws2 = jax.random.uniform(ks[10], (zdim, F), dtype=jnp.float32, minval=-s, maxval=s)
    bs2 = jax.random.uniform(ks[11], (F,), dtype=jnp.float32, minval=-s, maxval=s)
    sf = 1.0 / np.sqrt(F)
    Wfc = jax.random.uniform(ks[12], (F, 1), dtype=jnp.float32, minval=-sf, maxval=sf)
    bfc = jax.random.uniform(ks[13], (1,), dtype=jnp.float32, minval=-sf, maxval=sf)
    return {"x": x, "edge_index": edge_index, "edge_attr": edge_attr, "batch": batch,
            "Wf1": Wf1, "bf1": bf1, "Ws1": Ws1, "bs1": bs1,
            "Wf2": Wf2, "bf2": bf2, "Ws2": Ws2, "bs2": bs2,
            "Wfc": Wfc, "bfc": bfc}


def _cgconv(x, edge_index, edge_attr, Wf, bf, Ws, bs):
    # PyG CGConv with aggr='add': x_i' = x_i + sum_j sigmoid(z Wf + bf) * softplus(z Ws + bs)
    # z = cat([x_i (dst), x_j (src), e_ij])
    src = edge_index[0]
    dst = edge_index[1]
    z = jnp.concatenate([x[dst], x[src], edge_attr], axis=-1)
    m = jax.nn.sigmoid(z @ Wf + bf) * jax.nn.softplus(z @ Ws + bs)
    agg = jnp.zeros_like(x).at[dst].add(m)
    return x + agg


def reference(x, edge_index, edge_attr, batch, Wf1, bf1, Ws1, bs1, Wf2, bf2, Ws2, bs2, Wfc, bfc):
    h = _cgconv(x, edge_index, edge_attr, Wf1, bf1, Ws1, bs1)
    h = _cgconv(h, edge_index, edge_attr, Wf2, bf2, Ws2, bs2)
    y = h @ Wfc + bfc  # [N, 1]
    out = jax.ops.segment_sum(y, batch, num_segments=N_GRAPHS)  # global_add_pool -> [64, 1]
    return out

if __name__ == "__main__":
    import jax
    _d = setup_inputs()
    print(jax.jit(kernel)(*tuple(_d.values())))

</pallas_src>

<mosaic_0001>
#map = affine_map<(d0, d1) -> (0, 0, 0)>
#map1 = affine_map<(d0, d1) -> (0)>
module attributes {stable_mosaic.version = 14 : i64} {
  func.func @k(%arg0: i32, %arg1: i32, %arg2: memref<2x160000x128xf32, #tpu.memory_space<hbm>>, %arg3: memref<1280000xi32, #tpu.memory_space<hbm>>, %arg4: memref<2x10000x128xf32, #tpu.memory_space<hbm>>, %arg5: memref<80xi32, #tpu.memory_space<vmem>>, %arg6: memref<80xi32, #tpu.memory_space<vmem>>, %arg7: memref<80x128xf32, #tpu.memory_space<vmem>>, %arg8: memref<80x128xf32, #tpu.memory_space<vmem>>, %arg9: memref<80x128xf32, #tpu.memory_space<vmem>>, %arg10: memref<10000x128xf32, #tpu.memory_space<vmem_shared>>, %arg11: memref<!tpu.dma_semaphore, #tpu.memory_space<semaphore_mem>>, %arg12: memref<!tpu.dma_semaphore, #tpu.memory_space<semaphore_mem>>, %arg13: memref<!tpu.dma_semaphore, #tpu.memory_space<semaphore_mem>>, %arg14: memref<!tpu.dma_semaphore, #tpu.memory_space<semaphore_mem>>) attributes {dimension_semantics = [#tpu.dimension_semantics<core_parallel>, #tpu.dimension_semantics<subcore_parallel>], iteration_bounds = array<i64: 2, 16>, scalar_prefetch = 0 : i64, scratch_operands = 10 : i64, tpu.core_type = #tpu.core_type<sc_vector_subcore>, window_params = [{transform_indices = #map}, {transform_indices = #map1}, {transform_indices = #map}]} {
    %mul3A = arith.constant 10000 : i32
    %mul3A_0 = arith.muli %arg1, %mul3A : i32
    %scan3A = arith.constant 0 : i32
    %scan3A_1 = arith.constant 80 : i32
    %scan3A_2 = arith.addi %scan3A, %scan3A_1 : i32
    %scan3A_3 = arith.constant 1 : i32
    scf.for %scan3A_42 = %scan3A to %scan3A_2 step %scan3A_3  : i32 {
      %mul3A_43 = arith.constant 1 : i32
      %mul3A_44 = arith.muli %scan3A_42, %mul3A_43 : i32
      %add3A_45 = arith.constant 0 : i32
      %add3A_46 = arith.addi %add3A_45, %mul3A_44 : i32
      %broadcast_in_dim3A = arith.constant 0.000000e+00 : f32
      %broadcast_in_dim3A_47 = vector.broadcast %broadcast_in_dim3A : f32 to vector<16xf32>
      %swap3A = arith.index_cast %add3A_46 : i32 to index
      %swap3A_48 = arith.constant 0 : index
      %swap3A_49 = tpu.vector_load %arg9[%swap3A, %swap3A_48] {strides = array<i32>} : memref<80x128xf32, #tpu.memory_space<vmem>>, vector<1x16xf32>,
      %swap3A_50 = vector.shape_cast %swap3A_49 : vector<1x16xf32> to vector<16xf32>
      %swap3A_51 = vector.shape_cast %broadcast_in_dim3A_47 : vector<16xf32> to vector<1x16xf32>
      tpu.vector_store %arg9[%swap3A, %swap3A_48], %swap3A_51 {strides = array<i32>} : memref<80x128xf32, #tpu.memory_space<vmem>>, vector<1x16xf32>,
      %broadcast_in_dim3A_52 = arith.constant 0.000000e+00 : f32
      %broadcast_in_dim3A_53 = vector.broadcast %broadcast_in_dim3A_52 : f32 to vector<16xf32>
      %swap3A_54 = arith.index_cast %add3A_46 : i32 to index
      %swap3A_55 = arith.constant 16 : index
      %swap3A_56 = tpu.vector_load %arg9[%swap3A_54, %swap3A_55] {strides = array<i32>} : memref<80x128xf32, #tpu.memory_space<vmem>>, vector<1x16xf32>,
      %swap3A_57 = vector.shape_cast %swap3A_56 : vector<1x16xf32> to vector<16xf32>
      %swap3A_58 = vector.shape_cast %broadcast_in_dim3A_53 : vector<16xf32> to vector<1x16xf32>
      tpu.vector_store %arg9[%swap3A_54, %swap3A_55], %swap3A_58 {strides = array<i32>} : memref<80x128xf32, #tpu.memory_space<vmem>>, vector<1x16xf32>,
      %broadcast_in_dim3A_59 = arith.constant 0.000000e+00 : f32
      %broadcast_in_dim3A_60 = vector.broadcast %broadcast_in_dim3A_59 : f32 to vector<16xf32>
      %swap3A_61 = arith.index_cast %add3A_46 : i32 to index
      %swap3A_62 = arith.constant 32 : index
      %swap3A_63 = tpu.vector_load %arg9[%swap3A_61, %swap3A_62] {strides = array<i32>} : memref<80x128xf32, #tpu.memory_space<vmem>>, vector<1x16xf32>,
      %swap3A_64 = vector.shape_cast %swap3A_63 : vector<1x16xf32> to vector<16xf32>
      %swap3A_65 = vector.shape_cast %broadcast_in_dim3A_60 : vector<16xf32> to vector<1x16xf32>
      tpu.vector_store %arg9[%swap3A_61, %swap3A_62], %swap3A_65 {strides = array<i32>} : memref<80x128xf32, #tpu.memory_space<vmem>>, vector<1x16xf32>,
      %broadcast_in_dim3A_66 = arith.constant 0.000000e+00 : f32
      %broadcast_in_dim3A_67 = vector.broadcast %broadcast_in_dim3A_66 : f32 to vector<16xf32>
      %swap3A_68 = arith.index_cast %add3A_46 : i32 to index
      %swap3A_69 = arith.constant 48 : index
      %swap3A_70 = tpu.vector_load %arg9[%swap3A_68, %swap3A_69] {strides = array<i32>} : memref<80x128xf32, #tpu.memory_space<vmem>>, vector<1x16xf32>,
      %swap3A_71 = vector.shape_cast %swap3A_70 : vector<1x16xf32> to vector<16xf32>
      %swap3A_72 = vector.shape_cast %broadcast_in_dim3A_67 : vector<16xf32> to vector<1x16xf32>
      tpu.vector_store %arg9[%swap3A_68, %swap3A_69], %swap3A_72 {strides = array<i32>} : memref<80x128xf32, #tpu.memory_space<vmem>>, vector<1x16xf32>,
      %broadcast_in_dim3A_73 = arith.constant 0.000000e+00 : f32
      %broadcast_in_dim3A_74 = vector.broadcast %broadcast_in_dim3A_73 : f32 to vector<16xf32>
      %swap3A_75 = arith.index_cast %add3A_46 : i32 to index
      %swap3A_76 = arith.constant 64 : index
      %swap3A_77 = tpu.vector_load %arg9[%swap3A_75, %swap3A_76] {strides = array<i32>} : memref<80x128xf32, #tpu.memory_space<vmem>>, vector<1x16xf32>,
      %swap3A_78 = vector.shape_cast %swap3A_77 : vector<1x16xf32> to vector<16xf32>
      %swap3A_79 = vector.shape_cast %broadcast_in_dim3A_74 : vector<16xf32> to vector<1x16xf32>
      tpu.vector_store %arg9[%swap3A_75, %swap3A_76], %swap3A_79 {strides = array<i32>} : memref<80x128xf32, #tpu.memory_space<vmem>>, vector<1x16xf32>,
      %broadcast_in_dim3A_80 = arith.constant 0.000000e+00 : f32
      %broadcast_in_dim3A_81 = vector.broadcast %broadcast_in_dim3A_80 : f32 to vector<16xf32>
      %swap3A_82 = arith.index_cast %add3A_46 : i32 to index
      %swap3A_83 = arith.constant 80 : index
      %swap3A_84 = tpu.vector_load %arg9[%swap3A_82, %swap3A_83] {strides = array<i32>} : memref<80x128xf32, #tpu.memory_space<vmem>>, vector<1x16xf32>,
      %swap3A_85 = vector.shape_cast %swap3A_84 : vector<1x16xf32> to vector<16xf32>
      %swap3A_86 = vector.shape_cast %broadcast_in_dim3A_81 : vector<16xf32> to vector<1x16xf32>
      tpu.vector_store %arg9[%swap3A_82, %swap3A_83], %swap3A_86 {strides = array<i32>} : memref<80x128xf32, #tpu.memory_space<vmem>>, vector<1x16xf32>,
      %broadcast_in_dim3A_87 = arith.constant 0.000000e+00 : f32
      %broadcast_in_dim3A_88 = vector.broadcast %broadcast_in_dim3A_87 : f32 to vector<16xf32>
      %swap3A_89 = arith.index_cast %add3A_46 : i32 to index
      %swap3A_90 = arith.constant 96 : index
      %swap3A_91 = tpu.vector_load %arg9[%swap3A_89, %swap3A_90] {strides = array<i32>} : memref<80x128xf32, #tpu.memory_space<vmem>>, vector<1x16xf32>,
      %swap3A_92 = vector.shape_cast %swap3A_91 : vector<1x16xf32> to vector<16xf32>
      %swap3A_93 = vector.shape_cast %broadcast_in_dim3A_88 : vector<16xf32> to vector<1x16xf32>
      tpu.vector_store %arg9[%swap3A_89, %swap3A_90], %swap3A_93 {strides = array<i32>} : memref<80x128xf32, #tpu.memory_space<vmem>>, vector<1x16xf32>,
      %broadcast_in_dim3A_94 = arith.constant 0.000000e+00 : f32
      %broadcast_in_dim3A_95 = vector.broadcast %broadcast_in_dim3A_94 : f32 to vector<16xf32>
      %swap3A_96 = arith.index_cast %add3A_46 : i32 to index
      %swap3A_97 = arith.constant 112 : index
      %swap3A_98 = tpu.vector_load %arg9[%swap3A_96, %swap3A_97] {strides = array<i32>} : memref<80x128xf32, #tpu.memory_space<vmem>>, vector<1x16xf32>,
      %swap3A_99 = vector.shape_cast %swap3A_98 : vector<1x16xf32> to vector<16xf32>
      %swap3A_100 = vector.shape_cast %broadcast_in_dim3A_95 : vector<16xf32> to vector<1x16xf32>
      tpu.vector_store %arg9[%swap3A_96, %swap3A_97], %swap3A_100 {strides = array<i32>} : memref<80x128xf32, #tpu.memory_space<vmem>>, vector<1x16xf32>,
    }
    %scan3A_4 = arith.constant 80 : i32
    %scan3A_5 = arith.constant 0 : i32
    %scan3A_6 = arith.constant 8 : i32
    %scan3A_7 = arith.addi %scan3A_5, %scan3A_6 : i32
    %scan3A_8 = arith.constant 1 : i32
    scf.for %scan3A_42 = %scan3A_5 to %scan3A_7 step %scan3A_8  : i32 {
      %mul3A_43 = arith.constant 1 : i32
      %mul3A_44 = arith.muli %scan3A_42, %mul3A_43 : i32
      %add3A_45 = arith.constant 0 : i32
      %add3A_46 = arith.addi %add3A_45, %mul3A_44 : i32
      %mul3A_47 = arith.constant 16 : i32
      %mul3A_48 = arith.muli %add3A_46, %mul3A_47 : i32
      %add3A_49 = arith.addi %mul3A_48, %arg1 : i32
      %lt3A = arith.constant 125 : i32
      %lt3A_50 = arith.cmpi slt, %add3A_49, %lt3A : i32
      %convert_element_type3A = arith.extui %lt3A_50 : i1 to i32
      %cond3A = arith.constant 0 : i32
      %cond3A_51 = arith.cmpi ne, %convert_element_type3A, %cond3A : i32
      scf.if %cond3A_51 {
        %mul3A_52 = arith.constant 80 : i32
        %mul3A_53 = arith.muli %add3A_49, %mul3A_52 : i32
        "tpu.region"() ({
          %run_scoped3A = tpu.sem_alloc : memref<!tpu.dma_semaphore, #tpu.memory_space<semaphore_mem>>
          %dma_start3A_54 = arith.constant 0 : i32
          %dma_start3A_55 = tpu.memref_slice %arg10[%mul3A_53, %dma_start3A_54] : memref<10000x128xf32, #tpu.memory_space<vmem_shared>> -> memref<80x128xf32, #tpu.memory_space<vmem_shared>>
          %dma_start3A_56 = arith.constant 0 : i32
          %dma_start3A_57 = tpu.memref_slice %arg10[%mul3A_53, %dma_start3A_56] : memref<10000x128xf32, #tpu.memory_space<vmem_shared>> -> memref<80x128xf32, #tpu.memory_space<vmem_shared>>
          tpu.enqueue_dma source(%arg9 : memref<80x128xf32, #tpu.memory_space<vmem>>) target(%dma_start3A_57 : memref<80x128xf32, #tpu.memory_space<vmem_shared>>) target_semaphore(%run_scoped3A : memref<!tpu.dma_semaphore, #tpu.memory_space<semaphore_mem>>)
          %dma_wait3A_58 = arith.constant 0 : i32
          %dma_wait3A_59 = tpu.memref_slice %arg10[%mul3A_53, %dma_wait3A_58] : memref<10000x128xf32, #tpu.memory_space<vmem_shared>> -> memref<80x128xf32, #tpu.memory_space<vmem_shared>>
          %dma_wait3A_60 = arith.constant 0 : i32
          %dma_wait3A_61 = tpu.memref_slice %arg10[%mul3A_53, %dma_wait3A_60] : memref<10000x128xf32, #tpu.memory_space<vmem_shared>> -> memref<80x128xf32, #tpu.memory_space<vmem_shared>>
          tpu.wait_dma2 semaphore(%run_scoped3A : memref<!tpu.dma_semaphore, #tpu.memory_space<semaphore_mem>>) src(%arg9 : memref<80x128xf32, #tpu.memory_space<vmem>>) dst(%dma_wait3A_61 : memref<80x128xf32, #tpu.memory_space<vmem_shared>>)
          tpu.yield
        }) : () -> ()
      } else {
      }
    }
    %scan3A_9 = arith.constant 8 : i32
    %barrier3A = arith.constant 0 : index
    tpu.barrier barrier_id(%barrier3A)
    %add3A = arith.constant 0 : i32
    %add3A_10 = arith.addi %mul3A_0, %add3A : i32
    %add3A_11 = arith.constant 640000 : i32
    %add3A_12 = arith.addi %add3A_11, %add3A_10 : i32
    %dma_start3A = tpu.memref_slice %arg3[%add3A_12] : memref<1280000xi32, #tpu.memory_space<hbm>> -> memref<80xi32, #tpu.memory_space<hbm>>
    %dma_start3A_13 = tpu.memref_slice %arg3[%add3A_12] : memref<1280000xi32, #tpu.memory_space<hbm>> -> memref<80xi32, #tpu.memory_space<hbm>>
    tpu.enqueue_dma source(%dma_start3A_13 : memref<80xi32, #tpu.memory_space<hbm>>) target(%arg5 : memref<80xi32, #tpu.memory_space<vmem>>) target_semaphore(%arg11 : memref<!tpu.dma_semaphore, #tpu.memory_space<semaphore_mem>>)
    %dma_start3A_14 = arith.constant 0 : i32
    %dma_start3A_15 = tpu.memref_slice %arg2[%arg0, %add3A_10, %dma_start3A_14] : memref<2x160000x128xf32, #tpu.memory_space<hbm>> -> memref<1x80x128xf32, #tpu.memory_space<hbm>>
    %dma_start3A_16 = tpu.memref_squeeze %dma_start3A_15 : memref<1x80x128xf32, #tpu.memory_space<hbm>> -> memref<80x128xf32, #tpu.memory_space<hbm>>
    %dma_start3A_17 = arith.constant 0 : i32
    %dma_start3A_18 = tpu.memref_slice %arg2[%arg0, %add3A_10, %dma_start3A_17] : memref<2x160000x128xf32, #tpu.memory_space<hbm>> -> memref<1x80x128xf32, #tpu.memory_space<hbm>>
    %dma_start3A_19 = tpu.memref_squeeze %dma_start3A_18 : memref<1x80x128xf32, #tpu.memory_space<hbm>> -> memref<80x128xf32, #tpu.memory_space<hbm>>
    tpu.enqueue_dma source(%dma_start3A_19 : memref<80x128xf32, #tpu.memory_space<hbm>>) target(%arg7 : memref<80x128xf32, #tpu.memory_space<vmem>>) target_semaphore(%arg13 : memref<!tpu.dma_semaphore, #tpu.memory_space<semaphore_mem>>)
    %scan3A_20 = arith.constant 0 : i32
    %scan3A_21 = arith.constant 62 : i32
    %scan3A_22 = arith.addi %scan3A_20, %scan3A_21 : i32
    %scan3A_23 = arith.constant 1 : i32
    scf.for %scan3A_42 = %scan3A_20 to %scan3A_22 step %scan3A_23  : i32 {
      %mul3A_43 = arith.constant 1 : i32
      %mul3A_44 = arith.muli %scan3A_42, %mul3A_43 : i32
      %add3A_45 = arith.constant 0 : i32
      %add3A_46 = arith.addi %add3A_45, %mul3A_44 : i32
      %mul3A_47 = arith.constant 2 : i32
      %mul3A_48 = arith.muli %mul3A_47, %add3A_46 : i32
      %add3A_49 = arith.constant 1 : i32
      %add3A_50 = arith.addi %mul3A_48, %add3A_49 : i32
      %lt3A = arith.constant 125 : i32
      %lt3A_51 = arith.cmpi slt, %add3A_50, %lt3A : i32
      %convert_element_type3A = arith.extui %lt3A_51 : i1 to i32
      %cond3A = arith.constant 0 : i32
      %cond3A_52 = arith.cmpi ne, %convert_element_type3A, %cond3A : i32
      scf.if %cond3A_52 {
        %add3A_80 = arith.constant 1 : i32
        %add3A_81 = arith.addi %mul3A_48, %add3A_80 : i32
        %mul3A_82 = arith.constant 80 : i32
        %mul3A_83 = arith.muli %add3A_81, %mul3A_82 : i32
        %add3A_84 = arith.addi %mul3A_0, %mul3A_83 : i32
        %add3A_85 = arith.constant 640000 : i32
        %add3A_86 = arith.addi %add3A_85, %add3A_84 : i32
        %dma_start3A_87 = tpu.memref_slice %arg3[%add3A_86] : memref<1280000xi32, #tpu.memory_space<hbm>> -> memref<80xi32, #tpu.memory_space<hbm>>
        %dma_start3A_88 = tpu.memref_slice %arg3[%add3A_86] : memref<1280000xi32, #tpu.memory_space<hbm>> -> memref<80xi32, #tpu.memory_space<hbm>>
        tpu.enqueue_dma source(%dma_start3A_88 : memref<80xi32, #tpu.memory_space<hbm>>) target(%arg6 : memref<80xi32, #tpu.memory_space<vmem>>) target_semaphore(%arg12 : memref<!tpu.dma_semaphore, #tpu.memory_space<semaphore_mem>>)
        %dma_start3A_89 = arith.constant 0 : i32
        %dma_start3A_90 = tpu.memref_slice %arg2[%arg0, %add3A_84, %dma_start3A_89] : memref<2x160000x128xf32, #tpu.memory_space<hbm>> -> memref<1x80x128xf32, #tpu.memory_space<hbm>>
        %dma_start3A_91 = tpu.memref_squeeze %dma_start3A_90 : memref<1x80x128xf32, #tpu.memory_space<hbm>> -> memref<80x128xf32, #tpu.memory_space<hbm>>
        %dma_start3A_92 = arith.constant 0 : i32
        %dma_start3A_93 = tpu.memref_slice %arg2[%arg0, %add3A_84, %dma_start3A_92] : memref<2x160000x128xf32, #tpu.memory_space<hbm>> -> memref<1x80x128xf32, #tpu.memory_space<hbm>>
        %dma_start3A_94 = tpu.memref_squeeze %dma_start3A_93 : memref<1x80x128xf32, #tpu.memory_space<hbm>> -> memref<80x128xf32, #tpu.memory_space<hbm>>
        tpu.enqueue_dma source(%dma_start3A_94 : memref<80x128xf32, #tpu.memory_space<hbm>>) target(%arg8 : memref<80x128xf32, #tpu.memory_space<vmem>>) target_semaphore(%arg14 : memref<!tpu.dma_semaphore, #tpu.memory_space<semaphore_mem>>)
      } else {
      }
      %mul3A_53 = arith.constant 80 : i32
      %mul3A_54 = arith.muli %mul3A_48, %mul3A_53 : i32
      %add3A_55 = arith.addi %mul3A_0, %mul3A_54 : i32
      %add3A_56 = arith.constant 640000 : i32
      %add3A_57 = arith.addi %add3A_56, %add3A_55 : i32
      %dma_wait3A_58 = tpu.memref_slice %arg3[%add3A_57] : memref<1280000xi32, #tpu.memory_space<hbm>> -> memref<80xi32, #tpu.memory_space<hbm>>
      %dma_wait3A_59 = tpu.memref_slice %arg3[%add3A_57] : memref<1280000xi32, #tpu.memory_space<hbm>> -> memref<80xi32, #tpu.memory_space<hbm>>
      tpu.wait_dma2 semaphore(%arg11 : memref<!tpu.dma_semaphore, #tpu.memory_space<semaphore_mem>>) src(%dma_wait3A_59 : memref<80xi32, #tpu.memory_space<hbm>>) dst(%arg5 : memref<80xi32, #tpu.memory_space<vmem>>)
      %dma_wait3A_60 = arith.constant 0 : i32
      %dma_wait3A_61 = tpu.memref_slice %arg2[%arg0, %add3A_55, %dma_wait3A_60] : memref<2x160000x128xf32, #tpu.memory_space<hbm>> -> memref<1x80x128xf32, #tpu.memory_space<hbm>>
      %dma_wait3A_62 = tpu.memref_squeeze %dma_wait3A_61 : memref<1x80x128xf32, #tpu.memory_space<hbm>> -> memref<80x128xf32, #tpu.memory_space<hbm>>
      %dma_wait3A_63 = arith.constant 0 : i32
      %dma_wait3A_64 = tpu.memref_slice %arg2[%arg0, %add3A_55, %dma_wait3A_63] : memref<2x160000x128xf32, #tpu.memory_space<hbm>> -> memref<1x80x128xf32, #tpu.memory_space<hbm>>
      %dma_wait3A_65 = tpu.memref_squeeze %dma_wait3A_64 : memref<1x80x128xf32, #tpu.memory_space<hbm>> -> memref<80x128xf32, #tpu.memory_space<hbm>>
      tpu.wait_dma2 semaphore(%arg13 : memref<!tpu.dma_semaphore, #tpu.memory_space<semaphore_mem>>) src(%dma_wait3A_65 : memref<80x128xf32, #tpu.memory_space<hbm>>) dst(%arg7 : memref<80x128xf32, #tpu.memory_space<vmem>>)
      "tpu.region"() ({
        %run_scoped3A = tpu.sem_alloc : memref<!tpu.dma_semaphore, #tpu.memory_space<semaphore_mem>>
        %dma_start3A_80 = arith.constant 0 : i32
        %dma_start3A_81 = arith.constant 0 : i32
        %dma_start3A_82 = tpu.memref_slice %arg10[%dma_start3A_80, %dma_start3A_81] : memref<10000x128xf32, #tpu.memory_space<vmem_shared>> -> memref<10000x128xf32, #tpu.memory_space<vmem_shared>>
        tpu.enqueue_indirect_dma source(%arg7 : memref<80x128xf32, #tpu.memory_space<vmem>>) target(%dma_start3A_82 : memref<10000x128xf32, #tpu.memory_space<vmem_shared>>) offsets(%arg5 : memref<80xi32, #tpu.memory_space<vmem>>) semaphore(%run_scoped3A : memref<!tpu.dma_semaphore, #tpu.memory_space<semaphore_mem>>) {add = true}
        %dma_wait3A_83 = arith.constant 0 : i32
        %dma_wait3A_84 = arith.constant 0 : i32
        %dma_wait3A_85 = tpu.memref_slice %arg10[%dma_wait3A_83, %dma_wait3A_84] : memref<10000x128xf32, #tpu.memory_space<vmem_shared>> -> memref<10000x128xf32, #tpu.memory_space<vmem_shared>>
        tpu.wait_indirect_dma semaphore(%run_scoped3A : memref<!tpu.dma_semaphore, #tpu.memory_space<semaphore_mem>>) src(%arg7 : memref<80x128xf32, #tpu.memory_space<vmem>>) dst(%dma_wait3A_85 : memref<10000x128xf32, #tpu.memory_space<vmem_shared>>)
        tpu.yield
      }) : () -> ()
      %add3A_66 = arith.constant 2 : i32
      %add3A_67 = arith.addi %mul3A_48, %add3A_66 : i32
      %lt3A_68 = arith.constant 125 : i32
      %lt3A_69 = arith.cmpi slt, %add3A_67, %lt3A_68 : i32
      %convert_element_type3A_70 = arith.extui %lt3A_69 : i1 to i32
      %cond3A_71 = arith.constant 0 : i32
      %cond3A_72 = arith.cmpi ne, %convert_element_type3A_70, %cond3A_71 : i32
      scf.if %cond3A_72 {
        %add3A_80 = arith.constant 2 : i32
        %add3A_81 = arith.addi %mul3A_48, %add3A_80 : i32
        %mul3A_82 = arith.constant 80 : i32
        %mul3A_83 = arith.muli %add3A_81, %mul3A_82 : i32
        %add3A_84 = arith.addi %mul3A_0, %mul3A_83 : i32
        %add3A_85 = arith.constant 640000 : i32
        %add3A_86 = arith.addi %add3A_85, %add3A_84 : i32
        %dma_start3A_87 = tpu.memref_slice %arg3[%add3A_86] : memref<1280000xi32, #tpu.memory_space<hbm>> -> memref<80xi32, #tpu.memory_space<hbm>>
        %dma_start3A_88 = tpu.memref_slice %arg3[%add3A_86] : memref<1280000xi32, #tpu.memory_space<hbm>> -> memref<80xi32, #tpu.memory_space<hbm>>
        tpu.enqueue_dma source(%dma_start3A_88 : memref<80xi32, #tpu.memory_space<hbm>>) target(%arg5 : memref<80xi32, #tpu.memory_space<vmem>>) target_semaphore(%arg11 : memref<!tpu.dma_semaphore, #tpu.memory_space<semaphore_mem>>)
        %dma_start3A_89 = arith.constant 0 : i32
        %dma_start3A_90 = tpu.memref_slice %arg2[%arg0, %add3A_84, %dma_start3A_89] : memref<2x160000x128xf32, #tpu.memory_space<hbm>> -> memref<1x80x128xf32, #tpu.memory_space<hbm>>
        %dma_start3A_91 = tpu.memref_squeeze %dma_start3A_90 : memref<1x80x128xf32, #tpu.memory_space<hbm>> -> memref<80x128xf32, #tpu.memory_space<hbm>>
        %dma_start3A_92 = arith.constant 0 : i32
        %dma_start3A_93 = tpu.memref_slice %arg2[%arg0, %add3A_84, %dma_start3A_92] : memref<2x160000x128xf32, #tpu.memory_space<hbm>> -> memref<1x80x128xf32, #tpu.memory_space<hbm>>
        %dma_start3A_94 = tpu.memref_squeeze %dma_start3A_93 : memref<1x80x128xf32, #tpu.memory_space<hbm>> -> memref<80x128xf32, #tpu.memory_space<hbm>>
        tpu.enqueue_dma source(%dma_start3A_94 : memref<80x128xf32, #tpu.memory_space<hbm>>) target(%arg7 : memref<80x128xf32, #tpu.memory_space<vmem>>) target_semaphore(%arg13 : memref<!tpu.dma_semaphore, #tpu.memory_space<semaphore_mem>>)
      } else {
      }
      %add3A_73 = arith.constant 1 : i32
      %add3A_74 = arith.addi %mul3A_48, %add3A_73 : i32
      %lt3A_75 = arith.constant 125 : i32
      %lt3A_76 = arith.cmpi slt, %add3A_74, %lt3A_75 : i32
      %convert_element_type3A_77 = arith.extui %lt3A_76 : i1 to i32
      %cond3A_78 = arith.constant 0 : i32
      %cond3A_79 = arith.cmpi ne, %convert_element_type3A_77, %cond3A_78 : i32
      scf.if %cond3A_79 {
        %add3A_80 = arith.constant 1 : i32
        %add3A_81 = arith.addi %mul3A_48, %add3A_80 : i32
        %mul3A_82 = arith.constant 80 : i32
        %mul3A_83 = arith.muli %add3A_81, %mul3A_82 : i32
        %add3A_84 = arith.addi %mul3A_0, %mul3A_83 : i32
        %add3A_85 = arith.constant 640000 : i32
        %add3A_86 = arith.addi %add3A_85, %add3A_84 : i32
        %dma_wait3A_87 = tpu.memref_slice %arg3[%add3A_86] : memref<1280000xi32, #tpu.memory_space<hbm>> -> memref<80xi32, #tpu.memory_space<hbm>>
        %dma_wait3A_88 = tpu.memref_slice %arg3[%add3A_86] : memref<1280000xi32, #tpu.memory_space<hbm>> -> memref<80xi32, #tpu.memory_space<hbm>>
        tpu.wait_dma2 semaphore(%arg12 : memref<!tpu.dma_semaphore, #tpu.memory_space<semaphore_mem>>) src(%dma_wait3A_88 : memref<80xi32, #tpu.memory_space<hbm>>) dst(%arg6 : memref<80xi32, #tpu.memory_space<vmem>>)
        %dma_wait3A_89 = arith.constant 0 : i32
        %dma_wait3A_90 = tpu.memref_slice %arg2[%arg0, %add3A_84, %dma_wait3A_89] : memref<2x160000x128xf32, #tpu.memory_space<hbm>> -> memref<1x80x128xf32, #tpu.memory_space<hbm>>
        %dma_wait3A_91 = tpu.memref_squeeze %dma_wait3A_90 : memref<1x80x128xf32, #tpu.memory_space<hbm>> -> memref<80x128xf32, #tpu.memory_space<hbm>>
        %dma_wait3A_92 = arith.constant 0 : i32
        %dma_wait3A_93 = tpu.memref_slice %arg2[%arg0, %add3A_84, %dma_wait3A_92] : memref<2x160000x128xf32, #tpu.memory_space<hbm>> -> memref<1x80x128xf32, #tpu.memory_space<hbm>>
        %dma_wait3A_94 = tpu.memref_squeeze %dma_wait3A_93 : memref<1x80x128xf32, #tpu.memory_space<hbm>> -> memref<80x128xf32, #tpu.memory_space<hbm>>
        tpu.wait_dma2 semaphore(%arg14 : memref<!tpu.dma_semaphore, #tpu.memory_space<semaphore_mem>>) src(%dma_wait3A_94 : memref<80x128xf32, #tpu.memory_space<hbm>>) dst(%arg8 : memref<80x128xf32, #tpu.memory_space<vmem>>)
        "tpu.region"() ({
          %run_scoped3A = tpu.sem_alloc : memref<!tpu.dma_semaphore, #tpu.memory_space<semaphore_mem>>
          %dma_start3A_95 = arith.constant 0 : i32
          %dma_start3A_96 = arith.constant 0 : i32
          %dma_start3A_97 = tpu.memref_slice %arg10[%dma_start3A_95, %dma_start3A_96] : memref<10000x128xf32, #tpu.memory_space<vmem_shared>> -> memref<10000x128xf32, #tpu.memory_space<vmem_shared>>
          tpu.enqueue_indirect_dma source(%arg8 : memref<80x128xf32, #tpu.memory_space<vmem>>) target(%dma_start3A_97 : memref<10000x128xf32, #tpu.memory_space<vmem_shared>>) offsets(%arg6 : memref<80xi32, #tpu.memory_space<vmem>>) semaphore(%run_scoped3A : memref<!tpu.dma_semaphore, #tpu.memory_space<semaphore_mem>>) {add = true}
          %dma_wait3A_98 = arith.constant 0 : i32
          %dma_wait3A_99 = arith.constant 0 : i32
          %dma_wait3A_100 = tpu.memref_slice %arg10[%dma_wait3A_98, %dma_wait3A_99] : memref<10000x128xf32, #tpu.memory_space<vmem_shared>> -> memref<10000x128xf32, #tpu.memory_space<vmem_shared>>
          tpu.wait_indirect_dma semaphore(%run_scoped3A : memref<!tpu.dma_semaphore, #tpu.memory_space<semaphore_mem>>) src(%arg8 : memref<80x128xf32, #tpu.memory_space<vmem>>) dst(%dma_wait3A_100 : memref<10000x128xf32, #tpu.memory_space<vmem_shared>>)
          tpu.yield
        }) : () -> ()
      } else {
      }
    }
    %scan3A_24 = arith.constant 62 : i32
    %add3A_25 = arith.constant 9920 : i32
    %add3A_26 = arith.addi %mul3A_0, %add3A_25 : i32
    %add3A_27 = arith.constant 640000 : i32
    %add3A_28 = arith.addi %add3A_27, %add3A_26 : i32
    %dma_wait3A = tpu.memref_slice %arg3[%add3A_28] : memref<1280000xi32, #tpu.memory_space<hbm>> -> memref<80xi32, #tpu.memory_space<hbm>>
    %dma_wait3A_29 = tpu.memref_slice %arg3[%add3A_28] : memref<1280000xi32, #tpu.memory_space<hbm>> -> memref<80xi32, #tpu.memory_space<hbm>>
    tpu.wait_dma2 semaphore(%arg11 : memref<!tpu.dma_semaphore, #tpu.memory_space<semaphore_mem>>) src(%dma_wait3A_29 : memref<80xi32, #tpu.memory_space<hbm>>) dst(%arg5 : memref<80xi32, #tpu.memory_space<vmem>>)
    %dma_wait3A_30 = arith.constant 0 : i32
    %dma_wait3A_31 = tpu.memref_slice %arg2[%arg0, %add3A_26, %dma_wait3A_30] : memref<2x160000x128xf32, #tpu.memory_space<hbm>> -> memref<1x80x128xf32, #tpu.memory_space<hbm>>
    %dma_wait3A_32 = tpu.memref_squeeze %dma_wait3A_31 : memref<1x80x128xf32, #tpu.memory_space<hbm>> -> memref<80x128xf32, #tpu.memory_space<hbm>>
    %dma_wait3A_33 = arith.constant 0 : i32
    %dma_wait3A_34 = tpu.memref_slice %arg2[%arg0, %add3A_26, %dma_wait3A_33] : memref<2x160000x128xf32, #tpu.memory_space<hbm>> -> memref<1x80x128xf32, #tpu.memory_space<hbm>>
    %dma_wait3A_35 = tpu.memref_squeeze %dma_wait3A_34 : memref<1x80x128xf32, #tpu.memory_space<hbm>> -> memref<80x128xf32, #tpu.memory_space<hbm>>
    tpu.wait_dma2 semaphore(%arg13 : memref<!tpu.dma_semaphore, #tpu.memory_space<semaphore_mem>>) src(%dma_wait3A_35 : memref<80x128xf32, #tpu.memory_space<hbm>>) dst(%arg7 : memref<80x128xf32, #tpu.memory_space<vmem>>)
    "tpu.region"() ({
      %run_scoped3A = tpu.sem_alloc : memref<!tpu.dma_semaphore, #tpu.memory_space<semaphore_mem>>
      %dma_start3A_42 = arith.constant 0 : i32
      %dma_start3A_43 = arith.constant 0 : i32
      %dma_start3A_44 = tpu.memref_slice %arg10[%dma_start3A_42, %dma_start3A_43] : memref<10000x128xf32, #tpu.memory_space<vmem_shared>> -> memref<10000x128xf32, #tpu.memory_space<vmem_shared>>
      tpu.enqueue_indirect_dma source(%arg7 : memref<80x128xf32, #tpu.memory_space<vmem>>) target(%dma_start3A_44 : memref<10000x128xf32, #tpu.memory_space<vmem_shared>>) offsets(%arg5 : memref<80xi32, #tpu.memory_space<vmem>>) semaphore(%run_scoped3A : memref<!tpu.dma_semaphore, #tpu.memory_space<semaphore_mem>>) {add = true}
      %dma_wait3A_45 = arith.constant 0 : i32
      %dma_wait3A_46 = arith.constant 0 : i32
      %dma_wait3A_47 = tpu.memref_slice %arg10[%dma_wait3A_45, %dma_wait3A_46] : memref<10000x128xf32, #tpu.memory_space<vmem_shared>> -> memref<10000x128xf32, #tpu.memory_space<vmem_shared>>
      tpu.wait_indirect_dma semaphore(%run_scoped3A : memref<!tpu.dma_semaphore, #tpu.memory_space<semaphore_mem>>) src(%arg7 : memref<80x128xf32, #tpu.memory_space<vmem>>) dst(%dma_wait3A_47 : memref<10000x128xf32, #tpu.memory_space<vmem_shared>>)
      tpu.yield
    }) : () -> ()
    %barrier3A_36 = arith.constant 0 : index
    tpu.barrier barrier_id(%barrier3A_36)
    %scan3A_37 = arith.constant 0 : i32
    %scan3A_38 = arith.constant 8 : i32
    %scan3A_39 = arith.addi %scan3A_37, %scan3A_38 : i32
    %scan3A_40 = arith.constant 1 : i32
    scf.for %scan3A_42 = %scan3A_37 to %scan3A_39 step %scan3A_40  : i32 {
      %mul3A_43 = arith.constant 1 : i32
      %mul3A_44 = arith.muli %scan3A_42, %mul3A_43 : i32
      %add3A_45 = arith.constant 0 : i32
      %add3A_46 = arith.addi %add3A_45, %mul3A_44 : i32
      %mul3A_47 = arith.constant 16 : i32
      %mul3A_48 = arith.muli %add3A_46, %mul3A_47 : i32
      %add3A_49 = arith.addi %mul3A_48, %arg1 : i32
      %lt3A = arith.constant 125 : i32
      %lt3A_50 = arith.cmpi slt, %add3A_49, %lt3A : i32
      %convert_element_type3A = arith.extui %lt3A_50 : i1 to i32
      %cond3A = arith.constant 0 : i32
      %cond3A_51 = arith.cmpi ne, %convert_element_type3A, %cond3A : i32
      scf.if %cond3A_51 {
        %mul3A_52 = arith.constant 80 : i32
        %mul3A_53 = arith.muli %add3A_49, %mul3A_52 : i32
        "tpu.region"() ({
          %run_scoped3A = tpu.sem_alloc : memref<!tpu.dma_semaphore, #tpu.memory_space<semaphore_mem>>
          %dma_start3A_54 = arith.constant 0 : i32
          %dma_start3A_55 = tpu.memref_slice %arg4[%arg0, %mul3A_53, %dma_start3A_54] : memref<2x10000x128xf32, #tpu.memory_space<hbm>> -> memref<1x80x128xf32, #tpu.memory_space<hbm>>
          %dma_start3A_56 = tpu.memref_squeeze %dma_start3A_55 : memref<1x80x128xf32, #tpu.memory_space<hbm>> -> memref<80x128xf32, #tpu.memory_space<hbm>>
          %dma_start3A_57 = arith.constant 0 : i32
          %dma_start3A_58 = tpu.memref_slice %arg10[%mul3A_53, %dma_start3A_57] : memref<10000x128xf32, #tpu.memory_space<vmem_shared>> -> memref<80x128xf32, #tpu.memory_space<vmem_shared>>
          tpu.enqueue_dma source(%dma_start3A_58 : memref<80x128xf32, #tpu.memory_space<vmem_shared>>) target(%dma_start3A_56 : memref<80x128xf32, #tpu.memory_space<hbm>>) target_semaphore(%run_scoped3A : memref<!tpu.dma_semaphore, #tpu.memory_space<semaphore_mem>>)
          %dma_wait3A_59 = arith.constant 0 : i32
          %dma_wait3A_60 = tpu.memref_slice %arg4[%arg0, %mul3A_53, %dma_wait3A_59] : memref<2x10000x128xf32, #tpu.memory_space<hbm>> -> memref<1x80x128xf32, #tpu.memory_space<hbm>>
          %dma_wait3A_61 = tpu.memref_squeeze %dma_wait3A_60 : memref<1x80x128xf32, #tpu.memory_space<hbm>> -> memref<80x128xf32, #tpu.memory_space<hbm>>
          %dma_wait3A_62 = arith.constant 0 : i32
          %dma_wait3A_63 = tpu.memref_slice %arg10[%mul3A_53, %dma_wait3A_62] : memref<10000x128xf32, #tpu.memory_space<vmem_shared>> -> memref<80x128xf32, #tpu.memory_space<vmem_shared>>
          tpu.wait_dma2 semaphore(%run_scoped3A : memref<!tpu.dma_semaphore, #tpu.memory_space<semaphore_mem>>) src(%dma_wait3A_63 : memref<80x128xf32, #tpu.memory_space<vmem_shared>>) dst(%dma_wait3A_61 : memref<80x128xf32, #tpu.memory_space<hbm>>)
          tpu.yield
        }) : () -> ()
      } else {
      }
    }
    %scan3A_41 = arith.constant 8 : i32
    return
  }
}

#map = affine_map<(d0, d1) -> (0, 0)>
#map1 = affine_map<(d0, d1) -> (0)>
#map2 = affine_map<(d0, d1) -> (0, 0, 0)>
module attributes {stable_mosaic.version = 14 : i64} {
  func.func @k(%arg0: i32, %arg1: i32, %arg2: memref<40000x256xf32, #tpu.memory_space<hbm>>, %arg3: memref<1280000xi32, #tpu.memory_space<hbm>>, %arg4: memref<2x160000x256xf32, #tpu.memory_space<hbm>>, %arg5: memref<10000xi32, #tpu.memory_space<vmem>>, %arg6: memref<10000xi32, #tpu.memory_space<vmem>>, %arg7: memref<80x256xf32, #tpu.memory_space<vmem>>, %arg8: memref<80x256xf32, #tpu.memory_space<vmem>>, %arg9: memref<80x256xf32, #tpu.memory_space<vmem>>, %arg10: memref<80x256xf32, #tpu.memory_space<vmem>>, %arg11: memref<!tpu.dma_semaphore, #tpu.memory_space<semaphore_mem>>, %arg12: memref<!tpu.dma_semaphore, #tpu.memory_space<semaphore_mem>>, %arg13: memref<!tpu.dma_semaphore, #tpu.memory_space<semaphore_mem>>, %arg14: memref<!tpu.dma_semaphore, #tpu.memory_space<semaphore_mem>>) attributes {dimension_semantics = [#tpu.dimension_semantics<core_parallel>, #tpu.dimension_semantics<subcore_parallel>], iteration_bounds = array<i64: 2, 16>, scalar_prefetch = 0 : i64, scratch_operands = 10 : i64, tpu.core_type = #tpu.core_type<sc_vector_subcore>, window_params = [{transform_indices = #map}, {transform_indices = #map1}, {transform_indices = #map2}]} {
    %mul3A = arith.constant 10000 : i32
    %mul3A_0 = arith.muli %arg1, %mul3A : i32
    %mul3A_1 = arith.constant 160000 : i32
    %mul3A_2 = arith.muli %arg0, %mul3A_1 : i32
    %add3A = arith.addi %mul3A_2, %mul3A_0 : i32
    "tpu.region"() ({
      %run_scoped3A = tpu.sem_alloc : memref<!tpu.dma_semaphore, #tpu.memory_space<semaphore_mem>>
      %dma_start3A_37 = tpu.memref_slice %arg3[%add3A] : memref<1280000xi32, #tpu.memory_space<hbm>> -> memref<10000xi32, #tpu.memory_space<hbm>>
      %dma_start3A_38 = tpu.memref_slice %arg3[%add3A] : memref<1280000xi32, #tpu.memory_space<hbm>> -> memref<10000xi32, #tpu.memory_space<hbm>>
      tpu.enqueue_dma source(%dma_start3A_38 : memref<10000xi32, #tpu.memory_space<hbm>>) target(%arg5 : memref<10000xi32, #tpu.memory_space<vmem>>) target_semaphore(%run_scoped3A : memref<!tpu.dma_semaphore, #tpu.memory_space<semaphore_mem>>)
      %dma_wait3A_39 = tpu.memref_slice %arg3[%add3A] : memref<1280000xi32, #tpu.memory_space<hbm>> -> memref<10000xi32, #tpu.memory_space<hbm>>
      %dma_wait3A_40 = tpu.memref_slice %arg3[%add3A] : memref<1280000xi32, #tpu.memory_space<hbm>> -> memref<10000xi32, #tpu.memory_space<hbm>>
      tpu.wait_dma2 semaphore(%run_scoped3A : memref<!tpu.dma_semaphore, #tpu.memory_space<semaphore_mem>>) src(%dma_wait3A_40 : memref<10000xi32, #tpu.memory_space<hbm>>) dst(%arg5 : memref<10000xi32, #tpu.memory_space<vmem>>)
      tpu.yield
    }) : () -> ()
    %add3A_3 = arith.constant 2 : i32
    %add3A_4 = arith.addi %add3A_3, %arg0 : i32
    %mul3A_5 = arith.constant 160000 : i32
    %mul3A_6 = arith.muli %add3A_4, %mul3A_5 : i32
    %add3A_7 = arith.addi %mul3A_6, %mul3A_0 : i32
    "tpu.region"() ({
      %run_scoped3A = tpu.sem_alloc : memref<!tpu.dma_semaphore, #tpu.memory_space<semaphore_mem>>
      %dma_start3A_37 = tpu.memref_slice %arg3[%add3A_7] : memref<1280000xi32, #tpu.memory_space<hbm>> -> memref<10000xi32, #tpu.memory_space<hbm>>
      %dma_start3A_38 = tpu.memref_slice %arg3[%add3A_7] : memref<1280000xi32, #tpu.memory_space<hbm>> -> memref<10000xi32, #tpu.memory_space<hbm>>
      tpu.enqueue_dma source(%dma_start3A_38 : memref<10000xi32, #tpu.memory_space<hbm>>) target(%arg6 : memref<10000xi32, #tpu.memory_space<vmem>>) target_semaphore(%run_scoped3A : memref<!tpu.dma_semaphore, #tpu.memory_space<semaphore_mem>>)
      %dma_wait3A_39 = tpu.memref_slice %arg3[%add3A_7] : memref<1280000xi32, #tpu.memory_space<hbm>> -> memref<10000xi32, #tpu.memory_space<hbm>>
      %dma_wait3A_40 = tpu.memref_slice %arg3[%add3A_7] : memref<1280000xi32, #tpu.memory_space<hbm>> -> memref<10000xi32, #tpu.memory_space<hbm>>
      tpu.wait_dma2 semaphore(%run_scoped3A : memref<!tpu.dma_semaphore, #tpu.memory_space<semaphore_mem>>) src(%dma_wait3A_40 : memref<10000xi32, #tpu.memory_space<hbm>>) dst(%arg6 : memref<10000xi32, #tpu.memory_space<vmem>>)
      tpu.yield
    }) : () -> ()
    %dma_start3A = arith.constant 0 : i32
    %dma_start3A_8 = tpu.memref_slice %arg5[%dma_start3A] : memref<10000xi32, #tpu.memory_space<vmem>> -> memref<80xi32, #tpu.memory_space<vmem>>
    %dma_start3A_9 = arith.constant 0 : i32
    %dma_start3A_10 = arith.constant 0 : i32
    %dma_start3A_11 = tpu.memref_slice %arg2[%dma_start3A_9, %dma_start3A_10] : memref<40000x256xf32, #tpu.memory_space<hbm>> -> memref<40000x256xf32, #tpu.memory_space<hbm>>
    tpu.enqueue_indirect_dma source(%dma_start3A_11 : memref<40000x256xf32, #tpu.memory_space<hbm>>) target(%arg7 : memref<80x256xf32, #tpu.memory_space<vmem>>) offsets(%dma_start3A_8 : memref<80xi32, #tpu.memory_space<vmem>>) semaphore(%arg11 : memref<!tpu.dma_semaphore, #tpu.memory_space<semaphore_mem>>)
    %dma_start3A_12 = arith.constant 0 : i32
    %dma_start3A_13 = tpu.memref_slice %arg6[%dma_start3A_12] : memref<10000xi32, #tpu.memory_space<vmem>> -> memref<80xi32, #tpu.memory_space<vmem>>
    %dma_start3A_14 = arith.constant 0 : i32
    %dma_start3A_15 = arith.constant 0 : i32
    %dma_start3A_16 = tpu.memref_slice %arg2[%dma_start3A_14, %dma_start3A_15] : memref<40000x256xf32, #tpu.memory_space<hbm>> -> memref<40000x256xf32, #tpu.memory_space<hbm>>
    tpu.enqueue_indirect_dma source(%dma_start3A_16 : memref<40000x256xf32, #tpu.memory_space<hbm>>) target(%arg8 : memref<80x256xf32, #tpu.memory_space<vmem>>) offsets(%dma_start3A_13 : memref<80xi32, #tpu.memory_space<vmem>>) semaphore(%arg12 : memref<!tpu.dma_semaphore, #tpu.memory_space<semaphore_mem>>)
    %scan3A = arith.constant 0 : i32
    %scan3A_17 = arith.constant 62 : i32
    %scan3A_18 = arith.addi %scan3A, %scan3A_17 : i32
    %scan3A_19 = arith.constant 1 : i32
    scf.for %scan3A_37 = %scan3A to %scan3A_18 step %scan3A_19  : i32 {
      %mul3A_38 = arith.constant 1 : i32
      %mul3A_39 = arith.muli %scan3A_37, %mul3A_38 : i32
      %add3A_40 = arith.constant 0 : i32
      %add3A_41 = arith.addi %add3A_40, %mul3A_39 : i32
      %mul3A_42 = arith.constant 2 : i32
      %mul3A_43 = arith.muli %mul3A_42, %add3A_41 : i32
      %add3A_44 = arith.constant 1 : i32
      %add3A_45 = arith.addi %mul3A_43, %add3A_44 : i32
      %mul3A_46 = arith.constant 80 : i32
      %mul3A_47 = arith.muli %add3A_45, %mul3A_46 : i32
      %dma_start3A_48 = tpu.memref_slice %arg5[%mul3A_47] : memref<10000xi32, #tpu.memory_space<vmem>> -> memref<80xi32, #tpu.memory_space<vmem>>
      %dma_start3A_49 = arith.constant 0 : i32
      %dma_start3A_50 = arith.constant 0 : i32
      %dma_start3A_51 = tpu.memref_slice %arg2[%dma_start3A_49, %dma_start3A_50] : memref<40000x256xf32, #tpu.memory_space<hbm>> -> memref<40000x256xf32, #tpu.memory_space<hbm>>
      tpu.enqueue_indirect_dma source(%dma_start3A_51 : memref<40000x256xf32, #tpu.memory_space<hbm>>) target(%arg9 : memref<80x256xf32, #tpu.memory_space<vmem>>) offsets(%dma_start3A_48 : memref<80xi32, #tpu.memory_space<vmem>>) semaphore(%arg13 : memref<!tpu.dma_semaphore, #tpu.memory_space<semaphore_mem>>)
      %dma_start3A_52 = tpu.memref_slice %arg6[%mul3A_47] : memref<10000xi32, #tpu.memory_space<vmem>> -> memref<80xi32, #tpu.memory_space<vmem>>
      %dma_start3A_53 = arith.constant 0 : i32
      %dma_start3A_54 = arith.constant 0 : i32
      %dma_start3A_55 = tpu.memref_slice %arg2[%dma_start3A_53, %dma_start3A_54] : memref<40000x256xf32, #tpu.memory_space<hbm>> -> memref<40000x256xf32, #tpu.memory_space<hbm>>
      tpu.enqueue_indirect_dma source(%dma_start3A_55 : memref<40000x256xf32, #tpu.memory_space<hbm>>) target(%arg10 : memref<80x256xf32, #tpu.memory_space<vmem>>) offsets(%dma_start3A_52 : memref<80xi32, #tpu.memory_space<vmem>>) semaphore(%arg14 : memref<!tpu.dma_semaphore, #tpu.memory_space<semaphore_mem>>)
      %mul3A_56 = arith.constant 80 : i32
      %mul3A_57 = arith.muli %mul3A_43, %mul3A_56 : i32
      %dma_wait3A_58 = tpu.memref_slice %arg5[%mul3A_57] : memref<10000xi32, #tpu.memory_space<vmem>> -> memref<80xi32, #tpu.memory_space<vmem>>
      %dma_wait3A_59 = arith.constant 0 : i32
      %dma_wait3A_60 = arith.constant 0 : i32
      %dma_wait3A_61 = tpu.memref_slice %arg2[%dma_wait3A_59, %dma_wait3A_60] : memref<40000x256xf32, #tpu.memory_space<hbm>> -> memref<40000x256xf32, #tpu.memory_space<hbm>>
      tpu.wait_indirect_dma semaphore(%arg11 : memref<!tpu.dma_semaphore, #tpu.memory_space<semaphore_mem>>) src(%dma_wait3A_61 : memref<40000x256xf32, #tpu.memory_space<hbm>>) dst(%arg7 : memref<80x256xf32, #tpu.memory_space<vmem>>)
      %dma_wait3A_62 = tpu.memref_slice %arg6[%mul3A_57] : memref<10000xi32, #tpu.memory_space<vmem>> -> memref<80xi32, #tpu.memory_space<vmem>>
      %dma_wait3A_63 = arith.constant 0 : i32
      %dma_wait3A_64 = arith.constant 0 : i32
      %dma_wait3A_65 = tpu.memref_slice %arg2[%dma_wait3A_63, %dma_wait3A_64] : memref<40000x256xf32, #tpu.memory_space<hbm>> -> memref<40000x256xf32, #tpu.memory_space<hbm>>
      tpu.wait_indirect_dma semaphore(%arg12 : memref<!tpu.dma_semaphore, #tpu.memory_space<semaphore_mem>>) src(%dma_wait3A_65 : memref<40000x256xf32, #tpu.memory_space<hbm>>) dst(%arg8 : memref<80x256xf32, #tpu.memory_space<vmem>>)
      %scan3A_66 = arith.constant 0 : i32
      %scan3A_67 = arith.constant 80 : i32
      %scan3A_68 = arith.addi %scan3A_66, %scan3A_67 : i32
      %scan3A_69 = arith.constant 1 : i32
      scf.for %scan3A_98 = %scan3A_66 to %scan3A_68 step %scan3A_69  : i32 {
        %mul3A_99 = arith.constant 1 : i32
        %mul3A_100 = arith.muli %scan3A_98, %mul3A_99 : i32
        %add3A_101 = arith.constant 0 : i32
        %add3A_102 = arith.addi %add3A_101, %mul3A_100 : i32
        %get3A = arith.index_cast %add3A_102 : i32 to index
        %get3A_103 = arith.constant 0 : index
        %get3A_104 = tpu.vector_load %arg7[%get3A, %get3A_103] {strides = array<i32>} : memref<80x256xf32, #tpu.memory_space<vmem>>, vector<1x16xf32>,
        %get3A_105 = vector.shape_cast %get3A_104 : vector<1x16xf32> to vector<16xf32>
        %get3A_106 = arith.index_cast %add3A_102 : i32 to index
        %get3A_107 = arith.constant 0 : index
        %get3A_108 = tpu.vector_load %arg8[%get3A_106, %get3A_107] {strides = array<i32>} : memref<80x256xf32, #tpu.memory_space<vmem>>, vector<1x16xf32>,
        %get3A_109 = vector.shape_cast %get3A_108 : vector<1x16xf32> to vector<16xf32>
        %add3A_110 = arith.addf %get3A_105, %get3A_109 : vector<16xf32>
        %swap3A = arith.index_cast %add3A_102 : i32 to index
        %swap3A_111 = arith.constant 0 : index
        %swap3A_112 = tpu.vector_load %arg7[%swap3A, %swap3A_111] {strides = array<i32>} : memref<80x256xf32, #tpu.memory_space<vmem>>, vector<1x16xf32>,
        %swap3A_113 = vector.shape_cast %swap3A_112 : vector<1x16xf32> to vector<16xf32>
        %swap3A_114 = vector.shape_cast %add3A_110 : vector<16xf32> to vector<1x16xf32>
        tpu.vector_store %arg7[%swap3A, %swap3A_111], %swap3A_114 {strides = array<i32>} : memref<80x256xf32, #tpu.memory_space<vmem>>, vector<1x16xf32>,
        %get3A_115 = arith.index_cast %add3A_102 : i32 to index
        %get3A_116 = arith.constant 16 : index
        %get3A_117 = tpu.vector_load %arg7[%get3A_115, %get3A_116] {strides = array<i32>} : memref<80x256xf32, #tpu.memory_space<vmem>>, vector<1x16xf32>,
        %get3A_118 = vector.shape_cast %get3A_117 : vector<1x16xf32> to vector<16xf32>
        %get3A_119 = arith.index_cast %add3A_102 : i32 to index
        %get3A_120 = arith.constant 16 : index
        %get3A_121 = tpu.vector_load %arg8[%get3A_119, %get3A_120] {strides = array<i32>} : memref<80x256xf32, #tpu.memory_space<vmem>>, vector<1x16xf32>,
        %get3A_122 = vector.shape_cast %get3A_121 : vector<1x16xf32> to vector<16xf32>
        %add3A_123 = arith.addf %get3A_118, %get3A_122 : vector<16xf32>
        %swap3A_124 = arith.index_cast %add3A_102 : i32 to index
        %swap3A_125 = arith.constant 16 : index
        %swap3A_126 = tpu.vector_load %arg7[%swap3A_124, %swap3A_125] {strides = array<i32>} : memref<80x256xf32, #tpu.memory_space<vmem>>, vector<1x16xf32>,
        %swap3A_127 = vector.shape_cast %swap3A_126 : vector<1x16xf32> to vector<16xf32>
        %swap3A_128 = vector.shape_cast %add3A_123 : vector<16xf32> to vector<1x16xf32>
        tpu.vector_store %arg7[%swap3A_124, %swap3A_125], %swap3A_128 {strides = array<i32>} : memref<80x256xf32, #tpu.memory_space<vmem>>, vector<1x16xf32>,
        %get3A_129 = arith.index_cast %add3A_102 : i32 to index
        %get3A_130 = arith.constant 32 : index
        %get3A_131 = tpu.vector_load %arg7[%get3A_129, %get3A_130] {strides = array<i32>} : memref<80x256xf32, #tpu.memory_space<vmem>>, vector<1x16xf32>,
        %get3A_132 = vector.shape_cast %get3A_131 : vector<1x16xf32> to vector<16xf32>
        %get3A_133 = arith.index_cast %add3A_102 : i32 to index
        %get3A_134 = arith.constant 32 : index
        %get3A_135 = tpu.vector_load %arg8[%get3A_133, %get3A_134] {strides = array<i32>} : memref<80x256xf32, #tpu.memory_space<vmem>>, vector<1x16xf32>,
        %get3A_136 = vector.shape_cast %get3A_135 : vector<1x16xf32> to vector<16xf32>
        %add3A_137 = arith.addf %get3A_132, %get3A_136 : vector<16xf32>
        %swap3A_138 = arith.index_cast %add3A_102 : i32 to index
        %swap3A_139 = arith.constant 32 : index
        %swap3A_140 = tpu.vector_load %arg7[%swap3A_138, %swap3A_139] {strides = array<i32>} : memref<80x256xf32, #tpu.memory_space<vmem>>, vector<1x16xf32>,
        %swap3A_141 = vector.shape_cast %swap3A_140 : vector<1x16xf32> to vector<16xf32>
        %swap3A_142 = vector.shape_cast %add3A_137 : vector<16xf32> to vector<1x16xf32>
        tpu.vector_store %arg7[%swap3A_138, %swap3A_139], %swap3A_142 {strides = array<i32>} : memref<80x256xf32, #tpu.memory_space<vmem>>, vector<1x16xf32>,
        %get3A_143 = arith.index_cast %add3A_102 : i32 to index
        %get3A_144 = arith.constant 48 : index
        %get3A_145 = tpu.vector_load %arg7[%get3A_143, %get3A_144] {strides = array<i32>} : memref<80x256xf32, #tpu.memory_space<vmem>>, vector<1x16xf32>,
        %get3A_146 = vector.shape_cast %get3A_145 : vector<1x16xf32> to vector<16xf32>
        %get3A_147 = arith.index_cast %add3A_102 : i32 to index
        %get3A_148 = arith.constant 48 : index
        %get3A_149 = tpu.vector_load %arg8[%get3A_147, %get3A_148] {strides = array<i32>} : memref<80x256xf32, #tpu.memory_space<vmem>>, vector<1x16xf32>,
        %get3A_150 = vector.shape_cast %get3A_149 : vector<1x16xf32> to vector<16xf32>
        %add3A_151 = arith.addf %get3A_146, %get3A_150 : vector<16xf32>
        %swap3A_152 = arith.index_cast %add3A_102 : i32 to index
        %swap3A_153 = arith.constant 48 : index
        %swap3A_154 = tpu.vector_load %arg7[%swap3A_152, %swap3A_153] {strides = array<i32>} : memref<80x256xf32, #tpu.memory_space<vmem>>, vector<1x16xf32>,
        %swap3A_155 = vector.shape_cast %swap3A_154 : vector<1x16xf32> to vector<16xf32>
        %swap3A_156 = vector.shape_cast %add3A_151 : vector<16xf32> to vector<1x16xf32>
        tpu.vector_store %arg7[%swap3A_152, %swap3A_153], %swap3A_156 {strides = array<i32>} : memref<80x256xf32, #tpu.memory_space<vmem>>, vector<1x16xf32>,
        %get3A_157 = arith.index_cast %add3A_102 : i32 to index
        %get3A_158 = arith.constant 64 : index
        %get3A_159 = tpu.vector_load %arg7[%get3A_157, %get3A_158] {strides = array<i32>} : memref<80x256xf32, #tpu.memory_space<vmem>>, vector<1x16xf32>,
        %get3A_160 = vector.shape_cast %get3A_159 : vector<1x16xf32> to vector<16xf32>
        %get3A_161 = arith.index_cast %add3A_102 : i32 to index
        %get3A_162 = arith.constant 64 : index
        %get3A_163 = tpu.vector_load %arg8[%get3A_161, %get3A_162] {strides = array<i32>} : memref<80x256xf32, #tpu.memory_space<vmem>>, vector<1x16xf32>,
        %get3A_164 = vector.shape_cast %get3A_163 : vector<1x16xf32> to vector<16xf32>
        %add3A_165 = arith.addf %get3A_160, %get3A_164 : vector<16xf32>
        %swap3A_166 = arith.index_cast %add3A_102 : i32 to index
        %swap3A_167 = arith.constant 64 : index
        %swap3A_168 = tpu.vector_load %arg7[%swap3A_166, %swap3A_167] {strides = array<i32>} : memref<80x256xf32, #tpu.memory_space<vmem>>, vector<1x16xf32>,
        %swap3A_169 = vector.shape_cast %swap3A_168 : vector<1x16xf32> to vector<16xf32>
        %swap3A_170 = vector.shape_cast %add3A_165 : vector<16xf32> to vector<1x16xf32>
        tpu.vector_store %arg7[%swap3A_166, %swap3A_167], %swap3A_170 {strides = array<i32>} : memref<80x256xf32, #tpu.memory_space<vmem>>, vector<1x16xf32>,
        %get3A_171 = arith.index_cast %add3A_102 : i32 to index
        %get3A_172 = arith.constant 80 : index
        %get3A_173 = tpu.vector_load %arg7[%get3A_171, %get3A_172] {strides = array<i32>} : memref<80x256xf32, #tpu.memory_space<vmem>>, vector<1x16xf32>,
        %get3A_174 = vector.shape_cast %get3A_173 : vector<1x16xf32> to vector<16xf32>
        %get3A_175 = arith.index_cast %add3A_102 : i32 to index
        %get3A_176 = arith.constant 80 : index
        %get3A_177 = tpu.vector_load %arg8[%get3A_175, %get3A_176] {strides = array<i32>} : memref<80x256xf32, #tpu.memory_space<vmem>>, vector<1x16xf32>,
        %get3A_178 = vector.shape_cast %get3A_177 : vector<1x16xf32> to vector<16xf32>
        %add3A_179 = arith.addf %get3A_174, %get3A_178 : vector<16xf32>
        %swap3A_180 = arith.index_cast %add3A_102 : i32 to index
        %swap3A_181 = arith.constant 80 : index
        %swap3A_182 = tpu.vector_load %arg7[%swap3A_180, %swap3A_181] {strides = array<i32>} : memref<80x256xf32, #tpu.memory_space<vmem>>, vector<1x16xf32>,
        %swap3A_183 = vector.shape_cast %swap3A_182 : vector<1x16xf32> to vector<16xf32>
        %swap3A_184 = vector.shape_cast %add3A_179 : vector<16xf32> to vector<1x16xf32>
        tpu.vector_store %arg7[%swap3A_180, %swap3A_181], %swap3A_184 {strides = array<i32>} : memref<80x256xf32, #tpu.memory_space<vmem>>, vector<1x16xf32>,
        %get3A_185 = arith.index_cast %add3A_102 : i32 to index
        %get3A_186 = arith.constant 96 : index
        %get3A_187 = tpu.vector_load %arg7[%get3A_185, %get3A_186] {strides = array<i32>} : memref<80x256xf32, #tpu.memory_space<vmem>>, vector<1x16xf32>,
        %get3A_188 = vector.shape_cast %get3A_187 : vector<1x16xf32> to vector<16xf32>
        %get3A_189 = arith.index_cast %add3A_102 : i32 to index
        %get3A_190 = arith.constant 96 : index
        %get3A_191 = tpu.vector_load %arg8[%get3A_189, %get3A_190] {strides = array<i32>} : memref<80x256xf32, #tpu.memory_space<vmem>>, vector<1x16xf32>,
        %get3A_192 = vector.shape_cast %get3A_191 : vector<1x16xf32> to vector<16xf32>
        %add3A_193 = arith.addf %get3A_188, %get3A_192 : vector<16xf32>
        %swap3A_194 = arith.index_cast %add3A_102 : i32 to index
        %swap3A_195 = arith.constant 96 : index
        %swap3A_196 = tpu.vector_load %arg7[%swap3A_194, %swap3A_195] {strides = array<i32>} : memref<80x256xf32, #tpu.memory_space<vmem>>, vector<1x16xf32>,
        %swap3A_197 = vector.shape_cast %swap3A_196 : vector<1x16xf32> to vector<16xf32>
        %swap3A_198 = vector.shape_cast %add3A_193 : vector<16xf32> to vector<1x16xf32>
        tpu.vector_store %arg7[%swap3A_194, %swap3A_195], %swap3A_198 {strides = array<i32>} : memref<80x256xf32, #tpu.memory_space<vmem>>, vector<1x16xf32>,
        %get3A_199 = arith.index_cast %add3A_102 : i32 to index
        %get3A_200 = arith.constant 112 : index
        %get3A_201 = tpu.vector_load %arg7[%get3A_199, %get3A_200] {strides = array<i32>} : memref<80x256xf32, #tpu.memory_space<vmem>>, vector<1x16xf32>,
        %get3A_202 = vector.shape_cast %get3A_201 : vector<1x16xf32> to vector<16xf32>
        %get3A_203 = arith.index_cast %add3A_102 : i32 to index
        %get3A_204 = arith.constant 112 : index
        %get3A_205 = tpu.vector_load %arg8[%get3A_203, %get3A_204] {strides = array<i32>} : memref<80x256xf32, #tpu.memory_space<vmem>>, vector<1x16xf32>,
        %get3A_206 = vector.shape_cast %get3A_205 : vector<1x16xf32> to vector<16xf32>
        %add3A_207 = arith.addf %get3A_202, %get3A_206 : vector<16xf32>
        %swap3A_208 = arith.index_cast %add3A_102 : i32 to index
        %swap3A_209 = arith.constant 112 : index
        %swap3A_210 = tpu.vector_load %arg7[%swap3A_208, %swap3A_209] {strides = array<i32>} : memref<80x256xf32, #tpu.memory_space<vmem>>, vector<1x16xf32>,
        %swap3A_211 = vector.shape_cast %swap3A_210 : vector<1x16xf32> to vector<16xf32>
        %swap3A_212 = vector.shape_cast %add3A_207 : vector<16xf32> to vector<1x16xf32>
        tpu.vector_store %arg7[%swap3A_208, %swap3A_209], %swap3A_212 {strides = array<i32>} : memref<80x256xf32, #tpu.memory_space<vmem>>, vector<1x16xf32>,
        %get3A_213 = arith.index_cast %add3A_102 : i32 to index
        %get3A_214 = arith.constant 128 : index
        %get3A_215 = tpu.vector_load %arg7[%get3A_213, %get3A_214] {strides = array<i32>} : memref<80x256xf32, #tpu.memory_space<vmem>>, vector<1x16xf32>,
        %get3A_216 = vector.shape_cast %get3A_215 : vector<1x16xf32> to vector<16xf32>
        %get3A_217 = arith.index_cast %add3A_102 : i32 to index
        %get3A_218 = arith.constant 128 : index
        %get3A_219 = tpu.vector_load %arg8[%get3A_217, %get3A_218] {strides = array<i32>} : memref<80x256xf32, #tpu.memory_space<vmem>>, vector<1x16xf32>,
        %get3A_220 = vector.shape_cast %get3A_219 : vector<1x16xf32> to vector<16xf32>
        %add3A_221 = arith.addf %get3A_216, %get3A_220 : vector<16xf32>
        %swap3A_222 = arith.index_cast %add3A_102 : i32 to index
        %swap3A_223 = arith.constant 128 : index
        %swap3A_224 = tpu.vector_load %arg7[%swap3A_222, %swap3A_223] {strides = array<i32>} : memref<80x256xf32, #tpu.memory_space<vmem>>, vector<1x16xf32>,
        %swap3A_225 = vector.shape_cast %swap3A_224 : vector<1x16xf32> to vector<16xf32>
        %swap3A_226 = vector.shape_cast %add3A_221 : vector<16xf32> to vector<1x16xf32>
        tpu.vector_store %arg7[%swap3A_222, %swap3A_223], %swap3A_226 {strides = array<i32>} : memref<80x256xf32, #tpu.memory_space<vmem>>, vector<1x16xf32>,
        %get3A_227 = arith.index_cast %add3A_102 : i32 to index
        %get3A_228 = arith.constant 144 : index
        %get3A_229 = tpu.vector_load %arg7[%get3A_227, %get3A_228] {strides = array<i32>} : memref<80x256xf32, #tpu.memory_space<vmem>>, vector<1x16xf32>,
        %get3A_230 = vector.shape_cast %get3A_229 : vector<1x16xf32> to vector<16xf32>
        %get3A_231 = arith.index_cast %add3A_102 : i32 to index
        %get3A_232 = arith.constant 144 : index
        %get3A_233 = tpu.vector_load %arg8[%get3A_231, %get3A_232] {strides = array<i32>} : memref<80x256xf32, #tpu.memory_space<vmem>>, vector<1x16xf32>,
        %get3A_234 = vector.shape_cast %get3A_233 : vector<1x16xf32> to vector<16xf32>
        %add3A_235 = arith.addf %get3A_230, %get3A_234 : vector<16xf32>
        %swap3A_236 = arith.index_cast %add3A_102 : i32 to index
        %swap3A_237 = arith.constant 144 : index
        %swap3A_238 = tpu.vector_load %arg7[%swap3A_236, %swap3A_237] {strides = array<i32>} : memref<80x256xf32, #tpu.memory_space<vmem>>, vector<1x16xf32>,
        %swap3A_239 = vector.shape_cast %swap3A_238 : vector<1x16xf32> to vector<16xf32>
        %swap3A_240 = vector.shape_cast %add3A_235 : vector<16xf32> to vector<1x16xf32>
        tpu.vector_store %arg7[%swap3A_236, %swap3A_237], %swap3A_240 {strides = array<i32>} : memref<80x256xf32, #tpu.memory_space<vmem>>, vector<1x16xf32>,
        %get3A_241 = arith.index_cast %add3A_102 : i32 to index
        %get3A_242 = arith.constant 160 : index
        %get3A_243 = tpu.vector_load %arg7[%get3A_241, %get3A_242] {strides = array<i32>} : memref<80x256xf32, #tpu.memory_space<vmem>>, vector<1x16xf32>,
        %get3A_244 = vector.shape_cast %get3A_243 : vector<1x16xf32> to vector<16xf32>
        %get3A_245 = arith.index_cast %add3A_102 : i32 to index
        %get3A_246 = arith.constant 160 : index
        %get3A_247 = tpu.vector_load %arg8[%get3A_245, %get3A_246] {strides = array<i32>} : memref<80x256xf32, #tpu.memory_space<vmem>>, vector<1x16xf32>,
        %get3A_248 = vector.shape_cast %get3A_247 : vector<1x16xf32> to vector<16xf32>
        %add3A_249 = arith.addf %get3A_244, %get3A_248 : vector<16xf32>
        %swap3A_250 = arith.index_cast %add3A_102 : i32 to index
        %swap3A_251 = arith.constant 160 : index
        %swap3A_252 = tpu.vector_load %arg7[%swap3A_250, %swap3A_251] {strides = array<i32>} : memref<80x256xf32, #tpu.memory_space<vmem>>, vector<1x16xf32>,
        %swap3A_253 = vector.shape_cast %swap3A_252 : vector<1x16xf32> to vector<16xf32>
        %swap3A_254 = vector.shape_cast %add3A_249 : vector<16xf32> to vector<1x16xf32>
        tpu.vector_store %arg7[%swap3A_250, %swap3A_251], %swap3A_254 {strides = array<i32>} : memref<80x256xf32, #tpu.memory_space<vmem>>, vector<1x16xf32>,
        %get3A_255 = arith.index_cast %add3A_102 : i32 to index
        %get3A_256 = arith.constant 176 : index
        %get3A_257 = tpu.vector_load %arg7[%get3A_255, %get3A_256] {strides = array<i32>} : memref<80x256xf32, #tpu.memory_space<vmem>>, vector<1x16xf32>,
        %get3A_258 = vector.shape_cast %get3A_257 : vector<1x16xf32> to vector<16xf32>
        %get3A_259 = arith.index_cast %add3A_102 : i32 to index
        %get3A_260 = arith.constant 176 : index
        %get3A_261 = tpu.vector_load %arg8[%get3A_259, %get3A_260] {strides = array<i32>} : memref<80x256xf32, #tpu.memory_space<vmem>>, vector<1x16xf32>,
        %get3A_262 = vector.shape_cast %get3A_261 : vector<1x16xf32> to vector<16xf32>
        %add3A_263 = arith.addf %get3A_258, %get3A_262 : vector<16xf32>
        %swap3A_264 = arith.index_cast %add3A_102 : i32 to index
        %swap3A_265 = arith.constant 176 : index
        %swap3A_266 = tpu.vector_load %arg7[%swap3A_264, %swap3A_265] {strides = array<i32>} : memref<80x256xf32, #tpu.memory_space<vmem>>, vector<1x16xf32>,
        %swap3A_267 = vector.shape_cast %swap3A_266 : vector<1x16xf32> to vector<16xf32>
        %swap3A_268 = vector.shape_cast %add3A_263 : vector<16xf32> to vector<1x16xf32>
        tpu.vector_store %arg7[%swap3A_264, %swap3A_265], %swap3A_268 {strides = array<i32>} : memref<80x256xf32, #tpu.memory_space<vmem>>, vector<1x16xf32>,
        %get3A_269 = arith.index_cast %add3A_102 : i32 to index
        %get3A_270 = arith.constant 192 : index
        %get3A_271 = tpu.vector_load %arg7[%get3A_269, %get3A_270] {strides = array<i32>} : memref<80x256xf32, #tpu.memory_space<vmem>>, vector<1x16xf32>,
        %get3A_272 = vector.shape_cast %get3A_271 : vector<1x16xf32> to vector<16xf32>
        %get3A_273 = arith.index_cast %add3A_102 : i32 to index
        %get3A_274 = arith.constant 192 : index
        %get3A_275 = tpu.vector_load %arg8[%get3A_273, %get3A_274] {strides = array<i32>} : memref<80x256xf32, #tpu.memory_space<vmem>>, vector<1x16xf32>,
        %get3A_276 = vector.shape_cast %get3A_275 : vector<1x16xf32> to vector<16xf32>
        %add3A_277 = arith.addf %get3A_272, %get3A_276 : vector<16xf32>
        %swap3A_278 = arith.index_cast %add3A_102 : i32 to index
        %swap3A_279 = arith.constant 192 : index
        %swap3A_280 = tpu.vector_load %arg7[%swap3A_278, %swap3A_279] {strides = array<i32>} : memref<80x256xf32, #tpu.memory_space<vmem>>, vector<1x16xf32>,
        %swap3A_281 = vector.shape_cast %swap3A_280 : vector<1x16xf32> to vector<16xf32>
        %swap3A_282 = vector.shape_cast %add3A_277 : vector<16xf32> to vector<1x16xf32>
        tpu.vector_store %arg7[%swap3A_278, %swap3A_279], %swap3A_282 {strides = array<i32>} : memref<80x256xf32, #tpu.memory_space<vmem>>, vector<1x16xf32>,
        %get3A_283 = arith.index_cast %add3A_102 : i32 to index
        %get3A_284 = arith.constant 208 : index
        %get3A_285 = tpu.vector_load %arg7[%get3A_283, %get3A_284] {strides = array<i32>} : memref<80x256xf32, #tpu.memory_space<vmem>>, vector<1x16xf32>,
        %get3A_286 = vector.shape_cast %get3A_285 : vector<1x16xf32> to vector<16xf32>
        %get3A_287 = arith.index_cast %add3A_102 : i32 to index
        %get3A_288 = arith.constant 208 : index
        %get3A_289 = tpu.vector_load %arg8[%get3A_287, %get3A_288] {strides = array<i32>} : memref<80x256xf32, #tpu.memory_space<vmem>>, vector<1x16xf32>,
        %get3A_290 = vector.shape_cast %get3A_289 : vector<1x16xf32> to vector<16xf32>
        %add3A_291 = arith.addf %get3A_286, %get3A_290 : vector<16xf32>
        %swap3A_292 = arith.index_cast %add3A_102 : i32 to index
        %swap3A_293 = arith.constant 208 : index
        %swap3A_294 = tpu.vector_load %arg7[%swap3A_292, %swap3A_293] {strides = array<i32>} : memref<80x256xf32, #tpu.memory_space<vmem>>, vector<1x16xf32>,
        %swap3A_295 = vector.shape_cast %swap3A_294 : vector<1x16xf32> to vector<16xf32>
        %swap3A_296 = vector.shape_cast %add3A_291 : vector<16xf32> to vector<1x16xf32>
        tpu.vector_store %arg7[%swap3A_292, %swap3A_293], %swap3A_296 {strides = array<i32>} : memref<80x256xf32, #tpu.memory_space<vmem>>, vector<1x16xf32>,
        %get3A_297 = arith.index_cast %add3A_102 : i32 to index
        %get3A_298 = arith.constant 224 : index
        %get3A_299 = tpu.vector_load %arg7[%get3A_297, %get3A_298] {strides = array<i32>} : memref<80x256xf32, #tpu.memory_space<vmem>>, vector<1x16xf32>,
        %get3A_300 = vector.shape_cast %get3A_299 : vector<1x16xf32> to vector<16xf32>
        %get3A_301 = arith.index_cast %add3A_102 : i32 to index
        %get3A_302 = arith.constant 224 : index
        %get3A_303 = tpu.vector_load %arg8[%get3A_301, %get3A_302] {strides = array<i32>} : memref<80x256xf32, #tpu.memory_space<vmem>>, vector<1x16xf32>,
        %get3A_304 = vector.shape_cast %get3A_303 : vector<1x16xf32> to vector<16xf32>
        %add3A_305 = arith.addf %get3A_300, %get3A_304 : vector<16xf32>
        %swap3A_306 = arith.index_cast %add3A_102 : i32 to index
        %swap3A_307 = arith.constant 224 : index
        %swap3A_308 = tpu.vector_load %arg7[%swap3A_306, %swap3A_307] {strides = array<i32>} : memref<80x256xf32, #tpu.memory_space<vmem>>, vector<1x16xf32>,
        %swap3A_309 = vector.shape_cast %swap3A_308 : vector<1x16xf32> to vector<16xf32>
        %swap3A_310 = vector.shape_cast %add3A_305 : vector<16xf32> to vector<1x16xf32>
        tpu.vector_store %arg7[%swap3A_306, %swap3A_307], %swap3A_310 {strides = array<i32>} : memref<80x256xf32, #tpu.memory_space<vmem>>, vector<1x16xf32>,
        %get3A_311 = arith.index_cast %add3A_102 : i32 to index
        %get3A_312 = arith.constant 240 : index
        %get3A_313 = tpu.vector_load %arg7[%get3A_311, %get3A_312] {strides = array<i32>} : memref<80x256xf32, #tpu.memory_space<vmem>>, vector<1x16xf32>,
        %get3A_314 = vector.shape_cast %get3A_313 : vector<1x16xf32> to vector<16xf32>
        %get3A_315 = arith.index_cast %add3A_102 : i32 to index
        %get3A_316 = arith.constant 240 : index
        %get3A_317 = tpu.vector_load %arg8[%get3A_315, %get3A_316] {strides = array<i32>} : memref<80x256xf32, #tpu.memory_space<vmem>>, vector<1x16xf32>,
        %get3A_318 = vector.shape_cast %get3A_317 : vector<1x16xf32> to vector<16xf32>
        %add3A_319 = arith.addf %get3A_314, %get3A_318 : vector<16xf32>
        %swap3A_320 = arith.index_cast %add3A_102 : i32 to index
        %swap3A_321 = arith.constant 240 : index
        %swap3A_322 = tpu.vector_load %arg7[%swap3A_320, %swap3A_321] {strides = array<i32>} : memref<80x256xf32, #tpu.memory_space<vmem>>, vector<1x16xf32>,
        %swap3A_323 = vector.shape_cast %swap3A_322 : vector<1x16xf32> to vector<16xf32>
        %swap3A_324 = vector.shape_cast %add3A_319 : vector<16xf32> to vector<1x16xf32>
        tpu.vector_store %arg7[%swap3A_320, %swap3A_321], %swap3A_324 {strides = array<i32>} : memref<80x256xf32, #tpu.memory_space<vmem>>, vector<1x16xf32>,
      }
      %scan3A_70 = arith.constant 80 : i32
      %mul3A_71 = arith.constant 80 : i32
      %mul3A_72 = arith.muli %mul3A_43, %mul3A_71 : i32
      %add3A_73 = arith.addi %mul3A_0, %mul3A_72 : i32
      "tpu.region"() ({
        %run_scoped3A = tpu.sem_alloc : memref<!tpu.dma_semaphore, #tpu.memory_space<semaphore_mem>>
        %dma_start3A_98 = arith.constant 0 : i32
        %dma_start3A_99 = tpu.memref_slice %arg4[%arg0, %add3A_73, %dma_start3A_98] : memref<2x160000x256xf32, #tpu.memory_space<hbm>> -> memref<1x80x256xf32, #tpu.memory_space<hbm>>
        %dma_start3A_100 = tpu.memref_squeeze %dma_start3A_99 : memref<1x80x256xf32, #tpu.memory_space<hbm>> -> memref<80x256xf32, #tpu.memory_space<hbm>>
        %dma_start3A_101 = arith.constant 0 : i32
        %dma_start3A_102 = tpu.memref_slice %arg4[%arg0, %add3A_73, %dma_start3A_101] : memref<2x160000x256xf32, #tpu.memory_space<hbm>> -> memref<1x80x256xf32, #tpu.memory_space<hbm>>
        %dma_start3A_103 = tpu.memref_squeeze %dma_start3A_102 : memref<1x80x256xf32, #tpu.memory_space<hbm>> -> memref<80x256xf32, #tpu.memory_space<hbm>>
        tpu.enqueue_dma source(%arg7 : memref<80x256xf32, #tpu.memory_space<vmem>>) target(%dma_start3A_103 : memref<80x256xf32, #tpu.memory_space<hbm>>) target_semaphore(%run_scoped3A : memref<!tpu.dma_semaphore, #tpu.memory_space<semaphore_mem>>)
        %dma_wait3A_104 = arith.constant 0 : i32
        %dma_wait3A_105 = tpu.memref_slice %arg4[%arg0, %add3A_73, %dma_wait3A_104] : memref<2x160000x256xf32, #tpu.memory_space<hbm>> -> memref<1x80x256xf32, #tpu.memory_space<hbm>>
        %dma_wait3A_106 = tpu.memref_squeeze %dma_wait3A_105 : memref<1x80x256xf32, #tpu.memory_space<hbm>> -> memref<80x256xf32, #tpu.memory_space<hbm>>
        %dma_wait3A_107 = arith.constant 0 : i32
        %dma_wait3A_108 = tpu.memref_slice %arg4[%arg0, %add3A_73, %dma_wait3A_107] : memref<2x160000x256xf32, #tpu.memory_space<hbm>> -> memref<1x80x256xf32, #tpu.memory_space<hbm>>
        %dma_wait3A_109 = tpu.memref_squeeze %dma_wait3A_108 : memref<1x80x256xf32, #tpu.memory_space<hbm>> -> memref<80x256xf32, #tpu.memory_space<hbm>>
        tpu.wait_dma2 semaphore(%run_scoped3A : memref<!tpu.dma_semaphore, #tpu.memory_space<semaphore_mem>>) src(%arg7 : memref<80x256xf32, #tpu.memory_space<vmem>>) dst(%dma_wait3A_109 : memref<80x256xf32, #tpu.memory_space<hbm>>)
        tpu.yield
      }) : () -> ()
      %add3A_74 = arith.constant 2 : i32
      %add3A_75 = arith.addi %mul3A_43, %add3A_74 : i32
      %lt3A = arith.constant 125 : i32
      %lt3A_76 = arith.cmpi slt, %add3A_75, %lt3A : i32
      %convert_element_type3A = arith.extui %lt3A_76 : i1 to i32
      %cond3A = arith.constant 0 : i32
      %cond3A_77 = arith.cmpi ne, %convert_element_type3A, %cond3A : i32
      scf.if %cond3A_77 {
        %add3A_98 = arith.constant 2 : i32
        %add3A_99 = arith.addi %mul3A_43, %add3A_98 : i32
        %mul3A_100 = arith.constant 80 : i32
        %mul3A_101 = arith.muli %add3A_99, %mul3A_100 : i32
        %dma_start3A_102 = tpu.memref_slice %arg5[%mul3A_101] : memref<10000xi32, #tpu.memory_space<vmem>> -> memref<80xi32, #tpu.memory_space<vmem>>
        %dma_start3A_103 = arith.constant 0 : i32
        %dma_start3A_104 = arith.constant 0 : i32
        %dma_start3A_105 = tpu.memref_slice %arg2[%dma_start3A_103, %dma_start3A_104] : memref<40000x256xf32, #tpu.memory_space<hbm>> -> memref<40000x256xf32, #tpu.memory_space<hbm>>
        tpu.enqueue_indirect_dma source(%dma_start3A_105 : memref<40000x256xf32, #tpu.memory_space<hbm>>) target(%arg7 : memref<80x256xf32, #tpu.memory_space<vmem>>) offsets(%dma_start3A_102 : memref<80xi32, #tpu.memory_space<vmem>>) semaphore(%arg11 : memref<!tpu.dma_semaphore, #tpu.memory_space<semaphore_mem>>)
        %dma_start3A_106 = tpu.memref_slice %arg6[%mul3A_101] : memref<10000xi32, #tpu.memory_space<vmem>> -> memref<80xi32, #tpu.memory_space<vmem>>
        %dma_start3A_107 = arith.constant 0 : i32
        %dma_start3A_108 = arith.constant 0 : i32
        %dma_start3A_109 = tpu.memref_slice %arg2[%dma_start3A_107, %dma_start3A_108] : memref<40000x256xf32, #tpu.memory_space<hbm>> -> memref<40000x256xf32, #tpu.memory_space<hbm>>
        tpu.enqueue_indirect_dma source(%dma_start3A_109 : memref<40000x256xf32, #tpu.memory_space<hbm>>) target(%arg8 : memref<80x256xf32, #tpu.memory_space<vmem>>) offsets(%dma_start3A_106 : memref<80xi32, #tpu.memory_space<vmem>>) semaphore(%arg12 : memref<!tpu.dma_semaphore, #tpu.memory_space<semaphore_mem>>)
      } else {
      }
      %add3A_78 = arith.constant 1 : i32
      %add3A_79 = arith.addi %mul3A_43, %add3A_78 : i32
      %mul3A_80 = arith.constant 80 : i32
      %mul3A_81 = arith.muli %add3A_79, %mul3A_80 : i32
      %dma_wait3A_82 = tpu.memref_slice %arg5[%mul3A_81] : memref<10000xi32, #tpu.memory_space<vmem>> -> memref<80xi32, #tpu.memory_space<vmem>>
      %dma_wait3A_83 = arith.constant 0 : i32
      %dma_wait3A_84 = arith.constant 0 : i32
      %dma_wait3A_85 = tpu.memref_slice %arg2[%dma_wait3A_83, %dma_wait3A_84] : memref<40000x256xf32, #tpu.memory_space<hbm>> -> memref<40000x256xf32, #tpu.memory_space<hbm>>
      tpu.wait_indirect_dma semaphore(%arg13 : memref<!tpu.dma_semaphore, #tpu.memory_space<semaphore_mem>>) src(%dma_wait3A_85 : memref<40000x256xf32, #tpu.memory_space<hbm>>) dst(%arg9 : memref<80x256xf32, #tpu.memory_space<vmem>>)
      %dma_wait3A_86 = tpu.memref_slice %arg6[%mul3A_81] : memref<10000xi32, #tpu.memory_space<vmem>> -> memref<80xi32, #tpu.memory_space<vmem>>
      %dma_wait3A_87 = arith.constant 0 : i32
      %dma_wait3A_88 = arith.constant 0 : i32
      %dma_wait3A_89 = tpu.memref_slice %arg2[%dma_wait3A_87, %dma_wait3A_88] : memref<40000x256xf32, #tpu.memory_space<hbm>> -> memref<40000x256xf32, #tpu.memory_space<hbm>>
      tpu.wait_indirect_dma semaphore(%arg14 : memref<!tpu.dma_semaphore, #tpu.memory_space<semaphore_mem>>) src(%dma_wait3A_89 : memref<40000x256xf32, #tpu.memory_space<hbm>>) dst(%arg10 : memref<80x256xf32, #tpu.memory_space<vmem>>)
      %scan3A_90 = arith.constant 0 : i32
      %scan3A_91 = arith.constant 80 : i32
      %scan3A_92 = arith.addi %scan3A_90, %scan3A_91 : i32
      %scan3A_93 = arith.constant 1 : i32
      scf.for %scan3A_98 = %scan3A_90 to %scan3A_92 step %scan3A_93  : i32 {
        %mul3A_99 = arith.constant 1 : i32
        %mul3A_100 = arith.muli %scan3A_98, %mul3A_99 : i32
        %add3A_101 = arith.constant 0 : i32
        %add3A_102 = arith.addi %add3A_101, %mul3A_100 : i32
        %get3A = arith.index_cast %add3A_102 : i32 to index
        %get3A_103 = arith.constant 0 : index
        %get3A_104 = tpu.vector_load %arg9[%get3A, %get3A_103] {strides = array<i32>} : memref<80x256xf32, #tpu.memory_space<vmem>>, vector<1x16xf32>,
        %get3A_105 = vector.shape_cast %get3A_104 : vector<1x16xf32> to vector<16xf32>
        %get3A_106 = arith.index_cast %add3A_102 : i32 to index
        %get3A_107 = arith.constant 0 : index
        %get3A_108 = tpu.vector_load %arg10[%get3A_106, %get3A_107] {strides = array<i32>} : memref<80x256xf32, #tpu.memory_space<vmem>>, vector<1x16xf32>,
        %get3A_109 = vector.shape_cast %get3A_108 : vector<1x16xf32> to vector<16xf32>
        %add3A_110 = arith.addf %get3A_105, %get3A_109 : vector<16xf32>
        %swap3A = arith.index_cast %add3A_102 : i32 to index
        %swap3A_111 = arith.constant 0 : index
        %swap3A_112 = tpu.vector_load %arg9[%swap3A, %swap3A_111] {strides = array<i32>} : memref<80x256xf32, #tpu.memory_space<vmem>>, vector<1x16xf32>,
        %swap3A_113 = vector.shape_cast %swap3A_112 : vector<1x16xf32> to vector<16xf32>
        %swap3A_114 = vector.shape_cast %add3A_110 : vector<16xf32> to vector<1x16xf32>
        tpu.vector_store %arg9[%swap3A, %swap3A_111], %swap3A_114 {strides = array<i32>} : memref<80x256xf32, #tpu.memory_space<vmem>>, vector<1x16xf32>,
        %get3A_115 = arith.index_cast %add3A_102 : i32 to index
        %get3A_116 = arith.constant 16 : index
        %get3A_117 = tpu.vector_load %arg9[%get3A_115, %get3A_116] {strides = array<i32>} : memref<80x256xf32, #tpu.memory_space<vmem>>, vector<1x16xf32>,
        %get3A_118 = vector.shape_cast %get3A_117 : vector<1x16xf32> to vector<16xf32>
        %get3A_119 = arith.index_cast %add3A_102 : i32 to index
        %get3A_120 = arith.constant 16 : index
        %get3A_121 = tpu.vector_load %arg10[%get3A_119, %get3A_120] {strides = array<i32>} : memref<80x256xf32, #tpu.memory_space<vmem>>, vector<1x16xf32>,
        %get3A_122 = vector.shape_cast %get3A_121 : vector<1x16xf32> to vector<16xf32>
        %add3A_123 = arith.addf %get3A_118, %get3A_122 : vector<16xf32>
        %swap3A_124 = arith.index_cast %add3A_102 : i32 to index
        %swap3A_125 = arith.constant 16 : index
        %swap3A_126 = tpu.vector_load %arg9[%swap3A_124, %swap3A_125] {strides = array<i32>} : memref<80x256xf32, #tpu.memory_space<vmem>>, vector<1x16xf32>,
        %swap3A_127 = vector.shape_cast %swap3A_126 : vector<1x16xf32> to vector<16xf32>
        %swap3A_128 = vector.shape_cast %add3A_123 : vector<16xf32> to vector<1x16xf32>
        tpu.vector_store %arg9[%swap3A_124, %swap3A_125], %swap3A_128 {strides = array<i32>} : memref<80x256xf32, #tpu.memory_space<vmem>>, vector<1x16xf32>,
        %get3A_129 = arith.index_cast %add3A_102 : i32 to index
        %get3A_130 = arith.constant 32 : index
        %get3A_131 = tpu.vector_load %arg9[%get3A_129, %get3A_130] {strides = array<i32>} : memref<80x256xf32, #tpu.memory_space<vmem>>, vector<1x16xf32>,
        %get3A_132 = vector.shape_cast %get3A_131 : vector<1x16xf32> to vector<16xf32>
        %get3A_133 = arith.index_cast %add3A_102 : i32 to index
        %get3A_134 = arith.constant 32 : index
        %get3A_135 = tpu.vector_load %arg10[%get3A_133, %get3A_134] {strides = array<i32>} : memref<80x256xf32, #tpu.memory_space<vmem>>, vector<1x16xf32>,
        %get3A_136 = vector.shape_cast %get3A_135 : vector<1x16xf32> to vector<16xf32>
        %add3A_137 = arith.addf %get3A_132, %get3A_136 : vector<16xf32>
        %swap3A_138 = arith.index_cast %add3A_102 : i32 to index
        %swap3A_139 = arith.constant 32 : index
        %swap3A_140 = tpu.vector_load %arg9[%swap3A_138, %swap3A_139] {strides = array<i32>} : memref<80x256xf32, #tpu.memory_space<vmem>>, vector<1x16xf32>,
        %swap3A_141 = vector.shape_cast %swap3A_140 : vector<1x16xf32> to vector<16xf32>
        %swap3A_142 = vector.shape_cast %add3A_137 : vector<16xf32> to vector<1x16xf32>
        tpu.vector_store %arg9[%swap3A_138, %swap3A_139], %swap3A_142 {strides = array<i32>} : memref<80x256xf32, #tpu.memory_space<vmem>>, vector<1x16xf32>,
        %get3A_143 = arith.index_cast %add3A_102 : i32 to index
        %get3A_144 = arith.constant 48 : index
        %get3A_145 = tpu.vector_load %arg9[%get3A_143, %get3A_144] {strides = array<i32>} : memref<80x256xf32, #tpu.memory_space<vmem>>, vector<1x16xf32>,
        %get3A_146 = vector.shape_cast %get3A_145 : vector<1x16xf32> to vector<16xf32>
        %get3A_147 = arith.index_cast %add3A_102 : i32 to index
        %get3A_148 = arith.constant 48 : index
        %get3A_149 = tpu.vector_load %arg10[%get3A_147, %get3A_148] {strides = array<i32>} : memref<80x256xf32, #tpu.memory_space<vmem>>, vector<1x16xf32>,
        %get3A_150 = vector.shape_cast %get3A_149 : vector<1x16xf32> to vector<16xf32>
        %add3A_151 = arith.addf %get3A_146, %get3A_150 : vector<16xf32>
        %swap3A_152 = arith.index_cast %add3A_102 : i32 to index
        %swap3A_153 = arith.constant 48 : index
        %swap3A_154 = tpu.vector_load %arg9[%swap3A_152, %swap3A_153] {strides = array<i32>} : memref<80x256xf32, #tpu.memory_space<vmem>>, vector<1x16xf32>,
        %swap3A_155 = vector.shape_cast %swap3A_154 : vector<1x16xf32> to vector<16xf32>
        %swap3A_156 = vector.shape_cast %add3A_151 : vector<16xf32> to vector<1x16xf32>
        tpu.vector_store %arg9[%swap3A_152, %swap3A_153], %swap3A_156 {strides = array<i32>} : memref<80x256xf32, #tpu.memory_space<vmem>>, vector<1x16xf32>,
        %get3A_157 = arith.index_cast %add3A_102 : i32 to index
        %get3A_158 = arith.constant 64 : index
        %get3A_159 = tpu.vector_load %arg9[%get3A_157, %get3A_158] {strides = array<i32>} : memref<80x256xf32, #tpu.memory_space<vmem>>, vector<1x16xf32>,
        %get3A_160 = vector.shape_cast %get3A_159 : vector<1x16xf32> to vector<16xf32>
        %get3A_161 = arith.index_cast %add3A_102 : i32 to index
        %get3A_162 = arith.constant 64 : index
        %get3A_163 = tpu.vector_load %arg10[%get3A_161, %get3A_162] {strides = array<i32>} : memref<80x256xf32, #tpu.memory_space<vmem>>, vector<1x16xf32>,
        %get3A_164 = vector.shape_cast %get3A_163 : vector<1x16xf32> to vector<16xf32>
        %add3A_165 = arith.addf %get3A_160, %get3A_164 : vector<16xf32>
        %swap3A_166 = arith.index_cast %add3A_102 : i32 to index
        %swap3A_167 = arith.constant 64 : index
        %swap3A_168 = tpu.vector_load %arg9[%swap3A_166, %swap3A_167] {strides = array<i32>} : memref<80x256xf32, #tpu.memory_space<vmem>>, vector<1x16xf32>,
        %swap3A_169 = vector.shape_cast %swap3A_168 : vector<1x16xf32> to vector<16xf32>
        %swap3A_170 = vector.shape_cast %add3A_165 : vector<16xf32> to vector<1x16xf32>
        tpu.vector_store %arg9[%swap3A_166, %swap3A_167], %swap3A_170 {strides = array<i32>} : memref<80x256xf32, #tpu.memory_space<vmem>>, vector<1x16xf32>,
        %get3A_171 = arith.index_cast %add3A_102 : i32 to index
        %get3A_172 = arith.constant 80 : index
        %get3A_173 = tpu.vector_load %arg9[%get3A_171, %get3A_172] {strides = array<i32>} : memref<80x256xf32, #tpu.memory_space<vmem>>, vector<1x16xf32>,
        %get3A_174 = vector.shape_cast %get3A_173 : vector<1x16xf32> to vector<16xf32>
        %get3A_175 = arith.index_cast %add3A_102 : i32 to index
        %get3A_176 = arith.constant 80 : index
        %get3A_177 = tpu.vector_load %arg10[%get3A_175, %get3A_176] {strides = array<i32>} : memref<80x256xf32, #tpu.memory_space<vmem>>, vector<1x16xf32>,
        %get3A_178 = vector.shape_cast %get3A_177 : vector<1x16xf32> to vector<16xf32>
        %add3A_179 = arith.addf %get3A_174, %get3A_178 : vector<16xf32>
        %swap3A_180 = arith.index_cast %add3A_102 : i32 to index
        %swap3A_181 = arith.constant 80 : index
        %swap3A_182 = tpu.vector_load %arg9[%swap3A_180, %swap3A_181] {strides = array<i32>} : memref<80x256xf32, #tpu.memory_space<vmem>>, vector<1x16xf32>,
        %swap3A_183 = vector.shape_cast %swap3A_182 : vector<1x16xf32> to vector<16xf32>
        %swap3A_184 = vector.shape_cast %add3A_179 : vector<16xf32> to vector<1x16xf32>
        tpu.vector_store %arg9[%swap3A_180, %swap3A_181], %swap3A_184 {strides = array<i32>} : memref<80x256xf32, #tpu.memory_space<vmem>>, vector<1x16xf32>,
        %get3A_185 = arith.index_cast %add3A_102 : i32 to index
        %get3A_186 = arith.constant 96 : index
        %get3A_187 = tpu.vector_load %arg9[%get3A_185, %get3A_186] {strides = array<i32>} : memref<80x256xf32, #tpu.memory_space<vmem>>, vector<1x16xf32>,
        %get3A_188 = vector.shape_cast %get3A_187 : vector<1x16xf32> to vector<16xf32>
        %get3A_189 = arith.index_cast %add3A_102 : i32 to index
        %get3A_190 = arith.constant 96 : index
        %get3A_191 = tpu.vector_load %arg10[%get3A_189, %get3A_190] {strides = array<i32>} : memref<80x256xf32, #tpu.memory_space<vmem>>, vector<1x16xf32>,
        %get3A_192 = vector.shape_cast %get3A_191 : vector<1x16xf32> to vector<16xf32>
        %add3A_193 = arith.addf %get3A_188, %get3A_192 : vector<16xf32>
        %swap3A_194 = arith.index_cast %add3A_102 : i32 to index
        %swap3A_195 = arith.constant 96 : index
        %swap3A_196 = tpu.vector_load %arg9[%swap3A_194, %swap3A_195] {strides = array<i32>} : memref<80x256xf32, #tpu.memory_space<vmem>>, vector<1x16xf32>,
        %swap3A_197 = vector.shape_cast %swap3A_196 : vector<1x16xf32> to vector<16xf32>
        %swap3A_198 = vector.shape_cast %add3A_193 : vector<16xf32> to vector<1x16xf32>
        tpu.vector_store %arg9[%swap3A_194, %swap3A_195], %swap3A_198 {strides = array<i32>} : memref<80x256xf32, #tpu.memory_space<vmem>>, vector<1x16xf32>,
        %get3A_199 = arith.index_cast %add3A_102 : i32 to index
        %get3A_200 = arith.constant 112 : index
        %get3A_201 = tpu.vector_load %arg9[%get3A_199, %get3A_200] {strides = array<i32>} : memref<80x256xf32, #tpu.memory_space<vmem>>, vector<1x16xf32>,
        %get3A_202 = vector.shape_cast %get3A_201 : vector<1x16xf32> to vector<16xf32>
        %get3A_203 = arith.index_cast %add3A_102 : i32 to index
        %get3A_204 = arith.constant 112 : index
        %get3A_205 = tpu.vector_load %arg10[%get3A_203, %get3A_204] {strides = array<i32>} : memref<80x256xf32, #tpu.memory_space<vmem>>, vector<1x16xf32>,
        %get3A_206 = vector.shape_cast %get3A_205 : vector<1x16xf32> to vector<16xf32>
        %add3A_207 = arith.addf %get3A_202, %get3A_206 : vector<16xf32>
        %swap3A_208 = arith.index_cast %add3A_102 : i32 to index
        %swap3A_209 = arith.constant 112 : index
        %swap3A_210 = tpu.vector_load %arg9[%swap3A_208, %swap3A_209] {strides = array<i32>} : memref<80x256xf32, #tpu.memory_space<vmem>>, vector<1x16xf32>,
        %swap3A_211 = vector.shape_cast %swap3A_210 : vector<1x16xf32> to vector<16xf32>
        %swap3A_212 = vector.shape_cast %add3A_207 : vector<16xf32> to vector<1x16xf32>
        tpu.vector_store %arg9[%swap3A_208, %swap3A_209], %swap3A_212 {strides = array<i32>} : memref<80x256xf32, #tpu.memory_space<vmem>>, vector<1x16xf32>,
        %get3A_213 = arith.index_cast %add3A_102 : i32 to index
        %get3A_214 = arith.constant 128 : index
        %get3A_215 = tpu.vector_load %arg9[%get3A_213, %get3A_214] {strides = array<i32>} : memref<80x256xf32, #tpu.memory_space<vmem>>, vector<1x16xf32>,
        %get3A_216 = vector.shape_cast %get3A_215 : vector<1x16xf32> to vector<16xf32>
        %get3A_217 = arith.index_cast %add3A_102 : i32 to index
        %get3A_218 = arith.constant 128 : index
        %get3A_219 = tpu.vector_load %arg10[%get3A_217, %get3A_218] {strides = array<i32>} : memref<80x256xf32, #tpu.memory_space<vmem>>, vector<1x16xf32>,
        %get3A_220 = vector.shape_cast %get3A_219 : vector<1x16xf32> to vector<16xf32>
        %add3A_221 = arith.addf %get3A_216, %get3A_220 : vector<16xf32>
        %swap3A_222 = arith.index_cast %add3A_102 : i32 to index
        %swap3A_223 = arith.constant 128 : index
        %swap3A_224 = tpu.vector_load %arg9[%swap3A_222, %swap3A_223] {strides = array<i32>} : memref<80x256xf32, #tpu.memory_space<vmem>>, vector<1x16xf32>,
        %swap3A_225 = vector.shape_cast %swap3A_224 : vector<1x16xf32> to vector<16xf32>
        %swap3A_226 = vector.shape_cast %add3A_221 : vector<16xf32> to vector<1x16xf32>
        tpu.vector_store %arg9[%swap3A_222, %swap3A_223], %swap3A_226 {strides = array<i32>} : memref<80x256xf32, #tpu.memory_space<vmem>>, vector<1x16xf32>,
        %get3A_227 = arith.index_cast %add3A_102 : i32 to index
        %get3A_228 = arith.constant 144 : index
        %get3A_229 = tpu.vector_load %arg9[%get3A_227, %get3A_228] {strides = array<i32>} : memref<80x256xf32, #tpu.memory_space<vmem>>, vector<1x16xf32>,
        %get3A_230 = vector.shape_cast %get3A_229 : vector<1x16xf32> to vector<16xf32>
        %get3A_231 = arith.index_cast %add3A_102 : i32 to index
        %get3A_232 = arith.constant 144 : index
        %get3A_233 = tpu.vector_load %arg10[%get3A_231, %get3A_232] {strides = array<i32>} : memref<80x256xf32, #tpu.memory_space<vmem>>, vector<1x16xf32>,
        %get3A_234 = vector.shape_cast %get3A_233 : vector<1x16xf32> to vector<16xf32>
        %add3A_235 = arith.addf %get3A_230, %get3A_234 : vector<16xf32>
        %swap3A_236 = arith.index_cast %add3A_102 : i32 to index
        %swap3A_237 = arith.constant 144 : index
        %swap3A_238 = tpu.vector_load %arg9[%swap3A_236, %swap3A_237] {strides = array<i32>} : memref<80x256xf32, #tpu.memory_space<vmem>>, vector<1x16xf32>,
        %swap3A_239 = vector.shape_cast %swap3A_238 : vector<1x16xf32> to vector<16xf32>
        %swap3A_240 = vector.shape_cast %add3A_235 : vector<16xf32> to vector<1x16xf32>
        tpu.vector_store %arg9[%swap3A_236, %swap3A_237], %swap3A_240 {strides = array<i32>} : memref<80x256xf32, #tpu.memory_space<vmem>>, vector<1x16xf32>,
        %get3A_241 = arith.index_cast %add3A_102 : i32 to index
        %get3A_242 = arith.constant 160 : index
        %get3A_243 = tpu.vector_load %arg9[%get3A_241, %get3A_242] {strides = array<i32>} : memref<80x256xf32, #tpu.memory_space<vmem>>, vector<1x16xf32>,
        %get3A_244 = vector.shape_cast %get3A_243 : vector<1x16xf32> to vector<16xf32>
        %get3A_245 = arith.index_cast %add3A_102 : i32 to index
        %get3A_246 = arith.constant 160 : index
        %get3A_247 = tpu.vector_load %arg10[%get3A_245, %get3A_246] {strides = array<i32>} : memref<80x256xf32, #tpu.memory_space<vmem>>, vector<1x16xf32>,
        %get3A_248 = vector.shape_cast %get3A_247 : vector<1x16xf32> to vector<16xf32>
        %add3A_249 = arith.addf %get3A_244, %get3A_248 : vector<16xf32>
        %swap3A_250 = arith.index_cast %add3A_102 : i32 to index
        %swap3A_251 = arith.constant 160 : index
        %swap3A_252 = tpu.vector_load %arg9[%swap3A_250, %swap3A_251] {strides = array<i32>} : memref<80x256xf32, #tpu.memory_space<vmem>>, vector<1x16xf32>,
        %swap3A_253 = vector.shape_cast %swap3A_252 : vector<1x16xf32> to vector<16xf32>
        %swap3A_254 = vector.shape_cast %add3A_249 : vector<16xf32> to vector<1x16xf32>
        tpu.vector_store %arg9[%swap3A_250, %swap3A_251], %swap3A_254 {strides = array<i32>} : memref<80x256xf32, #tpu.memory_space<vmem>>, vector<1x16xf32>,
        %get3A_255 = arith.index_cast %add3A_102 : i32 to index
        %get3A_256 = arith.constant 176 : index
        %get3A_257 = tpu.vector_load %arg9[%get3A_255, %get3A_256] {strides = array<i32>} : memref<80x256xf32, #tpu.memory_space<vmem>>, vector<1x16xf32>,
        %get3A_258 = vector.shape_cast %get3A_257 : vector<1x16xf32> to vector<16xf32>
        %get3A_259 = arith.index_cast %add3A_102 : i32 to index
        %get3A_260 = arith.constant 176 : index
        %get3A_261 = tpu.vector_load %arg10[%get3A_259, %get3A_260] {strides = array<i32>} : memref<80x256xf32, #tpu.memory_space<vmem>>, vector<1x16xf32>,
        %get3A_262 = vector.shape_cast %get3A_261 : vector<1x16xf32> to vector<16xf32>
        %add3A_263 = arith.addf %get3A_258, %get3A_262 : vector<16xf32>
        %swap3A_264 = arith.index_cast %add3A_102 : i32 to index
        %swap3A_265 = arith.constant 176 : index
        %swap3A_266 = tpu.vector_load %arg9[%swap3A_264, %swap3A_265] {strides = array<i32>} : memref<80x256xf32, #tpu.memory_space<vmem>>, vector<1x16xf32>,
        %swap3A_267 = vector.shape_cast %swap3A_266 : vector<1x16xf32> to vector<16xf32>
        %swap3A_268 = vector.shape_cast %add3A_263 : vector<16xf32> to vector<1x16xf32>
        tpu.vector_store %arg9[%swap3A_264, %swap3A_265], %swap3A_268 {strides = array<i32>} : memref<80x256xf32, #tpu.memory_space<vmem>>, vector<1x16xf32>,
        %get3A_269 = arith.index_cast %add3A_102 : i32 to index
        %get3A_270 = arith.constant 192 : index
        %get3A_271 = tpu.vector_load %arg9[%get3A_269, %get3A_270] {strides = array<i32>} : memref<80x256xf32, #tpu.memory_space<vmem>>, vector<1x16xf32>,
        %get3A_272 = vector.shape_cast %get3A_271 : vector<1x16xf32> to vector<16xf32>
        %get3A_273 = arith.index_cast %add3A_102 : i32 to index
        %get3A_274 = arith.constant 192 : index
        %get3A_275 = tpu.vector_load %arg10[%get3A_273, %get3A_274] {strides = array<i32>} : memref<80x256xf32, #tpu.memory_space<vmem>>, vector<1x16xf32>,
        %get3A_276 = vector.shape_cast %get3A_275 : vector<1x16xf32> to vector<16xf32>
        %add3A_277 = arith.addf %get3A_272, %get3A_276 : vector<16xf32>
        %swap3A_278 = arith.index_cast %add3A_102 : i32 to index
        %swap3A_279 = arith.constant 192 : index
        %swap3A_280 = tpu.vector_load %arg9[%swap3A_278, %swap3A_279] {strides = array<i32>} : memref<80x256xf32, #tpu.memory_space<vmem>>, vector<1x16xf32>,
        %swap3A_281 = vector.shape_cast %swap3A_280 : vector<1x16xf32> to vector<16xf32>
        %swap3A_282 = vector.shape_cast %add3A_277 : vector<16xf32> to vector<1x16xf32>
        tpu.vector_store %arg9[%swap3A_278, %swap3A_279], %swap3A_282 {strides = array<i32>} : memref<80x256xf32, #tpu.memory_space<vmem>>, vector<1x16xf32>,
        %get3A_283 = arith.index_cast %add3A_102 : i32 to index
        %get3A_284 = arith.constant 208 : index
        %get3A_285 = tpu.vector_load %arg9[%get3A_283, %get3A_284] {strides = array<i32>} : memref<80x256xf32, #tpu.memory_space<vmem>>, vector<1x16xf32>,
        %get3A_286 = vector.shape_cast %get3A_285 : vector<1x16xf32> to vector<16xf32>
        %get3A_287 = arith.index_cast %add3A_102 : i32 to index
        %get3A_288 = arith.constant 208 : index
        %get3A_289 = tpu.vector_load %arg10[%get3A_287, %get3A_288] {strides = array<i32>} : memref<80x256xf32, #tpu.memory_space<vmem>>, vector<1x16xf32>,
        %get3A_290 = vector.shape_cast %get3A_289 : vector<1x16xf32> to vector<16xf32>
        %add3A_291 = arith.addf %get3A_286, %get3A_290 : vector<16xf32>
        %swap3A_292 = arith.index_cast %add3A_102 : i32 to index
        %swap3A_293 = arith.constant 208 : index
        %swap3A_294 = tpu.vector_load %arg9[%swap3A_292, %swap3A_293] {strides = array<i32>} : memref<80x256xf32, #tpu.memory_space<vmem>>, vector<1x16xf32>,
        %swap3A_295 = vector.shape_cast %swap3A_294 : vector<1x16xf32> to vector<16xf32>
        %swap3A_296 = vector.shape_cast %add3A_291 : vector<16xf32> to vector<1x16xf32>
        tpu.vector_store %arg9[%swap3A_292, %swap3A_293], %swap3A_296 {strides = array<i32>} : memref<80x256xf32, #tpu.memory_space<vmem>>, vector<1x16xf32>,
        %get3A_297 = arith.index_cast %add3A_102 : i32 to index
        %get3A_298 = arith.constant 224 : index
        %get3A_299 = tpu.vector_load %arg9[%get3A_297, %get3A_298] {strides = array<i32>} : memref<80x256xf32, #tpu.memory_space<vmem>>, vector<1x16xf32>,
        %get3A_300 = vector.shape_cast %get3A_299 : vector<1x16xf32> to vector<16xf32>
        %get3A_301 = arith.index_cast %add3A_102 : i32 to index
        %get3A_302 = arith.constant 224 : index
        %get3A_303 = tpu.vector_load %arg10[%get3A_301, %get3A_302] {strides = array<i32>} : memref<80x256xf32, #tpu.memory_space<vmem>>, vector<1x16xf32>,
        %get3A_304 = vector.shape_cast %get3A_303 : vector<1x16xf32> to vector<16xf32>
        %add3A_305 = arith.addf %get3A_300, %get3A_304 : vector<16xf32>
        %swap3A_306 = arith.index_cast %add3A_102 : i32 to index
        %swap3A_307 = arith.constant 224 : index
        %swap3A_308 = tpu.vector_load %arg9[%swap3A_306, %swap3A_307] {strides = array<i32>} : memref<80x256xf32, #tpu.memory_space<vmem>>, vector<1x16xf32>,
        %swap3A_309 = vector.shape_cast %swap3A_308 : vector<1x16xf32> to vector<16xf32>
        %swap3A_310 = vector.shape_cast %add3A_305 : vector<16xf32> to vector<1x16xf32>
        tpu.vector_store %arg9[%swap3A_306, %swap3A_307], %swap3A_310 {strides = array<i32>} : memref<80x256xf32, #tpu.memory_space<vmem>>, vector<1x16xf32>,
        %get3A_311 = arith.index_cast %add3A_102 : i32 to index
        %get3A_312 = arith.constant 240 : index
        %get3A_313 = tpu.vector_load %arg9[%get3A_311, %get3A_312] {strides = array<i32>} : memref<80x256xf32, #tpu.memory_space<vmem>>, vector<1x16xf32>,
        %get3A_314 = vector.shape_cast %get3A_313 : vector<1x16xf32> to vector<16xf32>
        %get3A_315 = arith.index_cast %add3A_102 : i32 to index
        %get3A_316 = arith.constant 240 : index
        %get3A_317 = tpu.vector_load %arg10[%get3A_315, %get3A_316] {strides = array<i32>} : memref<80x256xf32, #tpu.memory_space<vmem>>, vector<1x16xf32>,
        %get3A_318 = vector.shape_cast %get3A_317 : vector<1x16xf32> to vector<16xf32>
        %add3A_319 = arith.addf %get3A_314, %get3A_318 : vector<16xf32>
        %swap3A_320 = arith.index_cast %add3A_102 : i32 to index
        %swap3A_321 = arith.constant 240 : index
        %swap3A_322 = tpu.vector_load %arg9[%swap3A_320, %swap3A_321] {strides = array<i32>} : memref<80x256xf32, #tpu.memory_space<vmem>>, vector<1x16xf32>,
        %swap3A_323 = vector.shape_cast %swap3A_322 : vector<1x16xf32> to vector<16xf32>
        %swap3A_324 = vector.shape_cast %add3A_319 : vector<16xf32> to vector<1x16xf32>
        tpu.vector_store %arg9[%swap3A_320, %swap3A_321], %swap3A_324 {strides = array<i32>} : memref<80x256xf32, #tpu.memory_space<vmem>>, vector<1x16xf32>,
      }
      %scan3A_94 = arith.constant 80 : i32
      %mul3A_95 = arith.constant 80 : i32
      %mul3A_96 = arith.muli %add3A_79, %mul3A_95 : i32
      %add3A_97 = arith.addi %mul3A_0, %mul3A_96 : i32
      "tpu.region"() ({
        %run_scoped3A = tpu.sem_alloc : memref<!tpu.dma_semaphore, #tpu.memory_space<semaphore_mem>>
        %dma_start3A_98 = arith.constant 0 : i32
        %dma_start3A_99 = tpu.memref_slice %arg4[%arg0, %add3A_97, %dma_start3A_98] : memref<2x160000x256xf32, #tpu.memory_space<hbm>> -> memref<1x80x256xf32, #tpu.memory_space<hbm>>
        %dma_start3A_100 = tpu.memref_squeeze %dma_start3A_99 : memref<1x80x256xf32, #tpu.memory_space<hbm>> -> memref<80x256xf32, #tpu.memory_space<hbm>>
        %dma_start3A_101 = arith.constant 0 : i32
        %dma_start3A_102 = tpu.memref_slice %arg4[%arg0, %add3A_97, %dma_start3A_101] : memref<2x160000x256xf32, #tpu.memory_space<hbm>> -> memref<1x80x256xf32, #tpu.memory_space<hbm>>
        %dma_start3A_103 = tpu.memref_squeeze %dma_start3A_102 : memref<1x80x256xf32, #tpu.memory_space<hbm>> -> memref<80x256xf32, #tpu.memory_space<hbm>>
        tpu.enqueue_dma source(%arg9 : memref<80x256xf32, #tpu.memory_space<vmem>>) target(%dma_start3A_103 : memref<80x256xf32, #tpu.memory_space<hbm>>) target_semaphore(%run_scoped3A : memref<!tpu.dma_semaphore, #tpu.memory_space<semaphore_mem>>)
        %dma_wait3A_104 = arith.constant 0 : i32
        %dma_wait3A_105 = tpu.memref_slice %arg4[%arg0, %add3A_97, %dma_wait3A_104] : memref<2x160000x256xf32, #tpu.memory_space<hbm>> -> memref<1x80x256xf32, #tpu.memory_space<hbm>>
        %dma_wait3A_106 = tpu.memref_squeeze %dma_wait3A_105 : memref<1x80x256xf32, #tpu.memory_space<hbm>> -> memref<80x256xf32, #tpu.memory_space<hbm>>
        %dma_wait3A_107 = arith.constant 0 : i32
        %dma_wait3A_108 = tpu.memref_slice %arg4[%arg0, %add3A_97, %dma_wait3A_107] : memref<2x160000x256xf32, #tpu.memory_space<hbm>> -> memref<1x80x256xf32, #tpu.memory_space<hbm>>
        %dma_wait3A_109 = tpu.memref_squeeze %dma_wait3A_108 : memref<1x80x256xf32, #tpu.memory_space<hbm>> -> memref<80x256xf32, #tpu.memory_space<hbm>>
        tpu.wait_dma2 semaphore(%run_scoped3A : memref<!tpu.dma_semaphore, #tpu.memory_space<semaphore_mem>>) src(%arg9 : memref<80x256xf32, #tpu.memory_space<vmem>>) dst(%dma_wait3A_109 : memref<80x256xf32, #tpu.memory_space<hbm>>)
        tpu.yield
      }) : () -> ()
    }
    %scan3A_20 = arith.constant 62 : i32
    %dma_wait3A = arith.constant 9920 : i32
    %dma_wait3A_21 = tpu.memref_slice %arg5[%dma_wait3A] : memref<10000xi32, #tpu.memory_space<vmem>> -> memref<80xi32, #tpu.memory_space<vmem>>
    %dma_wait3A_22 = arith.constant 0 : i32
    %dma_wait3A_23 = arith.constant 0 : i32
    %dma_wait3A_24 = tpu.memref_slice %arg2[%dma_wait3A_22, %dma_wait3A_23] : memref<40000x256xf32, #tpu.memory_space<hbm>> -> memref<40000x256xf32, #tpu.memory_space<hbm>>
    tpu.wait_indirect_dma semaphore(%arg11 : memref<!tpu.dma_semaphore, #tpu.memory_space<semaphore_mem>>) src(%dma_wait3A_24 : memref<40000x256xf32, #tpu.memory_space<hbm>>) dst(%arg7 : memref<80x256xf32, #tpu.memory_space<vmem>>)
    %dma_wait3A_25 = arith.constant 9920 : i32
    %dma_wait3A_26 = tpu.memref_slice %arg6[%dma_wait3A_25] : memref<10000xi32, #tpu.memory_space<vmem>> -> memref<80xi32, #tpu.memory_space<vmem>>
    %dma_wait3A_27 = arith.constant 0 : i32
    %dma_wait3A_28 = arith.constant 0 : i32
    %dma_wait3A_29 = tpu.memref_slice %arg2[%dma_wait3A_27, %dma_wait3A_28] : memref<40000x256xf32, #tpu.memory_space<hbm>> -> memref<40000x256xf32, #tpu.memory_space<hbm>>
    tpu.wait_indirect_dma semaphore(%arg12 : memref<!tpu.dma_semaphore, #tpu.memory_space<semaphore_mem>>) src(%dma_wait3A_29 : memref<40000x256xf32, #tpu.memory_space<hbm>>) dst(%arg8 : memref<80x256xf32, #tpu.memory_space<vmem>>)
    %scan3A_30 = arith.constant 0 : i32
    %scan3A_31 = arith.constant 80 : i32
    %scan3A_32 = arith.addi %scan3A_30, %scan3A_31 : i32
    %scan3A_33 = arith.constant 1 : i32
    scf.for %scan3A_37 = %scan3A_30 to %scan3A_32 step %scan3A_33  : i32 {
      %mul3A_38 = arith.constant 1 : i32
      %mul3A_39 = arith.muli %scan3A_37, %mul3A_38 : i32
      %add3A_40 = arith.constant 0 : i32
      %add3A_41 = arith.addi %add3A_40, %mul3A_39 : i32
      %get3A = arith.index_cast %add3A_41 : i32 to index
      %get3A_42 = arith.constant 0 : index
      %get3A_43 = tpu.vector_load %arg7[%get3A, %get3A_42] {strides = array<i32>} : memref<80x256xf32, #tpu.memory_space<vmem>>, vector<1x16xf32>,
      %get3A_44 = vector.shape_cast %get3A_43 : vector<1x16xf32> to vector<16xf32>
      %get3A_45 = arith.index_cast %add3A_41 : i32 to index
      %get3A_46 = arith.constant 0 : index
      %get3A_47 = tpu.vector_load %arg8[%get3A_45, %get3A_46] {strides = array<i32>} : memref<80x256xf32, #tpu.memory_space<vmem>>, vector<1x16xf32>,
      %get3A_48 = vector.shape_cast %get3A_47 : vector<1x16xf32> to vector<16xf32>
      %add3A_49 = arith.addf %get3A_44, %get3A_48 : vector<16xf32>
      %swap3A = arith.index_cast %add3A_41 : i32 to index
      %swap3A_50 = arith.constant 0 : index
      %swap3A_51 = tpu.vector_load %arg7[%swap3A, %swap3A_50] {strides = array<i32>} : memref<80x256xf32, #tpu.memory_space<vmem>>, vector<1x16xf32>,
      %swap3A_52 = vector.shape_cast %swap3A_51 : vector<1x16xf32> to vector<16xf32>
      %swap3A_53 = vector.shape_cast %add3A_49 : vector<16xf32> to vector<1x16xf32>
      tpu.vector_store %arg7[%swap3A, %swap3A_50], %swap3A_53 {strides = array<i32>} : memref<80x256xf32, #tpu.memory_space<vmem>>, vector<1x16xf32>,
      %get3A_54 = arith.index_cast %add3A_41 : i32 to index
      %get3A_55 = arith.constant 16 : index
      %get3A_56 = tpu.vector_load %arg7[%get3A_54, %get3A_55] {strides = array<i32>} : memref<80x256xf32, #tpu.memory_space<vmem>>, vector<1x16xf32>,
      %get3A_57 = vector.shape_cast %get3A_56 : vector<1x16xf32> to vector<16xf32>
      %get3A_58 = arith.index_cast %add3A_41 : i32 to index
      %get3A_59 = arith.constant 16 : index
      %get3A_60 = tpu.vector_load %arg8[%get3A_58, %get3A_59] {strides = array<i32>} : memref<80x256xf32, #tpu.memory_space<vmem>>, vector<1x16xf32>,
      %get3A_61 = vector.shape_cast %get3A_60 : vector<1x16xf32> to vector<16xf32>
      %add3A_62 = arith.addf %get3A_57, %get3A_61 : vector<16xf32>
      %swap3A_63 = arith.index_cast %add3A_41 : i32 to index
      %swap3A_64 = arith.constant 16 : index
      %swap3A_65 = tpu.vector_load %arg7[%swap3A_63, %swap3A_64] {strides = array<i32>} : memref<80x256xf32, #tpu.memory_space<vmem>>, vector<1x16xf32>,
      %swap3A_66 = vector.shape_cast %swap3A_65 : vector<1x16xf32> to vector<16xf32>
      %swap3A_67 = vector.shape_cast %add3A_62 : vector<16xf32> to vector<1x16xf32>
      tpu.vector_store %arg7[%swap3A_63, %swap3A_64], %swap3A_67 {strides = array<i32>} : memref<80x256xf32, #tpu.memory_space<vmem>>, vector<1x16xf32>,
      %get3A_68 = arith.index_cast %add3A_41 : i32 to index
      %get3A_69 = arith.constant 32 : index
      %get3A_70 = tpu.vector_load %arg7[%get3A_68, %get3A_69] {strides = array<i32>} : memref<80x256xf32, #tpu.memory_space<vmem>>, vector<1x16xf32>,
      %get3A_71 = vector.shape_cast %get3A_70 : vector<1x16xf32> to vector<16xf32>
      %get3A_72 = arith.index_cast %add3A_41 : i32 to index
      %get3A_73 = arith.constant 32 : index
      %get3A_74 = tpu.vector_load %arg8[%get3A_72, %get3A_73] {strides = array<i32>} : memref<80x256xf32, #tpu.memory_space<vmem>>, vector<1x16xf32>,
      %get3A_75 = vector.shape_cast %get3A_74 : vector<1x16xf32> to vector<16xf32>
      %add3A_76 = arith.addf %get3A_71, %get3A_75 : vector<16xf32>
      %swap3A_77 = arith.index_cast %add3A_41 : i32 to index
      %swap3A_78 = arith.constant 32 : index
      %swap3A_79 = tpu.vector_load %arg7[%swap3A_77, %swap3A_78] {strides = array<i32>} : memref<80x256xf32, #tpu.memory_space<vmem>>, vector<1x16xf32>,
      %swap3A_80 = vector.shape_cast %swap3A_79 : vector<1x16xf32> to vector<16xf32>
      %swap3A_81 = vector.shape_cast %add3A_76 : vector<16xf32> to vector<1x16xf32>
      tpu.vector_store %arg7[%swap3A_77, %swap3A_78], %swap3A_81 {strides = array<i32>} : memref<80x256xf32, #tpu.memory_space<vmem>>, vector<1x16xf32>,
      %get3A_82 = arith.index_cast %add3A_41 : i32 to index
      %get3A_83 = arith.constant 48 : index
      %get3A_84 = tpu.vector_load %arg7[%get3A_82, %get3A_83] {strides = array<i32>} : memref<80x256xf32, #tpu.memory_space<vmem>>, vector<1x16xf32>,
      %get3A_85 = vector.shape_cast %get3A_84 : vector<1x16xf32> to vector<16xf32>
      %get3A_86 = arith.index_cast %add3A_41 : i32 to index
      %get3A_87 = arith.constant 48 : index
      %get3A_88 = tpu.vector_load %arg8[%get3A_86, %get3A_87] {strides = array<i32>} : memref<80x256xf32, #tpu.memory_space<vmem>>, vector<1x16xf32>,
      %get3A_89 = vector.shape_cast %get3A_88 : vector<1x16xf32> to vector<16xf32>
      %add3A_90 = arith.addf %get3A_85, %get3A_89 : vector<16xf32>
      %swap3A_91 = arith.index_cast %add3A_41 : i32 to index
      %swap3A_92 = arith.constant 48 : index
      %swap3A_93 = tpu.vector_load %arg7[%swap3A_91, %swap3A_92] {strides = array<i32>} : memref<80x256xf32, #tpu.memory_space<vmem>>, vector<1x16xf32>,
      %swap3A_94 = vector.shape_cast %swap3A_93 : vector<1x16xf32> to vector<16xf32>
      %swap3A_95 = vector.shape_cast %add3A_90 : vector<16xf32> to vector<1x16xf32>
      tpu.vector_store %arg7[%swap3A_91, %swap3A_92], %swap3A_95 {strides = array<i32>} : memref<80x256xf32, #tpu.memory_space<vmem>>, vector<1x16xf32>,
      %get3A_96 = arith.index_cast %add3A_41 : i32 to index
      %get3A_97 = arith.constant 64 : index
      %get3A_98 = tpu.vector_load %arg7[%get3A_96, %get3A_97] {strides = array<i32>} : memref<80x256xf32, #tpu.memory_space<vmem>>, vector<1x16xf32>,
      %get3A_99 = vector.shape_cast %get3A_98 : vector<1x16xf32> to vector<16xf32>
      %get3A_100 = arith.index_cast %add3A_41 : i32 to index
      %get3A_101 = arith.constant 64 : index
      %get3A_102 = tpu.vector_load %arg8[%get3A_100, %get3A_101] {strides = array<i32>} : memref<80x256xf32, #tpu.memory_space<vmem>>, vector<1x16xf32>,
      %get3A_103 = vector.shape_cast %get3A_102 : vector<1x16xf32> to vector<16xf32>
      %add3A_104 = arith.addf %get3A_99, %get3A_103 : vector<16xf32>
      %swap3A_105 = arith.index_cast %add3A_41 : i32 to index
      %swap3A_106 = arith.constant 64 : index
      %swap3A_107 = tpu.vector_load %arg7[%swap3A_105, %swap3A_106] {strides = array<i32>} : memref<80x256xf32, #tpu.memory_space<vmem>>, vector<1x16xf32>,
      %swap3A_108 = vector.shape_cast %swap3A_107 : vector<1x16xf32> to vector<16xf32>
      %swap3A_109 = vector.shape_cast %add3A_104 : vector<16xf32> to vector<1x16xf32>
      tpu.vector_store %arg7[%swap3A_105, %swap3A_106], %swap3A_109 {strides = array<i32>} : memref<80x256xf32, #tpu.memory_space<vmem>>, vector<1x16xf32>,
      %get3A_110 = arith.index_cast %add3A_41 : i32 to index
      %get3A_111 = arith.constant 80 : index
      %get3A_112 = tpu.vector_load %arg7[%get3A_110, %get3A_111] {strides = array<i32>} : memref<80x256xf32, #tpu.memory_space<vmem>>, vector<1x16xf32>,
      %get3A_113 = vector.shape_cast %get3A_112 : vector<1x16xf32> to vector<16xf32>
      %get3A_114 = arith.index_cast %add3A_41 : i32 to index
      %get3A_115 = arith.constant 80 : index
      %get3A_116 = tpu.vector_load %arg8[%get3A_114, %get3A_115] {strides = array<i32>} : memref<80x256xf32, #tpu.memory_space<vmem>>, vector<1x16xf32>,
      %get3A_117 = vector.shape_cast %get3A_116 : vector<1x16xf32> to vector<16xf32>
      %add3A_118 = arith.addf %get3A_113, %get3A_117 : vector<16xf32>
      %swap3A_119 = arith.index_cast %add3A_41 : i32 to index
      %swap3A_120 = arith.constant 80 : index
      %swap3A_121 = tpu.vector_load %arg7[%swap3A_119, %swap3A_120] {strides = array<i32>} : memref<80x256xf32, #tpu.memory_space<vmem>>, vector<1x16xf32>,
      %swap3A_122 = vector.shape_cast %swap3A_121 : vector<1x16xf32> to vector<16xf32>
      %swap3A_123 = vector.shape_cast %add3A_118 : vector<16xf32> to vector<1x16xf32>
      tpu.vector_store %arg7[%swap3A_119, %swap3A_120], %swap3A_123 {strides = array<i32>} : memref<80x256xf32, #tpu.memory_space<vmem>>, vector<1x16xf32>,
      %get3A_124 = arith.index_cast %add3A_41 : i32 to index
      %get3A_125 = arith.constant 96 : index
      %get3A_126 = tpu.vector_load %arg7[%get3A_124, %get3A_125] {strides = array<i32>} : memref<80x256xf32, #tpu.memory_space<vmem>>, vector<1x16xf32>,
      %get3A_127 = vector.shape_cast %get3A_126 : vector<1x16xf32> to vector<16xf32>
      %get3A_128 = arith.index_cast %add3A_41 : i32 to index
      %get3A_129 = arith.constant 96 : index
      %get3A_130 = tpu.vector_load %arg8[%get3A_128, %get3A_129] {strides = array<i32>} : memref<80x256xf32, #tpu.memory_space<vmem>>, vector<1x16xf32>,
      %get3A_131 = vector.shape_cast %get3A_130 : vector<1x16xf32> to vector<16xf32>
      %add3A_132 = arith.addf %get3A_127, %get3A_131 : vector<16xf32>
      %swap3A_133 = arith.index_cast %add3A_41 : i32 to index
      %swap3A_134 = arith.constant 96 : index
      %swap3A_135 = tpu.vector_load %arg7[%swap3A_133, %swap3A_134] {strides = array<i32>} : memref<80x256xf32, #tpu.memory_space<vmem>>, vector<1x16xf32>,
      %swap3A_136 = vector.shape_cast %swap3A_135 : vector<1x16xf32> to vector<16xf32>
      %swap3A_137 = vector.shape_cast %add3A_132 : vector<16xf32> to vector<1x16xf32>
      tpu.vector_store %arg7[%swap3A_133, %swap3A_134], %swap3A_137 {strides = array<i32>} : memref<80x256xf32, #tpu.memory_space<vmem>>, vector<1x16xf32>,
      %get3A_138 = arith.index_cast %add3A_41 : i32 to index
      %get3A_139 = arith.constant 112 : index
      %get3A_140 = tpu.vector_load %arg7[%get3A_138, %get3A_139] {strides = array<i32>} : memref<80x256xf32, #tpu.memory_space<vmem>>, vector<1x16xf32>,
      %get3A_141 = vector.shape_cast %get3A_140 : vector<1x16xf32> to vector<16xf32>
      %get3A_142 = arith.index_cast %add3A_41 : i32 to index
      %get3A_143 = arith.constant 112 : index
      %get3A_144 = tpu.vector_load %arg8[%get3A_142, %get3A_143] {strides = array<i32>} : memref<80x256xf32, #tpu.memory_space<vmem>>, vector<1x16xf32>,
      %get3A_145 = vector.shape_cast %get3A_144 : vector<1x16xf32> to vector<16xf32>
      %add3A_146 = arith.addf %get3A_141, %get3A_145 : vector<16xf32>
      %swap3A_147 = arith.index_cast %add3A_41 : i32 to index
      %swap3A_148 = arith.constant 112 : index
      %swap3A_149 = tpu.vector_load %arg7[%swap3A_147, %swap3A_148] {strides = array<i32>} : memref<80x256xf32, #tpu.memory_space<vmem>>, vector<1x16xf32>,
      %swap3A_150 = vector.shape_cast %swap3A_149 : vector<1x16xf32> to vector<16xf32>
      %swap3A_151 = vector.shape_cast %add3A_146 : vector<16xf32> to vector<1x16xf32>
      tpu.vector_store %arg7[%swap3A_147, %swap3A_148], %swap3A_151 {strides = array<i32>} : memref<80x256xf32, #tpu.memory_space<vmem>>, vector<1x16xf32>,
      %get3A_152 = arith.index_cast %add3A_41 : i32 to index
      %get3A_153 = arith.constant 128 : index
      %get3A_154 = tpu.vector_load %arg7[%get3A_152, %get3A_153] {strides = array<i32>} : memref<80x256xf32, #tpu.memory_space<vmem>>, vector<1x16xf32>,
      %get3A_155 = vector.shape_cast %get3A_154 : vector<1x16xf32> to vector<16xf32>
      %get3A_156 = arith.index_cast %add3A_41 : i32 to index
      %get3A_157 = arith.constant 128 : index
      %get3A_158 = tpu.vector_load %arg8[%get3A_156, %get3A_157] {strides = array<i32>} : memref<80x256xf32, #tpu.memory_space<vmem>>, vector<1x16xf32>,
      %get3A_159 = vector.shape_cast %get3A_158 : vector<1x16xf32> to vector<16xf32>
      %add3A_160 = arith.addf %get3A_155, %get3A_159 : vector<16xf32>
      %swap3A_161 = arith.index_cast %add3A_41 : i32 to index
      %swap3A_162 = arith.constant 128 : index
      %swap3A_163 = tpu.vector_load %arg7[%swap3A_161, %swap3A_162] {strides = array<i32>} : memref<80x256xf32, #tpu.memory_space<vmem>>, vector<1x16xf32>,
      %swap3A_164 = vector.shape_cast %swap3A_163 : vector<1x16xf32> to vector<16xf32>
      %swap3A_165 = vector.shape_cast %add3A_160 : vector<16xf32> to vector<1x16xf32>
      tpu.vector_store %arg7[%swap3A_161, %swap3A_162], %swap3A_165 {strides = array<i32>} : memref<80x256xf32, #tpu.memory_space<vmem>>, vector<1x16xf32>,
      %get3A_166 = arith.index_cast %add3A_41 : i32 to index
      %get3A_167 = arith.constant 144 : index
      %get3A_168 = tpu.vector_load %arg7[%get3A_166, %get3A_167] {strides = array<i32>} : memref<80x256xf32, #tpu.memory_space<vmem>>, vector<1x16xf32>,
      %get3A_169 = vector.shape_cast %get3A_168 : vector<1x16xf32> to vector<16xf32>
      %get3A_170 = arith.index_cast %add3A_41 : i32 to index
      %get3A_171 = arith.constant 144 : index
      %get3A_172 = tpu.vector_load %arg8[%get3A_170, %get3A_171] {strides = array<i32>} : memref<80x256xf32, #tpu.memory_space<vmem>>, vector<1x16xf32>,
      %get3A_173 = vector.shape_cast %get3A_172 : vector<1x16xf32> to vector<16xf32>
      %add3A_174 = arith.addf %get3A_169, %get3A_173 : vector<16xf32>
      %swap3A_175 = arith.index_cast %add3A_41 : i32 to index
      %swap3A_176 = arith.constant 144 : index
      %swap3A_177 = tpu.vector_load %arg7[%swap3A_175, %swap3A_176] {strides = array<i32>} : memref<80x256xf32, #tpu.memory_space<vmem>>, vector<1x16xf32>,
      %swap3A_178 = vector.shape_cast %swap3A_177 : vector<1x16xf32> to vector<16xf32>
      %swap3A_179 = vector.shape_cast %add3A_174 : vector<16xf32> to vector<1x16xf32>
      tpu.vector_store %arg7[%swap3A_175, %swap3A_176], %swap3A_179 {strides = array<i32>} : memref<80x256xf32, #tpu.memory_space<vmem>>, vector<1x16xf32>,
      %get3A_180 = arith.index_cast %add3A_41 : i32 to index
      %get3A_181 = arith.constant 160 : index
      %get3A_182 = tpu.vector_load %arg7[%get3A_180, %get3A_181] {strides = array<i32>} : memref<80x256xf32, #tpu.memory_space<vmem>>, vector<1x16xf32>,
      %get3A_183 = vector.shape_cast %get3A_182 : vector<1x16xf32> to vector<16xf32>
      %get3A_184 = arith.index_cast %add3A_41 : i32 to index
      %get3A_185 = arith.constant 160 : index
      %get3A_186 = tpu.vector_load %arg8[%get3A_184, %get3A_185] {strides = array<i32>} : memref<80x256xf32, #tpu.memory_space<vmem>>, vector<1x16xf32>,
      %get3A_187 = vector.shape_cast %get3A_186 : vector<1x16xf32> to vector<16xf32>
      %add3A_188 = arith.addf %get3A_183, %get3A_187 : vector<16xf32>
      %swap3A_189 = arith.index_cast %add3A_41 : i32 to index
      %swap3A_190 = arith.constant 160 : index
      %swap3A_191 = tpu.vector_load %arg7[%swap3A_189, %swap3A_190] {strides = array<i32>} : memref<80x256xf32, #tpu.memory_space<vmem>>, vector<1x16xf32>,
      %swap3A_192 = vector.shape_cast %swap3A_191 : vector<1x16xf32> to vector<16xf32>
      %swap3A_193 = vector.shape_cast %add3A_188 : vector<16xf32> to vector<1x16xf32>
      tpu.vector_store %arg7[%swap3A_189, %swap3A_190], %swap3A_193 {strides = array<i32>} : memref<80x256xf32, #tpu.memory_space<vmem>>, vector<1x16xf32>,
      %get3A_194 = arith.index_cast %add3A_41 : i32 to index
      %get3A_195 = arith.constant 176 : index
      %get3A_196 = tpu.vector_load %arg7[%get3A_194, %get3A_195] {strides = array<i32>} : memref<80x256xf32, #tpu.memory_space<vmem>>, vector<1x16xf32>,
      %get3A_197 = vector.shape_cast %get3A_196 : vector<1x16xf32> to vector<16xf32>
      %get3A_198 = arith.index_cast %add3A_41 : i32 to index
      %get3A_199 = arith.constant 176 : index
      %get3A_200 = tpu.vector_load %arg8[%get3A_198, %get3A_199] {strides = array<i32>} : memref<80x256xf32, #tpu.memory_space<vmem>>, vector<1x16xf32>,
      %get3A_201 = vector.shape_cast %get3A_200 : vector<1x16xf32> to vector<16xf32>
      %add3A_202 = arith.addf %get3A_197, %get3A_201 : vector<16xf32>
      %swap3A_203 = arith.index_cast %add3A_41 : i32 to index
      %swap3A_204 = arith.constant 176 : index
      %swap3A_205 = tpu.vector_load %arg7[%swap3A_203, %swap3A_204] {strides = array<i32>} : memref<80x256xf32, #tpu.memory_space<vmem>>, vector<1x16xf32>,
      %swap3A_206 = vector.shape_cast %swap3A_205 : vector<1x16xf32> to vector<16xf32>
      %swap3A_207 = vector.shape_cast %add3A_202 : vector<16xf32> to vector<1x16xf32>
      tpu.vector_store %arg7[%swap3A_203, %swap3A_204], %swap3A_207 {strides = array<i32>} : memref<80x256xf32, #tpu.memory_space<vmem>>, vector<1x16xf32>,
      %get3A_208 = arith.index_cast %add3A_41 : i32 to index
      %get3A_209 = arith.constant 192 : index
      %get3A_210 = tpu.vector_load %arg7[%get3A_208, %get3A_209] {strides = array<i32>} : memref<80x256xf32, #tpu.memory_space<vmem>>, vector<1x16xf32>,
      %get3A_211 = vector.shape_cast %get3A_210 : vector<1x16xf32> to vector<16xf32>
      %get3A_212 = arith.index_cast %add3A_41 : i32 to index
      %get3A_213 = arith.constant 192 : index
      %get3A_214 = tpu.vector_load %arg8[%get3A_212, %get3A_213] {strides = array<i32>} : memref<80x256xf32, #tpu.memory_space<vmem>>, vector<1x16xf32>,
      %get3A_215 = vector.shape_cast %get3A_214 : vector<1x16xf32> to vector<16xf32>
      %add3A_216 = arith.addf %get3A_211, %get3A_215 : vector<16xf32>
      %swap3A_217 = arith.index_cast %add3A_41 : i32 to index
      %swap3A_218 = arith.constant 192 : index
      %swap3A_219 = tpu.vector_load %arg7[%swap3A_217, %swap3A_218] {strides = array<i32>} : memref<80x256xf32, #tpu.memory_space<vmem>>, vector<1x16xf32>,
      %swap3A_220 = vector.shape_cast %swap3A_219 : vector<1x16xf32> to vector<16xf32>
      %swap3A_221 = vector.shape_cast %add3A_216 : vector<16xf32> to vector<1x16xf32>
      tpu.vector_store %arg7[%swap3A_217, %swap3A_218], %swap3A_221 {strides = array<i32>} : memref<80x256xf32, #tpu.memory_space<vmem>>, vector<1x16xf32>,
      %get3A_222 = arith.index_cast %add3A_41 : i32 to index
      %get3A_223 = arith.constant 208 : index
      %get3A_224 = tpu.vector_load %arg7[%get3A_222, %get3A_223] {strides = array<i32>} : memref<80x256xf32, #tpu.memory_space<vmem>>, vector<1x16xf32>,
      %get3A_225 = vector.shape_cast %get3A_224 : vector<1x16xf32> to vector<16xf32>
      %get3A_226 = arith.index_cast %add3A_41 : i32 to index
      %get3A_227 = arith.constant 208 : index
      %get3A_228 = tpu.vector_load %arg8[%get3A_226, %get3A_227] {strides = array<i32>} : memref<80x256xf32, #tpu.memory_space<vmem>>, vector<1x16xf32>,
      %get3A_229 = vector.shape_cast %get3A_228 : vector<1x16xf32> to vector<16xf32>
      %add3A_230 = arith.addf %get3A_225, %get3A_229 : vector<16xf32>
      %swap3A_231 = arith.index_cast %add3A_41 : i32 to index
      %swap3A_232 = arith.constant 208 : index
      %swap3A_233 = tpu.vector_load %arg7[%swap3A_231, %swap3A_232] {strides = array<i32>} : memref<80x256xf32, #tpu.memory_space<vmem>>, vector<1x16xf32>,
      %swap3A_234 = vector.shape_cast %swap3A_233 : vector<1x16xf32> to vector<16xf32>
      %swap3A_235 = vector.shape_cast %add3A_230 : vector<16xf32> to vector<1x16xf32>
      tpu.vector_store %arg7[%swap3A_231, %swap3A_232], %swap3A_235 {strides = array<i32>} : memref<80x256xf32, #tpu.memory_space<vmem>>, vector<1x16xf32>,
      %get3A_236 = arith.index_cast %add3A_41 : i32 to index
      %get3A_237 = arith.constant 224 : index
      %get3A_238 = tpu.vector_load %arg7[%get3A_236, %get3A_237] {strides = array<i32>} : memref<80x256xf32, #tpu.memory_space<vmem>>, vector<1x16xf32>,
      %get3A_239 = vector.shape_cast %get3A_238 : vector<1x16xf32> to vector<16xf32>
      %get3A_240 = arith.index_cast %add3A_41 : i32 to index
      %get3A_241 = arith.constant 224 : index
      %get3A_242 = tpu.vector_load %arg8[%get3A_240, %get3A_241] {strides = array<i32>} : memref<80x256xf32, #tpu.memory_space<vmem>>, vector<1x16xf32>,
      %get3A_243 = vector.shape_cast %get3A_242 : vector<1x16xf32> to vector<16xf32>
      %add3A_244 = arith.addf %get3A_239, %get3A_243 : vector<16xf32>
      %swap3A_245 = arith.index_cast %add3A_41 : i32 to index
      %swap3A_246 = arith.constant 224 : index
      %swap3A_247 = tpu.vector_load %arg7[%swap3A_245, %swap3A_246] {strides = array<i32>} : memref<80x256xf32, #tpu.memory_space<vmem>>, vector<1x16xf32>,
      %swap3A_248 = vector.shape_cast %swap3A_247 : vector<1x16xf32> to vector<16xf32>
      %swap3A_249 = vector.shape_cast %add3A_244 : vector<16xf32> to vector<1x16xf32>
      tpu.vector_store %arg7[%swap3A_245, %swap3A_246], %swap3A_249 {strides = array<i32>} : memref<80x256xf32, #tpu.memory_space<vmem>>, vector<1x16xf32>,
      %get3A_250 = arith.index_cast %add3A_41 : i32 to index
      %get3A_251 = arith.constant 240 : index
      %get3A_252 = tpu.vector_load %arg7[%get3A_250, %get3A_251] {strides = array<i32>} : memref<80x256xf32, #tpu.memory_space<vmem>>, vector<1x16xf32>,
      %get3A_253 = vector.shape_cast %get3A_252 : vector<1x16xf32> to vector<16xf32>
      %get3A_254 = arith.index_cast %add3A_41 : i32 to index
      %get3A_255 = arith.constant 240 : index
      %get3A_256 = tpu.vector_load %arg8[%get3A_254, %get3A_255] {strides = array<i32>} : memref<80x256xf32, #tpu.memory_space<vmem>>, vector<1x16xf32>,
      %get3A_257 = vector.shape_cast %get3A_256 : vector<1x16xf32> to vector<16xf32>
      %add3A_258 = arith.addf %get3A_253, %get3A_257 : vector<16xf32>
      %swap3A_259 = arith.index_cast %add3A_41 : i32 to index
      %swap3A_260 = arith.constant 240 : index
      %swap3A_261 = tpu.vector_load %arg7[%swap3A_259, %swap3A_260] {strides = array<i32>} : memref<80x256xf32, #tpu.memory_space<vmem>>, vector<1x16xf32>,
      %swap3A_262 = vector.shape_cast %swap3A_261 : vector<1x16xf32> to vector<16xf32>
      %swap3A_263 = vector.shape_cast %add3A_258 : vector<16xf32> to vector<1x16xf32>
      tpu.vector_store %arg7[%swap3A_259, %swap3A_260], %swap3A_263 {strides = array<i32>} : memref<80x256xf32, #tpu.memory_space<vmem>>, vector<1x16xf32>,
    }
    %scan3A_34 = arith.constant 80 : i32
    %add3A_35 = arith.constant 9920 : i32
    %add3A_36 = arith.addi %mul3A_0, %add3A_35 : i32
    "tpu.region"() ({
      %run_scoped3A = tpu.sem_alloc : memref<!tpu.dma_semaphore, #tpu.memory_space<semaphore_mem>>
      %dma_start3A_37 = arith.constant 0 : i32
      %dma_start3A_38 = tpu.memref_slice %arg4[%arg0, %add3A_36, %dma_start3A_37] : memref<2x160000x256xf32, #tpu.memory_space<hbm>> -> memref<1x80x256xf32, #tpu.memory_space<hbm>>
      %dma_start3A_39 = tpu.memref_squeeze %dma_start3A_38 : memref<1x80x256xf32, #tpu.memory_space<hbm>> -> memref<80x256xf32, #tpu.memory_space<hbm>>
      %dma_start3A_40 = arith.constant 0 : i32
      %dma_start3A_41 = tpu.memref_slice %arg4[%arg0, %add3A_36, %dma_start3A_40] : memref<2x160000x256xf32, #tpu.memory_space<hbm>> -> memref<1x80x256xf32, #tpu.memory_space<hbm>>
      %dma_start3A_42 = tpu.memref_squeeze %dma_start3A_41 : memref<1x80x256xf32, #tpu.memory_space<hbm>> -> memref<80x256xf32, #tpu.memory_space<hbm>>
      tpu.enqueue_dma source(%arg7 : memref<80x256xf32, #tpu.memory_space<vmem>>) target(%dma_start3A_42 : memref<80x256xf32, #tpu.memory_space<hbm>>) target_semaphore(%run_scoped3A : memref<!tpu.dma_semaphore, #tpu.memory_space<semaphore_mem>>)
      %dma_wait3A_43 = arith.constant 0 : i32
      %dma_wait3A_44 = tpu.memref_slice %arg4[%arg0, %add3A_36, %dma_wait3A_43] : memref<2x160000x256xf32, #tpu.memory_space<hbm>> -> memref<1x80x256xf32, #tpu.memory_space<hbm>>
      %dma_wait3A_45 = tpu.memref_squeeze %dma_wait3A_44 : memref<1x80x256xf32, #tpu.memory_space<hbm>> -> memref<80x256xf32, #tpu.memory_space<hbm>>
      %dma_wait3A_46 = arith.constant 0 : i32
      %dma_wait3A_47 = tpu.memref_slice %arg4[%arg0, %add3A_36, %dma_wait3A_46] : memref<2x160000x256xf32, #tpu.memory_space<hbm>> -> memref<1x80x256xf32, #tpu.memory_space<hbm>>
      %dma_wait3A_48 = tpu.memref_squeeze %dma_wait3A_47 : memref<1x80x256xf32, #tpu.memory_space<hbm>> -> memref<80x256xf32, #tpu.memory_space<hbm>>
      tpu.wait_dma2 semaphore(%run_scoped3A : memref<!tpu.dma_semaphore, #tpu.memory_space<semaphore_mem>>) src(%arg7 : memref<80x256xf32, #tpu.memory_space<vmem>>) dst(%dma_wait3A_48 : memref<80x256xf32, #tpu.memory_space<hbm>>)
      tpu.yield
    }) : () -> ()
    return
  }
}

#map = affine_map<(d0, d1) -> (0, 0, 0)>
#map1 = affine_map<(d0, d1) -> (0)>
module attributes {stable_mosaic.version = 14 : i64} {
  func.func @k(%arg0: i32, %arg1: i32, %arg2: memref<2x160000x128xf32, #tpu.memory_space<hbm>>, %arg3: memref<1280000xi32, #tpu.memory_space<hbm>>, %arg4: memref<2x10000x128xf32, #tpu.memory_space<hbm>>, %arg5: memref<80xi32, #tpu.memory_space<vmem>>, %arg6: memref<80xi32, #tpu.memory_space<vmem>>, %arg7: memref<80x128xf32, #tpu.memory_space<vmem>>, %arg8: memref<80x128xf32, #tpu.memory_space<vmem>>, %arg9: memref<80x128xf32, #tpu.memory_space<vmem>>, %arg10: memref<10000x128xf32, #tpu.memory_space<vmem_shared>>, %arg11: memref<!tpu.dma_semaphore, #tpu.memory_space<semaphore_mem>>, %arg12: memref<!tpu.dma_semaphore, #tpu.memory_space<semaphore_mem>>, %arg13: memref<!tpu.dma_semaphore, #tpu.memory_space<semaphore_mem>>, %arg14: memref<!tpu.dma_semaphore, #tpu.memory_space<semaphore_mem>>) attributes {dimension_semantics = [#tpu.dimension_semantics<core_parallel>, #tpu.dimension_semantics<subcore_parallel>], iteration_bounds = array<i64: 2, 16>, scalar_prefetch = 0 : i64, scratch_operands = 10 : i64, tpu.core_type = #tpu.core_type<sc_vector_subcore>, window_params = [{transform_indices = #map}, {transform_indices = #map1}, {transform_indices = #map}]} {
    %mul3A = arith.constant 10000 : i32
    %mul3A_0 = arith.muli %arg1, %mul3A : i32
    %scan3A = arith.constant 0 : i32
    %scan3A_1 = arith.constant 80 : i32
    %scan3A_2 = arith.addi %scan3A, %scan3A_1 : i32
    %scan3A_3 = arith.constant 1 : i32
    scf.for %scan3A_42 = %scan3A to %scan3A_2 step %scan3A_3  : i32 {
      %mul3A_43 = arith.constant 1 : i32
      %mul3A_44 = arith.muli %scan3A_42, %mul3A_43 : i32
      %add3A_45 = arith.constant 0 : i32
      %add3A_46 = arith.addi %add3A_45, %mul3A_44 : i32
      %broadcast_in_dim3A = arith.constant 0.000000e+00 : f32
      %broadcast_in_dim3A_47 = vector.broadcast %broadcast_in_dim3A : f32 to vector<16xf32>
      %swap3A = arith.index_cast %add3A_46 : i32 to index
      %swap3A_48 = arith.constant 0 : index
      %swap3A_49 = tpu.vector_load %arg9[%swap3A, %swap3A_48] {strides = array<i32>} : memref<80x128xf32, #tpu.memory_space<vmem>>, vector<1x16xf32>,
      %swap3A_50 = vector.shape_cast %swap3A_49 : vector<1x16xf32> to vector<16xf32>
      %swap3A_51 = vector.shape_cast %broadcast_in_dim3A_47 : vector<16xf32> to vector<1x16xf32>
      tpu.vector_store %arg9[%swap3A, %swap3A_48], %swap3A_51 {strides = array<i32>} : memref<80x128xf32, #tpu.memory_space<vmem>>, vector<1x16xf32>,
      %broadcast_in_dim3A_52 = arith.constant 0.000000e+00 : f32
      %broadcast_in_dim3A_53 = vector.broadcast %broadcast_in_dim3A_52 : f32 to vector<16xf32>
      %swap3A_54 = arith.index_cast %add3A_46 : i32 to index
      %swap3A_55 = arith.constant 16 : index
      %swap3A_56 = tpu.vector_load %arg9[%swap3A_54, %swap3A_55] {strides = array<i32>} : memref<80x128xf32, #tpu.memory_space<vmem>>, vector<1x16xf32>,
      %swap3A_57 = vector.shape_cast %swap3A_56 : vector<1x16xf32> to vector<16xf32>
      %swap3A_58 = vector.shape_cast %broadcast_in_dim3A_53 : vector<16xf32> to vector<1x16xf32>
      tpu.vector_store %arg9[%swap3A_54, %swap3A_55], %swap3A_58 {strides = array<i32>} : memref<80x128xf32, #tpu.memory_space<vmem>>, vector<1x16xf32>,
      %broadcast_in_dim3A_59 = arith.constant 0.000000e+00 : f32
      %broadcast_in_dim3A_60 = vector.broadcast %broadcast_in_dim3A_59 : f32 to vector<16xf32>
      %swap3A_61 = arith.index_cast %add3A_46 : i32 to index
      %swap3A_62 = arith.constant 32 : index
      %swap3A_63 = tpu.vector_load %arg9[%swap3A_61, %swap3A_62] {strides = array<i32>} : memref<80x128xf32, #tpu.memory_space<vmem>>, vector<1x16xf32>,
      %swap3A_64 = vector.shape_cast %swap3A_63 : vector<1x16xf32> to vector<16xf32>
      %swap3A_65 = vector.shape_cast %broadcast_in_dim3A_60 : vector<16xf32> to vector<1x16xf32>
      tpu.vector_store %arg9[%swap3A_61, %swap3A_62], %swap3A_65 {strides = array<i32>} : memref<80x128xf32, #tpu.memory_space<vmem>>, vector<1x16xf32>,
      %broadcast_in_dim3A_66 = arith.constant 0.000000e+00 : f32
      %broadcast_in_dim3A_67 = vector.broadcast %broadcast_in_dim3A_66 : f32 to vector<16xf32>
      %swap3A_68 = arith.index_cast %add3A_46 : i32 to index
      %swap3A_69 = arith.constant 48 : index
      %swap3A_70 = tpu.vector_load %arg9[%swap3A_68, %swap3A_69] {strides = array<i32>} : memref<80x128xf32, #tpu.memory_space<vmem>>, vector<1x16xf32>,
      %swap3A_71 = vector.shape_cast %swap3A_70 : vector<1x16xf32> to vector<16xf32>
      %swap3A_72 = vector.shape_cast %broadcast_in_dim3A_67 : vector<16xf32> to vector<1x16xf32>
      tpu.vector_store %arg9[%swap3A_68, %swap3A_69], %swap3A_72 {strides = array<i32>} : memref<80x128xf32, #tpu.memory_space<vmem>>, vector<1x16xf32>,
      %broadcast_in_dim3A_73 = arith.constant 0.000000e+00 : f32
      %broadcast_in_dim3A_74 = vector.broadcast %broadcast_in_dim3A_73 : f32 to vector<16xf32>
      %swap3A_75 = arith.index_cast %add3A_46 : i32 to index
      %swap3A_76 = arith.constant 64 : index
      %swap3A_77 = tpu.vector_load %arg9[%swap3A_75, %swap3A_76] {strides = array<i32>} : memref<80x128xf32, #tpu.memory_space<vmem>>, vector<1x16xf32>,
      %swap3A_78 = vector.shape_cast %swap3A_77 : vector<1x16xf32> to vector<16xf32>
      %swap3A_79 = vector.shape_cast %broadcast_in_dim3A_74 : vector<16xf32> to vector<1x16xf32>
      tpu.vector_store %arg9[%swap3A_75, %swap3A_76], %swap3A_79 {strides = array<i32>} : memref<80x128xf32, #tpu.memory_space<vmem>>, vector<1x16xf32>,
      %broadcast_in_dim3A_80 = arith.constant 0.000000e+00 : f32
      %broadcast_in_dim3A_81 = vector.broadcast %broadcast_in_dim3A_80 : f32 to vector<16xf32>
      %swap3A_82 = arith.index_cast %add3A_46 : i32 to index
      %swap3A_83 = arith.constant 80 : index
      %swap3A_84 = tpu.vector_load %arg9[%swap3A_82, %swap3A_83] {strides = array<i32>} : memref<80x128xf32, #tpu.memory_space<vmem>>, vector<1x16xf32>,
      %swap3A_85 = vector.shape_cast %swap3A_84 : vector<1x16xf32> to vector<16xf32>
      %swap3A_86 = vector.shape_cast %broadcast_in_dim3A_81 : vector<16xf32> to vector<1x16xf32>
      tpu.vector_store %arg9[%swap3A_82, %swap3A_83], %swap3A_86 {strides = array<i32>} : memref<80x128xf32, #tpu.memory_space<vmem>>, vector<1x16xf32>,
      %broadcast_in_dim3A_87 = arith.constant 0.000000e+00 : f32
      %broadcast_in_dim3A_88 = vector.broadcast %broadcast_in_dim3A_87 : f32 to vector<16xf32>
      %swap3A_89 = arith.index_cast %add3A_46 : i32 to index
      %swap3A_90 = arith.constant 96 : index
      %swap3A_91 = tpu.vector_load %arg9[%swap3A_89, %swap3A_90] {strides = array<i32>} : memref<80x128xf32, #tpu.memory_space<vmem>>, vector<1x16xf32>,
      %swap3A_92 = vector.shape_cast %swap3A_91 : vector<1x16xf32> to vector<16xf32>
      %swap3A_93 = vector.shape_cast %broadcast_in_dim3A_88 : vector<16xf32> to vector<1x16xf32>
      tpu.vector_store %arg9[%swap3A_89, %swap3A_90], %swap3A_93 {strides = array<i32>} : memref<80x128xf32, #tpu.memory_space<vmem>>, vector<1x16xf32>,
      %broadcast_in_dim3A_94 = arith.constant 0.000000e+00 : f32
      %broadcast_in_dim3A_95 = vector.broadcast %broadcast_in_dim3A_94 : f32 to vector<16xf32>
      %swap3A_96 = arith.index_cast %add3A_46 : i32 to index
      %swap3A_97 = arith.constant 112 : index
      %swap3A_98 = tpu.vector_load %arg9[%swap3A_96, %swap3A_97] {strides = array<i32>} : memref<80x128xf32, #tpu.memory_space<vmem>>, vector<1x16xf32>,
      %swap3A_99 = vector.shape_cast %swap3A_98 : vector<1x16xf32> to vector<16xf32>
      %swap3A_100 = vector.shape_cast %broadcast_in_dim3A_95 : vector<16xf32> to vector<1x16xf32>
      tpu.vector_store %arg9[%swap3A_96, %swap3A_97], %swap3A_100 {strides = array<i32>} : memref<80x128xf32, #tpu.memory_space<vmem>>, vector<1x16xf32>,
    }
    %scan3A_4 = arith.constant 80 : i32
    %scan3A_5 = arith.constant 0 : i32
    %scan3A_6 = arith.constant 8 : i32
    %scan3A_7 = arith.addi %scan3A_5, %scan3A_6 : i32
    %scan3A_8 = arith.constant 1 : i32
    scf.for %scan3A_42 = %scan3A_5 to %scan3A_7 step %scan3A_8  : i32 {
      %mul3A_43 = arith.constant 1 : i32
      %mul3A_44 = arith.muli %scan3A_42, %mul3A_43 : i32
      %add3A_45 = arith.constant 0 : i32
      %add3A_46 = arith.addi %add3A_45, %mul3A_44 : i32
      %mul3A_47 = arith.constant 16 : i32
      %mul3A_48 = arith.muli %add3A_46, %mul3A_47 : i32
      %add3A_49 = arith.addi %mul3A_48, %arg1 : i32
      %lt3A = arith.constant 125 : i32
      %lt3A_50 = arith.cmpi slt, %add3A_49, %lt3A : i32
      %convert_element_type3A = arith.extui %lt3A_50 : i1 to i32
      %cond3A = arith.constant 0 : i32
      %cond3A_51 = arith.cmpi ne, %convert_element_type3A, %cond3A : i32
      scf.if %cond3A_51 {
        %mul3A_52 = arith.constant 80 : i32
        %mul3A_53 = arith.muli %add3A_49, %mul3A_52 : i32
        "tpu.region"() ({
          %run_scoped3A = tpu.sem_alloc : memref<!tpu.dma_semaphore, #tpu.memory_space<semaphore_mem>>
          %dma_start3A_54 = arith.constant 0 : i32
          %dma_start3A_55 = tpu.memref_slice %arg10[%mul3A_53, %dma_start3A_54] : memref<10000x128xf32, #tpu.memory_space<vmem_shared>> -> memref<80x128xf32, #tpu.memory_space<vmem_shared>>
          %dma_start3A_56 = arith.constant 0 : i32
          %dma_start3A_57 = tpu.memref_slice %arg10[%mul3A_53, %dma_start3A_56] : memref<10000x128xf32, #tpu.memory_space<vmem_shared>> -> memref<80x128xf32, #tpu.memory_space<vmem_shared>>
          tpu.enqueue_dma source(%arg9 : memref<80x128xf32, #tpu.memory_space<vmem>>) target(%dma_start3A_57 : memref<80x128xf32, #tpu.memory_space<vmem_shared>>) target_semaphore(%run_scoped3A : memref<!tpu.dma_semaphore, #tpu.memory_space<semaphore_mem>>)
          %dma_wait3A_58 = arith.constant 0 : i32
          %dma_wait3A_59 = tpu.memref_slice %arg10[%mul3A_53, %dma_wait3A_58] : memref<10000x128xf32, #tpu.memory_space<vmem_shared>> -> memref<80x128xf32, #tpu.memory_space<vmem_shared>>
          %dma_wait3A_60 = arith.constant 0 : i32
          %dma_wait3A_61 = tpu.memref_slice %arg10[%mul3A_53, %dma_wait3A_60] : memref<10000x128xf32, #tpu.memory_space<vmem_shared>> -> memref<80x128xf32, #tpu.memory_space<vmem_shared>>
          tpu.wait_dma2 semaphore(%run_scoped3A : memref<!tpu.dma_semaphore, #tpu.memory_space<semaphore_mem>>) src(%arg9 : memref<80x128xf32, #tpu.memory_space<vmem>>) dst(%dma_wait3A_61 : memref<80x128xf32, #tpu.memory_space<vmem_shared>>)
          tpu.yield
        }) : () -> ()
      } else {
      }
    }
    %scan3A_9 = arith.constant 8 : i32
    %barrier3A = arith.constant 0 : index
    tpu.barrier barrier_id(%barrier3A)
    %add3A = arith.constant 0 : i32
    %add3A_10 = arith.addi %mul3A_0, %add3A : i32
    %add3A_11 = arith.constant 640000 : i32
    %add3A_12 = arith.addi %add3A_11, %add3A_10 : i32
    %dma_start3A = tpu.memref_slice %arg3[%add3A_12] : memref<1280000xi32, #tpu.memory_space<hbm>> -> memref<80xi32, #tpu.memory_space<hbm>>
    %dma_start3A_13 = tpu.memref_slice %arg3[%add3A_12] : memref<1280000xi32, #tpu.memory_space<hbm>> -> memref<80xi32, #tpu.memory_space<hbm>>
    tpu.enqueue_dma source(%dma_start3A_13 : memref<80xi32, #tpu.memory_space<hbm>>) target(%arg5 : memref<80xi32, #tpu.memory_space<vmem>>) target_semaphore(%arg11 : memref<!tpu.dma_semaphore, #tpu.memory_space<semaphore_mem>>)
    %dma_start3A_14 = arith.constant 0 : i32
    %dma_start3A_15 = tpu.memref_slice %arg2[%arg0, %add3A_10, %dma_start3A_14] : memref<2x160000x128xf32, #tpu.memory_space<hbm>> -> memref<1x80x128xf32, #tpu.memory_space<hbm>>
    %dma_start3A_16 = tpu.memref_squeeze %dma_start3A_15 : memref<1x80x128xf32, #tpu.memory_space<hbm>> -> memref<80x128xf32, #tpu.memory_space<hbm>>
    %dma_start3A_17 = arith.constant 0 : i32
    %dma_start3A_18 = tpu.memref_slice %arg2[%arg0, %add3A_10, %dma_start3A_17] : memref<2x160000x128xf32, #tpu.memory_space<hbm>> -> memref<1x80x128xf32, #tpu.memory_space<hbm>>
    %dma_start3A_19 = tpu.memref_squeeze %dma_start3A_18 : memref<1x80x128xf32, #tpu.memory_space<hbm>> -> memref<80x128xf32, #tpu.memory_space<hbm>>
    tpu.enqueue_dma source(%dma_start3A_19 : memref<80x128xf32, #tpu.memory_space<hbm>>) target(%arg7 : memref<80x128xf32, #tpu.memory_space<vmem>>) target_semaphore(%arg13 : memref<!tpu.dma_semaphore, #tpu.memory_space<semaphore_mem>>)
    %scan3A_20 = arith.constant 0 : i32
    %scan3A_21 = arith.constant 62 : i32
    %scan3A_22 = arith.addi %scan3A_20, %scan3A_21 : i32
    %scan3A_23 = arith.constant 1 : i32
    scf.for %scan3A_42 = %scan3A_20 to %scan3A_22 step %scan3A_23  : i32 {
      %mul3A_43 = arith.constant 1 : i32
      %mul3A_44 = arith.muli %scan3A_42, %mul3A_43 : i32
      %add3A_45 = arith.constant 0 : i32
      %add3A_46 = arith.addi %add3A_45, %mul3A_44 : i32
      %mul3A_47 = arith.constant 2 : i32
      %mul3A_48 = arith.muli %mul3A_47, %add3A_46 : i32
      %add3A_49 = arith.constant 1 : i32
      %add3A_50 = arith.addi %mul3A_48, %add3A_49 : i32
      %lt3A = arith.constant 125 : i32
      %lt3A_51 = arith.cmpi slt, %add3A_50, %lt3A : i32
      %convert_element_type3A = arith.extui %lt3A_51 : i1 to i32
      %cond3A = arith.constant 0 : i32
      %cond3A_52 = arith.cmpi ne, %convert_element_type3A, %cond3A : i32
      scf.if %cond3A_52 {
        %add3A_80 = arith.constant 1 : i32
        %add3A_81 = arith.addi %mul3A_48, %add3A_80 : i32
        %mul3A_82 = arith.constant 80 : i32
        %mul3A_83 = arith.muli %add3A_81, %mul3A_82 : i32
        %add3A_84 = arith.addi %mul3A_0, %mul3A_83 : i32
        %add3A_85 = arith.constant 640000 : i32
        %add3A_86 = arith.addi %add3A_85, %add3A_84 : i32
        %dma_start3A_87 = tpu.memref_slice %arg3[%add3A_86] : memref<1280000xi32, #tpu.memory_space<hbm>> -> memref<80xi32, #tpu.memory_space<hbm>>
        %dma_start3A_88 = tpu.memref_slice %arg3[%add3A_86] : memref<1280000xi32, #tpu.memory_space<hbm>> -> memref<80xi32, #tpu.memory_space<hbm>>
        tpu.enqueue_dma source(%dma_start3A_88 : memref<80xi32, #tpu.memory_space<hbm>>) target(%arg6 : memref<80xi32, #tpu.memory_space<vmem>>) target_semaphore(%arg12 : memref<!tpu.dma_semaphore, #tpu.memory_space<semaphore_mem>>)
        %dma_start3A_89 = arith.constant 0 : i32
        %dma_start3A_90 = tpu.memref_slice %arg2[%arg0, %add3A_84, %dma_start3A_89] : memref<2x160000x128xf32, #tpu.memory_space<hbm>> -> memref<1x80x128xf32, #tpu.memory_space<hbm>>
        %dma_start3A_91 = tpu.memref_squeeze %dma_start3A_90 : memref<1x80x128xf32, #tpu.memory_space<hbm>> -> memref<80x128xf32, #tpu.memory_space<hbm>>
        %dma_start3A_92 = arith.constant 0 : i32
        %dma_start3A_93 = tpu.memref_slice %arg2[%arg0, %add3A_84, %dma_start3A_92] : memref<2x160000x128xf32, #tpu.memory_space<hbm>> -> memref<1x80x128xf32, #tpu.memory_space<hbm>>
        %dma_start3A_94 = tpu.memref_squeeze %dma_start3A_93 : memref<1x80x128xf32, #tpu.memory_space<hbm>> -> memref<80x128xf32, #tpu.memory_space<hbm>>
        tpu.enqueue_dma source(%dma_start3A_94 : memref<80x128xf32, #tpu.memory_space<hbm>>) target(%arg8 : memref<80x128xf32, #tpu.memory_space<vmem>>) target_semaphore(%arg14 : memref<!tpu.dma_semaphore, #tpu.memory_space<semaphore_mem>>)
      } else {
      }
      %mul3A_53 = arith.constant 80 : i32
      %mul3A_54 = arith.muli %mul3A_48, %mul3A_53 : i32
      %add3A_55 = arith.addi %mul3A_0, %mul3A_54 : i32
      %add3A_56 = arith.constant 640000 : i32
      %add3A_57 = arith.addi %add3A_56, %add3A_55 : i32
      %dma_wait3A_58 = tpu.memref_slice %arg3[%add3A_57] : memref<1280000xi32, #tpu.memory_space<hbm>> -> memref<80xi32, #tpu.memory_space<hbm>>
      %dma_wait3A_59 = tpu.memref_slice %arg3[%add3A_57] : memref<1280000xi32, #tpu.memory_space<hbm>> -> memref<80xi32, #tpu.memory_space<hbm>>
      tpu.wait_dma2 semaphore(%arg11 : memref<!tpu.dma_semaphore, #tpu.memory_space<semaphore_mem>>) src(%dma_wait3A_59 : memref<80xi32, #tpu.memory_space<hbm>>) dst(%arg5 : memref<80xi32, #tpu.memory_space<vmem>>)
      %dma_wait3A_60 = arith.constant 0 : i32
      %dma_wait3A_61 = tpu.memref_slice %arg2[%arg0, %add3A_55, %dma_wait3A_60] : memref<2x160000x128xf32, #tpu.memory_space<hbm>> -> memref<1x80x128xf32, #tpu.memory_space<hbm>>
      %dma_wait3A_62 = tpu.memref_squeeze %dma_wait3A_61 : memref<1x80x128xf32, #tpu.memory_space<hbm>> -> memref<80x128xf32, #tpu.memory_space<hbm>>
      %dma_wait3A_63 = arith.constant 0 : i32
      %dma_wait3A_64 = tpu.memref_slice %arg2[%arg0, %add3A_55, %dma_wait3A_63] : memref<2x160000x128xf32, #tpu.memory_space<hbm>> -> memref<1x80x128xf32, #tpu.memory_space<hbm>>
      %dma_wait3A_65 = tpu.memref_squeeze %dma_wait3A_64 : memref<1x80x128xf32, #tpu.memory_space<hbm>> -> memref<80x128xf32, #tpu.memory_space<hbm>>
      tpu.wait_dma2 semaphore(%arg13 : memref<!tpu.dma_semaphore, #tpu.memory_space<semaphore_mem>>) src(%dma_wait3A_65 : memref<80x128xf32, #tpu.memory_space<hbm>>) dst(%arg7 : memref<80x128xf32, #tpu.memory_space<vmem>>)
      "tpu.region"() ({
        %run_scoped3A = tpu.sem_alloc : memref<!tpu.dma_semaphore, #tpu.memory_space<semaphore_mem>>
        %dma_start3A_80 = arith.constant 0 : i32
        %dma_start3A_81 = arith.constant 0 : i32
        %dma_start3A_82 = tpu.memref_slice %arg10[%dma_start3A_80, %dma_start3A_81] : memref<10000x128xf32, #tpu.memory_space<vmem_shared>> -> memref<10000x128xf32, #tpu.memory_space<vmem_shared>>
        tpu.enqueue_indirect_dma source(%arg7 : memref<80x128xf32, #tpu.memory_space<vmem>>) target(%dma_start3A_82 : memref<10000x128xf32, #tpu.memory_space<vmem_shared>>) offsets(%arg5 : memref<80xi32, #tpu.memory_space<vmem>>) semaphore(%run_scoped3A : memref<!tpu.dma_semaphore, #tpu.memory_space<semaphore_mem>>) {add = true}
        %dma_wait3A_83 = arith.constant 0 : i32
        %dma_wait3A_84 = arith.constant 0 : i32
        %dma_wait3A_85 = tpu.memref_slice %arg10[%dma_wait3A_83, %dma_wait3A_84] : memref<10000x128xf32, #tpu.memory_space<vmem_shared>> -> memref<10000x128xf32, #tpu.memory_space<vmem_shared>>
        tpu.wait_indirect_dma semaphore(%run_scoped3A : memref<!tpu.dma_semaphore, #tpu.memory_space<semaphore_mem>>) src(%arg7 : memref<80x128xf32, #tpu.memory_space<vmem>>) dst(%dma_wait3A_85 : memref<10000x128xf32, #tpu.memory_space<vmem_shared>>)
        tpu.yield
      }) : () -> ()
      %add3A_66 = arith.constant 2 : i32
      %add3A_67 = arith.addi %mul3A_48, %add3A_66 : i32
      %lt3A_68 = arith.constant 125 : i32
      %lt3A_69 = arith.cmpi slt, %add3A_67, %lt3A_68 : i32
      %convert_element_type3A_70 = arith.extui %lt3A_69 : i1 to i32
      %cond3A_71 = arith.constant 0 : i32
      %cond3A_72 = arith.cmpi ne, %convert_element_type3A_70, %cond3A_71 : i32
      scf.if %cond3A_72 {
        %add3A_80 = arith.constant 2 : i32
        %add3A_81 = arith.addi %mul3A_48, %add3A_80 : i32
        %mul3A_82 = arith.constant 80 : i32
        %mul3A_83 = arith.muli %add3A_81, %mul3A_82 : i32
        %add3A_84 = arith.addi %mul3A_0, %mul3A_83 : i32
        %add3A_85 = arith.constant 640000 : i32
        %add3A_86 = arith.addi %add3A_85, %add3A_84 : i32
        %dma_start3A_87 = tpu.memref_slice %arg3[%add3A_86] : memref<1280000xi32, #tpu.memory_space<hbm>> -> memref<80xi32, #tpu.memory_space<hbm>>
        %dma_start3A_88 = tpu.memref_slice %arg3[%add3A_86] : memref<1280000xi32, #tpu.memory_space<hbm>> -> memref<80xi32, #tpu.memory_space<hbm>>
        tpu.enqueue_dma source(%dma_start3A_88 : memref<80xi32, #tpu.memory_space<hbm>>) target(%arg5 : memref<80xi32, #tpu.memory_space<vmem>>) target_semaphore(%arg11 : memref<!tpu.dma_semaphore, #tpu.memory_space<semaphore_mem>>)
        %dma_start3A_89 = arith.constant 0 : i32
        %dma_start3A_90 = tpu.memref_slice %arg2[%arg0, %add3A_84, %dma_start3A_89] : memref<2x160000x128xf32, #tpu.memory_space<hbm>> -> memref<1x80x128xf32, #tpu.memory_space<hbm>>
        %dma_start3A_91 = tpu.memref_squeeze %dma_start3A_90 : memref<1x80x128xf32, #tpu.memory_space<hbm>> -> memref<80x128xf32, #tpu.memory_space<hbm>>
        %dma_start3A_92 = arith.constant 0 : i32
        %dma_start3A_93 = tpu.memref_slice %arg2[%arg0, %add3A_84, %dma_start3A_92] : memref<2x160000x128xf32, #tpu.memory_space<hbm>> -> memref<1x80x128xf32, #tpu.memory_space<hbm>>
        %dma_start3A_94 = tpu.memref_squeeze %dma_start3A_93 : memref<1x80x128xf32, #tpu.memory_space<hbm>> -> memref<80x128xf32, #tpu.memory_space<hbm>>
        tpu.enqueue_dma source(%dma_start3A_94 : memref<80x128xf32, #tpu.memory_space<hbm>>) target(%arg7 : memref<80x128xf32, #tpu.memory_space<vmem>>) target_semaphore(%arg13 : memref<!tpu.dma_semaphore, #tpu.memory_space<semaphore_mem>>)
      } else {
      }
      %add3A_73 = arith.constant 1 : i32
      %add3A_74 = arith.addi %mul3A_48, %add3A_73 : i32
      %lt3A_75 = arith.constant 125 : i32
      %lt3A_76 = arith.cmpi slt, %add3A_74, %lt3A_75 : i32
      %convert_element_type3A_77 = arith.extui %lt3A_76 : i1 to i32
      %cond3A_78 = arith.constant 0 : i32
      %cond3A_79 = arith.cmpi ne, %convert_element_type3A_77, %cond3A_78 : i32
      scf.if %cond3A_79 {
        %add3A_80 = arith.constant 1 : i32
        %add3A_81 = arith.addi %mul3A_48, %add3A_80 : i32
        %mul3A_82 = arith.constant 80 : i32
        %mul3A_83 = arith.muli %add3A_81, %mul3A_82 : i32
        %add3A_84 = arith.addi %mul3A_0, %mul3A_83 : i32
        %add3A_85 = arith.constant 640000 : i32
        %add3A_86 = arith.addi %add3A_85, %add3A_84 : i32
        %dma_wait3A_87 = tpu.memref_slice %arg3[%add3A_86] : memref<1280000xi32, #tpu.memory_space<hbm>> -> memref<80xi32, #tpu.memory_space<hbm>>
        %dma_wait3A_88 = tpu.memref_slice %arg3[%add3A_86] : memref<1280000xi32, #tpu.memory_space<hbm>> -> memref<80xi32, #tpu.memory_space<hbm>>
        tpu.wait_dma2 semaphore(%arg12 : memref<!tpu.dma_semaphore, #tpu.memory_space<semaphore_mem>>) src(%dma_wait3A_88 : memref<80xi32, #tpu.memory_space<hbm>>) dst(%arg6 : memref<80xi32, #tpu.memory_space<vmem>>)
        %dma_wait3A_89 = arith.constant 0 : i32
        %dma_wait3A_90 = tpu.memref_slice %arg2[%arg0, %add3A_84, %dma_wait3A_89] : memref<2x160000x128xf32, #tpu.memory_space<hbm>> -> memref<1x80x128xf32, #tpu.memory_space<hbm>>
        %dma_wait3A_91 = tpu.memref_squeeze %dma_wait3A_90 : memref<1x80x128xf32, #tpu.memory_space<hbm>> -> memref<80x128xf32, #tpu.memory_space<hbm>>
        %dma_wait3A_92 = arith.constant 0 : i32
        %dma_wait3A_93 = tpu.memref_slice %arg2[%arg0, %add3A_84, %dma_wait3A_92] : memref<2x160000x128xf32, #tpu.memory_space<hbm>> -> memref<1x80x128xf32, #tpu.memory_space<hbm>>
        %dma_wait3A_94 = tpu.memref_squeeze %dma_wait3A_93 : memref<1x80x128xf32, #tpu.memory_space<hbm>> -> memref<80x128xf32, #tpu.memory_space<hbm>>
        tpu.wait_dma2 semaphore(%arg14 : memref<!tpu.dma_semaphore, #tpu.memory_space<semaphore_mem>>) src(%dma_wait3A_94 : memref<80x128xf32, #tpu.memory_space<hbm>>) dst(%arg8 : memref<80x128xf32, #tpu.memory_space<vmem>>)
        "tpu.region"() ({
          %run_scoped3A = tpu.sem_alloc : memref<!tpu.dma_semaphore, #tpu.memory_space<semaphore_mem>>
          %dma_start3A_95 = arith.constant 0 : i32
          %dma_start3A_96 = arith.constant 0 : i32
          %dma_start3A_97 = tpu.memref_slice %arg10[%dma_start3A_95, %dma_start3A_96] : memref<10000x128xf32, #tpu.memory_space<vmem_shared>> -> memref<10000x128xf32, #tpu.memory_space<vmem_shared>>
          tpu.enqueue_indirect_dma source(%arg8 : memref<80x128xf32, #tpu.memory_space<vmem>>) target(%dma_start3A_97 : memref<10000x128xf32, #tpu.memory_space<vmem_shared>>) offsets(%arg6 : memref<80xi32, #tpu.memory_space<vmem>>) semaphore(%run_scoped3A : memref<!tpu.dma_semaphore, #tpu.memory_space<semaphore_mem>>) {add = true}
          %dma_wait3A_98 = arith.constant 0 : i32
          %dma_wait3A_99 = arith.constant 0 : i32
          %dma_wait3A_100 = tpu.memref_slice %arg10[%dma_wait3A_98, %dma_wait3A_99] : memref<10000x128xf32, #tpu.memory_space<vmem_shared>> -> memref<10000x128xf32, #tpu.memory_space<vmem_shared>>
          tpu.wait_indirect_dma semaphore(%run_scoped3A : memref<!tpu.dma_semaphore, #tpu.memory_space<semaphore_mem>>) src(%arg8 : memref<80x128xf32, #tpu.memory_space<vmem>>) dst(%dma_wait3A_100 : memref<10000x128xf32, #tpu.memory_space<vmem_shared>>)
          tpu.yield
        }) : () -> ()
      } else {
      }
    }
    %scan3A_24 = arith.constant 62 : i32
    %add3A_25 = arith.constant 9920 : i32
    %add3A_26 = arith.addi %mul3A_0, %add3A_25 : i32
    %add3A_27 = arith.constant 640000 : i32
    %add3A_28 = arith.addi %add3A_27, %add3A_26 : i32
    %dma_wait3A = tpu.memref_slice %arg3[%add3A_28] : memref<1280000xi32, #tpu.memory_space<hbm>> -> memref<80xi32, #tpu.memory_space<hbm>>
    %dma_wait3A_29 = tpu.memref_slice %arg3[%add3A_28] : memref<1280000xi32, #tpu.memory_space<hbm>> -> memref<80xi32, #tpu.memory_space<hbm>>
    tpu.wait_dma2 semaphore(%arg11 : memref<!tpu.dma_semaphore, #tpu.memory_space<semaphore_mem>>) src(%dma_wait3A_29 : memref<80xi32, #tpu.memory_space<hbm>>) dst(%arg5 : memref<80xi32, #tpu.memory_space<vmem>>)
    %dma_wait3A_30 = arith.constant 0 : i32
    %dma_wait3A_31 = tpu.memref_slice %arg2[%arg0, %add3A_26, %dma_wait3A_30] : memref<2x160000x128xf32, #tpu.memory_space<hbm>> -> memref<1x80x128xf32, #tpu.memory_space<hbm>>
    %dma_wait3A_32 = tpu.memref_squeeze %dma_wait3A_31 : memref<1x80x128xf32, #tpu.memory_space<hbm>> -> memref<80x128xf32, #tpu.memory_space<hbm>>
    %dma_wait3A_33 = arith.constant 0 : i32
    %dma_wait3A_34 = tpu.memref_slice %arg2[%arg0, %add3A_26, %dma_wait3A_33] : memref<2x160000x128xf32, #tpu.memory_space<hbm>> -> memref<1x80x128xf32, #tpu.memory_space<hbm>>
    %dma_wait3A_35 = tpu.memref_squeeze %dma_wait3A_34 : memref<1x80x128xf32, #tpu.memory_space<hbm>> -> memref<80x128xf32, #tpu.memory_space<hbm>>
    tpu.wait_dma2 semaphore(%arg13 : memref<!tpu.dma_semaphore, #tpu.memory_space<semaphore_mem>>) src(%dma_wait3A_35 : memref<80x128xf32, #tpu.memory_space<hbm>>) dst(%arg7 : memref<80x128xf32, #tpu.memory_space<vmem>>)
    "tpu.region"() ({
      %run_scoped3A = tpu.sem_alloc : memref<!tpu.dma_semaphore, #tpu.memory_space<semaphore_mem>>
      %dma_start3A_42 = arith.constant 0 : i32
      %dma_start3A_43 = arith.constant 0 : i32
      %dma_start3A_44 = tpu.memref_slice %arg10[%dma_start3A_42, %dma_start3A_43] : memref<10000x128xf32, #tpu.memory_space<vmem_shared>> -> memref<10000x128xf32, #tpu.memory_space<vmem_shared>>
      tpu.enqueue_indirect_dma source(%arg7 : memref<80x128xf32, #tpu.memory_space<vmem>>) target(%dma_start3A_44 : memref<10000x128xf32, #tpu.memory_space<vmem_shared>>) offsets(%arg5 : memref<80xi32, #tpu.memory_space<vmem>>) semaphore(%run_scoped3A : memref<!tpu.dma_semaphore, #tpu.memory_space<semaphore_mem>>) {add = true}
      %dma_wait3A_45 = arith.constant 0 : i32
      %dma_wait3A_46 = arith.constant 0 : i32
      %dma_wait3A_47 = tpu.memref_slice %arg10[%dma_wait3A_45, %dma_wait3A_46] : memref<10000x128xf32, #tpu.memory_space<vmem_shared>> -> memref<10000x128xf32, #tpu.memory_space<vmem_shared>>
      tpu.wait_indirect_dma semaphore(%run_scoped3A : memref<!tpu.dma_semaphore, #tpu.memory_space<semaphore_mem>>) src(%arg7 : memref<80x128xf32, #tpu.memory_space<vmem>>) dst(%dma_wait3A_47 : memref<10000x128xf32, #tpu.memory_space<vmem_shared>>)
      tpu.yield
    }) : () -> ()
    %barrier3A_36 = arith.constant 0 : index
    tpu.barrier barrier_id(%barrier3A_36)
    %scan3A_37 = arith.constant 0 : i32
    %scan3A_38 = arith.constant 8 : i32
    %scan3A_39 = arith.addi %scan3A_37, %scan3A_38 : i32
    %scan3A_40 = arith.constant 1 : i32
    scf.for %scan3A_42 = %scan3A_37 to %scan3A_39 step %scan3A_40  : i32 {
      %mul3A_43 = arith.constant 1 : i32
      %mul3A_44 = arith.muli %scan3A_42, %mul3A_43 : i32
      %add3A_45 = arith.constant 0 : i32
      %add3A_46 = arith.addi %add3A_45, %mul3A_44 : i32
      %mul3A_47 = arith.constant 16 : i32
      %mul3A_48 = arith.muli %add3A_46, %mul3A_47 : i32
      %add3A_49 = arith.addi %mul3A_48, %arg1 : i32
      %lt3A = arith.constant 125 : i32
      %lt3A_50 = arith.cmpi slt, %add3A_49, %lt3A : i32
      %convert_element_type3A = arith.extui %lt3A_50 : i1 to i32
      %cond3A = arith.constant 0 : i32
      %cond3A_51 = arith.cmpi ne, %convert_element_type3A, %cond3A : i32
      scf.if %cond3A_51 {
        %mul3A_52 = arith.constant 80 : i32
        %mul3A_53 = arith.muli %add3A_49, %mul3A_52 : i32
        "tpu.region"() ({
          %run_scoped3A = tpu.sem_alloc : memref<!tpu.dma_semaphore, #tpu.memory_space<semaphore_mem>>
          %dma_start3A_54 = arith.constant 0 : i32
          %dma_start3A_55 = tpu.memref_slice %arg4[%arg0, %mul3A_53, %dma_start3A_54] : memref<2x10000x128xf32, #tpu.memory_space<hbm>> -> memref<1x80x128xf32, #tpu.memory_space<hbm>>
          %dma_start3A_56 = tpu.memref_squeeze %dma_start3A_55 : memref<1x80x128xf32, #tpu.memory_space<hbm>> -> memref<80x128xf32, #tpu.memory_space<hbm>>
          %dma_start3A_57 = arith.constant 0 : i32
          %dma_start3A_58 = tpu.memref_slice %arg10[%mul3A_53, %dma_start3A_57] : memref<10000x128xf32, #tpu.memory_space<vmem_shared>> -> memref<80x128xf32, #tpu.memory_space<vmem_shared>>
          tpu.enqueue_dma source(%dma_start3A_58 : memref<80x128xf32, #tpu.memory_space<vmem_shared>>) target(%dma_start3A_56 : memref<80x128xf32, #tpu.memory_space<hbm>>) target_semaphore(%run_scoped3A : memref<!tpu.dma_semaphore, #tpu.memory_space<semaphore_mem>>)
          %dma_wait3A_59 = arith.constant 0 : i32
          %dma_wait3A_60 = tpu.memref_slice %arg4[%arg0, %mul3A_53, %dma_wait3A_59] : memref<2x10000x128xf32, #tpu.memory_space<hbm>> -> memref<1x80x128xf32, #tpu.memory_space<hbm>>
          %dma_wait3A_61 = tpu.memref_squeeze %dma_wait3A_60 : memref<1x80x128xf32, #tpu.memory_space<hbm>> -> memref<80x128xf32, #tpu.memory_space<hbm>>
          %dma_wait3A_62 = arith.constant 0 : i32
          %dma_wait3A_63 = tpu.memref_slice %arg10[%mul3A_53, %dma_wait3A_62] : memref<10000x128xf32, #tpu.memory_space<vmem_shared>> -> memref<80x128xf32, #tpu.memory_space<vmem_shared>>
          tpu.wait_dma2 semaphore(%run_scoped3A : memref<!tpu.dma_semaphore, #tpu.memory_space<semaphore_mem>>) src(%dma_wait3A_63 : memref<80x128xf32, #tpu.memory_space<vmem_shared>>) dst(%dma_wait3A_61 : memref<80x128xf32, #tpu.memory_space<hbm>>)
          tpu.yield
        }) : () -> ()
      } else {
      }
    }
    %scan3A_41 = arith.constant 8 : i32
    return
  }
}

#map = affine_map<(d0, d1) -> (0, 0)>
#map1 = affine_map<(d0, d1) -> (0)>
#map2 = affine_map<(d0, d1) -> (0, 0, 0)>
module attributes {stable_mosaic.version = 14 : i64} {
  func.func @k(%arg0: i32, %arg1: i32, %arg2: memref<40000x256xf32, #tpu.memory_space<hbm>>, %arg3: memref<1280000xi32, #tpu.memory_space<hbm>>, %arg4: memref<2x160000x256xf32, #tpu.memory_space<hbm>>, %arg5: memref<10000xi32, #tpu.memory_space<vmem>>, %arg6: memref<10000xi32, #tpu.memory_space<vmem>>, %arg7: memref<80x256xf32, #tpu.memory_space<vmem>>, %arg8: memref<80x256xf32, #tpu.memory_space<vmem>>, %arg9: memref<80x256xf32, #tpu.memory_space<vmem>>, %arg10: memref<80x256xf32, #tpu.memory_space<vmem>>, %arg11: memref<!tpu.dma_semaphore, #tpu.memory_space<semaphore_mem>>, %arg12: memref<!tpu.dma_semaphore, #tpu.memory_space<semaphore_mem>>, %arg13: memref<!tpu.dma_semaphore, #tpu.memory_space<semaphore_mem>>, %arg14: memref<!tpu.dma_semaphore, #tpu.memory_space<semaphore_mem>>) attributes {dimension_semantics = [#tpu.dimension_semantics<core_parallel>, #tpu.dimension_semantics<subcore_parallel>], iteration_bounds = array<i64: 2, 16>, scalar_prefetch = 0 : i64, scratch_operands = 10 : i64, tpu.core_type = #tpu.core_type<sc_vector_subcore>, window_params = [{transform_indices = #map}, {transform_indices = #map1}, {transform_indices = #map2}]} {
    %mul3A = arith.constant 10000 : i32
    %mul3A_0 = arith.muli %arg1, %mul3A : i32
    %mul3A_1 = arith.constant 160000 : i32
    %mul3A_2 = arith.muli %arg0, %mul3A_1 : i32
    %add3A = arith.addi %mul3A_2, %mul3A_0 : i32
    "tpu.region"() ({
      %run_scoped3A = tpu.sem_alloc : memref<!tpu.dma_semaphore, #tpu.memory_space<semaphore_mem>>
      %dma_start3A_37 = tpu.memref_slice %arg3[%add3A] : memref<1280000xi32, #tpu.memory_space<hbm>> -> memref<10000xi32, #tpu.memory_space<hbm>>
      %dma_start3A_38 = tpu.memref_slice %arg3[%add3A] : memref<1280000xi32, #tpu.memory_space<hbm>> -> memref<10000xi32, #tpu.memory_space<hbm>>
      tpu.enqueue_dma source(%dma_start3A_38 : memref<10000xi32, #tpu.memory_space<hbm>>) target(%arg5 : memref<10000xi32, #tpu.memory_space<vmem>>) target_semaphore(%run_scoped3A : memref<!tpu.dma_semaphore, #tpu.memory_space<semaphore_mem>>)
      %dma_wait3A_39 = tpu.memref_slice %arg3[%add3A] : memref<1280000xi32, #tpu.memory_space<hbm>> -> memref<10000xi32, #tpu.memory_space<hbm>>
      %dma_wait3A_40 = tpu.memref_slice %arg3[%add3A] : memref<1280000xi32, #tpu.memory_space<hbm>> -> memref<10000xi32, #tpu.memory_space<hbm>>
      tpu.wait_dma2 semaphore(%run_scoped3A : memref<!tpu.dma_semaphore, #tpu.memory_space<semaphore_mem>>) src(%dma_wait3A_40 : memref<10000xi32, #tpu.memory_space<hbm>>) dst(%arg5 : memref<10000xi32, #tpu.memory_space<vmem>>)
      tpu.yield
    }) : () -> ()
    %add3A_3 = arith.constant 2 : i32
    %add3A_4 = arith.addi %add3A_3, %arg0 : i32
    %mul3A_5 = arith.constant 160000 : i32
    %mul3A_6 = arith.muli %add3A_4, %mul3A_5 : i32
    %add3A_7 = arith.addi %mul3A_6, %mul3A_0 : i32
    "tpu.region"() ({
      %run_scoped3A = tpu.sem_alloc : memref<!tpu.dma_semaphore, #tpu.memory_space<semaphore_mem>>
      %dma_start3A_37 = tpu.memref_slice %arg3[%add3A_7] : memref<1280000xi32, #tpu.memory_space<hbm>> -> memref<10000xi32, #tpu.memory_space<hbm>>
      %dma_start3A_38 = tpu.memref_slice %arg3[%add3A_7] : memref<1280000xi32, #tpu.memory_space<hbm>> -> memref<10000xi32, #tpu.memory_space<hbm>>
      tpu.enqueue_dma source(%dma_start3A_38 : memref<10000xi32, #tpu.memory_space<hbm>>) target(%arg6 : memref<10000xi32, #tpu.memory_space<vmem>>) target_semaphore(%run_scoped3A : memref<!tpu.dma_semaphore, #tpu.memory_space<semaphore_mem>>)
      %dma_wait3A_39 = tpu.memref_slice %arg3[%add3A_7] : memref<1280000xi32, #tpu.memory_space<hbm>> -> memref<10000xi32, #tpu.memory_space<hbm>>
      %dma_wait3A_40 = tpu.memref_slice %arg3[%add3A_7] : memref<1280000xi32, #tpu.memory_space<hbm>> -> memref<10000xi32, #tpu.memory_space<hbm>>
      tpu.wait_dma2 semaphore(%run_scoped3A : memref<!tpu.dma_semaphore, #tpu.memory_space<semaphore_mem>>) src(%dma_wait3A_40 : memref<10000xi32, #tpu.memory_space<hbm>>) dst(%arg6 : memref<10000xi32, #tpu.memory_space<vmem>>)
      tpu.yield
    }) : () -> ()
    %dma_start3A = arith.constant 0 : i32
    %dma_start3A_8 = tpu.memref_slice %arg5[%dma_start3A] : memref<10000xi32, #tpu.memory_space<vmem>> -> memref<80xi32, #tpu.memory_space<vmem>>
    %dma_start3A_9 = arith.constant 0 : i32
    %dma_start3A_10 = arith.constant 0 : i32
    %dma_start3A_11 = tpu.memref_slice %arg2[%dma_start3A_9, %dma_start3A_10] : memref<40000x256xf32, #tpu.memory_space<hbm>> -> memref<40000x256xf32, #tpu.memory_space<hbm>>
    tpu.enqueue_indirect_dma source(%dma_start3A_11 : memref<40000x256xf32, #tpu.memory_space<hbm>>) target(%arg7 : memref<80x256xf32, #tpu.memory_space<vmem>>) offsets(%dma_start3A_8 : memref<80xi32, #tpu.memory_space<vmem>>) semaphore(%arg11 : memref<!tpu.dma_semaphore, #tpu.memory_space<semaphore_mem>>)
    %dma_start3A_12 = arith.constant 0 : i32
    %dma_start3A_13 = tpu.memref_slice %arg6[%dma_start3A_12] : memref<10000xi32, #tpu.memory_space<vmem>> -> memref<80xi32, #tpu.memory_space<vmem>>
    %dma_start3A_14 = arith.constant 0 : i32
    %dma_start3A_15 = arith.constant 0 : i32
    %dma_start3A_16 = tpu.memref_slice %arg2[%dma_start3A_14, %dma_start3A_15] : memref<40000x256xf32, #tpu.memory_space<hbm>> -> memref<40000x256xf32, #tpu.memory_space<hbm>>
    tpu.enqueue_indirect_dma source(%dma_start3A_16 : memref<40000x256xf32, #tpu.memory_space<hbm>>) target(%arg8 : memref<80x256xf32, #tpu.memory_space<vmem>>) offsets(%dma_start3A_13 : memref<80xi32, #tpu.memory_space<vmem>>) semaphore(%arg12 : memref<!tpu.dma_semaphore, #tpu.memory_space<semaphore_mem>>)
    %scan3A = arith.constant 0 : i32
    %scan3A_17 = arith.constant 62 : i32
    %scan3A_18 = arith.addi %scan3A, %scan3A_17 : i32
    %scan3A_19 = arith.constant 1 : i32
    scf.for %scan3A_37 = %scan3A to %scan3A_18 step %scan3A_19  : i32 {
      %mul3A_38 = arith.constant 1 : i32
      %mul3A_39 = arith.muli %scan3A_37, %mul3A_38 : i32
      %add3A_40 = arith.constant 0 : i32
      %add3A_41 = arith.addi %add3A_40, %mul3A_39 : i32
      %mul3A_42 = arith.constant 2 : i32
      %mul3A_43 = arith.muli %mul3A_42, %add3A_41 : i32
      %add3A_44 = arith.constant 1 : i32
      %add3A_45 = arith.addi %mul3A_43, %add3A_44 : i32
      %mul3A_46 = arith.constant 80 : i32
      %mul3A_47 = arith.muli %add3A_45, %mul3A_46 : i32
      %dma_start3A_48 = tpu.memref_slice %arg5[%mul3A_47] : memref<10000xi32, #tpu.memory_space<vmem>> -> memref<80xi32, #tpu.memory_space<vmem>>
      %dma_start3A_49 = arith.constant 0 : i32
      %dma_start3A_50 = arith.constant 0 : i32
      %dma_start3A_51 = tpu.memref_slice %arg2[%dma_start3A_49, %dma_start3A_50] : memref<40000x256xf32, #tpu.memory_space<hbm>> -> memref<40000x256xf32, #tpu.memory_space<hbm>>
      tpu.enqueue_indirect_dma source(%dma_start3A_51 : memref<40000x256xf32, #tpu.memory_space<hbm>>) target(%arg9 : memref<80x256xf32, #tpu.memory_space<vmem>>) offsets(%dma_start3A_48 : memref<80xi32, #tpu.memory_space<vmem>>) semaphore(%arg13 : memref<!tpu.dma_semaphore, #tpu.memory_space<semaphore_mem>>)
      %dma_start3A_52 = tpu.memref_slice %arg6[%mul3A_47] : memref<10000xi32, #tpu.memory_space<vmem>> -> memref<80xi32, #tpu.memory_space<vmem>>
      %dma_start3A_53 = arith.constant 0 : i32
      %dma_start3A_54 = arith.constant 0 : i32
      %dma_start3A_55 = tpu.memref_slice %arg2[%dma_start3A_53, %dma_start3A_54] : memref<40000x256xf32, #tpu.memory_space<hbm>> -> memref<40000x256xf32, #tpu.memory_space<hbm>>
      tpu.enqueue_indirect_dma source(%dma_start3A_55 : memref<40000x256xf32, #tpu.memory_space<hbm>>) target(%arg10 : memref<80x256xf32, #tpu.memory_space<vmem>>) offsets(%dma_start3A_52 : memref<80xi32, #tpu.memory_space<vmem>>) semaphore(%arg14 : memref<!tpu.dma_semaphore, #tpu.memory_space<semaphore_mem>>)
      %mul3A_56 = arith.constant 80 : i32
      %mul3A_57 = arith.muli %mul3A_43, %mul3A_56 : i32
      %dma_wait3A_58 = tpu.memref_slice %arg5[%mul3A_57] : memref<10000xi32, #tpu.memory_space<vmem>> -> memref<80xi32, #tpu.memory_space<vmem>>
      %dma_wait3A_59 = arith.constant 0 : i32
      %dma_wait3A_60 = arith.constant 0 : i32
      %dma_wait3A_61 = tpu.memref_slice %arg2[%dma_wait3A_59, %dma_wait3A_60] : memref<40000x256xf32, #tpu.memory_space<hbm>> -> memref<40000x256xf32, #tpu.memory_space<hbm>>
      tpu.wait_indirect_dma semaphore(%arg11 : memref<!tpu.dma_semaphore, #tpu.memory_space<semaphore_mem>>) src(%dma_wait3A_61 : memref<40000x256xf32, #tpu.memory_space<hbm>>) dst(%arg7 : memref<80x256xf32, #tpu.memory_space<vmem>>)
      %dma_wait3A_62 = tpu.memref_slice %arg6[%mul3A_57] : memref<10000xi32, #tpu.memory_space<vmem>> -> memref<80xi32, #tpu.memory_space<vmem>>
      %dma_wait3A_63 = arith.constant 0 : i32
      %dma_wait3A_64 = arith.constant 0 : i32
      %dma_wait3A_65 = tpu.memref_slice %arg2[%dma_wait3A_63, %dma_wait3A_64] : memref<40000x256xf32, #tpu.memory_space<hbm>> -> memref<40000x256xf32, #tpu.memory_space<hbm>>
      tpu.wait_indirect_dma semaphore(%arg12 : memref<!tpu.dma_semaphore, #tpu.memory_space<semaphore_mem>>) src(%dma_wait3A_65 : memref<40000x256xf32, #tpu.memory_space<hbm>>) dst(%arg8 : memref<80x256xf32, #tpu.memory_space<vmem>>)
      %scan3A_66 = arith.constant 0 : i32
      %scan3A_67 = arith.constant 80 : i32
      %scan3A_68 = arith.addi %scan3A_66, %scan3A_67 : i32
      %scan3A_69 = arith.constant 1 : i32
      scf.for %scan3A_98 = %scan3A_66 to %scan3A_68 step %scan3A_69  : i32 {
        %mul3A_99 = arith.constant 1 : i32
        %mul3A_100 = arith.muli %scan3A_98, %mul3A_99 : i32
        %add3A_101 = arith.constant 0 : i32
        %add3A_102 = arith.addi %add3A_101, %mul3A_100 : i32
        %get3A = arith.index_cast %add3A_102 : i32 to index
        %get3A_103 = arith.constant 0 : index
        %get3A_104 = tpu.vector_load %arg7[%get3A, %get3A_103] {strides = array<i32>} : memref<80x256xf32, #tpu.memory_space<vmem>>, vector<1x16xf32>,
        %get3A_105 = vector.shape_cast %get3A_104 : vector<1x16xf32> to vector<16xf32>
        %get3A_106 = arith.index_cast %add3A_102 : i32 to index
        %get3A_107 = arith.constant 0 : index
        %get3A_108 = tpu.vector_load %arg8[%get3A_106, %get3A_107] {strides = array<i32>} : memref<80x256xf32, #tpu.memory_space<vmem>>, vector<1x16xf32>,
        %get3A_109 = vector.shape_cast %get3A_108 : vector<1x16xf32> to vector<16xf32>
        %add3A_110 = arith.addf %get3A_105, %get3A_109 : vector<16xf32>
        %swap3A = arith.index_cast %add3A_102 : i32 to index
        %swap3A_111 = arith.constant 0 : index
        %swap3A_112 = tpu.vector_load %arg7[%swap3A, %swap3A_111] {strides = array<i32>} : memref<80x256xf32, #tpu.memory_space<vmem>>, vector<1x16xf32>,
        %swap3A_113 = vector.shape_cast %swap3A_112 : vector<1x16xf32> to vector<16xf32>
        %swap3A_114 = vector.shape_cast %add3A_110 : vector<16xf32> to vector<1x16xf32>
        tpu.vector_store %arg7[%swap3A, %swap3A_111], %swap3A_114 {strides = array<i32>} : memref<80x256xf32, #tpu.memory_space<vmem>>, vector<1x16xf32>,
        %get3A_115 = arith.index_cast %add3A_102 : i32 to index
        %get3A_116 = arith.constant 16 : index
        %get3A_117 = tpu.vector_load %arg7[%get3A_115, %get3A_116] {strides = array<i32>} : memref<80x256xf32, #tpu.memory_space<vmem>>, vector<1x16xf32>,
        %get3A_118 = vector.shape_cast %get3A_117 : vector<1x16xf32> to vector<16xf32>
        %get3A_119 = arith.index_cast %add3A_102 : i32 to index
        %get3A_120 = arith.constant 16 : index
        %get3A_121 = tpu.vector_load %arg8[%get3A_119, %get3A_120] {strides = array<i32>} : memref<80x256xf32, #tpu.memory_space<vmem>>, vector<1x16xf32>,
        %get3A_122 = vector.shape_cast %get3A_121 : vector<1x16xf32> to vector<16xf32>
        %add3A_123 = arith.addf %get3A_118, %get3A_122 : vector<16xf32>
        %swap3A_124 = arith.index_cast %add3A_102 : i32 to index
        %swap3A_125 = arith.constant 16 : index
        %swap3A_126 = tpu.vector_load %arg7[%swap3A_124, %swap3A_125] {strides = array<i32>} : memref<80x256xf32, #tpu.memory_space<vmem>>, vector<1x16xf32>,
        %swap3A_127 = vector.shape_cast %swap3A_126 : vector<1x16xf32> to vector<16xf32>
        %swap3A_128 = vector.shape_cast %add3A_123 : vector<16xf32> to vector<1x16xf32>
        tpu.vector_store %arg7[%swap3A_124, %swap3A_125], %swap3A_128 {strides = array<i32>} : memref<80x256xf32, #tpu.memory_space<vmem>>, vector<1x16xf32>,
        %get3A_129 = arith.index_cast %add3A_102 : i32 to index
        %get3A_130 = arith.constant 32 : index
        %get3A_131 = tpu.vector_load %arg7[%get3A_129, %get3A_130] {strides = array<i32>} : memref<80x256xf32, #tpu.memory_space<vmem>>, vector<1x16xf32>,
        %get3A_132 = vector.shape_cast %get3A_131 : vector<1x16xf32> to vector<16xf32>
        %get3A_133 = arith.index_cast %add3A_102 : i32 to index
        %get3A_134 = arith.constant 32 : index
        %get3A_135 = tpu.vector_load %arg8[%get3A_133, %get3A_134] {strides = array<i32>} : memref<80x256xf32, #tpu.memory_space<vmem>>, vector<1x16xf32>,
        %get3A_136 = vector.shape_cast %get3A_135 : vector<1x16xf32> to vector<16xf32>
        %add3A_137 = arith.addf %get3A_132, %get3A_136 : vector<16xf32>
        %swap3A_138 = arith.index_cast %add3A_102 : i32 to index
        %swap3A_139 = arith.constant 32 : index
        %swap3A_140 = tpu.vector_load %arg7[%swap3A_138, %swap3A_139] {strides = array<i32>} : memref<80x256xf32, #tpu.memory_space<vmem>>, vector<1x16xf32>,
        %swap3A_141 = vector.shape_cast %swap3A_140 : vector<1x16xf32> to vector<16xf32>
        %swap3A_142 = vector.shape_cast %add3A_137 : vector<16xf32> to vector<1x16xf32>
        tpu.vector_store %arg7[%swap3A_138, %swap3A_139], %swap3A_142 {strides = array<i32>} : memref<80x256xf32, #tpu.memory_space<vmem>>, vector<1x16xf32>,
        %get3A_143 = arith.index_cast %add3A_102 : i32 to index
        %get3A_144 = arith.constant 48 : index
        %get3A_145 = tpu.vector_load %arg7[%get3A_143, %get3A_144] {strides = array<i32>} : memref<80x256xf32, #tpu.memory_space<vmem>>, vector<1x16xf32>,
        %get3A_146 = vector.shape_cast %get3A_145 : vector<1x16xf32> to vector<16xf32>
        %get3A_147 = arith.index_cast %add3A_102 : i32 to index
        %get3A_148 = arith.constant 48 : index
        %get3A_149 = tpu.vector_load %arg8[%get3A_147, %get3A_148] {strides = array<i32>} : memref<80x256xf32, #tpu.memory_space<vmem>>, vector<1x16xf32>,
        %get3A_150 = vector.shape_cast %get3A_149 : vector<1x16xf32> to vector<16xf32>
        %add3A_151 = arith.addf %get3A_146, %get3A_150 : vector<16xf32>
        %swap3A_152 = arith.index_cast %add3A_102 : i32 to index
        %swap3A_153 = arith.constant 48 : index
        %swap3A_154 = tpu.vector_load %arg7[%swap3A_152, %swap3A_153] {strides = array<i32>} : memref<80x256xf32, #tpu.memory_space<vmem>>, vector<1x16xf32>,
        %swap3A_155 = vector.shape_cast %swap3A_154 : vector<1x16xf32> to vector<16xf32>
        %swap3A_156 = vector.shape_cast %add3A_151 : vector<16xf32> to vector<1x16xf32>
        tpu.vector_store %arg7[%swap3A_152, %swap3A_153], %swap3A_156 {strides = array<i32>} : memref<80x256xf32, #tpu.memory_space<vmem>>, vector<1x16xf32>,
        %get3A_157 = arith.index_cast %add3A_102 : i32 to index
        %get3A_158 = arith.constant 64 : index
        %get3A_159 = tpu.vector_load %arg7[%get3A_157, %get3A_158] {strides = array<i32>} : memref<80x256xf32, #tpu.memory_space<vmem>>, vector<1x16xf32>,
        %get3A_160 = vector.shape_cast %get3A_159 : vector<1x16xf32> to vector<16xf32>
        %get3A_161 = arith.index_cast %add3A_102 : i32 to index
        %get3A_162 = arith.constant 64 : index
        %get3A_163 = tpu.vector_load %arg8[%get3A_161, %get3A_162] {strides = array<i32>} : memref<80x256xf32, #tpu.memory_space<vmem>>, vector<1x16xf32>,
        %get3A_164 = vector.shape_cast %get3A_163 : vector<1x16xf32> to vector<16xf32>
        %add3A_165 = arith.addf %get3A_160, %get3A_164 : vector<16xf32>
        %swap3A_166 = arith.index_cast %add3A_102 : i32 to index
        %swap3A_167 = arith.constant 64 : index
        %swap3A_168 = tpu.vector_load %arg7[%swap3A_166, %swap3A_167] {strides = array<i32>} : memref<80x256xf32, #tpu.memory_space<vmem>>, vector<1x16xf32>,
        %swap3A_169 = vector.shape_cast %swap3A_168 : vector<1x16xf32> to vector<16xf32>
        %swap3A_170 = vector.shape_cast %add3A_165 : vector<16xf32> to vector<1x16xf32>
        tpu.vector_store %arg7[%swap3A_166, %swap3A_167], %swap3A_170 {strides = array<i32>} : memref<80x256xf32, #tpu.memory_space<vmem>>, vector<1x16xf32>,
        %get3A_171 = arith.index_cast %add3A_102 : i32 to index
        %get3A_172 = arith.constant 80 : index
        %get3A_173 = tpu.vector_load %arg7[%get3A_171, %get3A_172] {strides = array<i32>} : memref<80x256xf32, #tpu.memory_space<vmem>>, vector<1x16xf32>,
        %get3A_174 = vector.shape_cast %get3A_173 : vector<1x16xf32> to vector<16xf32>
        %get3A_175 = arith.index_cast %add3A_102 : i32 to index
        %get3A_176 = arith.constant 80 : index
        %get3A_177 = tpu.vector_load %arg8[%get3A_175, %get3A_176] {strides = array<i32>} : memref<80x256xf32, #tpu.memory_space<vmem>>, vector<1x16xf32>,
        %get3A_178 = vector.shape_cast %get3A_177 : vector<1x16xf32> to vector<16xf32>
        %add3A_179 = arith.addf %get3A_174, %get3A_178 : vector<16xf32>
        %swap3A_180 = arith.index_cast %add3A_102 : i32 to index
        %swap3A_181 = arith.constant 80 : index
        %swap3A_182 = tpu.vector_load %arg7[%swap3A_180, %swap3A_181] {strides = array<i32>} : memref<80x256xf32, #tpu.memory_space<vmem>>, vector<1x16xf32>,
        %swap3A_183 = vector.shape_cast %swap3A_182 : vector<1x16xf32> to vector<16xf32>
        %swap3A_184 = vector.shape_cast %add3A_179 : vector<16xf32> to vector<1x16xf32>
        tpu.vector_store %arg7[%swap3A_180, %swap3A_181], %swap3A_184 {strides = array<i32>} : memref<80x256xf32, #tpu.memory_space<vmem>>, vector<1x16xf32>,
        %get3A_185 = arith.index_cast %add3A_102 : i32 to index
        %get3A_186 = arith.constant 96 : index
        %get3A_187 = tpu.vector_load %arg7[%get3A_185, %get3A_186] {strides = array<i32>} : memref<80x256xf32, #tpu.memory_space<vmem>>, vector<1x16xf32>,
        %get3A_188 = vector.shape_cast %get3A_187 : vector<1x16xf32> to vector<16xf32>
        %get3A_189 = arith.index_cast %add3A_102 : i32 to index
        %get3A_190 = arith.constant 96 : index
        %get3A_191 = tpu.vector_load %arg8[%get3A_189, %get3A_190] {strides = array<i32>} : memref<80x256xf32, #tpu.memory_space<vmem>>, vector<1x16xf32>,
        %get3A_192 = vector.shape_cast %get3A_191 : vector<1x16xf32> to vector<16xf32>
        %add3A_193 = arith.addf %get3A_188, %get3A_192 : vector<16xf32>
        %swap3A_194 = arith.index_cast %add3A_102 : i32 to index
        %swap3A_195 = arith.constant 96 : index
        %swap3A_196 = tpu.vector_load %arg7[%swap3A_194, %swap3A_195] {strides = array<i32>} : memref<80x256xf32, #tpu.memory_space<vmem>>, vector<1x16xf32>,
        %swap3A_197 = vector.shape_cast %swap3A_196 : vector<1x16xf32> to vector<16xf32>
        %swap3A_198 = vector.shape_cast %add3A_193 : vector<16xf32> to vector<1x16xf32>
        tpu.vector_store %arg7[%swap3A_194, %swap3A_195], %swap3A_198 {strides = array<i32>} : memref<80x256xf32, #tpu.memory_space<vmem>>, vector<1x16xf32>,
        %get3A_199 = arith.index_cast %add3A_102 : i32 to index
        %get3A_200 = arith.constant 112 : index
        %get3A_201 = tpu.vector_load %arg7[%get3A_199, %get3A_200] {strides = array<i32>} : memref<80x256xf32, #tpu.memory_space<vmem>>, vector<1x16xf32>,
        %get3A_202 = vector.shape_cast %get3A_201 : vector<1x16xf32> to vector<16xf32>
        %get3A_203 = arith.index_cast %add3A_102 : i32 to index
        %get3A_204 = arith.constant 112 : index
        %get3A_205 = tpu.vector_load %arg8[%get3A_203, %get3A_204] {strides = array<i32>} : memref<80x256xf32, #tpu.memory_space<vmem>>, vector<1x16xf32>,
        %get3A_206 = vector.shape_cast %get3A_205 : vector<1x16xf32> to vector<16xf32>
        %add3A_207 = arith.addf %get3A_202, %get3A_206 : vector<16xf32>
        %swap3A_208 = arith.index_cast %add3A_102 : i32 to index
        %swap3A_209 = arith.constant 112 : index
        %swap3A_210 = tpu.vector_load %arg7[%swap3A_208, %swap3A_209] {strides = array<i32>} : memref<80x256xf32, #tpu.memory_space<vmem>>, vector<1x16xf32>,
        %swap3A_211 = vector.shape_cast %swap3A_210 : vector<1x16xf32> to vector<16xf32>
        %swap3A_212 = vector.shape_cast %add3A_207 : vector<16xf32> to vector<1x16xf32>
        tpu.vector_store %arg7[%swap3A_208, %swap3A_209], %swap3A_212 {strides = array<i32>} : memref<80x256xf32, #tpu.memory_space<vmem>>, vector<1x16xf32>,
        %get3A_213 = arith.index_cast %add3A_102 : i32 to index
        %get3A_214 = arith.constant 128 : index
        %get3A_215 = tpu.vector_load %arg7[%get3A_213, %get3A_214] {strides = array<i32>} : memref<80x256xf32, #tpu.memory_space<vmem>>, vector<1x16xf32>,
        %get3A_216 = vector.shape_cast %get3A_215 : vector<1x16xf32> to vector<16xf32>
        %get3A_217 = arith.index_cast %add3A_102 : i32 to index
        %get3A_218 = arith.constant 128 : index
        %get3A_219 = tpu.vector_load %arg8[%get3A_217, %get3A_218] {strides = array<i32>} : memref<80x256xf32, #tpu.memory_space<vmem>>, vector<1x16xf32>,
        %get3A_220 = vector.shape_cast %get3A_219 : vector<1x16xf32> to vector<16xf32>
        %add3A_221 = arith.addf %get3A_216, %get3A_220 : vector<16xf32>
        %swap3A_222 = arith.index_cast %add3A_102 : i32 to index
        %swap3A_223 = arith.constant 128 : index
        %swap3A_224 = tpu.vector_load %arg7[%swap3A_222, %swap3A_223] {strides = array<i32>} : memref<80x256xf32, #tpu.memory_space<vmem>>, vector<1x16xf32>,
        %swap3A_225 = vector.shape_cast %swap3A_224 : vector<1x16xf32> to vector<16xf32>
        %swap3A_226 = vector.shape_cast %add3A_221 : vector<16xf32> to vector<1x16xf32>
        tpu.vector_store %arg7[%swap3A_222, %swap3A_223], %swap3A_226 {strides = array<i32>} : memref<80x256xf32, #tpu.memory_space<vmem>>, vector<1x16xf32>,
        %get3A_227 = arith.index_cast %add3A_102 : i32 to index
        %get3A_228 = arith.constant 144 : index
        %get3A_229 = tpu.vector_load %arg7[%get3A_227, %get3A_228] {strides = array<i32>} : memref<80x256xf32, #tpu.memory_space<vmem>>, vector<1x16xf32>,
        %get3A_230 = vector.shape_cast %get3A_229 : vector<1x16xf32> to vector<16xf32>
        %get3A_231 = arith.index_cast %add3A_102 : i32 to index
        %get3A_232 = arith.constant 144 : index
        %get3A_233 = tpu.vector_load %arg8[%get3A_231, %get3A_232] {strides = array<i32>} : memref<80x256xf32, #tpu.memory_space<vmem>>, vector<1x16xf32>,
        %get3A_234 = vector.shape_cast %get3A_233 : vector<1x16xf32> to vector<16xf32>
        %add3A_235 = arith.addf %get3A_230, %get3A_234 : vector<16xf32>
        %swap3A_236 = arith.index_cast %add3A_102 : i32 to index
        %swap3A_237 = arith.constant 144 : index
        %swap3A_238 = tpu.vector_load %arg7[%swap3A_236, %swap3A_237] {strides = array<i32>} : memref<80x256xf32, #tpu.memory_space<vmem>>, vector<1x16xf32>,
        %swap3A_239 = vector.shape_cast %swap3A_238 : vector<1x16xf32> to vector<16xf32>
        %swap3A_240 = vector.shape_cast %add3A_235 : vector<16xf32> to vector<1x16xf32>
        tpu.vector_store %arg7[%swap3A_236, %swap3A_237], %swap3A_240 {strides = array<i32>} : memref<80x256xf32, #tpu.memory_space<vmem>>, vector<1x16xf32>,
        %get3A_241 = arith.index_cast %add3A_102 : i32 to index
        %get3A_242 = arith.constant 160 : index
        %get3A_243 = tpu.vector_load %arg7[%get3A_241, %get3A_242] {strides = array<i32>} : memref<80x256xf32, #tpu.memory_space<vmem>>, vector<1x16xf32>,
        %get3A_244 = vector.shape_cast %get3A_243 : vector<1x16xf32> to vector<16xf32>
        %get3A_245 = arith.index_cast %add3A_102 : i32 to index
        %get3A_246 = arith.constant 160 : index
        %get3A_247 = tpu.vector_load %arg8[%get3A_245, %get3A_246] {strides = array<i32>} : memref<80x256xf32, #tpu.memory_space<vmem>>, vector<1x16xf32>,
        %get3A_248 = vector.shape_cast %get3A_247 : vector<1x16xf32> to vector<16xf32>
        %add3A_249 = arith.addf %get3A_244, %get3A_248 : vector<16xf32>
        %swap3A_250 = arith.index_cast %add3A_102 : i32 to index
        %swap3A_251 = arith.constant 160 : index
        %swap3A_252 = tpu.vector_load %arg7[%swap3A_250, %swap3A_251] {strides = array<i32>} : memref<80x256xf32, #tpu.memory_space<vmem>>, vector<1x16xf32>,
        %swap3A_253 = vector.shape_cast %swap3A_252 : vector<1x16xf32> to vector<16xf32>
        %swap3A_254 = vector.shape_cast %add3A_249 : vector<16xf32> to vector<1x16xf32>
        tpu.vector_store %arg7[%swap3A_250, %swap3A_251], %swap3A_254 {strides = array<i32>} : memref<80x256xf32, #tpu.memory_space<vmem>>, vector<1x16xf32>,
        %get3A_255 = arith.index_cast %add3A_102 : i32 to index
        %get3A_256 = arith.constant 176 : index
        %get3A_257 = tpu.vector_load %arg7[%get3A_255, %get3A_256] {strides = array<i32>} : memref<80x256xf32, #tpu.memory_space<vmem>>, vector<1x16xf32>,
        %get3A_258 = vector.shape_cast %get3A_257 : vector<1x16xf32> to vector<16xf32>
        %get3A_259 = arith.index_cast %add3A_102 : i32 to index
        %get3A_260 = arith.constant 176 : index
        %get3A_261 = tpu.vector_load %arg8[%get3A_259, %get3A_260] {strides = array<i32>} : memref<80x256xf32, #tpu.memory_space<vmem>>, vector<1x16xf32>,
        %get3A_262 = vector.shape_cast %get3A_261 : vector<1x16xf32> to vector<16xf32>
        %add3A_263 = arith.addf %get3A_258, %get3A_262 : vector<16xf32>
        %swap3A_264 = arith.index_cast %add3A_102 : i32 to index
        %swap3A_265 = arith.constant 176 : index
        %swap3A_266 = tpu.vector_load %arg7[%swap3A_264, %swap3A_265] {strides = array<i32>} : memref<80x256xf32, #tpu.memory_space<vmem>>, vector<1x16xf32>,
        %swap3A_267 = vector.shape_cast %swap3A_266 : vector<1x16xf32> to vector<16xf32>
        %swap3A_268 = vector.shape_cast %add3A_263 : vector<16xf32> to vector<1x16xf32>
        tpu.vector_store %arg7[%swap3A_264, %swap3A_265], %swap3A_268 {strides = array<i32>} : memref<80x256xf32, #tpu.memory_space<vmem>>, vector<1x16xf32>,
        %get3A_269 = arith.index_cast %add3A_102 : i32 to index
        %get3A_270 = arith.constant 192 : index
        %get3A_271 = tpu.vector_load %arg7[%get3A_269, %get3A_270] {strides = array<i32>} : memref<80x256xf32, #tpu.memory_space<vmem>>, vector<1x16xf32>,
        %get3A_272 = vector.shape_cast %get3A_271 : vector<1x16xf32> to vector<16xf32>
        %get3A_273 = arith.index_cast %add3A_102 : i32 to index
        %get3A_274 = arith.constant 192 : index
        %get3A_275 = tpu.vector_load %arg8[%get3A_273, %get3A_274] {strides = array<i32>} : memref<80x256xf32, #tpu.memory_space<vmem>>, vector<1x16xf32>,
        %get3A_276 = vector.shape_cast %get3A_275 : vector<1x16xf32> to vector<16xf32>
        %add3A_277 = arith.addf %get3A_272, %get3A_276 : vector<16xf32>
        %swap3A_278 = arith.index_cast %add3A_102 : i32 to index
        %swap3A_279 = arith.constant 192 : index
        %swap3A_280 = tpu.vector_load %arg7[%swap3A_278, %swap3A_279] {strides = array<i32>} : memref<80x256xf32, #tpu.memory_space<vmem>>, vector<1x16xf32>,
        %swap3A_281 = vector.shape_cast %swap3A_280 : vector<1x16xf32> to vector<16xf32>
        %swap3A_282 = vector.shape_cast %add3A_277 : vector<16xf32> to vector<1x16xf32>
        tpu.vector_store %arg7[%swap3A_278, %swap3A_279], %swap3A_282 {strides = array<i32>} : memref<80x256xf32, #tpu.memory_space<vmem>>, vector<1x16xf32>,
        %get3A_283 = arith.index_cast %add3A_102 : i32 to index
        %get3A_284 = arith.constant 208 : index
        %get3A_285 = tpu.vector_load %arg7[%get3A_283, %get3A_284] {strides = array<i32>} : memref<80x256xf32, #tpu.memory_space<vmem>>, vector<1x16xf32>,
        %get3A_286 = vector.shape_cast %get3A_285 : vector<1x16xf32> to vector<16xf32>
        %get3A_287 = arith.index_cast %add3A_102 : i32 to index
        %get3A_288 = arith.constant 208 : index
        %get3A_289 = tpu.vector_load %arg8[%get3A_287, %get3A_288] {strides = array<i32>} : memref<80x256xf32, #tpu.memory_space<vmem>>, vector<1x16xf32>,
        %get3A_290 = vector.shape_cast %get3A_289 : vector<1x16xf32> to vector<16xf32>
        %add3A_291 = arith.addf %get3A_286, %get3A_290 : vector<16xf32>
        %swap3A_292 = arith.index_cast %add3A_102 : i32 to index
        %swap3A_293 = arith.constant 208 : index
        %swap3A_294 = tpu.vector_load %arg7[%swap3A_292, %swap3A_293] {strides = array<i32>} : memref<80x256xf32, #tpu.memory_space<vmem>>, vector<1x16xf32>,
        %swap3A_295 = vector.shape_cast %swap3A_294 : vector<1x16xf32> to vector<16xf32>
        %swap3A_296 = vector.shape_cast %add3A_291 : vector<16xf32> to vector<1x16xf32>
        tpu.vector_store %arg7[%swap3A_292, %swap3A_293], %swap3A_296 {strides = array<i32>} : memref<80x256xf32, #tpu.memory_space<vmem>>, vector<1x16xf32>,
        %get3A_297 = arith.index_cast %add3A_102 : i32 to index
        %get3A_298 = arith.constant 224 : index
        %get3A_299 = tpu.vector_load %arg7[%get3A_297, %get3A_298] {strides = array<i32>} : memref<80x256xf32, #tpu.memory_space<vmem>>, vector<1x16xf32>,
        %get3A_300 = vector.shape_cast %get3A_299 : vector<1x16xf32> to vector<16xf32>
        %get3A_301 = arith.index_cast %add3A_102 : i32 to index
        %get3A_302 = arith.constant 224 : index
        %get3A_303 = tpu.vector_load %arg8[%get3A_301, %get3A_302] {strides = array<i32>} : memref<80x256xf32, #tpu.memory_space<vmem>>, vector<1x16xf32>,
        %get3A_304 = vector.shape_cast %get3A_303 : vector<1x16xf32> to vector<16xf32>
        %add3A_305 = arith.addf %get3A_300, %get3A_304 : vector<16xf32>
        %swap3A_306 = arith.index_cast %add3A_102 : i32 to index
        %swap3A_307 = arith.constant 224 : index
        %swap3A_308 = tpu.vector_load %arg7[%swap3A_306, %swap3A_307] {strides = array<i32>} : memref<80x256xf32, #tpu.memory_space<vmem>>, vector<1x16xf32>,
        %swap3A_309 = vector.shape_cast %swap3A_308 : vector<1x16xf32> to vector<16xf32>
        %swap3A_310 = vector.shape_cast %add3A_305 : vector<16xf32> to vector<1x16xf32>
        tpu.vector_store %arg7[%swap3A_306, %swap3A_307], %swap3A_310 {strides = array<i32>} : memref<80x256xf32, #tpu.memory_space<vmem>>, vector<1x16xf32>,
        %get3A_311 = arith.index_cast %add3A_102 : i32 to index
        %get3A_312 = arith.constant 240 : index
        %get3A_313 = tpu.vector_load %arg7[%get3A_311, %get3A_312] {strides = array<i32>} : memref<80x256xf32, #tpu.memory_space<vmem>>, vector<1x16xf32>,
        %get3A_314 = vector.shape_cast %get3A_313 : vector<1x16xf32> to vector<16xf32>
        %get3A_315 = arith.index_cast %add3A_102 : i32 to index
        %get3A_316 = arith.constant 240 : index
        %get3A_317 = tpu.vector_load %arg8[%get3A_315, %get3A_316] {strides = array<i32>} : memref<80x256xf32, #tpu.memory_space<vmem>>, vector<1x16xf32>,
        %get3A_318 = vector.shape_cast %get3A_317 : vector<1x16xf32> to vector<16xf32>
        %add3A_319 = arith.addf %get3A_314, %get3A_318 : vector<16xf32>
        %swap3A_320 = arith.index_cast %add3A_102 : i32 to index
        %swap3A_321 = arith.constant 240 : index
        %swap3A_322 = tpu.vector_load %arg7[%swap3A_320, %swap3A_321] {strides = array<i32>} : memref<80x256xf32, #tpu.memory_space<vmem>>, vector<1x16xf32>,
        %swap3A_323 = vector.shape_cast %swap3A_322 : vector<1x16xf32> to vector<16xf32>
        %swap3A_324 = vector.shape_cast %add3A_319 : vector<16xf32> to vector<1x16xf32>
        tpu.vector_store %arg7[%swap3A_320, %swap3A_321], %swap3A_324 {strides = array<i32>} : memref<80x256xf32, #tpu.memory_space<vmem>>, vector<1x16xf32>,
      }
      %scan3A_70 = arith.constant 80 : i32
      %mul3A_71 = arith.constant 80 : i32
      %mul3A_72 = arith.muli %mul3A_43, %mul3A_71 : i32
      %add3A_73 = arith.addi %mul3A_0, %mul3A_72 : i32
      "tpu.region"() ({
        %run_scoped3A = tpu.sem_alloc : memref<!tpu.dma_semaphore, #tpu.memory_space<semaphore_mem>>
        %dma_start3A_98 = arith.constant 0 : i32
        %dma_start3A_99 = tpu.memref_slice %arg4[%arg0, %add3A_73, %dma_start3A_98] : memref<2x160000x256xf32, #tpu.memory_space<hbm>> -> memref<1x80x256xf32, #tpu.memory_space<hbm>>
        %dma_start3A_100 = tpu.memref_squeeze %dma_start3A_99 : memref<1x80x256xf32, #tpu.memory_space<hbm>> -> memref<80x256xf32, #tpu.memory_space<hbm>>
        %dma_start3A_101 = arith.constant 0 : i32
        %dma_start3A_102 = tpu.memref_slice %arg4[%arg0, %add3A_73, %dma_start3A_101] : memref<2x160000x256xf32, #tpu.memory_space<hbm>> -> memref<1x80x256xf32, #tpu.memory_space<hbm>>
        %dma_start3A_103 = tpu.memref_squeeze %dma_start3A_102 : memref<1x80x256xf32, #tpu.memory_space<hbm>> -> memref<80x256xf32, #tpu.memory_space<hbm>>
        tpu.enqueue_dma source(%arg7 : memref<80x256xf32, #tpu.memory_space<vmem>>) target(%dma_start3A_103 : memref<80x256xf32, #tpu.memory_space<hbm>>) target_semaphore(%run_scoped3A : memref<!tpu.dma_semaphore, #tpu.memory_space<semaphore_mem>>)
        %dma_wait3A_104 = arith.constant 0 : i32
        %dma_wait3A_105 = tpu.memref_slice %arg4[%arg0, %add3A_73, %dma_wait3A_104] : memref<2x160000x256xf32, #tpu.memory_space<hbm>> -> memref<1x80x256xf32, #tpu.memory_space<hbm>>
        %dma_wait3A_106 = tpu.memref_squeeze %dma_wait3A_105 : memref<1x80x256xf32, #tpu.memory_space<hbm>> -> memref<80x256xf32, #tpu.memory_space<hbm>>
        %dma_wait3A_107 = arith.constant 0 : i32
        %dma_wait3A_108 = tpu.memref_slice %arg4[%arg0, %add3A_73, %dma_wait3A_107] : memref<2x160000x256xf32, #tpu.memory_space<hbm>> -> memref<1x80x256xf32, #tpu.memory_space<hbm>>
        %dma_wait3A_109 = tpu.memref_squeeze %dma_wait3A_108 : memref<1x80x256xf32, #tpu.memory_space<hbm>> -> memref<80x256xf32, #tpu.memory_space<hbm>>
        tpu.wait_dma2 semaphore(%run_scoped3A : memref<!tpu.dma_semaphore, #tpu.memory_space<semaphore_mem>>) src(%arg7 : memref<80x256xf32, #tpu.memory_space<vmem>>) dst(%dma_wait3A_109 : memref<80x256xf32, #tpu.memory_space<hbm>>)
        tpu.yield
      }) : () -> ()
      %add3A_74 = arith.constant 2 : i32
      %add3A_75 = arith.addi %mul3A_43, %add3A_74 : i32
      %lt3A = arith.constant 125 : i32
      %lt3A_76 = arith.cmpi slt, %add3A_75, %lt3A : i32
      %convert_element_type3A = arith.extui %lt3A_76 : i1 to i32
      %cond3A = arith.constant 0 : i32
      %cond3A_77 = arith.cmpi ne, %convert_element_type3A, %cond3A : i32
      scf.if %cond3A_77 {
        %add3A_98 = arith.constant 2 : i32
        %add3A_99 = arith.addi %mul3A_43, %add3A_98 : i32
        %mul3A_100 = arith.constant 80 : i32
        %mul3A_101 = arith.muli %add3A_99, %mul3A_100 : i32
        %dma_start3A_102 = tpu.memref_slice %arg5[%mul3A_101] : memref<10000xi32, #tpu.memory_space<vmem>> -> memref<80xi32, #tpu.memory_space<vmem>>
        %dma_start3A_103 = arith.constant 0 : i32
        %dma_start3A_104 = arith.constant 0 : i32
        %dma_start3A_105 = tpu.memref_slice %arg2[%dma_start3A_103, %dma_start3A_104] : memref<40000x256xf32, #tpu.memory_space<hbm>> -> memref<40000x256xf32, #tpu.memory_space<hbm>>
        tpu.enqueue_indirect_dma source(%dma_start3A_105 : memref<40000x256xf32, #tpu.memory_space<hbm>>) target(%arg7 : memref<80x256xf32, #tpu.memory_space<vmem>>) offsets(%dma_start3A_102 : memref<80xi32, #tpu.memory_space<vmem>>) semaphore(%arg11 : memref<!tpu.dma_semaphore, #tpu.memory_space<semaphore_mem>>)
        %dma_start3A_106 = tpu.memref_slice %arg6[%mul3A_101] : memref<10000xi32, #tpu.memory_space<vmem>> -> memref<80xi32, #tpu.memory_space<vmem>>
        %dma_start3A_107 = arith.constant 0 : i32
        %dma_start3A_108 = arith.constant 0 : i32
        %dma_start3A_109 = tpu.memref_slice %arg2[%dma_start3A_107, %dma_start3A_108] : memref<40000x256xf32, #tpu.memory_space<hbm>> -> memref<40000x256xf32, #tpu.memory_space<hbm>>
        tpu.enqueue_indirect_dma source(%dma_start3A_109 : memref<40000x256xf32, #tpu.memory_space<hbm>>) target(%arg8 : memref<80x256xf32, #tpu.memory_space<vmem>>) offsets(%dma_start3A_106 : memref<80xi32, #tpu.memory_space<vmem>>) semaphore(%arg12 : memref<!tpu.dma_semaphore, #tpu.memory_space<semaphore_mem>>)
      } else {
      }
      %add3A_78 = arith.constant 1 : i32
      %add3A_79 = arith.addi %mul3A_43, %add3A_78 : i32
      %mul3A_80 = arith.constant 80 : i32
      %mul3A_81 = arith.muli %add3A_79, %mul3A_80 : i32
      %dma_wait3A_82 = tpu.memref_slice %arg5[%mul3A_81] : memref<10000xi32, #tpu.memory_space<vmem>> -> memref<80xi32, #tpu.memory_space<vmem>>
      %dma_wait3A_83 = arith.constant 0 : i32
      %dma_wait3A_84 = arith.constant 0 : i32
      %dma_wait3A_85 = tpu.memref_slice %arg2[%dma_wait3A_83, %dma_wait3A_84] : memref<40000x256xf32, #tpu.memory_space<hbm>> -> memref<40000x256xf32, #tpu.memory_space<hbm>>
      tpu.wait_indirect_dma semaphore(%arg13 : memref<!tpu.dma_semaphore, #tpu.memory_space<semaphore_mem>>) src(%dma_wait3A_85 : memref<40000x256xf32, #tpu.memory_space<hbm>>) dst(%arg9 : memref<80x256xf32, #tpu.memory_space<vmem>>)
      %dma_wait3A_86 = tpu.memref_slice %arg6[%mul3A_81] : memref<10000xi32, #tpu.memory_space<vmem>> -> memref<80xi32, #tpu.memory_space<vmem>>
      %dma_wait3A_87 = arith.constant 0 : i32
      %dma_wait3A_88 = arith.constant 0 : i32
      %dma_wait3A_89 = tpu.memref_slice %arg2[%dma_wait3A_87, %dma_wait3A_88] : memref<40000x256xf32, #tpu.memory_space<hbm>> -> memref<40000x256xf32, #tpu.memory_space<hbm>>
      tpu.wait_indirect_dma semaphore(%arg14 : memref<!tpu.dma_semaphore, #tpu.memory_space<semaphore_mem>>) src(%dma_wait3A_89 : memref<40000x256xf32, #tpu.memory_space<hbm>>) dst(%arg10 : memref<80x256xf32, #tpu.memory_space<vmem>>)
      %scan3A_90 = arith.constant 0 : i32
      %scan3A_91 = arith.constant 80 : i32
      %scan3A_92 = arith.addi %scan3A_90, %scan3A_91 : i32
      %scan3A_93 = arith.constant 1 : i32
      scf.for %scan3A_98 = %scan3A_90 to %scan3A_92 step %scan3A_93  : i32 {
        %mul3A_99 = arith.constant 1 : i32
        %mul3A_100 = arith.muli %scan3A_98, %mul3A_99 : i32
        %add3A_101 = arith.constant 0 : i32
        %add3A_102 = arith.addi %add3A_101, %mul3A_100 : i32
        %get3A = arith.index_cast %add3A_102 : i32 to index
        %get3A_103 = arith.constant 0 : index
        %get3A_104 = tpu.vector_load %arg9[%get3A, %get3A_103] {strides = array<i32>} : memref<80x256xf32, #tpu.memory_space<vmem>>, vector<1x16xf32>,
        %get3A_105 = vector.shape_cast %get3A_104 : vector<1x16xf32> to vector<16xf32>
        %get3A_106 = arith.index_cast %add3A_102 : i32 to index
        %get3A_107 = arith.constant 0 : index
        %get3A_108 = tpu.vector_load %arg10[%get3A_106, %get3A_107] {strides = array<i32>} : memref<80x256xf32, #tpu.memory_space<vmem>>, vector<1x16xf32>,
        %get3A_109 = vector.shape_cast %get3A_108 : vector<1x16xf32> to vector<16xf32>
        %add3A_110 = arith.addf %get3A_105, %get3A_109 : vector<16xf32>
        %swap3A = arith.index_cast %add3A_102 : i32 to index
        %swap3A_111 = arith.constant 0 : index
        %swap3A_112 = tpu.vector_load %arg9[%swap3A, %swap3A_111] {strides = array<i32>} : memref<80x256xf32, #tpu.memory_space<vmem>>, vector<1x16xf32>,
        %swap3A_113 = vector.shape_cast %swap3A_112 : vector<1x16xf32> to vector<16xf32>
        %swap3A_114 = vector.shape_cast %add3A_110 : vector<16xf32> to vector<1x16xf32>
        tpu.vector_store %arg9[%swap3A, %swap3A_111], %swap3A_114 {strides = array<i32>} : memref<80x256xf32, #tpu.memory_space<vmem>>, vector<1x16xf32>,
        %get3A_115 = arith.index_cast %add3A_102 : i32 to index
        %get3A_116 = arith.constant 16 : index
        %get3A_117 = tpu.vector_load %arg9[%get3A_115, %get3A_116] {strides = array<i32>} : memref<80x256xf32, #tpu.memory_space<vmem>>, vector<1x16xf32>,
        %get3A_118 = vector.shape_cast %get3A_117 : vector<1x16xf32> to vector<16xf32>
        %get3A_119 = arith.index_cast %add3A_102 : i32 to index
        %get3A_120 = arith.constant 16 : index
        %get3A_121 = tpu.vector_load %arg10[%get3A_119, %get3A_120] {strides = array<i32>} : memref<80x256xf32, #tpu.memory_space<vmem>>, vector<1x16xf32>,
        %get3A_122 = vector.shape_cast %get3A_121 : vector<1x16xf32> to vector<16xf32>
        %add3A_123 = arith.addf %get3A_118, %get3A_122 : vector<16xf32>
        %swap3A_124 = arith.index_cast %add3A_102 : i32 to index
        %swap3A_125 = arith.constant 16 : index
        %swap3A_126 = tpu.vector_load %arg9[%swap3A_124, %swap3A_125] {strides = array<i32>} : memref<80x256xf32, #tpu.memory_space<vmem>>, vector<1x16xf32>,
        %swap3A_127 = vector.shape_cast %swap3A_126 : vector<1x16xf32> to vector<16xf32>
        %swap3A_128 = vector.shape_cast %add3A_123 : vector<16xf32> to vector<1x16xf32>
        tpu.vector_store %arg9[%swap3A_124, %swap3A_125], %swap3A_128 {strides = array<i32>} : memref<80x256xf32, #tpu.memory_space<vmem>>, vector<1x16xf32>,
        %get3A_129 = arith.index_cast %add3A_102 : i32 to index
        %get3A_130 = arith.constant 32 : index
        %get3A_131 = tpu.vector_load %arg9[%get3A_129, %get3A_130] {strides = array<i32>} : memref<80x256xf32, #tpu.memory_space<vmem>>, vector<1x16xf32>,
        %get3A_132 = vector.shape_cast %get3A_131 : vector<1x16xf32> to vector<16xf32>
        %get3A_133 = arith.index_cast %add3A_102 : i32 to index
        %get3A_134 = arith.constant 32 : index
        %get3A_135 = tpu.vector_load %arg10[%get3A_133, %get3A_134] {strides = array<i32>} : memref<80x256xf32, #tpu.memory_space<vmem>>, vector<1x16xf32>,
        %get3A_136 = vector.shape_cast %get3A_135 : vector<1x16xf32> to vector<16xf32>
        %add3A_137 = arith.addf %get3A_132, %get3A_136 : vector<16xf32>
        %swap3A_138 = arith.index_cast %add3A_102 : i32 to index
        %swap3A_139 = arith.constant 32 : index
        %swap3A_140 = tpu.vector_load %arg9[%swap3A_138, %swap3A_139] {strides = array<i32>} : memref<80x256xf32, #tpu.memory_space<vmem>>, vector<1x16xf32>,
        %swap3A_141 = vector.shape_cast %swap3A_140 : vector<1x16xf32> to vector<16xf32>
        %swap3A_142 = vector.shape_cast %add3A_137 : vector<16xf32> to vector<1x16xf32>
        tpu.vector_store %arg9[%swap3A_138, %swap3A_139], %swap3A_142 {strides = array<i32>} : memref<80x256xf32, #tpu.memory_space<vmem>>, vector<1x16xf32>,
        %get3A_143 = arith.index_cast %add3A_102 : i32 to index
        %get3A_144 = arith.constant 48 : index
        %get3A_145 = tpu.vector_load %arg9[%get3A_143, %get3A_144] {strides = array<i32>} : memref<80x256xf32, #tpu.memory_space<vmem>>, vector<1x16xf32>,
        %get3A_146 = vector.shape_cast %get3A_145 : vector<1x16xf32> to vector<16xf32>
        %get3A_147 = arith.index_cast %add3A_102 : i32 to index
        %get3A_148 = arith.constant 48 : index
        %get3A_149 = tpu.vector_load %arg10[%get3A_147, %get3A_148] {strides = array<i32>} : memref<80x256xf32, #tpu.memory_space<vmem>>, vector<1x16xf32>,
        %get3A_150 = vector.shape_cast %get3A_149 : vector<1x16xf32> to vector<16xf32>
        %add3A_151 = arith.addf %get3A_146, %get3A_150 : vector<16xf32>
        %swap3A_152 = arith.index_cast %add3A_102 : i32 to index
        %swap3A_153 = arith.constant 48 : index
        %swap3A_154 = tpu.vector_load %arg9[%swap3A_152, %swap3A_153] {strides = array<i32>} : memref<80x256xf32, #tpu.memory_space<vmem>>, vector<1x16xf32>,
        %swap3A_155 = vector.shape_cast %swap3A_154 : vector<1x16xf32> to vector<16xf32>
        %swap3A_156 = vector.shape_cast %add3A_151 : vector<16xf32> to vector<1x16xf32>
        tpu.vector_store %arg9[%swap3A_152, %swap3A_153], %swap3A_156 {strides = array<i32>} : memref<80x256xf32, #tpu.memory_space<vmem>>, vector<1x16xf32>,
        %get3A_157 = arith.index_cast %add3A_102 : i32 to index
        %get3A_158 = arith.constant 64 : index
        %get3A_159 = tpu.vector_load %arg9[%get3A_157, %get3A_158] {strides = array<i32>} : memref<80x256xf32, #tpu.memory_space<vmem>>, vector<1x16xf32>,
        %get3A_160 = vector.shape_cast %get3A_159 : vector<1x16xf32> to vector<16xf32>
        %get3A_161 = arith.index_cast %add3A_102 : i32 to index
        %get3A_162 = arith.constant 64 : index
        %get3A_163 = tpu.vector_load %arg10[%get3A_161, %get3A_162] {strides = array<i32>} : memref<80x256xf32, #tpu.memory_space<vmem>>, vector<1x16xf32>,
        %get3A_164 = vector.shape_cast %get3A_163 : vector<1x16xf32> to vector<16xf32>
        %add3A_165 = arith.addf %get3A_160, %get3A_164 : vector<16xf32>
        %swap3A_166 = arith.index_cast %add3A_102 : i32 to index
        %swap3A_167 = arith.constant 64 : index
        %swap3A_168 = tpu.vector_load %arg9[%swap3A_166, %swap3A_167] {strides = array<i32>} : memref<80x256xf32, #tpu.memory_space<vmem>>, vector<1x16xf32>,
        %swap3A_169 = vector.shape_cast %swap3A_168 : vector<1x16xf32> to vector<16xf32>
        %swap3A_170 = vector.shape_cast %add3A_165 : vector<16xf32> to vector<1x16xf32>
        tpu.vector_store %arg9[%swap3A_166, %swap3A_167], %swap3A_170 {strides = array<i32>} : memref<80x256xf32, #tpu.memory_space<vmem>>, vector<1x16xf32>,
        %get3A_171 = arith.index_cast %add3A_102 : i32 to index
        %get3A_172 = arith.constant 80 : index
        %get3A_173 = tpu.vector_load %arg9[%get3A_171, %get3A_172] {strides = array<i32>} : memref<80x256xf32, #tpu.memory_space<vmem>>, vector<1x16xf32>,
        %get3A_174 = vector.shape_cast %get3A_173 : vector<1x16xf32> to vector<16xf32>
        %get3A_175 = arith.index_cast %add3A_102 : i32 to index
        %get3A_176 = arith.constant 80 : index
        %get3A_177 = tpu.vector_load %arg10[%get3A_175, %get3A_176] {strides = array<i32>} : memref<80x256xf32, #tpu.memory_space<vmem>>, vector<1x16xf32>,
        %get3A_178 = vector.shape_cast %get3A_177 : vector<1x16xf32> to vector<16xf32>
        %add3A_179 = arith.addf %get3A_174, %get3A_178 : vector<16xf32>
        %swap3A_180 = arith.index_cast %add3A_102 : i32 to index
        %swap3A_181 = arith.constant 80 : index
        %swap3A_182 = tpu.vector_load %arg9[%swap3A_180, %swap3A_181] {strides = array<i32>} : memref<80x256xf32, #tpu.memory_space<vmem>>, vector<1x16xf32>,
        %swap3A_183 = vector.shape_cast %swap3A_182 : vector<1x16xf32> to vector<16xf32>
        %swap3A_184 = vector.shape_cast %add3A_179 : vector<16xf32> to vector<1x16xf32>
        tpu.vector_store %arg9[%swap3A_180, %swap3A_181], %swap3A_184 {strides = array<i32>} : memref<80x256xf32, #tpu.memory_space<vmem>>, vector<1x16xf32>,
        %get3A_185 = arith.index_cast %add3A_102 : i32 to index
        %get3A_186 = arith.constant 96 : index
        %get3A_187 = tpu.vector_load %arg9[%get3A_185, %get3A_186] {strides = array<i32>} : memref<80x256xf32, #tpu.memory_space<vmem>>, vector<1x16xf32>,
        %get3A_188 = vector.shape_cast %get3A_187 : vector<1x16xf32> to vector<16xf32>
        %get3A_189 = arith.index_cast %add3A_102 : i32 to index
        %get3A_190 = arith.constant 96 : index
        %get3A_191 = tpu.vector_load %arg10[%get3A_189, %get3A_190] {strides = array<i32>} : memref<80x256xf32, #tpu.memory_space<vmem>>, vector<1x16xf32>,
        %get3A_192 = vector.shape_cast %get3A_191 : vector<1x16xf32> to vector<16xf32>
        %add3A_193 = arith.addf %get3A_188, %get3A_192 : vector<16xf32>
        %swap3A_194 = arith.index_cast %add3A_102 : i32 to index
        %swap3A_195 = arith.constant 96 : index
        %swap3A_196 = tpu.vector_load %arg9[%swap3A_194, %swap3A_195] {strides = array<i32>} : memref<80x256xf32, #tpu.memory_space<vmem>>, vector<1x16xf32>,
        %swap3A_197 = vector.shape_cast %swap3A_196 : vector<1x16xf32> to vector<16xf32>
        %swap3A_198 = vector.shape_cast %add3A_193 : vector<16xf32> to vector<1x16xf32>
        tpu.vector_store %arg9[%swap3A_194, %swap3A_195], %swap3A_198 {strides = array<i32>} : memref<80x256xf32, #tpu.memory_space<vmem>>, vector<1x16xf32>,
        %get3A_199 = arith.index_cast %add3A_102 : i32 to index
        %get3A_200 = arith.constant 112 : index
        %get3A_201 = tpu.vector_load %arg9[%get3A_199, %get3A_200] {strides = array<i32>} : memref<80x256xf32, #tpu.memory_space<vmem>>, vector<1x16xf32>,
        %get3A_202 = vector.shape_cast %get3A_201 : vector<1x16xf32> to vector<16xf32>
        %get3A_203 = arith.index_cast %add3A_102 : i32 to index
        %get3A_204 = arith.constant 112 : index
        %get3A_205 = tpu.vector_load %arg10[%get3A_203, %get3A_204] {strides = array<i32>} : memref<80x256xf32, #tpu.memory_space<vmem>>, vector<1x16xf32>,
        %get3A_206 = vector.shape_cast %get3A_205 : vector<1x16xf32> to vector<16xf32>
        %add3A_207 = arith.addf %get3A_202, %get3A_206 : vector<16xf32>
        %swap3A_208 = arith.index_cast %add3A_102 : i32 to index
        %swap3A_209 = arith.constant 112 : index
        %swap3A_210 = tpu.vector_load %arg9[%swap3A_208, %swap3A_209] {strides = array<i32>} : memref<80x256xf32, #tpu.memory_space<vmem>>, vector<1x16xf32>,
        %swap3A_211 = vector.shape_cast %swap3A_210 : vector<1x16xf32> to vector<16xf32>
        %swap3A_212 = vector.shape_cast %add3A_207 : vector<16xf32> to vector<1x16xf32>
        tpu.vector_store %arg9[%swap3A_208, %swap3A_209], %swap3A_212 {strides = array<i32>} : memref<80x256xf32, #tpu.memory_space<vmem>>, vector<1x16xf32>,
        %get3A_213 = arith.index_cast %add3A_102 : i32 to index
        %get3A_214 = arith.constant 128 : index
        %get3A_215 = tpu.vector_load %arg9[%get3A_213, %get3A_214] {strides = array<i32>} : memref<80x256xf32, #tpu.memory_space<vmem>>, vector<1x16xf32>,
        %get3A_216 = vector.shape_cast %get3A_215 : vector<1x16xf32> to vector<16xf32>
        %get3A_217 = arith.index_cast %add3A_102 : i32 to index
        %get3A_218 = arith.constant 128 : index
        %get3A_219 = tpu.vector_load %arg10[%get3A_217, %get3A_218] {strides = array<i32>} : memref<80x256xf32, #tpu.memory_space<vmem>>, vector<1x16xf32>,
        %get3A_220 = vector.shape_cast %get3A_219 : vector<1x16xf32> to vector<16xf32>
        %add3A_221 = arith.addf %get3A_216, %get3A_220 : vector<16xf32>
        %swap3A_222 = arith.index_cast %add3A_102 : i32 to index
        %swap3A_223 = arith.constant 128 : index
        %swap3A_224 = tpu.vector_load %arg9[%swap3A_222, %swap3A_223] {strides = array<i32>} : memref<80x256xf32, #tpu.memory_space<vmem>>, vector<1x16xf32>,
        %swap3A_225 = vector.shape_cast %swap3A_224 : vector<1x16xf32> to vector<16xf32>
        %swap3A_226 = vector.shape_cast %add3A_221 : vector<16xf32> to vector<1x16xf32>
        tpu.vector_store %arg9[%swap3A_222, %swap3A_223], %swap3A_226 {strides = array<i32>} : memref<80x256xf32, #tpu.memory_space<vmem>>, vector<1x16xf32>,
        %get3A_227 = arith.index_cast %add3A_102 : i32 to index
        %get3A_228 = arith.constant 144 : index
        %get3A_229 = tpu.vector_load %arg9[%get3A_227, %get3A_228] {strides = array<i32>} : memref<80x256xf32, #tpu.memory_space<vmem>>, vector<1x16xf32>,
        %get3A_230 = vector.shape_cast %get3A_229 : vector<1x16xf32> to vector<16xf32>
        %get3A_231 = arith.index_cast %add3A_102 : i32 to index
        %get3A_232 = arith.constant 144 : index
        %get3A_233 = tpu.vector_load %arg10[%get3A_231, %get3A_232] {strides = array<i32>} : memref<80x256xf32, #tpu.memory_space<vmem>>, vector<1x16xf32>,
        %get3A_234 = vector.shape_cast %get3A_233 : vector<1x16xf32> to vector<16xf32>
        %add3A_235 = arith.addf %get3A_230, %get3A_234 : vector<16xf32>
        %swap3A_236 = arith.index_cast %add3A_102 : i32 to index
        %swap3A_237 = arith.constant 144 : index
        %swap3A_238 = tpu.vector_load %arg9[%swap3A_236, %swap3A_237] {strides = array<i32>} : memref<80x256xf32, #tpu.memory_space<vmem>>, vector<1x16xf32>,
        %swap3A_239 = vector.shape_cast %swap3A_238 : vector<1x16xf32> to vector<16xf32>
        %swap3A_240 = vector.shape_cast %add3A_235 : vector<16xf32> to vector<1x16xf32>
        tpu.vector_store %arg9[%swap3A_236, %swap3A_237], %swap3A_240 {strides = array<i32>} : memref<80x256xf32, #tpu.memory_space<vmem>>, vector<1x16xf32>,
        %get3A_241 = arith.index_cast %add3A_102 : i32 to index
        %get3A_242 = arith.constant 160 : index
        %get3A_243 = tpu.vector_load %arg9[%get3A_241, %get3A_242] {strides = array<i32>} : memref<80x256xf32, #tpu.memory_space<vmem>>, vector<1x16xf32>,
        %get3A_244 = vector.shape_cast %get3A_243 : vector<1x16xf32> to vector<16xf32>
        %get3A_245 = arith.index_cast %add3A_102 : i32 to index
        %get3A_246 = arith.constant 160 : index
        %get3A_247 = tpu.vector_load %arg10[%get3A_245, %get3A_246] {strides = array<i32>} : memref<80x256xf32, #tpu.memory_space<vmem>>, vector<1x16xf32>,
        %get3A_248 = vector.shape_cast %get3A_247 : vector<1x16xf32> to vector<16xf32>
        %add3A_249 = arith.addf %get3A_244, %get3A_248 : vector<16xf32>
        %swap3A_250 = arith.index_cast %add3A_102 : i32 to index
        %swap3A_251 = arith.constant 160 : index
        %swap3A_252 = tpu.vector_load %arg9[%swap3A_250, %swap3A_251] {strides = array<i32>} : memref<80x256xf32, #tpu.memory_space<vmem>>, vector<1x16xf32>,
        %swap3A_253 = vector.shape_cast %swap3A_252 : vector<1x16xf32> to vector<16xf32>
        %swap3A_254 = vector.shape_cast %add3A_249 : vector<16xf32> to vector<1x16xf32>
        tpu.vector_store %arg9[%swap3A_250, %swap3A_251], %swap3A_254 {strides = array<i32>} : memref<80x256xf32, #tpu.memory_space<vmem>>, vector<1x16xf32>,
        %get3A_255 = arith.index_cast %add3A_102 : i32 to index
        %get3A_256 = arith.constant 176 : index
        %get3A_257 = tpu.vector_load %arg9[%get3A_255, %get3A_256] {strides = array<i32>} : memref<80x256xf32, #tpu.memory_space<vmem>>, vector<1x16xf32>,
        %get3A_258 = vector.shape_cast %get3A_257 : vector<1x16xf32> to vector<16xf32>
        %get3A_259 = arith.index_cast %add3A_102 : i32 to index
        %get3A_260 = arith.constant 176 : index
        %get3A_261 = tpu.vector_load %arg10[%get3A_259, %get3A_260] {strides = array<i32>} : memref<80x256xf32, #tpu.memory_space<vmem>>, vector<1x16xf32>,
        %get3A_262 = vector.shape_cast %get3A_261 : vector<1x16xf32> to vector<16xf32>
        %add3A_263 = arith.addf %get3A_258, %get3A_262 : vector<16xf32>
        %swap3A_264 = arith.index_cast %add3A_102 : i32 to index
        %swap3A_265 = arith.constant 176 : index
        %swap3A_266 = tpu.vector_load %arg9[%swap3A_264, %swap3A_265] {strides = array<i32>} : memref<80x256xf32, #tpu.memory_space<vmem>>, vector<1x16xf32>,
        %swap3A_267 = vector.shape_cast %swap3A_266 : vector<1x16xf32> to vector<16xf32>
        %swap3A_268 = vector.shape_cast %add3A_263 : vector<16xf32> to vector<1x16xf32>
        tpu.vector_store %arg9[%swap3A_264, %swap3A_265], %swap3A_268 {strides = array<i32>} : memref<80x256xf32, #tpu.memory_space<vmem>>, vector<1x16xf32>,
        %get3A_269 = arith.index_cast %add3A_102 : i32 to index
        %get3A_270 = arith.constant 192 : index
        %get3A_271 = tpu.vector_load %arg9[%get3A_269, %get3A_270] {strides = array<i32>} : memref<80x256xf32, #tpu.memory_space<vmem>>, vector<1x16xf32>,
        %get3A_272 = vector.shape_cast %get3A_271 : vector<1x16xf32> to vector<16xf32>
        %get3A_273 = arith.index_cast %add3A_102 : i32 to index
        %get3A_274 = arith.constant 192 : index
        %get3A_275 = tpu.vector_load %arg10[%get3A_273, %get3A_274] {strides = array<i32>} : memref<80x256xf32, #tpu.memory_space<vmem>>, vector<1x16xf32>,
        %get3A_276 = vector.shape_cast %get3A_275 : vector<1x16xf32> to vector<16xf32>
        %add3A_277 = arith.addf %get3A_272, %get3A_276 : vector<16xf32>
        %swap3A_278 = arith.index_cast %add3A_102 : i32 to index
        %swap3A_279 = arith.constant 192 : index
        %swap3A_280 = tpu.vector_load %arg9[%swap3A_278, %swap3A_279] {strides = array<i32>} : memref<80x256xf32, #tpu.memory_space<vmem>>, vector<1x16xf32>,
        %swap3A_281 = vector.shape_cast %swap3A_280 : vector<1x16xf32> to vector<16xf32>
        %swap3A_282 = vector.shape_cast %add3A_277 : vector<16xf32> to vector<1x16xf32>
        tpu.vector_store %arg9[%swap3A_278, %swap3A_279], %swap3A_282 {strides = array<i32>} : memref<80x256xf32, #tpu.memory_space<vmem>>, vector<1x16xf32>,
        %get3A_283 = arith.index_cast %add3A_102 : i32 to index
        %get3A_284 = arith.constant 208 : index
        %get3A_285 = tpu.vector_load %arg9[%get3A_283, %get3A_284] {strides = array<i32>} : memref<80x256xf32, #tpu.memory_space<vmem>>, vector<1x16xf32>,
        %get3A_286 = vector.shape_cast %get3A_285 : vector<1x16xf32> to vector<16xf32>
        %get3A_287 = arith.index_cast %add3A_102 : i32 to index
        %get3A_288 = arith.constant 208 : index
        %get3A_289 = tpu.vector_load %arg10[%get3A_287, %get3A_288] {strides = array<i32>} : memref<80x256xf32, #tpu.memory_space<vmem>>, vector<1x16xf32>,
        %get3A_290 = vector.shape_cast %get3A_289 : vector<1x16xf32> to vector<16xf32>
        %add3A_291 = arith.addf %get3A_286, %get3A_290 : vector<16xf32>
        %swap3A_292 = arith.index_cast %add3A_102 : i32 to index
        %swap3A_293 = arith.constant 208 : index
        %swap3A_294 = tpu.vector_load %arg9[%swap3A_292, %swap3A_293] {strides = array<i32>} : memref<80x256xf32, #tpu.memory_space<vmem>>, vector<1x16xf32>,
        %swap3A_295 = vector.shape_cast %swap3A_294 : vector<1x16xf32> to vector<16xf32>
        %swap3A_296 = vector.shape_cast %add3A_291 : vector<16xf32> to vector<1x16xf32>
        tpu.vector_store %arg9[%swap3A_292, %swap3A_293], %swap3A_296 {strides = array<i32>} : memref<80x256xf32, #tpu.memory_space<vmem>>, vector<1x16xf32>,
        %get3A_297 = arith.index_cast %add3A_102 : i32 to index
        %get3A_298 = arith.constant 224 : index
        %get3A_299 = tpu.vector_load %arg9[%get3A_297, %get3A_298] {strides = array<i32>} : memref<80x256xf32, #tpu.memory_space<vmem>>, vector<1x16xf32>,
        %get3A_300 = vector.shape_cast %get3A_299 : vector<1x16xf32> to vector<16xf32>
        %get3A_301 = arith.index_cast %add3A_102 : i32 to index
        %get3A_302 = arith.constant 224 : index
        %get3A_303 = tpu.vector_load %arg10[%get3A_301, %get3A_302] {strides = array<i32>} : memref<80x256xf32, #tpu.memory_space<vmem>>, vector<1x16xf32>,
        %get3A_304 = vector.shape_cast %get3A_303 : vector<1x16xf32> to vector<16xf32>
        %add3A_305 = arith.addf %get3A_300, %get3A_304 : vector<16xf32>
        %swap3A_306 = arith.index_cast %add3A_102 : i32 to index
        %swap3A_307 = arith.constant 224 : index
        %swap3A_308 = tpu.vector_load %arg9[%swap3A_306, %swap3A_307] {strides = array<i32>} : memref<80x256xf32, #tpu.memory_space<vmem>>, vector<1x16xf32>,
        %swap3A_309 = vector.shape_cast %swap3A_308 : vector<1x16xf32> to vector<16xf32>
        %swap3A_310 = vector.shape_cast %add3A_305 : vector<16xf32> to vector<1x16xf32>
        tpu.vector_store %arg9[%swap3A_306, %swap3A_307], %swap3A_310 {strides = array<i32>} : memref<80x256xf32, #tpu.memory_space<vmem>>, vector<1x16xf32>,
        %get3A_311 = arith.index_cast %add3A_102 : i32 to index
        %get3A_312 = arith.constant 240 : index
        %get3A_313 = tpu.vector_load %arg9[%get3A_311, %get3A_312] {strides = array<i32>} : memref<80x256xf32, #tpu.memory_space<vmem>>, vector<1x16xf32>,
        %get3A_314 = vector.shape_cast %get3A_313 : vector<1x16xf32> to vector<16xf32>
        %get3A_315 = arith.index_cast %add3A_102 : i32 to index
        %get3A_316 = arith.constant 240 : index
        %get3A_317 = tpu.vector_load %arg10[%get3A_315, %get3A_316] {strides = array<i32>} : memref<80x256xf32, #tpu.memory_space<vmem>>, vector<1x16xf32>,
        %get3A_318 = vector.shape_cast %get3A_317 : vector<1x16xf32> to vector<16xf32>
        %add3A_319 = arith.addf %get3A_314, %get3A_318 : vector<16xf32>
        %swap3A_320 = arith.index_cast %add3A_102 : i32 to index
        %swap3A_321 = arith.constant 240 : index
        %swap3A_322 = tpu.vector_load %arg9[%swap3A_320, %swap3A_321] {strides = array<i32>} : memref<80x256xf32, #tpu.memory_space<vmem>>, vector<1x16xf32>,
        %swap3A_323 = vector.shape_cast %swap3A_322 : vector<1x16xf32> to vector<16xf32>
        %swap3A_324 = vector.shape_cast %add3A_319 : vector<16xf32> to vector<1x16xf32>
        tpu.vector_store %arg9[%swap3A_320, %swap3A_321], %swap3A_324 {strides = array<i32>} : memref<80x256xf32, #tpu.memory_space<vmem>>, vector<1x16xf32>,
      }
      %scan3A_94 = arith.constant 80 : i32
      %mul3A_95 = arith.constant 80 : i32
      %mul3A_96 = arith.muli %add3A_79, %mul3A_95 : i32
      %add3A_97 = arith.addi %mul3A_0, %mul3A_96 : i32
      "tpu.region"() ({
        %run_scoped3A = tpu.sem_alloc : memref<!tpu.dma_semaphore, #tpu.memory_space<semaphore_mem>>
        %dma_start3A_98 = arith.constant 0 : i32
        %dma_start3A_99 = tpu.memref_slice %arg4[%arg0, %add3A_97, %dma_start3A_98] : memref<2x160000x256xf32, #tpu.memory_space<hbm>> -> memref<1x80x256xf32, #tpu.memory_space<hbm>>
        %dma_start3A_100 = tpu.memref_squeeze %dma_start3A_99 : memref<1x80x256xf32, #tpu.memory_space<hbm>> -> memref<80x256xf32, #tpu.memory_space<hbm>>
        %dma_start3A_101 = arith.constant 0 : i32
        %dma_start3A_102 = tpu.memref_slice %arg4[%arg0, %add3A_97, %dma_start3A_101] : memref<2x160000x256xf32, #tpu.memory_space<hbm>> -> memref<1x80x256xf32, #tpu.memory_space<hbm>>
        %dma_start3A_103 = tpu.memref_squeeze %dma_start3A_102 : memref<1x80x256xf32, #tpu.memory_space<hbm>> -> memref<80x256xf32, #tpu.memory_space<hbm>>
        tpu.enqueue_dma source(%arg9 : memref<80x256xf32, #tpu.memory_space<vmem>>) target(%dma_start3A_103 : memref<80x256xf32, #tpu.memory_space<hbm>>) target_semaphore(%run_scoped3A : memref<!tpu.dma_semaphore, #tpu.memory_space<semaphore_mem>>)
        %dma_wait3A_104 = arith.constant 0 : i32
        %dma_wait3A_105 = tpu.memref_slice %arg4[%arg0, %add3A_97, %dma_wait3A_104] : memref<2x160000x256xf32, #tpu.memory_space<hbm>> -> memref<1x80x256xf32, #tpu.memory_space<hbm>>
        %dma_wait3A_106 = tpu.memref_squeeze %dma_wait3A_105 : memref<1x80x256xf32, #tpu.memory_space<hbm>> -> memref<80x256xf32, #tpu.memory_space<hbm>>
        %dma_wait3A_107 = arith.constant 0 : i32
        %dma_wait3A_108 = tpu.memref_slice %arg4[%arg0, %add3A_97, %dma_wait3A_107] : memref<2x160000x256xf32, #tpu.memory_space<hbm>> -> memref<1x80x256xf32, #tpu.memory_space<hbm>>
        %dma_wait3A_109 = tpu.memref_squeeze %dma_wait3A_108 : memref<1x80x256xf32, #tpu.memory_space<hbm>> -> memref<80x256xf32, #tpu.memory_space<hbm>>
        tpu.wait_dma2 semaphore(%run_scoped3A : memref<!tpu.dma_semaphore, #tpu.memory_space<semaphore_mem>>) src(%arg9 : memref<80x256xf32, #tpu.memory_space<vmem>>) dst(%dma_wait3A_109 : memref<80x256xf32, #tpu.memory_space<hbm>>)
        tpu.yield
      }) : () -> ()
    }
    %scan3A_20 = arith.constant 62 : i32
    %dma_wait3A = arith.constant 9920 : i32
    %dma_wait3A_21 = tpu.memref_slice %arg5[%dma_wait3A] : memref<10000xi32, #tpu.memory_space<vmem>> -> memref<80xi32, #tpu.memory_space<vmem>>
    %dma_wait3A_22 = arith.constant 0 : i32
    %dma_wait3A_23 = arith.constant 0 : i32
    %dma_wait3A_24 = tpu.memref_slice %arg2[%dma_wait3A_22, %dma_wait3A_23] : memref<40000x256xf32, #tpu.memory_space<hbm>> -> memref<40000x256xf32, #tpu.memory_space<hbm>>
    tpu.wait_indirect_dma semaphore(%arg11 : memref<!tpu.dma_semaphore, #tpu.memory_space<semaphore_mem>>) src(%dma_wait3A_24 : memref<40000x256xf32, #tpu.memory_space<hbm>>) dst(%arg7 : memref<80x256xf32, #tpu.memory_space<vmem>>)
    %dma_wait3A_25 = arith.constant 9920 : i32
    %dma_wait3A_26 = tpu.memref_slice %arg6[%dma_wait3A_25] : memref<10000xi32, #tpu.memory_space<vmem>> -> memref<80xi32, #tpu.memory_space<vmem>>
    %dma_wait3A_27 = arith.constant 0 : i32
    %dma_wait3A_28 = arith.constant 0 : i32
    %dma_wait3A_29 = tpu.memref_slice %arg2[%dma_wait3A_27, %dma_wait3A_28] : memref<40000x256xf32, #tpu.memory_space<hbm>> -> memref<40000x256xf32, #tpu.memory_space<hbm>>
    tpu.wait_indirect_dma semaphore(%arg12 : memref<!tpu.dma_semaphore, #tpu.memory_space<semaphore_mem>>) src(%dma_wait3A_29 : memref<40000x256xf32, #tpu.memory_space<hbm>>) dst(%arg8 : memref<80x256xf32, #tpu.memory_space<vmem>>)
    %scan3A_30 = arith.constant 0 : i32
    %scan3A_31 = arith.constant 80 : i32
    %scan3A_32 = arith.addi %scan3A_30, %scan3A_31 : i32
    %scan3A_33 = arith.constant 1 : i32
    scf.for %scan3A_37 = %scan3A_30 to %scan3A_32 step %scan3A_33  : i32 {
      %mul3A_38 = arith.constant 1 : i32
      %mul3A_39 = arith.muli %scan3A_37, %mul3A_38 : i32
      %add3A_40 = arith.constant 0 : i32
      %add3A_41 = arith.addi %add3A_40, %mul3A_39 : i32
      %get3A = arith.index_cast %add3A_41 : i32 to index
      %get3A_42 = arith.constant 0 : index
      %get3A_43 = tpu.vector_load %arg7[%get3A, %get3A_42] {strides = array<i32>} : memref<80x256xf32, #tpu.memory_space<vmem>>, vector<1x16xf32>,
      %get3A_44 = vector.shape_cast %get3A_43 : vector<1x16xf32> to vector<16xf32>
      %get3A_45 = arith.index_cast %add3A_41 : i32 to index
      %get3A_46 = arith.constant 0 : index
      %get3A_47 = tpu.vector_load %arg8[%get3A_45, %get3A_46] {strides = array<i32>} : memref<80x256xf32, #tpu.memory_space<vmem>>, vector<1x16xf32>,
      %get3A_48 = vector.shape_cast %get3A_47 : vector<1x16xf32> to vector<16xf32>
      %add3A_49 = arith.addf %get3A_44, %get3A_48 : vector<16xf32>
      %swap3A = arith.index_cast %add3A_41 : i32 to index
      %swap3A_50 = arith.constant 0 : index
      %swap3A_51 = tpu.vector_load %arg7[%swap3A, %swap3A_50] {strides = array<i32>} : memref<80x256xf32, #tpu.memory_space<vmem>>, vector<1x16xf32>,
      %swap3A_52 = vector.shape_cast %swap3A_51 : vector<1x16xf32> to vector<16xf32>
      %swap3A_53 = vector.shape_cast %add3A_49 : vector<16xf32> to vector<1x16xf32>
      tpu.vector_store %arg7[%swap3A, %swap3A_50], %swap3A_53 {strides = array<i32>} : memref<80x256xf32, #tpu.memory_space<vmem>>, vector<1x16xf32>,
      %get3A_54 = arith.index_cast %add3A_41 : i32 to index
      %get3A_55 = arith.constant 16 : index
      %get3A_56 = tpu.vector_load %arg7[%get3A_54, %get3A_55] {strides = array<i32>} : memref<80x256xf32, #tpu.memory_space<vmem>>, vector<1x16xf32>,
      %get3A_57 = vector.shape_cast %get3A_56 : vector<1x16xf32> to vector<16xf32>
      %get3A_58 = arith.index_cast %add3A_41 : i32 to index
      %get3A_59 = arith.constant 16 : index
      %get3A_60 = tpu.vector_load %arg8[%get3A_58, %get3A_59] {strides = array<i32>} : memref<80x256xf32, #tpu.memory_space<vmem>>, vector<1x16xf32>,
      %get3A_61 = vector.shape_cast %get3A_60 : vector<1x16xf32> to vector<16xf32>
      %add3A_62 = arith.addf %get3A_57, %get3A_61 : vector<16xf32>
      %swap3A_63 = arith.index_cast %add3A_41 : i32 to index
      %swap3A_64 = arith.constant 16 : index
      %swap3A_65 = tpu.vector_load %arg7[%swap3A_63, %swap3A_64] {strides = array<i32>} : memref<80x256xf32, #tpu.memory_space<vmem>>, vector<1x16xf32>,
      %swap3A_66 = vector.shape_cast %swap3A_65 : vector<1x16xf32> to vector<16xf32>
      %swap3A_67 = vector.shape_cast %add3A_62 : vector<16xf32> to vector<1x16xf32>
      tpu.vector_store %arg7[%swap3A_63, %swap3A_64], %swap3A_67 {strides = array<i32>} : memref<80x256xf32, #tpu.memory_space<vmem>>, vector<1x16xf32>,
      %get3A_68 = arith.index_cast %add3A_41 : i32 to index
      %get3A_69 = arith.constant 32 : index
      %get3A_70 = tpu.vector_load %arg7[%get3A_68, %get3A_69] {strides = array<i32>} : memref<80x256xf32, #tpu.memory_space<vmem>>, vector<1x16xf32>,
      %get3A_71 = vector.shape_cast %get3A_70 : vector<1x16xf32> to vector<16xf32>
      %get3A_72 = arith.index_cast %add3A_41 : i32 to index
      %get3A_73 = arith.constant 32 : index
      %get3A_74 = tpu.vector_load %arg8[%get3A_72, %get3A_73] {strides = array<i32>} : memref<80x256xf32, #tpu.memory_space<vmem>>, vector<1x16xf32>,
      %get3A_75 = vector.shape_cast %get3A_74 : vector<1x16xf32> to vector<16xf32>
      %add3A_76 = arith.addf %get3A_71, %get3A_75 : vector<16xf32>
      %swap3A_77 = arith.index_cast %add3A_41 : i32 to index
      %swap3A_78 = arith.constant 32 : index
      %swap3A_79 = tpu.vector_load %arg7[%swap3A_77, %swap3A_78] {strides = array<i32>} : memref<80x256xf32, #tpu.memory_space<vmem>>, vector<1x16xf32>,
      %swap3A_80 = vector.shape_cast %swap3A_79 : vector<1x16xf32> to vector<16xf32>
      %swap3A_81 = vector.shape_cast %add3A_76 : vector<16xf32> to vector<1x16xf32>
      tpu.vector_store %arg7[%swap3A_77, %swap3A_78], %swap3A_81 {strides = array<i32>} : memref<80x256xf32, #tpu.memory_space<vmem>>, vector<1x16xf32>,
      %get3A_82 = arith.index_cast %add3A_41 : i32 to index
      %get3A_83 = arith.constant 48 : index
      %get3A_84 = tpu.vector_load %arg7[%get3A_82, %get3A_83] {strides = array<i32>} : memref<80x256xf32, #tpu.memory_space<vmem>>, vector<1x16xf32>,
      %get3A_85 = vector.shape_cast %get3A_84 : vector<1x16xf32> to vector<16xf32>
      %get3A_86 = arith.index_cast %add3A_41 : i32 to index
      %get3A_87 = arith.constant 48 : index
      %get3A_88 = tpu.vector_load %arg8[%get3A_86, %get3A_87] {strides = array<i32>} : memref<80x256xf32, #tpu.memory_space<vmem>>, vector<1x16xf32>,
      %get3A_89 = vector.shape_cast %get3A_88 : vector<1x16xf32> to vector<16xf32>
      %add3A_90 = arith.addf %get3A_85, %get3A_89 : vector<16xf32>
      %swap3A_91 = arith.index_cast %add3A_41 : i32 to index
      %swap3A_92 = arith.constant 48 : index
      %swap3A_93 = tpu.vector_load %arg7[%swap3A_91, %swap3A_92] {strides = array<i32>} : memref<80x256xf32, #tpu.memory_space<vmem>>, vector<1x16xf32>,
      %swap3A_94 = vector.shape_cast %swap3A_93 : vector<1x16xf32> to vector<16xf32>
      %swap3A_95 = vector.shape_cast %add3A_90 : vector<16xf32> to vector<1x16xf32>
      tpu.vector_store %arg7[%swap3A_91, %swap3A_92], %swap3A_95 {strides = array<i32>} : memref<80x256xf32, #tpu.memory_space<vmem>>, vector<1x16xf32>,
      %get3A_96 = arith.index_cast %add3A_41 : i32 to index
      %get3A_97 = arith.constant 64 : index
      %get3A_98 = tpu.vector_load %arg7[%get3A_96, %get3A_97] {strides = array<i32>} : memref<80x256xf32, #tpu.memory_space<vmem>>, vector<1x16xf32>,
      %get3A_99 = vector.shape_cast %get3A_98 : vector<1x16xf32> to vector<16xf32>
      %get3A_100 = arith.index_cast %add3A_41 : i32 to index
      %get3A_101 = arith.constant 64 : index
      %get3A_102 = tpu.vector_load %arg8[%get3A_100, %get3A_101] {strides = array<i32>} : memref<80x256xf32, #tpu.memory_space<vmem>>, vector<1x16xf32>,
      %get3A_103 = vector.shape_cast %get3A_102 : vector<1x16xf32> to vector<16xf32>
      %add3A_104 = arith.addf %get3A_99, %get3A_103 : vector<16xf32>
      %swap3A_105 = arith.index_cast %add3A_41 : i32 to index
      %swap3A_106 = arith.constant 64 : index
      %swap3A_107 = tpu.vector_load %arg7[%swap3A_105, %swap3A_106] {strides = array<i32>} : memref<80x256xf32, #tpu.memory_space<vmem>>, vector<1x16xf32>,
      %swap3A_108 = vector.shape_cast %swap3A_107 : vector<1x16xf32> to vector<16xf32>
      %swap3A_109 = vector.shape_cast %add3A_104 : vector<16xf32> to vector<1x16xf32>
      tpu.vector_store %arg7[%swap3A_105, %swap3A_106], %swap3A_109 {strides = array<i32>} : memref<80x256xf32, #tpu.memory_space<vmem>>, vector<1x16xf32>,
      %get3A_110 = arith.index_cast %add3A_41 : i32 to index
      %get3A_111 = arith.constant 80 : index
      %get3A_112 = tpu.vector_load %arg7[%get3A_110, %get3A_111] {strides = array<i32>} : memref<80x256xf32, #tpu.memory_space<vmem>>, vector<1x16xf32>,
      %get3A_113 = vector.shape_cast %get3A_112 : vector<1x16xf32> to vector<16xf32>
      %get3A_114 = arith.index_cast %add3A_41 : i32 to index
      %get3A_115 = arith.constant 80 : index
      %get3A_116 = tpu.vector_load %arg8[%get3A_114, %get3A_115] {strides = array<i32>} : memref<80x256xf32, #tpu.memory_space<vmem>>, vector<1x16xf32>,
      %get3A_117 = vector.shape_cast %get3A_116 : vector<1x16xf32> to vector<16xf32>
      %add3A_118 = arith.addf %get3A_113, %get3A_117 : vector<16xf32>
      %swap3A_119 = arith.index_cast %add3A_41 : i32 to index
      %swap3A_120 = arith.constant 80 : index
      %swap3A_121 = tpu.vector_load %arg7[%swap3A_119, %swap3A_120] {strides = array<i32>} : memref<80x256xf32, #tpu.memory_space<vmem>>, vector<1x16xf32>,
      %swap3A_122 = vector.shape_cast %swap3A_121 : vector<1x16xf32> to vector<16xf32>
      %swap3A_123 = vector.shape_cast %add3A_118 : vector<16xf32> to vector<1x16xf32>
      tpu.vector_store %arg7[%swap3A_119, %swap3A_120], %swap3A_123 {strides = array<i32>} : memref<80x256xf32, #tpu.memory_space<vmem>>, vector<1x16xf32>,
      %get3A_124 = arith.index_cast %add3A_41 : i32 to index
      %get3A_125 = arith.constant 96 : index
      %get3A_126 = tpu.vector_load %arg7[%get3A_124, %get3A_125] {strides = array<i32>} : memref<80x256xf32, #tpu.memory_space<vmem>>, vector<1x16xf32>,
      %get3A_127 = vector.shape_cast %get3A_126 : vector<1x16xf32> to vector<16xf32>
      %get3A_128 = arith.index_cast %add3A_41 : i32 to index
      %get3A_129 = arith.constant 96 : index
      %get3A_130 = tpu.vector_load %arg8[%get3A_128, %get3A_129] {strides = array<i32>} : memref<80x256xf32, #tpu.memory_space<vmem>>, vector<1x16xf32>,
      %get3A_131 = vector.shape_cast %get3A_130 : vector<1x16xf32> to vector<16xf32>
      %add3A_132 = arith.addf %get3A_127, %get3A_131 : vector<16xf32>
      %swap3A_133 = arith.index_cast %add3A_41 : i32 to index
      %swap3A_134 = arith.constant 96 : index
      %swap3A_135 = tpu.vector_load %arg7[%swap3A_133, %swap3A_134] {strides = array<i32>} : memref<80x256xf32, #tpu.memory_space<vmem>>, vector<1x16xf32>,
      %swap3A_136 = vector.shape_cast %swap3A_135 : vector<1x16xf32> to vector<16xf32>
      %swap3A_137 = vector.shape_cast %add3A_132 : vector<16xf32> to vector<1x16xf32>
      tpu.vector_store %arg7[%swap3A_133, %swap3A_134], %swap3A_137 {strides = array<i32>} : memref<80x256xf32, #tpu.memory_space<vmem>>, vector<1x16xf32>,
      %get3A_138 = arith.index_cast %add3A_41 : i32 to index
      %get3A_139 = arith.constant 112 : index
      %get3A_140 = tpu.vector_load %arg7[%get3A_138, %get3A_139] {strides = array<i32>} : memref<80x256xf32, #tpu.memory_space<vmem>>, vector<1x16xf32>,
      %get3A_141 = vector.shape_cast %get3A_140 : vector<1x16xf32> to vector<16xf32>
      %get3A_142 = arith.index_cast %add3A_41 : i32 to index
      %get3A_143 = arith.constant 112 : index
      %get3A_144 = tpu.vector_load %arg8[%get3A_142, %get3A_143] {strides = array<i32>} : memref<80x256xf32, #tpu.memory_space<vmem>>, vector<1x16xf32>,
      %get3A_145 = vector.shape_cast %get3A_144 : vector<1x16xf32> to vector<16xf32>
      %add3A_146 = arith.addf %get3A_141, %get3A_145 : vector<16xf32>
      %swap3A_147 = arith.index_cast %add3A_41 : i32 to index
      %swap3A_148 = arith.constant 112 : index
      %swap3A_149 = tpu.vector_load %arg7[%swap3A_147, %swap3A_148] {strides = array<i32>} : memref<80x256xf32, #tpu.memory_space<vmem>>, vector<1x16xf32>,
      %swap3A_150 = vector.shape_cast %swap3A_149 : vector<1x16xf32> to vector<16xf32>
      %swap3A_151 = vector.shape_cast %add3A_146 : vector<16xf32> to vector<1x16xf32>
      tpu.vector_store %arg7[%swap3A_147, %swap3A_148], %swap3A_151 {strides = array<i32>} : memref<80x256xf32, #tpu.memory_space<vmem>>, vector<1x16xf32>,
      %get3A_152 = arith.index_cast %add3A_41 : i32 to index
      %get3A_153 = arith.constant 128 : index
      %get3A_154 = tpu.vector_load %arg7[%get3A_152, %get3A_153] {strides = array<i32>} : memref<80x256xf32, #tpu.memory_space<vmem>>, vector<1x16xf32>,
      %get3A_155 = vector.shape_cast %get3A_154 : vector<1x16xf32> to vector<16xf32>
      %get3A_156 = arith.index_cast %add3A_41 : i32 to index
      %get3A_157 = arith.constant 128 : index
      %get3A_158 = tpu.vector_load %arg8[%get3A_156, %get3A_157] {strides = array<i32>} : memref<80x256xf32, #tpu.memory_space<vmem>>, vector<1x16xf32>,
      %get3A_159 = vector.shape_cast %get3A_158 : vector<1x16xf32> to vector<16xf32>
      %add3A_160 = arith.addf %get3A_155, %get3A_159 : vector<16xf32>
      %swap3A_161 = arith.index_cast %add3A_41 : i32 to index
      %swap3A_162 = arith.constant 128 : index
      %swap3A_163 = tpu.vector_load %arg7[%swap3A_161, %swap3A_162] {strides = array<i32>} : memref<80x256xf32, #tpu.memory_space<vmem>>, vector<1x16xf32>,
      %swap3A_164 = vector.shape_cast %swap3A_163 : vector<1x16xf32> to vector<16xf32>
      %swap3A_165 = vector.shape_cast %add3A_160 : vector<16xf32> to vector<1x16xf32>
      tpu.vector_store %arg7[%swap3A_161, %swap3A_162], %swap3A_165 {strides = array<i32>} : memref<80x256xf32, #tpu.memory_space<vmem>>, vector<1x16xf32>,
      %get3A_166 = arith.index_cast %add3A_41 : i32 to index
      %get3A_167 = arith.constant 144 : index
      %get3A_168 = tpu.vector_load %arg7[%get3A_166, %get3A_167] {strides = array<i32>} : memref<80x256xf32, #tpu.memory_space<vmem>>, vector<1x16xf32>,
      %get3A_169 = vector.shape_cast %get3A_168 : vector<1x16xf32> to vector<16xf32>
      %get3A_170 = arith.index_cast %add3A_41 : i32 to index
      %get3A_171 = arith.constant 144 : index
      %get3A_172 = tpu.vector_load %arg8[%get3A_170, %get3A_171] {strides = array<i32>} : memref<80x256xf32, #tpu.memory_space<vmem>>, vector<1x16xf32>,
      %get3A_173 = vector.shape_cast %get3A_172 : vector<1x16xf32> to vector<16xf32>
      %add3A_174 = arith.addf %get3A_169, %get3A_173 : vector<16xf32>
      %swap3A_175 = arith.index_cast %add3A_41 : i32 to index
      %swap3A_176 = arith.constant 144 : index
      %swap3A_177 = tpu.vector_load %arg7[%swap3A_175, %swap3A_176] {strides = array<i32>} : memref<80x256xf32, #tpu.memory_space<vmem>>, vector<1x16xf32>,
      %swap3A_178 = vector.shape_cast %swap3A_177 : vector<1x16xf32> to vector<16xf32>
      %swap3A_179 = vector.shape_cast %add3A_174 : vector<16xf32> to vector<1x16xf32>
      tpu.vector_store %arg7[%swap3A_175, %swap3A_176], %swap3A_179 {strides = array<i32>} : memref<80x256xf32, #tpu.memory_space<vmem>>, vector<1x16xf32>,
      %get3A_180 = arith.index_cast %add3A_41 : i32 to index
      %get3A_181 = arith.constant 160 : index
      %get3A_182 = tpu.vector_load %arg7[%get3A_180, %get3A_181] {strides = array<i32>} : memref<80x256xf32, #tpu.memory_space<vmem>>, vector<1x16xf32>,
      %get3A_183 = vector.shape_cast %get3A_182 : vector<1x16xf32> to vector<16xf32>
      %get3A_184 = arith.index_cast %add3A_41 : i32 to index
      %get3A_185 = arith.constant 160 : index
      %get3A_186 = tpu.vector_load %arg8[%get3A_184, %get3A_185] {strides = array<i32>} : memref<80x256xf32, #tpu.memory_space<vmem>>, vector<1x16xf32>,
      %get3A_187 = vector.shape_cast %get3A_186 : vector<1x16xf32> to vector<16xf32>
      %add3A_188 = arith.addf %get3A_183, %get3A_187 : vector<16xf32>
      %swap3A_189 = arith.index_cast %add3A_41 : i32 to index
      %swap3A_190 = arith.constant 160 : index
      %swap3A_191 = tpu.vector_load %arg7[%swap3A_189, %swap3A_190] {strides = array<i32>} : memref<80x256xf32, #tpu.memory_space<vmem>>, vector<1x16xf32>,
      %swap3A_192 = vector.shape_cast %swap3A_191 : vector<1x16xf32> to vector<16xf32>
      %swap3A_193 = vector.shape_cast %add3A_188 : vector<16xf32> to vector<1x16xf32>
      tpu.vector_store %arg7[%swap3A_189, %swap3A_190], %swap3A_193 {strides = array<i32>} : memref<80x256xf32, #tpu.memory_space<vmem>>, vector<1x16xf32>,
      %get3A_194 = arith.index_cast %add3A_41 : i32 to index
      %get3A_195 = arith.constant 176 : index
      %get3A_196 = tpu.vector_load %arg7[%get3A_194, %get3A_195] {strides = array<i32>} : memref<80x256xf32, #tpu.memory_space<vmem>>, vector<1x16xf32>,
      %get3A_197 = vector.shape_cast %get3A_196 : vector<1x16xf32> to vector<16xf32>
      %get3A_198 = arith.index_cast %add3A_41 : i32 to index
      %get3A_199 = arith.constant 176 : index
      %get3A_200 = tpu.vector_load %arg8[%get3A_198, %get3A_199] {strides = array<i32>} : memref<80x256xf32, #tpu.memory_space<vmem>>, vector<1x16xf32>,
      %get3A_201 = vector.shape_cast %get3A_200 : vector<1x16xf32> to vector<16xf32>
      %add3A_202 = arith.addf %get3A_197, %get3A_201 : vector<16xf32>
      %swap3A_203 = arith.index_cast %add3A_41 : i32 to index
      %swap3A_204 = arith.constant 176 : index
      %swap3A_205 = tpu.vector_load %arg7[%swap3A_203, %swap3A_204] {strides = array<i32>} : memref<80x256xf32, #tpu.memory_space<vmem>>, vector<1x16xf32>,
      %swap3A_206 = vector.shape_cast %swap3A_205 : vector<1x16xf32> to vector<16xf32>
      %swap3A_207 = vector.shape_cast %add3A_202 : vector<16xf32> to vector<1x16xf32>
      tpu.vector_store %arg7[%swap3A_203, %swap3A_204], %swap3A_207 {strides = array<i32>} : memref<80x256xf32, #tpu.memory_space<vmem>>, vector<1x16xf32>,
      %get3A_208 = arith.index_cast %add3A_41 : i32 to index
      %get3A_209 = arith.constant 192 : index
      %get3A_210 = tpu.vector_load %arg7[%get3A_208, %get3A_209] {strides = array<i32>} : memref<80x256xf32, #tpu.memory_space<vmem>>, vector<1x16xf32>,
      %get3A_211 = vector.shape_cast %get3A_210 : vector<1x16xf32> to vector<16xf32>
      %get3A_212 = arith.index_cast %add3A_41 : i32 to index
      %get3A_213 = arith.constant 192 : index
      %get3A_214 = tpu.vector_load %arg8[%get3A_212, %get3A_213] {strides = array<i32>} : memref<80x256xf32, #tpu.memory_space<vmem>>, vector<1x16xf32>,
      %get3A_215 = vector.shape_cast %get3A_214 : vector<1x16xf32> to vector<16xf32>
      %add3A_216 = arith.addf %get3A_211, %get3A_215 : vector<16xf32>
      %swap3A_217 = arith.index_cast %add3A_41 : i32 to index
      %swap3A_218 = arith.constant 192 : index
      %swap3A_219 = tpu.vector_load %arg7[%swap3A_217, %swap3A_218] {strides = array<i32>} : memref<80x256xf32, #tpu.memory_space<vmem>>, vector<1x16xf32>,
      %swap3A_220 = vector.shape_cast %swap3A_219 : vector<1x16xf32> to vector<16xf32>
      %swap3A_221 = vector.shape_cast %add3A_216 : vector<16xf32> to vector<1x16xf32>
      tpu.vector_store %arg7[%swap3A_217, %swap3A_218], %swap3A_221 {strides = array<i32>} : memref<80x256xf32, #tpu.memory_space<vmem>>, vector<1x16xf32>,
      %get3A_222 = arith.index_cast %add3A_41 : i32 to index
      %get3A_223 = arith.constant 208 : index
      %get3A_224 = tpu.vector_load %arg7[%get3A_222, %get3A_223] {strides = array<i32>} : memref<80x256xf32, #tpu.memory_space<vmem>>, vector<1x16xf32>,
      %get3A_225 = vector.shape_cast %get3A_224 : vector<1x16xf32> to vector<16xf32>
      %get3A_226 = arith.index_cast %add3A_41 : i32 to index
      %get3A_227 = arith.constant 208 : index
      %get3A_228 = tpu.vector_load %arg8[%get3A_226, %get3A_227] {strides = array<i32>} : memref<80x256xf32, #tpu.memory_space<vmem>>, vector<1x16xf32>,
      %get3A_229 = vector.shape_cast %get3A_228 : vector<1x16xf32> to vector<16xf32>
      %add3A_230 = arith.addf %get3A_225, %get3A_229 : vector<16xf32>
      %swap3A_231 = arith.index_cast %add3A_41 : i32 to index
      %swap3A_232 = arith.constant 208 : index
      %swap3A_233 = tpu.vector_load %arg7[%swap3A_231, %swap3A_232] {strides = array<i32>} : memref<80x256xf32, #tpu.memory_space<vmem>>, vector<1x16xf32>,
      %swap3A_234 = vector.shape_cast %swap3A_233 : vector<1x16xf32> to vector<16xf32>
      %swap3A_235 = vector.shape_cast %add3A_230 : vector<16xf32> to vector<1x16xf32>
      tpu.vector_store %arg7[%swap3A_231, %swap3A_232], %swap3A_235 {strides = array<i32>} : memref<80x256xf32, #tpu.memory_space<vmem>>, vector<1x16xf32>,
      %get3A_236 = arith.index_cast %add3A_41 : i32 to index
      %get3A_237 = arith.constant 224 : index
      %get3A_238 = tpu.vector_load %arg7[%get3A_236, %get3A_237] {strides = array<i32>} : memref<80x256xf32, #tpu.memory_space<vmem>>, vector<1x16xf32>,
      %get3A_239 = vector.shape_cast %get3A_238 : vector<1x16xf32> to vector<16xf32>
      %get3A_240 = arith.index_cast %add3A_41 : i32 to index
      %get3A_241 = arith.constant 224 : index
      %get3A_242 = tpu.vector_load %arg8[%get3A_240, %get3A_241] {strides = array<i32>} : memref<80x256xf32, #tpu.memory_space<vmem>>, vector<1x16xf32>,
      %get3A_243 = vector.shape_cast %get3A_242 : vector<1x16xf32> to vector<16xf32>
      %add3A_244 = arith.addf %get3A_239, %get3A_243 : vector<16xf32>
      %swap3A_245 = arith.index_cast %add3A_41 : i32 to index
      %swap3A_246 = arith.constant 224 : index
      %swap3A_247 = tpu.vector_load %arg7[%swap3A_245, %swap3A_246] {strides = array<i32>} : memref<80x256xf32, #tpu.memory_space<vmem>>, vector<1x16xf32>,
      %swap3A_248 = vector.shape_cast %swap3A_247 : vector<1x16xf32> to vector<16xf32>
      %swap3A_249 = vector.shape_cast %add3A_244 : vector<16xf32> to vector<1x16xf32>
      tpu.vector_store %arg7[%swap3A_245, %swap3A_246], %swap3A_249 {strides = array<i32>} : memref<80x256xf32, #tpu.memory_space<vmem>>, vector<1x16xf32>,
      %get3A_250 = arith.index_cast %add3A_41 : i32 to index
      %get3A_251 = arith.constant 240 : index
      %get3A_252 = tpu.vector_load %arg7[%get3A_250, %get3A_251] {strides = array<i32>} : memref<80x256xf32, #tpu.memory_space<vmem>>, vector<1x16xf32>,
      %get3A_253 = vector.shape_cast %get3A_252 : vector<1x16xf32> to vector<16xf32>
      %get3A_254 = arith.index_cast %add3A_41 : i32 to index
      %get3A_255 = arith.constant 240 : index
      %get3A_256 = tpu.vector_load %arg8[%get3A_254, %get3A_255] {strides = array<i32>} : memref<80x256xf32, #tpu.memory_space<vmem>>, vector<1x16xf32>,
      %get3A_257 = vector.shape_cast %get3A_256 : vector<1x16xf32> to vector<16xf32>
      %add3A_258 = arith.addf %get3A_253, %get3A_257 : vector<16xf32>
      %swap3A_259 = arith.index_cast %add3A_41 : i32 to index
      %swap3A_260 = arith.constant 240 : index
      %swap3A_261 = tpu.vector_load %arg7[%swap3A_259, %swap3A_260] {strides = array<i32>} : memref<80x256xf32, #tpu.memory_space<vmem>>, vector<1x16xf32>,
      %swap3A_262 = vector.shape_cast %swap3A_261 : vector<1x16xf32> to vector<16xf32>
      %swap3A_263 = vector.shape_cast %add3A_258 : vector<16xf32> to vector<1x16xf32>
      tpu.vector_store %arg7[%swap3A_259, %swap3A_260], %swap3A_263 {strides = array<i32>} : memref<80x256xf32, #tpu.memory_space<vmem>>, vector<1x16xf32>,
    }
    %scan3A_34 = arith.constant 80 : i32
    %add3A_35 = arith.constant 9920 : i32
    %add3A_36 = arith.addi %mul3A_0, %add3A_35 : i32
    "tpu.region"() ({
      %run_scoped3A = tpu.sem_alloc : memref<!tpu.dma_semaphore, #tpu.memory_space<semaphore_mem>>
      %dma_start3A_37 = arith.constant 0 : i32
      %dma_start3A_38 = tpu.memref_slice %arg4[%arg0, %add3A_36, %dma_start3A_37] : memref<2x160000x256xf32, #tpu.memory_space<hbm>> -> memref<1x80x256xf32, #tpu.memory_space<hbm>>
      %dma_start3A_39 = tpu.memref_squeeze %dma_start3A_38 : memref<1x80x256xf32, #tpu.memory_space<hbm>> -> memref<80x256xf32, #tpu.memory_space<hbm>>
      %dma_start3A_40 = arith.constant 0 : i32
      %dma_start3A_41 = tpu.memref_slice %arg4[%arg0, %add3A_36, %dma_start3A_40] : memref<2x160000x256xf32, #tpu.memory_space<hbm>> -> memref<1x80x256xf32, #tpu.memory_space<hbm>>
      %dma_start3A_42 = tpu.memref_squeeze %dma_start3A_41 : memref<1x80x256xf32, #tpu.memory_space<hbm>> -> memref<80x256xf32, #tpu.memory_space<hbm>>
      tpu.enqueue_dma source(%arg7 : memref<80x256xf32, #tpu.memory_space<vmem>>) target(%dma_start3A_42 : memref<80x256xf32, #tpu.memory_space<hbm>>) target_semaphore(%run_scoped3A : memref<!tpu.dma_semaphore, #tpu.memory_space<semaphore_mem>>)
      %dma_wait3A_43 = arith.constant 0 : i32
      %dma_wait3A_44 = tpu.memref_slice %arg4[%arg0, %add3A_36, %dma_wait3A_43] : memref<2x160000x256xf32, #tpu.memory_space<hbm>> -> memref<1x80x256xf32, #tpu.memory_space<hbm>>
      %dma_wait3A_45 = tpu.memref_squeeze %dma_wait3A_44 : memref<1x80x256xf32, #tpu.memory_space<hbm>> -> memref<80x256xf32, #tpu.memory_space<hbm>>
      %dma_wait3A_46 = arith.constant 0 : i32
      %dma_wait3A_47 = tpu.memref_slice %arg4[%arg0, %add3A_36, %dma_wait3A_46] : memref<2x160000x256xf32, #tpu.memory_space<hbm>> -> memref<1x80x256xf32, #tpu.memory_space<hbm>>
      %dma_wait3A_48 = tpu.memref_squeeze %dma_wait3A_47 : memref<1x80x256xf32, #tpu.memory_space<hbm>> -> memref<80x256xf32, #tpu.memory_space<hbm>>
      tpu.wait_dma2 semaphore(%run_scoped3A : memref<!tpu.dma_semaphore, #tpu.memory_space<semaphore_mem>>) src(%arg7 : memref<80x256xf32, #tpu.memory_space<vmem>>) dst(%dma_wait3A_48 : memref<80x256xf32, #tpu.memory_space<hbm>>)
      tpu.yield
    }) : () -> ()
    return
  }
}

module attributes {stable_mosaic.version = 14 : i64} {
  func.func @_tab1_body(%arg0: i32, %arg1: memref<1000x256xf32, #tpu.memory_space<vmem>>, %arg2: memref<256x1024xf32, #tpu.memory_space<vmem>>, %arg3: memref<1000x1024xf32, #tpu.memory_space<vmem>>) attributes {dimension_semantics = [#tpu.dimension_semantics<arbitrary>], iteration_bounds = array<i64: 10>, scalar_prefetch = 0 : i64, scratch_operands = 0 : i64, tpu.core_type = #tpu.core_type<tc>, window_params = [{transform_indices = @transform_0, window_bounds = array<i64: 1000, 256>}, {pipeline_mode = #tpu.pipeline_mode<synchronous>, transform_indices = @transform_1, window_bounds = array<i64: 256, 1024>}, {transform_indices = @transform_2, window_bounds = array<i64: 1000, 1024>}]} {
    %get3A = arith.constant 0 : index
    %get3A_0 = arith.constant 0 : index
    %get3A_1 = vector.load %arg1[%get3A, %get3A_0] : memref<1000x256xf32, #tpu.memory_space<vmem>>, vector<1000x256xf32>
    %get3A_2 = arith.constant 0 : index
    %get3A_3 = arith.constant 0 : index
    %get3A_4 = vector.load %arg2[%get3A_2, %get3A_3] : memref<256x1024xf32, #tpu.memory_space<vmem>>, vector<256x1024xf32>
    %dot_general3A = arith.constant dense<0.000000e+00> : vector<1000x1024xf32>
    %dot_general3A_5 = tpu.matmul %get3A_1, %get3A_4, %dot_general3A {dimension_numbers = #tpu.dot_dimension_numbers<[1], [0], [0], [1], [0, 0, 1, 1], [], []>, precision = #tpu.contract_precision<fp32>, transpose_lhs_hint = false} : vector<1000x256xf32>, vector<256x1024xf32>, vector<1000x1024xf32> -> vector<1000x1024xf32>
    %swap3A = arith.constant 0 : index
    %swap3A_6 = arith.constant 0 : index
    %swap3A_7 = vector.load %arg3[%swap3A, %swap3A_6] : memref<1000x1024xf32, #tpu.memory_space<vmem>>, vector<1000x1024xf32>
    tpu.vector_store %arg3[%swap3A, %swap3A_6], %dot_general3A_5 {strides = array<i32>} : memref<1000x1024xf32, #tpu.memory_space<vmem>>, vector<1000x1024xf32>,
    return
  }
  func.func @transform_0(%arg0: i32) -> (i32, i32) {
    %c0_i32 = arith.constant 0 : i32
    %c0_i32_0 = arith.constant 0 : i32
    return %arg0, %c0_i32 : i32, i32
  }
  func.func @transform_1(%arg0: i32) -> (i32, i32) {
    %c0_i32 = arith.constant 0 : i32
    %c0_i32_0 = arith.constant 0 : i32
    %c0_i32_1 = arith.constant 0 : i32
    return %c0_i32, %c0_i32_0 : i32, i32
  }
  func.func @transform_2(%arg0: i32) -> (i32, i32) {
    %c0_i32 = arith.constant 0 : i32
    %c0_i32_0 = arith.constant 0 : i32
    return %arg0, %c0_i32 : i32, i32
  }
}

module attributes {stable_mosaic.version = 14 : i64} {
  func.func @_idx_body(%arg0: memref<2x160000xi32, #tpu.memory_space<vmem>>, %arg1: memref<8x160000xi32, #tpu.memory_space<vmem>>) attributes {dimension_semantics = [], scalar_prefetch = 0 : i64, scratch_operands = 0 : i64, tpu.core_type = #tpu.core_type<tc>} {
    %get3A = arith.constant 0 : index
    %get3A_0 = arith.constant 0 : index
    %get3A_1 = vector.load %arg0[%get3A, %get3A_0] : memref<2x160000xi32, #tpu.memory_space<vmem>>, vector<1x160000xi32>
    %get3A_2 = arith.constant 1 : index
    %get3A_3 = arith.constant 0 : index
    %get3A_4 = vector.load %arg0[%get3A_2, %get3A_3] : memref<2x160000xi32, #tpu.memory_space<vmem>>, vector<1x160000xi32>
    %mul3A = arith.constant 4 : i32
    %mul3A_5 = vector.broadcast %mul3A : i32 to vector<1x160000xi32>
    %mul3A_6 = arith.muli %get3A_4, %mul3A_5 : vector<1x160000xi32>
    %swap3A = arith.constant 0 : index
    %swap3A_7 = arith.constant 0 : index
    %swap3A_8 = vector.load %arg1[%swap3A, %swap3A_7] : memref<8x160000xi32, #tpu.memory_space<vmem>>, vector<1x160000xi32>
    tpu.vector_store %arg1[%swap3A, %swap3A_7], %mul3A_6 {strides = array<i32>} : memref<8x160000xi32, #tpu.memory_space<vmem>>, vector<1x160000xi32>,
    %mul3A_9 = arith.constant 4 : i32
    %mul3A_10 = vector.broadcast %mul3A_9 : i32 to vector<1x160000xi32>
    %mul3A_11 = arith.muli %get3A_4, %mul3A_10 : vector<1x160000xi32>
    %add3A = arith.constant 1 : i32
    %add3A_12 = vector.broadcast %add3A : i32 to vector<1x160000xi32>
    %add3A_13 = arith.addi %mul3A_11, %add3A_12 : vector<1x160000xi32>
    %swap3A_14 = arith.constant 1 : index
    %swap3A_15 = arith.constant 0 : index
    %swap3A_16 = vector.load %arg1[%swap3A_14, %swap3A_15] : memref<8x160000xi32, #tpu.memory_space<vmem>>, vector<1x160000xi32>
    tpu.vector_store %arg1[%swap3A_14, %swap3A_15], %add3A_13 {strides = array<i32>} : memref<8x160000xi32, #tpu.memory_space<vmem>>, vector<1x160000xi32>,
    %mul3A_17 = arith.constant 4 : i32
    %mul3A_18 = vector.broadcast %mul3A_17 : i32 to vector<1x160000xi32>
    %mul3A_19 = arith.muli %get3A_1, %mul3A_18 : vector<1x160000xi32>
    %add3A_20 = arith.constant 2 : i32
    %add3A_21 = vector.broadcast %add3A_20 : i32 to vector<1x160000xi32>
    %add3A_22 = arith.addi %mul3A_19, %add3A_21 : vector<1x160000xi32>
    %swap3A_23 = arith.constant 2 : index
    %swap3A_24 = arith.constant 0 : index
    %swap3A_25 = vector.load %arg1[%swap3A_23, %swap3A_24] : memref<8x160000xi32, #tpu.memory_space<vmem>>, vector<1x160000xi32>
    tpu.vector_store %arg1[%swap3A_23, %swap3A_24], %add3A_22 {strides = array<i32>} : memref<8x160000xi32, #tpu.memory_space<vmem>>, vector<1x160000xi32>,
    %mul3A_26 = arith.constant 4 : i32
    %mul3A_27 = vector.broadcast %mul3A_26 : i32 to vector<1x160000xi32>
    %mul3A_28 = arith.muli %get3A_1, %mul3A_27 : vector<1x160000xi32>
    %add3A_29 = arith.constant 3 : i32
    %add3A_30 = vector.broadcast %add3A_29 : i32 to vector<1x160000xi32>
    %add3A_31 = arith.addi %mul3A_28, %add3A_30 : vector<1x160000xi32>
    %swap3A_32 = arith.constant 3 : index
    %swap3A_33 = arith.constant 0 : index
    %swap3A_34 = vector.load %arg1[%swap3A_32, %swap3A_33] : memref<8x160000xi32, #tpu.memory_space<vmem>>, vector<1x160000xi32>
    tpu.vector_store %arg1[%swap3A_32, %swap3A_33], %add3A_31 {strides = array<i32>} : memref<8x160000xi32, #tpu.memory_space<vmem>>, vector<1x160000xi32>,
    %swap3A_35 = arith.constant 4 : index
    %swap3A_36 = arith.constant 0 : index
    %swap3A_37 = vector.load %arg1[%swap3A_35, %swap3A_36] : memref<8x160000xi32, #tpu.memory_space<vmem>>, vector<1x160000xi32>
    tpu.vector_store %arg1[%swap3A_35, %swap3A_36], %get3A_4 {strides = array<i32>} : memref<8x160000xi32, #tpu.memory_space<vmem>>, vector<1x160000xi32>,
    %swap3A_38 = arith.constant 5 : index
    %swap3A_39 = arith.constant 0 : index
    %swap3A_40 = vector.load %arg1[%swap3A_38, %swap3A_39] : memref<8x160000xi32, #tpu.memory_space<vmem>>, vector<1x160000xi32>
    tpu.vector_store %arg1[%swap3A_38, %swap3A_39], %get3A_4 {strides = array<i32>} : memref<8x160000xi32, #tpu.memory_space<vmem>>, vector<1x160000xi32>,
    %swap3A_41 = arith.constant 6 : index
    %swap3A_42 = arith.constant 0 : index
    %swap3A_43 = vector.load %arg1[%swap3A_41, %swap3A_42] : memref<8x160000xi32, #tpu.memory_space<vmem>>, vector<1x160000xi32>
    tpu.vector_store %arg1[%swap3A_41, %swap3A_42], %get3A_4 {strides = array<i32>} : memref<8x160000xi32, #tpu.memory_space<vmem>>, vector<1x160000xi32>,
    %swap3A_44 = arith.constant 7 : index
    %swap3A_45 = arith.constant 0 : index
    %swap3A_46 = vector.load %arg1[%swap3A_44, %swap3A_45] : memref<8x160000xi32, #tpu.memory_space<vmem>>, vector<1x160000xi32>
    tpu.vector_store %arg1[%swap3A_44, %swap3A_45], %get3A_4 {strides = array<i32>} : memref<8x160000xi32, #tpu.memory_space<vmem>>, vector<1x160000xi32>,
    return
  }
}

module attributes {stable_mosaic.version = 14 : i64} {
  func.func @_edge_body(%arg0: i32, %arg1: memref<2x1000x256xf32, #tpu.memory_space<vmem>>, %arg2: memref<1000x16xf32, #tpu.memory_space<vmem>>, %arg3: memref<16x512xf32, #tpu.memory_space<vmem>>, %arg4: memref<8x512xf32, #tpu.memory_space<vmem>>, %arg5: memref<2x1000x128xf32, #tpu.memory_space<vmem>>) attributes {dimension_semantics = [#tpu.dimension_semantics<arbitrary>], iteration_bounds = array<i64: 160>, scalar_prefetch = 0 : i64, scratch_operands = 0 : i64, tpu.core_type = #tpu.core_type<tc>, window_params = [{transform_indices = @transform_0, window_bounds = array<i64: 2, 1000, 256>}, {transform_indices = @transform_1, window_bounds = array<i64: 1000, 16>}, {pipeline_mode = #tpu.pipeline_mode<synchronous>, transform_indices = @transform_2, window_bounds = array<i64: 16, 512>}, {pipeline_mode = #tpu.pipeline_mode<synchronous>, transform_indices = @transform_3, window_bounds = array<i64: 8, 512>}, {transform_indices = @transform_4, window_bounds = array<i64: 2, 1000, 128>}]} {
    %get3A = arith.constant 0 : index
    %get3A_0 = arith.constant 0 : index
    %get3A_1 = vector.load %arg2[%get3A, %get3A_0] : memref<1000x16xf32, #tpu.memory_space<vmem>>, vector<1000x16xf32>
    %get3A_2 = arith.constant 0 : index
    %get3A_3 = arith.constant 0 : index
    %get3A_4 = vector.load %arg3[%get3A_2, %get3A_3] : memref<16x512xf32, #tpu.memory_space<vmem>>, vector<16x512xf32>
    %dot_general3A = arith.constant dense<0.000000e+00> : vector<1000x512xf32>
    %dot_general3A_5 = tpu.matmul %get3A_1, %get3A_4, %dot_general3A {dimension_numbers = #tpu.dot_dimension_numbers<[1], [0], [0], [1], [0, 0, 1, 1], [], []>, precision = #tpu.contract_precision<fp32>, transpose_lhs_hint = false} : vector<1000x16xf32>, vector<16x512xf32>, vector<1000x512xf32> -> vector<1000x512xf32>
    %get3A_6 = arith.constant 0 : index
    %get3A_7 = arith.constant 0 : index
    %get3A_8 = arith.constant 0 : index
    %get3A_9 = vector.load %arg1[%get3A_6, %get3A_7, %get3A_8] : memref<2x1000x256xf32, #tpu.memory_space<vmem>>, vector<1x1000x256xf32>
    %get3A_10 = vector.shape_cast %get3A_9 : vector<1x1000x256xf32> to vector<1000x256xf32>
    %slice3A = vector.extract_strided_slice %dot_general3A_5 {offsets = [0, 0], sizes = [1000, 256], strides = [1, 1]} : vector<1000x512xf32> to vector<1000x256xf32>
    %add3A = arith.addf %get3A_10, %slice3A : vector<1000x256xf32>
    %get3A_11 = arith.constant 0 : index
    %get3A_12 = arith.constant 0 : index
    %get3A_13 = vector.load %arg4[%get3A_11, %get3A_12] : memref<8x512xf32, #tpu.memory_space<vmem>>, vector<1x256xf32>
    %add3A_14 = vector.broadcast %get3A_13 : vector<1x256xf32> to vector<1000x256xf32>
    %add3A_15 = arith.addf %add3A, %add3A_14 : vector<1000x256xf32>
    %get3A_16 = arith.constant 1 : index
    %get3A_17 = arith.constant 0 : index
    %get3A_18 = arith.constant 0 : index
    %get3A_19 = vector.load %arg1[%get3A_16, %get3A_17, %get3A_18] : memref<2x1000x256xf32, #tpu.memory_space<vmem>>, vector<1x1000x256xf32>
    %get3A_20 = vector.shape_cast %get3A_19 : vector<1x1000x256xf32> to vector<1000x256xf32>
    %slice3A_21 = vector.extract_strided_slice %dot_general3A_5 {offsets = [0, 256], sizes = [1000, 256], strides = [1, 1]} : vector<1000x512xf32> to vector<1000x256xf32>
    %add3A_22 = arith.addf %get3A_20, %slice3A_21 : vector<1000x256xf32>
    %get3A_23 = arith.constant 0 : index
    %get3A_24 = arith.constant 256 : index
    %get3A_25 = vector.load %arg4[%get3A_23, %get3A_24] : memref<8x512xf32, #tpu.memory_space<vmem>>, vector<1x256xf32>
    %add3A_26 = vector.broadcast %get3A_25 : vector<1x256xf32> to vector<1000x256xf32>
    %add3A_27 = arith.addf %add3A_22, %add3A_26 : vector<1000x256xf32>
    %logistic3A = arith.negf %add3A_15 : vector<1000x256xf32>
    %logistic3A_28 = math.exp %logistic3A : vector<1000x256xf32>
    %logistic3A_29 = arith.constant 1.000000e+00 : f32
    %logistic3A_30 = vector.broadcast %logistic3A_29 : f32 to vector<1000x256xf32>
    %logistic3A_31 = arith.addf %logistic3A_30, %logistic3A_28 : vector<1000x256xf32>
    %logistic3A_32 = arith.divf %logistic3A_30, %logistic3A_31 : vector<1000x256xf32>
    %max3A = arith.constant 0.000000e+00 : f32
    %max3A_33 = vector.broadcast %max3A : f32 to vector<1000x256xf32>
    %max3A_34 = arith.maximumf %add3A_27, %max3A_33 : vector<1000x256xf32>
    %abs3A = math.absf %add3A_27 : vector<1000x256xf32>
    %neg3A = arith.constant 0.000000e+00 : f32
    %neg3A_35 = vector.broadcast %neg3A : f32 to vector<1000x256xf32>
    %neg3A_36 = arith.subf %neg3A_35, %abs3A : vector<1000x256xf32>
    %exp3A = math.exp %neg3A_36 : vector<1000x256xf32>
    %log1p3A = math.log1p %exp3A : vector<1000x256xf32>
    %add3A_37 = arith.addf %max3A_34, %log1p3A : vector<1000x256xf32>
    %mul3A = arith.mulf %logistic3A_32, %add3A_37 : vector<1000x256xf32>
    %slice3A_38 = vector.extract_strided_slice %mul3A {offsets = [0, 0], sizes = [1000, 128], strides = [1, 1]} : vector<1000x256xf32> to vector<1000x128xf32>
    %swap3A = arith.constant 0 : index
    %swap3A_39 = arith.constant 0 : index
    %swap3A_40 = arith.constant 0 : index
    %swap3A_41 = vector.load %arg5[%swap3A, %swap3A_39, %swap3A_40] : memref<2x1000x128xf32, #tpu.memory_space<vmem>>, vector<1x1000x128xf32>
    %swap3A_42 = vector.shape_cast %swap3A_41 : vector<1x1000x128xf32> to vector<1000x128xf32>
    %swap3A_43 = vector.shape_cast %slice3A_38 : vector<1000x128xf32> to vector<1x1000x128xf32>
    tpu.vector_store %arg5[%swap3A, %swap3A_39, %swap3A_40], %swap3A_43 {strides = array<i32>} : memref<2x1000x128xf32, #tpu.memory_space<vmem>>, vector<1x1000x128xf32>,
    %slice3A_44 = vector.extract_strided_slice %mul3A {offsets = [0, 128], sizes = [1000, 128], strides = [1, 1]} : vector<1000x256xf32> to vector<1000x128xf32>
    %swap3A_45 = arith.constant 1 : index
    %swap3A_46 = arith.constant 0 : index
    %swap3A_47 = arith.constant 0 : index
    %swap3A_48 = vector.load %arg5[%swap3A_45, %swap3A_46, %swap3A_47] : memref<2x1000x128xf32, #tpu.memory_space<vmem>>, vector<1x1000x128xf32>
    %swap3A_49 = vector.shape_cast %swap3A_48 : vector<1x1000x128xf32> to vector<1000x128xf32>
    %swap3A_50 = vector.shape_cast %slice3A_44 : vector<1000x128xf32> to vector<1x1000x128xf32>
    tpu.vector_store %arg5[%swap3A_45, %swap3A_46, %swap3A_47], %swap3A_50 {strides = array<i32>} : memref<2x1000x128xf32, #tpu.memory_space<vmem>>, vector<1x1000x128xf32>,
    return
  }
  func.func @transform_0(%arg0: i32) -> (i32, i32, i32) {
    %c0_i32 = arith.constant 0 : i32
    %c0_i32_0 = arith.constant 0 : i32
    %c0_i32_1 = arith.constant 0 : i32
    return %c0_i32, %arg0, %c0_i32_0 : i32, i32, i32
  }
  func.func @transform_1(%arg0: i32) -> (i32, i32) {
    %c0_i32 = arith.constant 0 : i32
    %c0_i32_0 = arith.constant 0 : i32
    return %arg0, %c0_i32 : i32, i32
  }
  func.func @transform_2(%arg0: i32) -> (i32, i32) {
    %c0_i32 = arith.constant 0 : i32
    %c0_i32_0 = arith.constant 0 : i32
    %c0_i32_1 = arith.constant 0 : i32
    return %c0_i32, %c0_i32_0 : i32, i32
  }
  func.func @transform_3(%arg0: i32) -> (i32, i32) {
    %c0_i32 = arith.constant 0 : i32
    %c0_i32_0 = arith.constant 0 : i32
    %c0_i32_1 = arith.constant 0 : i32
    return %c0_i32, %c0_i32_0 : i32, i32
  }
  func.func @transform_4(%arg0: i32) -> (i32, i32, i32) {
    %c0_i32 = arith.constant 0 : i32
    %c0_i32_0 = arith.constant 0 : i32
    %c0_i32_1 = arith.constant 0 : i32
    return %c0_i32, %arg0, %c0_i32_0 : i32, i32, i32
  }
}

module attributes {stable_mosaic.version = 14 : i64} {
  func.func @_tab2_body(%arg0: i32, %arg1: memref<1000x256xf32, #tpu.memory_space<vmem>>, %arg2: memref<2x1000x128xf32, #tpu.memory_space<vmem>>, %arg3: memref<256x1024xf32, #tpu.memory_space<vmem>>, %arg4: memref<1000x256xf32, #tpu.memory_space<vmem>>, %arg5: memref<1000x1024xf32, #tpu.memory_space<vmem>>) attributes {dimension_semantics = [#tpu.dimension_semantics<arbitrary>], iteration_bounds = array<i64: 10>, scalar_prefetch = 0 : i64, scratch_operands = 0 : i64, tpu.core_type = #tpu.core_type<tc>, window_params = [{transform_indices = @transform_0, window_bounds = array<i64: 1000, 256>}, {transform_indices = @transform_1, window_bounds = array<i64: 2, 1000, 128>}, {pipeline_mode = #tpu.pipeline_mode<synchronous>, transform_indices = @transform_2, window_bounds = array<i64: 256, 1024>}, {transform_indices = @transform_3, window_bounds = array<i64: 1000, 256>}, {transform_indices = @transform_4, window_bounds = array<i64: 1000, 1024>}]} {
    %get3A = arith.constant 0 : index
    %get3A_0 = arith.constant 0 : index
    %get3A_1 = vector.load %arg1[%get3A, %get3A_0] : memref<1000x256xf32, #tpu.memory_space<vmem>>, vector<1000x256xf32>
    %get3A_2 = arith.constant 0 : index
    %get3A_3 = arith.constant 0 : index
    %get3A_4 = arith.constant 0 : index
    %get3A_5 = vector.load %arg2[%get3A_2, %get3A_3, %get3A_4] : memref<2x1000x128xf32, #tpu.memory_space<vmem>>, vector<1x1000x128xf32>
    %get3A_6 = vector.shape_cast %get3A_5 : vector<1x1000x128xf32> to vector<1000x128xf32>
    %get3A_7 = arith.constant 1 : index
    %get3A_8 = arith.constant 0 : index
    %get3A_9 = arith.constant 0 : index
    %get3A_10 = vector.load %arg2[%get3A_7, %get3A_8, %get3A_9] : memref<2x1000x128xf32, #tpu.memory_space<vmem>>, vector<1x1000x128xf32>
    %get3A_11 = vector.shape_cast %get3A_10 : vector<1x1000x128xf32> to vector<1000x128xf32>
    %concatenate3A = tpu.concatenate %get3A_6, %get3A_11 in 1 : vector<1000x128xf32>, vector<1000x128xf32> -> vector<1000x256xf32>
    %add3A = arith.addf %get3A_1, %concatenate3A : vector<1000x256xf32>
    %swap3A = arith.constant 0 : index
    %swap3A_12 = arith.constant 0 : index
    %swap3A_13 = vector.load %arg4[%swap3A, %swap3A_12] : memref<1000x256xf32, #tpu.memory_space<vmem>>, vector<1000x256xf32>
    tpu.vector_store %arg4[%swap3A, %swap3A_12], %add3A {strides = array<i32>} : memref<1000x256xf32, #tpu.memory_space<vmem>>, vector<1000x256xf32>,
    %get3A_14 = arith.constant 0 : index
    %get3A_15 = arith.constant 0 : index
    %get3A_16 = vector.load %arg3[%get3A_14, %get3A_15] : memref<256x1024xf32, #tpu.memory_space<vmem>>, vector<256x1024xf32>
    %dot_general3A = arith.constant dense<0.000000e+00> : vector<1000x1024xf32>
    %dot_general3A_17 = tpu.matmul %add3A, %get3A_16, %dot_general3A {dimension_numbers = #tpu.dot_dimension_numbers<[1], [0], [0], [1], [0, 0, 1, 1], [], []>, precision = #tpu.contract_precision<fp32>, transpose_lhs_hint = false} : vector<1000x256xf32>, vector<256x1024xf32>, vector<1000x1024xf32> -> vector<1000x1024xf32>
    %swap3A_18 = arith.constant 0 : index
    %swap3A_19 = arith.constant 0 : index
    %swap3A_20 = vector.load %arg5[%swap3A_18, %swap3A_19] : memref<1000x1024xf32, #tpu.memory_space<vmem>>, vector<1000x1024xf32>
    tpu.vector_store %arg5[%swap3A_18, %swap3A_19], %dot_general3A_17 {strides = array<i32>} : memref<1000x1024xf32, #tpu.memory_space<vmem>>, vector<1000x1024xf32>,
    return
  }
  func.func @transform_0(%arg0: i32) -> (i32, i32) {
    %c0_i32 = arith.constant 0 : i32
    %c0_i32_0 = arith.constant 0 : i32
    return %arg0, %c0_i32 : i32, i32
  }
  func.func @transform_1(%arg0: i32) -> (i32, i32, i32) {
    %c0_i32 = arith.constant 0 : i32
    %c0_i32_0 = arith.constant 0 : i32
    %c0_i32_1 = arith.constant 0 : i32
    return %c0_i32, %arg0, %c0_i32_0 : i32, i32, i32
  }
  func.func @transform_2(%arg0: i32) -> (i32, i32) {
    %c0_i32 = arith.constant 0 : i32
    %c0_i32_0 = arith.constant 0 : i32
    %c0_i32_1 = arith.constant 0 : i32
    return %c0_i32, %c0_i32_0 : i32, i32
  }
  func.func @transform_3(%arg0: i32) -> (i32, i32) {
    %c0_i32 = arith.constant 0 : i32
    %c0_i32_0 = arith.constant 0 : i32
    return %arg0, %c0_i32 : i32, i32
  }
  func.func @transform_4(%arg0: i32) -> (i32, i32) {
    %c0_i32 = arith.constant 0 : i32
    %c0_i32_0 = arith.constant 0 : i32
    return %arg0, %c0_i32 : i32, i32
  }
}

module attributes {stable_mosaic.version = 14 : i64} {
  func.func @_final_body(%arg0: i32, %arg1: memref<1000x256xf32, #tpu.memory_space<vmem>>, %arg2: memref<2x1000x128xf32, #tpu.memory_space<vmem>>, %arg3: memref<1x1x1000xi32, #tpu.memory_space<vmem>>, %arg4: memref<256x1xf32, #tpu.memory_space<vmem>>, %arg5: memref<1x1xf32, #tpu.memory_space<smem>>, %arg6: memref<64x1xf32, #tpu.memory_space<vmem>>, %arg7: memref<64x256xf32, #tpu.memory_space<vmem>>, %arg8: memref<64x128xf32, #tpu.memory_space<vmem>>) attributes {dimension_semantics = [#tpu.dimension_semantics<arbitrary>], iteration_bounds = array<i64: 10>, scalar_prefetch = 0 : i64, scratch_operands = 2 : i64, tpu.core_type = #tpu.core_type<tc>, window_params = [{transform_indices = @transform_0, window_bounds = array<i64: 1000, 256>}, {transform_indices = @transform_1, window_bounds = array<i64: 2, 1000, 128>}, {transform_indices = @transform_2, window_bounds = array<i64: 1, 1, 1000>}, {pipeline_mode = #tpu.pipeline_mode<synchronous>, transform_indices = @transform_3, window_bounds = array<i64: 256, 1>}, {transform_indices = @transform_4, window_bounds = array<i64: 1, 1>}, {pipeline_mode = #tpu.pipeline_mode<synchronous>, transform_indices = @transform_5, window_bounds = array<i64: 64, 1>}]} {
    %eq3A = arith.constant 0 : i32
    %eq3A_0 = arith.cmpi eq, %arg0, %eq3A : i32
    %convert_element_type3A = arith.extui %eq3A_0 : i1 to i32
    %cond3A = arith.constant 0 : i32
    %cond3A_1 = arith.cmpi ne, %convert_element_type3A, %cond3A : i32
    scf.if %cond3A_1 {
      %broadcast_in_dim3A_46 = arith.constant 0.000000e+00 : f32
      %broadcast_in_dim3A_47 = vector.broadcast %broadcast_in_dim3A_46 : f32 to vector<64x256xf32>
      %swap3A_48 = arith.constant 0 : index
      %swap3A_49 = arith.constant 0 : index
      %swap3A_50 = vector.load %arg7[%swap3A_48, %swap3A_49] : memref<64x256xf32, #tpu.memory_space<vmem>>, vector<64x256xf32>
      tpu.vector_store %arg7[%swap3A_48, %swap3A_49], %broadcast_in_dim3A_47 {strides = array<i32>} : memref<64x256xf32, #tpu.memory_space<vmem>>, vector<64x256xf32>,
      %broadcast_in_dim3A_51 = arith.constant 0.000000e+00 : f32
      %broadcast_in_dim3A_52 = vector.broadcast %broadcast_in_dim3A_51 : f32 to vector<64x128xf32>
      %swap3A_53 = arith.constant 0 : index
      %swap3A_54 = arith.constant 0 : index
      %swap3A_55 = vector.load %arg8[%swap3A_53, %swap3A_54] : memref<64x128xf32, #tpu.memory_space<vmem>>, vector<64x128xf32>
      tpu.vector_store %arg8[%swap3A_53, %swap3A_54], %broadcast_in_dim3A_52 {strides = array<i32>} : memref<64x128xf32, #tpu.memory_space<vmem>>, vector<64x128xf32>,
    } else {
    }
    %get3A = arith.constant 0 : index
    %get3A_2 = arith.constant 0 : index
    %get3A_3 = vector.load %arg1[%get3A, %get3A_2] : memref<1000x256xf32, #tpu.memory_space<vmem>>, vector<1000x256xf32>
    %get3A_4 = arith.constant 0 : index
    %get3A_5 = arith.constant 0 : index
    %get3A_6 = arith.constant 0 : index
    %get3A_7 = vector.load %arg2[%get3A_4, %get3A_5, %get3A_6] : memref<2x1000x128xf32, #tpu.memory_space<vmem>>, vector<1x1000x128xf32>
    %get3A_8 = vector.shape_cast %get3A_7 : vector<1x1000x128xf32> to vector<1000x128xf32>
    %get3A_9 = arith.constant 1 : index
    %get3A_10 = arith.constant 0 : index
    %get3A_11 = arith.constant 0 : index
    %get3A_12 = vector.load %arg2[%get3A_9, %get3A_10, %get3A_11] : memref<2x1000x128xf32, #tpu.memory_space<vmem>>, vector<1x1000x128xf32>
    %get3A_13 = vector.shape_cast %get3A_12 : vector<1x1000x128xf32> to vector<1000x128xf32>
    %concatenate3A = tpu.concatenate %get3A_8, %get3A_13 in 1 : vector<1000x128xf32>, vector<1000x128xf32> -> vector<1000x256xf32>
    %add3A = arith.addf %get3A_3, %concatenate3A : vector<1000x256xf32>
    %get3A_14 = arith.constant 0 : index
    %get3A_15 = arith.constant 0 : index
    %get3A_16 = arith.constant 0 : index
    %get3A_17 = vector.load %arg3[%get3A_14, %get3A_15, %get3A_16] : memref<1x1x1000xi32, #tpu.memory_space<vmem>>, vector<1x1x1000xi32>
    %get3A_18 = vector.shape_cast %get3A_17 : vector<1x1x1000xi32> to vector<1000xi32>
    %iota3A = tpu.iota {dimensions = array<i32: 0>} : vector<64x1000xi32>
    %broadcast_in_dim3A = vector.shape_cast %get3A_18 : vector<1000xi32> to vector<1x1000xi32>
    %eq3A_19 = vector.broadcast %broadcast_in_dim3A : vector<1x1000xi32> to vector<64x1000xi32>
    %eq3A_20 = arith.cmpi eq, %iota3A, %eq3A_19 : vector<64x1000xi32>
    %convert_element_type3A_21 = arith.extui %eq3A_20 : vector<64x1000xi1> to vector<64x1000xi32>
    %convert_element_type3A_22 = arith.sitofp %convert_element_type3A_21 : vector<64x1000xi32> to vector<64x1000xf32>
    %get3A_23 = arith.constant 0 : index
    %get3A_24 = arith.constant 0 : index
    %get3A_25 = vector.load %arg7[%get3A_23, %get3A_24] : memref<64x256xf32, #tpu.memory_space<vmem>>, vector<64x256xf32>
    %dot_general3A = arith.constant dense<0.000000e+00> : vector<64x256xf32>
    %dot_general3A_26 = tpu.matmul %convert_element_type3A_22, %add3A, %dot_general3A {dimension_numbers = #tpu.dot_dimension_numbers<[1], [0], [0], [1], [0, 0, 1, 1], [], []>, precision = #tpu.contract_precision<fp32>, transpose_lhs_hint = false} : vector<64x1000xf32>, vector<1000x256xf32>, vector<64x256xf32> -> vector<64x256xf32>
    %add3A_27 = arith.addf %get3A_25, %dot_general3A_26 : vector<64x256xf32>
    %swap3A = arith.constant 0 : index
    %swap3A_28 = arith.constant 0 : index
    %swap3A_29 = vector.load %arg7[%swap3A, %swap3A_28] : memref<64x256xf32, #tpu.memory_space<vmem>>, vector<64x256xf32>
    tpu.vector_store %arg7[%swap3A, %swap3A_28], %add3A_27 {strides = array<i32>} : memref<64x256xf32, #tpu.memory_space<vmem>>, vector<64x256xf32>,
    %get3A_30 = arith.constant 0 : index
    %get3A_31 = arith.constant 0 : index
    %get3A_32 = vector.load %arg8[%get3A_30, %get3A_31] : memref<64x128xf32, #tpu.memory_space<vmem>>, vector<64x128xf32>
    %reduce_sum3A = arith.constant dense<0.000000e+00> : vector<64xf32>
    %reduce_sum3A_33 = vector.multi_reduction <add>, %convert_element_type3A_22, %reduce_sum3A [1] : vector<64x1000xf32> to vector<64xf32>
    %broadcast_in_dim3A_34 = vector.shape_cast %reduce_sum3A_33 : vector<64xf32> to vector<64x1xf32>
    %broadcast_in_dim3A_35 = vector.shape_cast %broadcast_in_dim3A_34 : vector<64x1xf32> to vector<64x1xf32>
    %broadcast_in_dim3A_36 = vector.broadcast %broadcast_in_dim3A_35 : vector<64x1xf32> to vector<64x128xf32>
    %add3A_37 = arith.addf %get3A_32, %broadcast_in_dim3A_36 : vector<64x128xf32>
    %swap3A_38 = arith.constant 0 : index
    %swap3A_39 = arith.constant 0 : index
    %swap3A_40 = vector.load %arg8[%swap3A_38, %swap3A_39] : memref<64x128xf32, #tpu.memory_space<vmem>>, vector<64x128xf32>
    tpu.vector_store %arg8[%swap3A_38, %swap3A_39], %add3A_37 {strides = array<i32>} : memref<64x128xf32, #tpu.memory_space<vmem>>, vector<64x128xf32>,
    %eq3A_41 = arith.constant 9 : i32
    %eq3A_42 = arith.cmpi eq, %arg0, %eq3A_41 : i32
    %convert_element_type3A_43 = arith.extui %eq3A_42 : i1 to i32
    %cond3A_44 = arith.constant 0 : i32
    %cond3A_45 = arith.cmpi ne, %convert_element_type3A_43, %cond3A_44 : i32
    scf.if %cond3A_45 {
      %get3A_46 = arith.constant 0 : index
      %get3A_47 = arith.constant 0 : index
      %get3A_48 = vector.load %arg7[%get3A_46, %get3A_47] : memref<64x256xf32, #tpu.memory_space<vmem>>, vector<64x256xf32>
      %get3A_49 = arith.constant 0 : index
      %get3A_50 = arith.constant 0 : index
      %get3A_51 = vector.load %arg4[%get3A_49, %get3A_50] : memref<256x1xf32, #tpu.memory_space<vmem>>, vector<256x1xf32>
      %dot_general3A_52 = arith.constant dense<0.000000e+00> : vector<64x1xf32>
      %dot_general3A_53 = tpu.matmul %get3A_48, %get3A_51, %dot_general3A_52 {dimension_numbers = #tpu.dot_dimension_numbers<[1], [0], [0], [1], [0, 0, 1, 1], [], []>, precision = #tpu.contract_precision<fp32>, transpose_lhs_hint = false} : vector<64x256xf32>, vector<256x1xf32>, vector<64x1xf32> -> vector<64x1xf32>
      %get3A_54 = arith.constant 0 : index
      %get3A_55 = arith.constant 0 : index
      %get3A_56 = vector.load %arg8[%get3A_54, %get3A_55] : memref<64x128xf32, #tpu.memory_space<vmem>>, vector<64x1xf32>
      %get3A_57 = arith.constant 0 : index
      %get3A_58 = arith.constant 0 : index
      %get3A_59 = memref.load %arg5[%get3A_57, %get3A_58] : memref<1x1xf32, #tpu.memory_space<smem>>
      %mul3A = vector.broadcast %get3A_59 : f32 to vector<64x1xf32>
      %mul3A_60 = arith.mulf %get3A_56, %mul3A : vector<64x1xf32>
      %add3A_61 = arith.addf %dot_general3A_53, %mul3A_60 : vector<64x1xf32>
      %swap3A_62 = arith.constant 0 : index
      %swap3A_63 = arith.constant 0 : index
      %swap3A_64 = vector.load %arg6[%swap3A_62, %swap3A_63] : memref<64x1xf32, #tpu.memory_space<vmem>>, vector<64x1xf32>
      tpu.vector_store %arg6[%swap3A_62, %swap3A_63], %add3A_61 {strides = array<i32>} : memref<64x1xf32, #tpu.memory_space<vmem>>, vector<64x1xf32>,
    } else {
    }
    return
  }
  func.func @transform_0(%arg0: i32) -> (i32, i32) {
    %c0_i32 = arith.constant 0 : i32
    %c0_i32_0 = arith.constant 0 : i32
    return %arg0, %c0_i32 : i32, i32
  }
  func.func @transform_1(%arg0: i32) -> (i32, i32, i32) {
    %c0_i32 = arith.constant 0 : i32
    %c0_i32_0 = arith.constant 0 : i32
    %c0_i32_1 = arith.constant 0 : i32
    return %c0_i32, %arg0, %c0_i32_0 : i32, i32, i32
  }
  func.func @transform_2(%arg0: i32) -> (i32, i32, i32) {
    %c0_i32 = arith.constant 0 : i32
    %c0_i32_0 = arith.constant 0 : i32
    %c0_i32_1 = arith.constant 0 : i32
    return %arg0, %c0_i32, %c0_i32_0 : i32, i32, i32
  }
  func.func @transform_3(%arg0: i32) -> (i32, i32) {
    %c0_i32 = arith.constant 0 : i32
    %c0_i32_0 = arith.constant 0 : i32
    %c0_i32_1 = arith.constant 0 : i32
    return %c0_i32, %c0_i32_0 : i32, i32
  }
  func.func @transform_4(%arg0: i32) -> (i32, i32) {
    %c0_i32 = arith.constant 0 : i32
    %c0_i32_0 = arith.constant 0 : i32
    %c0_i32_1 = arith.constant 0 : i32
    return %c0_i32, %c0_i32_0 : i32, i32
  }
  func.func @transform_5(%arg0: i32) -> (i32, i32) {
    %c0_i32 = arith.constant 0 : i32
    %c0_i32_0 = arith.constant 0 : i32
    %c0_i32_1 = arith.constant 0 : i32
    return %c0_i32, %c0_i32_0 : i32, i32
  }
}

</mosaic_0001>

<sc_bundles>
// kernel: kernel.12.cloned.1.call-start
scs
__scs_entry_jumppad:
0x0: {  	(pc) =	sbr.rel $0x88, $3  }
0x1: {  	(tag) =	ssettag $0x0;
	lr =	simm.s32 $0x1  }
0x2: {  	[smem:$0x3F93] =	sst lr;
	_ =	strace $0xD0000000  }
0x3: {  	_ = 	snop  }
0x4: {  	_ = 	snop  }
0x5: {  	_ = 	snop  }
0x6: {  	_ = 	snop  }
0x7: {  	_ = 	snop  }
__scs_overlays_trampoline_lowered:
0x8: {  	[smem:$0x3FA2] =	sst s0  }
0x9: {  	[smem:$0x3FA3] =	sst s1  }
0xa: {  	[smem:$0x3FA4] =	sst s2  }
0xb: {  	[smem:$0x3FA5] =	sst s3  }
0xc: {  	[smem:$0x3FA6] =	sst s4  }
0xd: {  	[smem:$0x3FA7] =	sst s5  }
0xe: {  	[smem:$0x3FA8] =	sst s6  }
0xf: {  	[smem:$0x3FA9] =	sst s7  }
0x10: {  	[smem:$0x3FAA] =	sst s8  }
0x11: {  	[smem:$0x3FAB] =	sst s9;
	s0 =	simm.s32 @!p0 $0x0  }
0x12: {  	s1 =	sld [smem:$0x3F91];
	s0 =	simm.s32 @p0 $0x1  }
0x13: {  	[smem:$0x3FAC] =	sst s0;
	s0 =	simm.s32 @!p1 $0x0  }
0x14: {  	s2 =	sld [smem:$0x3F90];
	s0 =	simm.s32 @p1 $0x1  }
0x15: {  	[smem:$0x3FAD] =	sst s0;
	s0 =	simm.s32 @!p2 $0x0  }
0x16: {  	s3 =	sld [smem:$0x3FDB];
	s0 =	simm.s32 @p2 $0x1  }
0x17: {  	s4 =	simm.s32 $0x1BF5;
	[smem:$0x3FAF] =	sst s0  }
0x18: {  	s0 =	sld [smem:$0x3F92];
	_ =	swait.ge [sflag:s4], $0x0  }
0x19: {  	s7 =	sld [smem:$0x3F93]  }
0x1a: {  	s8 =	sadd.s32 $0xFFFFE003, lr  }
0x1b: {  	s9 =	sadd.s32 $0xFFFFFEF7, lr;
	s5 =	simm.s32 $0xFFFFFFFF;
	p2 =	slt.u32 s8, $0xFFFFF086  }
0x1c: {  	p1 =	slt.u32 s9, $0xF7A;
	s5 =	simm.s32 @!p2 $0x0  }
0x1d: {  	s5 =	simm.s32 @p1 $0x1;
	p0 =	seq.s32 s7, s2  }
0x1e: {  	s7 =	smul.u32 @!p0 $0xF7A, s2;
	p2 =	seq.s32 @!p0 s5, $0x0  }
0x1f: {  	s9 =	smul.u32 $0xF7A, s1;
	s8 =	simm.s32 @!p0 $0x1BF5;
	p2 =	por !p2, p0  }
0x20: {  	[sflag:s8] =	ssyncset.s32 @!p0 $0xFFFFF086;
	s6 =	sadd.s32 @!p0 s3, s7;
	s7 =	simm.s32 @!p0 $0x108  }
0x21: {  	s3 =	sadd.s32 s3, s9;
	s6 =	sadd.s32 @!p0 $0x88, s6;
	s7 =	simm.s32 @p2 $0x1082  }
0x22: {  	[simem:s7], [sflag:s8] =	dma.local @!p0 [hbm:s6], $0xF7A  }
0x23: {  	s9 =	sor.u32 $0xD0000000, s2;
	s6 =	simm.s32 $0x108;
	_ =	swait.ge @!p0 [sflag:s8], $0x0  }
0x24: {  	s3 =	sadd.s32 $0x88, s3;
	s6 =	simm.s32 @!p1 $0x1082;
	[sflag:s4] =	ssyncset.s32 $0xFFFFF086  }
0x25: {  	[simem:s6], [sflag:s4] =	dma.local [hbm:s3], $0xF7A  }
0x26: {  	[smem:$0x3F93] =	sst s1;
	(tag) =	ssettag s2;
	_ =	strace s9  }
0x27: {  	s1 =	sld [smem:$0x3FA3]  }
0x28: {  	s2 =	sld [smem:$0x3FA4]  }
0x29: {  	s4 =	sld [smem:$0x3FA6]  }
0x2a: {  	p0 =	seq.s32 s5, $0x0;
	s5 =	sld [smem:$0x3FA7]  }
0x2b: {  	s6 =	sld [smem:$0x3FA8]  }
0x2c: {  	s7 =	sld [smem:$0x3FA9]  }
0x2d: {  	s3 =	simm.s32 $0x108;
	s8 =	sld [smem:$0x3FAA]  }
0x2e: {  	s3 =	simm.s32 @!p0 $0x1082;
	s9 =	sld [smem:$0x3FAB]  }
0x2f: {  	lr =	sadd.s32 s0, s3;
	s0 =	sld [smem:$0x3FA2]  }
0x30: {  	s3 =	sld [smem:$0x3FA5]  }
0x31: {  	[smem:$0x3FAE] =	sst s10  }
0x32: {  	s10 =	sld [smem:$0x3FAC];
	_ =	sdelay $0x3  }
0x33: {  	p0 =	seq.s32 s10, $0x1;
	s10 =	sld [smem:$0x3FAE];
	_ =	sdelay $0x3  }
0x34: {  	[smem:$0x3FAE] =	sst s10  }
0x35: {  	s10 =	sld [smem:$0x3FAD];
	_ =	sdelay $0x3  }
0x36: {  	p1 =	seq.s32 s10, $0x1;
	s10 =	sld [smem:$0x3FAE];
	_ =	sdelay $0x3  }
0x37: {  	[smem:$0x3FAE] =	sst s10  }
0x38: {  	s10 =	sld [smem:$0x3FAF]  }
0x39: {  	_ = 	snop;
	(pc) =	sbr.ind lr, $3  }
0x3a: {  	_ = 	snop  }
0x3b: {  	_ = 	snop  }
0x3c: {  	p2 =	seq.s32 s10, $0x1;
	s10 =	sld [smem:$0x3FAE]  }
0x3d: {  	_ =	shalt  }
0x3e: {  	_ =	shalt  }
0x3f: {  	_ =	shalt  }
0x40: {  	_ =	shalt  }
0x41: {  	_ =	shalt  }
0x42: {  	_ =	shalt  }
0x43: {  	_ =	shalt  }
0x44: {  	_ =	shalt  }
0x45: {  	_ =	shalt  }
0x46: {  	_ =	shalt  }
0x47: {  	_ =	shalt  }
0x48: {  	_ =	shalt  }
0x49: {  	_ =	shalt  }
0x4a: {  	_ =	shalt  }
0x4b: {  	_ =	shalt  }
0x4c: {  	_ =	shalt  }
0x4d: {  	_ =	shalt  }
0x4e: {  	_ =	shalt  }
0x4f: {  	_ =	shalt  }
0x50: {  	_ =	shalt  }
0x51: {  	_ =	shalt  }
0x52: {  	_ =	shalt  }
0x53: {  	_ =	shalt  }
0x54: {  	_ =	shalt  }
0x55: {  	_ =	shalt  }
0x56: {  	_ =	shalt  }
0x57: {  	_ =	shalt  }
0x58: {  	_ =	shalt  }
0x59: {  	_ =	shalt  }
0x5a: {  	_ =	shalt  }
0x5b: {  	_ =	shalt  }
0x5c: {  	_ =	shalt  }
0x5d: {  	_ =	shalt  }
0x5e: {  	_ =	shalt  }
0x5f: {  	_ =	shalt  }
0x60: {  	_ =	shalt  }
0x61: {  	_ =	shalt  }
0x62: {  	_ =	shalt  }
0x63: {  	_ =	shalt  }
0x64: {  	_ =	shalt  }
0x65: {  	_ =	shalt  }
0x66: {  	_ =	shalt  }
0x67: {  	_ =	shalt  }
0x68: {  	_ =	shalt  }
0x69: {  	_ =	shalt  }
0x6a: {  	_ =	shalt  }
0x6b: {  	_ =	shalt  }
0x6c: {  	_ =	shalt  }
0x6d: {  	_ =	shalt  }
0x6e: {  	_ =	shalt  }
0x6f: {  	_ =	shalt  }
0x70: {  	_ =	shalt  }
0x71: {  	_ =	shalt  }
0x72: {  	_ =	shalt  }
0x73: {  	_ =	shalt  }
0x74: {  	_ =	shalt  }
0x75: {  	_ =	shalt  }
0x76: {  	_ =	shalt  }
0x77: {  	_ =	shalt  }
0x78: {  	_ =	shalt  }
0x79: {  	_ =	shalt  }
0x7a: {  	_ =	shalt  }
0x7b: {  	_ =	shalt  }
0x7c: {  	_ =	shalt  }
0x7d: {  	_ =	shalt  }
0x7e: {  	_ =	shalt  }
0x7f: {  	_ =	shalt  }
0x80: {  	_ =	shalt  }
0x81: {  	_ =	shalt  }
0x82: {  	_ =	shalt  }
0x83: {  	_ =	shalt  }
0x84: {  	_ =	shalt  }
0x85: {  	_ =	shalt  }
0x86: {  	_ =	shalt  }
0x87: {  	_ =	shalt  }
.Lfunc_end0:
.L_simem_size_0:
called_computation_lowered:
.L_overlay_start_0:
0x88: {  	s2 =	sld [smem:$0x3FD9]  }
0x89: {  	s3 =	sld [smem:$0x3FFE];
	_ =	sdelay $0x1  }
0x8a: {  	s1 =	srdreg.scid  }
0x8b: {  	s0 =	sand.u32 $0x1, s1  }
0x8c: {  	s16 =	sshll.u32 s0, $0xA;
	s2 =	sadd.s32 s3, s2  }
0x8d: {  	s2 =	sadd.s32 s2, s16  }
0x8e: {  	[smem:$0x3FBA] =	sst s2  }
0x8f: {  	_ = 	snop  }
0x90: {  	(tm) =	ssettm $0x1  }
0x91: {  	s17 =	sld [smem:$0x3FFB];
	_ =	sdelay $0x3  }
0x92: {  	_ =	strace s17  }
0x93: {  	s2 =	sld [smem:$0x3FFC];
	_ =	sdelay $0x3  }
0x94: {  	_ =	strace s2  }
0x95: {  	s2 =	sld [smem:$0x3FFD];
	_ =	sdelay $0x3  }
0x96: {  	_ =	strace s2  }
0x97: {  	_ =	strace $0x8FFFFFFF  }
0x98: {  	s18 =	sld [smem:$0x3FDB];
	_ =	sdelay $0x1  }
0x99: {  	s19 =	simm.s32 $_scs_section_size  }
0x9a: {  	s4 =	simm.s32 $_size__tile_overlayer_lowered;
	s5 =	simm.s32 $_tile_overlayer_lowered  }
0x9b: {  	s22 =	simm.s32 $0x1BFF;
	s21 =	sshll.u32 s5, $0x1;
	s2 =	sadd.s32 s19, s18  }
0x9c: {  	s6 =	simm.s32 $0x0;
	s20 =	sshll.u32 s4, $0x1;
	s4 =	sadd.s32 s21, s2  }
0x9d: {  	[timem:s6], [sflag:s22] =	dma.local [hbm:s4], s20  }
0x9e: {  	_ =	swait.ge [sflag:s22], s20  }
0x9f: {  	s3 =	ssub.s32 $0x0, s20;
	[sflag:s22] =	ssyncset.done $0x0  }
0xa0: {  	[sflag:s22] =	ssyncadd.s32 s3;
	_ =	sdelay $0x1  }
0xa1: {  	s23 =	simm.s32 $0x1B8B  }
0xa2: {  	_ =	swait.ge [sflag:s23], $0x1  }
0xa3: {  	[sflag:s23] =	ssyncset.done $0x0  }
0xa4: {  	s25 =	simm.s32 $0x1B8E;
	s24 =	sld [smem:$0x3FFE];
	[sflag:s23] =	ssyncadd.s32 $0xFFFFFFFF  }
0xa5: {  	s26 =	simm.s32 $execute0_lowered;
	[smem:$0x3FD2] =	sst s25  }
0xa6: {  	s4 =	sshll.u32 s26, $0x1;
	_ =	strace $0x80000046;
	[dreg:$0x1] =	wrdreg $0xFFFFFFFF  }
0xa7: {  	s28 =	simm.s32 $_size_execute0_lowered;
	s2 =	sadd.s32 s2, s4;
	[dreg:$0x0] =	wrdreg $0x0  }
0xa8: {  	s4 =	sshll.u32 s28, $0x1;
	[dreg:$0x2] =	wrdreg s2  }
0xa9: {  	[dreg:$0x3] =	wrdreg s4  }
0xaa: {  	[dreg:$0x4] =	wrdreg $0xC0  }
0xab: {  	_ =	task [dreg:s6], $0x5FFFF  }
0xac: {  	[dreg:$0x1] =	wrdreg $0xFFFFFFFF  }
0xad: {  	[dreg:$0x0] =	wrdreg $0x60  }
0xae: {  	[dreg:$0x2] =	wrdreg s24  }
0xaf: {  	[dreg:$0x3] =	wrdreg $0x9  }
0xb0: {  	_ =	task.clear_ibuf [dreg:s6], $0x4FFFF;
	_ =	strace $0x90000046  }
0xb1: {  	s29 =	simm.s32 $0x9;
	_ =	strace $0x80000048  }
0xb2: {  	_ =	swait.ge [sflag:s29], $0x1  }
0xb3: {  	[sflag:s29] =	ssyncadd.s32 $0xFFFFFFFF  }
0xb4: {  	_ =	strace $0x90000048  }
0xb5: {  	_ =	sfence  }
0xb6: {  	s30 =	sld [smem:$0x0];
	_ =	sdelay $0x2  }
0xb7: {  	s31 =	sshll.u32 s1, $0xD;
	s1 =	sshrl.u32 s1, $0x2  }
0xb8: {  	s3 =	sand.u32 $0x4000, s31;
	s1 =	sadd.s32 s1, s30  }
0xb9: {  	s0 =	sor.u32 s3, s0;
	s1 =	sshll.u32 s1, $0x11  }
0xba: {  	s0 =	sor.u32 s1, s0  }
0xbb: {  	s0 =	sadd.s32 $0x8F2B, s0  }
0xbc: {  	[sflag:s0] =	ssyncadd.remote.s32 $0x1  }
0xbd: {  	_ =	sfence.sel $0xFFFF  }
0xbe: {  	[dreg:$0x0] =	wrdreg $0xFFFFFFFF;
	(pc) =	sbr.abs _section_cstart, $3  }
0xbf: {  	[dreg:$0x1] =	wrdreg $0xFFFFFFFF  }
0xc0: {  	_ =	task.clear_ibuf [dreg:s6], $0x2FFFF;
	_ =	strace $0x9FFFFFFF  }
0xc1: {  	(tm) =	ssettm $0x7FFFFFFF  }
tec
execute0_lowered:
.L_overlay_start_1:
0x0: {  	(tag) =	ssettag $0x1  }
0x1: {  	s0 =	srdreg.scid  }
0x2: {  	s5 =	stileid.u32;
	s1 =	rddreg [dreg:$0x0];
	s3 =	simm.s32 $0x0  }
0x3: {  	s11 =	simm.s32 $0x5;
	s13 =	simm.s32 $0x4F00;
	s23 =	simm.s32 $0x9F00  }
0x4: {  	s24 =	simm.s32 $0xA700;
	s25 =	simm.s32 $0xAF00;
	s28 =	simm.s32 $0xBF00  }
0x5: {  	s29 =	simm.s32 $0xC700;
	s30 =	simm.s32 $0xCF00;
	s31 =	simm.s32 $0xD700  }
0x6: {  	s12 =	simm.s32 $0xEF00;
	s16 =	simm.s32 $0x1;
	s2 =	smul.u32 $0x2710, s5  }
0x7: {  	s17 =	simm.s32 $0x3;
	s0 =	sand.u32 $0x1, s0;
	s7 =	smul.u32 $0x271000, s5  }
0x8: {  	s14 =	simm.s32 $0x0;
	[smem:$0x7FF] =	sst s3;
	s6 =	smul.u32 $0x27100, s0  }
0x9: {  	s5 =	sadd.s32 $0x13CC00, s1;
	s4 =	smul.u32 $0x2710000, s0;
	s0 =	ssub.s32 $0x2, s0  }
0xa: {  	_ =	strace $0x80000047;
	s9 =	sshrl.u32 s0, $0x1;
	s6 =	sadd.s32 s2, s6  }
0xb: {  	s7 =	sadd.s32 s4, s7;
	s0 =	ssub.s32 s0, s9;
	s8 =	sshrl.u32 s6, $0x3  }
0xc: {  	s6 =	sadd.s32 $0x275400, s1;
	s0 =	smax.u32 s0, $0x1;
	s1 =	sadd.s32 s8, s1  }
0xd: {  	s7 =	sshrl.u32 s7, $0x3;
	[dreg:$0x5] =	wrdreg s0;
	s8 =	sadd.s32 $0x4400, s1  }
0xe: {  	s7 =	sadd.s32 s6, s7;
	s1 =	sadd.s32 $0xE040, s1;
	[dreg:$0x2] =	wrdreg s8  }
0xf: {  	v2 =	vlaneseq.u32;
	s9 =	simm.s32 $0x4;
	s26 =	sadd.s32 $0x4D800, s7;
	[dreg:$0x3] =	wrdreg s1  }
0x10: {  	vm0 =	vmmov $0xffff;
	v1 =	vshrl.u32 v2, $0x3;
	s0 =	simm.s32 $0xE700;
	s7 =	simm.s32 $0x18700;
	[dreg:$0x4] =	wrdreg s26  }
0x11: {  	v0 =	vand.u32 $0x7, v2;
	v2 =	vor.u32 $0x8, v2;
	v1 =	vmul.u32 $0x8, v1;
	s26 =	simm.s32 $0xB700;
	s1 =	simm.s32 $0xDF00;
	s8 =	simm.s32 $0x2  }
.LBB2_1:
0x12: {  	[dreg:$0x6] =	wrdreg s14  }
0x13: {  	s10 =	rddreg [dreg:$0x2]  }
0x14: {  	[tilespmem:s3], [sflag:$0x5] =	stream.linear.gather [hbm4b:s10+s3], $0x2710, $0x38;
	[tilespmem:$0x18F00] =	vst v63  }
0x15: {  	_ =	swait.ge [sflag:s11], $0x2710  }
0x16: {  	[sflag:s11] =	ssyncset.done $0x0  }
0x17: {  	s20 =	simm.s32 $0x2780;
	s19 =	rddreg [dreg:$0x3];
	[sflag:s11] =	ssyncadd.s32 $0xFFFFD8F0  }
0x18: {  	[tilespmem:s20], [sflag:$0x5] =	stream.linear.gather [hbm4b:s19+s3], $0x2710, $0x38;
	[tilespmem:$0x18F00] =	vst v63  }
0x19: {  	_ =	swait.ge [sflag:s11], $0x2710  }
0x1a: {  	[sflag:s11] =	ssyncset.done $0x0  }
0x1b: {  	[sflag:s11] =	ssyncadd.s32 $0xFFFFD8F0  }
0x1c: {  	v3 =	vld [tilespmem:$0x0];
	_ =	sdelay $0x4  }
0x1d: {  	v4 =	vshll.u32 v3, $0x1  }
0x1e: {  	v3 =	vand.u32 $0x7, v3;
	v4 =	vand.u32 $0xFFFFFFF0, v4  }
0x1f: {  	v3 =	vor.u32 v3, v4  }
0x20: {  	v4 =	vperm.xlane v3, v0;
	_ =	sdelay $0x1  }
0x21: {  	v3 =	vperm.xlane v3, v2;
	v4 =	vadd.s32 v1, v4;
	_ =	sdelay $0x1  }
0x22: {  	v3 =	vadd.s32 v1, v3;
	_ =	sdelay $0x2  }
0x23: {  	[tilespmem:s13], [sflag:$0x1] =	stream.indirect_vreg.gather [hbm4b:s5+s3], $0x80, v4, vm0, $0xb8;
	[tilespmem:$0x18F00] =	vst v63  }
0x24: {  	s21 =	simm.s32 $0x5700  }
0x25: {  	[tilespmem:s21], [sflag:$0x1] =	stream.indirect_vreg.gather [hbm4b:s5+s3], $0x80, v3, vm0, $0xb8;
	[tilespmem:$0x18F00] =	vst v63  }
0x26: {  	v3 =	vld [tilespmem:$0x10];
	_ =	sdelay $0x4  }
0x27: {  	v55 =	vshll.u32 v3, $0x1  }
0x28: {  	v3 =	vand.u32 $0x7, v3;
	v4 =	vand.u32 $0xFFFFFFF0, v55  }
0x29: {  	v3 =	vor.u32 v3, v4  }
0x2a: {  	v4 =	vperm.xlane v3, v0;
	_ =	sdelay $0x1  }
0x2b: {  	v3 =	vperm.xlane v3, v2;
	v4 =	vadd.s32 v1, v4;
	_ =	sdelay $0x1  }
0x2c: {  	v3 =	vadd.s32 v1, v3;
	_ =	sdelay $0x1  }
0x2d: {  	s22 =	simm.s32 $0x5F00  }
0x2e: {  	[tilespmem:s22], [sflag:$0x1] =	stream.indirect_vreg.gather [hbm4b:s5+s3], $0x80, v4, vm0, $0xb8;
	[tilespmem:$0x18F00] =	vst v63  }
0x2f: {  	s14 =	simm.s32 $0x6700  }
0x30: {  	[tilespmem:s14], [sflag:$0x1] =	stream.indirect_vreg.gather [hbm4b:s5+s3], $0x80, v3, vm0, $0xb8;
	[tilespmem:$0x18F00] =	vst v63  }
0x31: {  	v3 =	vld [tilespmem:$0x20];
	_ =	sdelay $0x4  }
0x32: {  	v56 =	vshll.u32 v3, $0x1  }
0x33: {  	v3 =	vand.u32 $0x7, v3;
	v4 =	vand.u32 $0xFFFFFFF0, v56  }
0x34: {  	v3 =	vor.u32 v3, v4  }
0x35: {  	v4 =	vperm.xlane v3, v0;
	_ =	sdelay $0x1  }
0x36: {  	v3 =	vperm.xlane v3, v2;
	v4 =	vadd.s32 v1, v4;
	_ =	sdelay $0x1  }
0x37: {  	v3 =	vadd.s32 v1, v3;
	_ =	sdelay $0x1  }
0x38: {  	s15 =	simm.s32 $0x6F00  }
0x39: {  	[tilespmem:s15], [sflag:$0x1] =	stream.indirect_vreg.gather [hbm4b:s5+s3], $0x80, v4, vm0, $0xb8;
	[tilespmem:$0x18F00] =	vst v63  }
0x3a: {  	s18 =	simm.s32 $0x7700  }
0x3b: {  	[tilespmem:s18], [sflag:$0x1] =	stream.indirect_vreg.gather [hbm4b:s5+s3], $0x80, v3, vm0, $0xb8;
	[tilespmem:$0x18F00] =	vst v63  }
0x3c: {  	v3 =	vld [tilespmem:$0x30];
	_ =	sdelay $0x4  }
0x3d: {  	v57 =	vshll.u32 v3, $0x1  }
0x3e: {  	v3 =	vand.u32 $0x7, v3;
	v4 =	vand.u32 $0xFFFFFFF0, v57  }
0x3f: {  	v3 =	vor.u32 v3, v4  }
0x40: {  	v4 =	vperm.xlane v3, v0;
	_ =	sdelay $0x1  }
0x41: {  	v3 =	vperm.xlane v3, v2;
	v4 =	vadd.s32 v1, v4;
	_ =	sdelay $0x1  }
0x42: {  	v3 =	vadd.s32 v1, v3;
	_ =	sdelay $0x1  }
0x43: {  	s19 =	simm.s32 $0x7F00  }
0x44: {  	[tilespmem:s19], [sflag:$0x1] =	stream.indirect_vreg.gather [hbm4b:s5+s3], $0x80, v4, vm0, $0xb8;
	[tilespmem:$0x18F00] =	vst v63  }
0x45: {  	s20 =	simm.s32 $0x8700  }
0x46: {  	[tilespmem:s20], [sflag:$0x1] =	stream.indirect_vreg.gather [hbm4b:s5+s3], $0x80, v3, vm0, $0xb8;
	[tilespmem:$0x18F00] =	vst v63  }
0x47: {  	v3 =	vld [tilespmem:$0x40];
	_ =	sdelay $0x4  }
0x48: {  	v58 =	vshll.u32 v3, $0x1  }
0x49: {  	v3 =	vand.u32 $0x7, v3;
	v4 =	vand.u32 $0xFFFFFFF0, v58  }
0x4a: {  	v3 =	vor.u32 v3, v4  }
0x4b: {  	v4 =	vperm.xlane v3, v0;
	_ =	sdelay $0x1  }
0x4c: {  	v3 =	vperm.xlane v3, v2;
	v4 =	vadd.s32 v1, v4;
	_ =	sdelay $0x1  }
0x4d: {  	v3 =	vadd.s32 v1, v3;
	_ =	sdelay $0x1  }
0x4e: {  	s21 =	simm.s32 $0x8F00  }
0x4f: {  	[tilespmem:s21], [sflag:$0x1] =	stream.indirect_vreg.gather [hbm4b:s5+s3], $0x80, v4, vm0, $0xb8;
	[tilespmem:$0x18F00] =	vst v63  }
0x50: {  	s22 =	simm.s32 $0x9700  }
0x51: {  	[tilespmem:s22], [sflag:$0x1] =	stream.indirect_vreg.gather [hbm4b:s5+s3], $0x80, v3, vm0, $0xb8;
	[tilespmem:$0x18F00] =	vst v63  }
0x52: {  	v3 =	vld [tilespmem:$0x2780];
	_ =	sdelay $0x4  }
0x53: {  	v59 =	vshll.u32 v3, $0x1  }
0x54: {  	v3 =	vand.u32 $0x7, v3;
	v4 =	vand.u32 $0xFFFFFFF0, v59  }
0x55: {  	v3 =	vor.u32 v3, v4  }
0x56: {  	v4 =	vperm.xlane v3, v0;
	_ =	sdelay $0x1  }
0x57: {  	v3 =	vperm.xlane v3, v2;
	v4 =	vadd.s32 v1, v4;
	_ =	sdelay $0x1  }
0x58: {  	v3 =	vadd.s32 v1, v3;
	_ =	sdelay $0x2  }
0x59: {  	[tilespmem:s23], [sflag:$0x2] =	stream.indirect_vreg.gather [hbm4b:s5+s3], $0x80, v4, vm0, $0xb8;
	[tilespmem:$0x18F00] =	vst v63  }
0x5a: {  	_ = 	snop  }
0x5b: {  	[tilespmem:s24], [sflag:$0x2] =	stream.indirect_vreg.gather [hbm4b:s5+s3], $0x80, v3, vm0, $0xb8;
	[tilespmem:$0x18F00] =	vst v63  }
0x5c: {  	v3 =	vld [tilespmem:$0x2790];
	_ =	sdelay $0x4  }
0x5d: {  	v60 =	vshll.u32 v3, $0x1  }
0x5e: {  	v3 =	vand.u32 $0x7, v3;
	v4 =	vand.u32 $0xFFFFFFF0, v60  }
0x5f: {  	v3 =	vor.u32 v3, v4  }
0x60: {  	v4 =	vperm.xlane v3, v0;
	_ =	sdelay $0x1  }
0x61: {  	v3 =	vperm.xlane v3, v2;
	v4 =	vadd.s32 v1, v4;
	_ =	sdelay $0x1  }
0x62: {  	v3 =	vadd.s32 v1, v3;
	_ =	sdelay $0x2  }
0x63: {  	[tilespmem:s25], [sflag:$0x2] =	stream.indirect_vreg.gather [hbm4b:s5+s3], $0x80, v4, vm0, $0xb8;
	[tilespmem:$0x18F00] =	vst v63  }
0x64: {  	_ = 	snop  }
0x65: {  	[tilespmem:s26], [sflag:$0x2] =	stream.indirect_vreg.gather [hbm4b:s5+s3], $0x80, v3, vm0, $0xb8;
	[tilespmem:$0x18F00] =	vst v63  }
0x66: {  	v3 =	vld [tilespmem:$0x27A0];
	_ =	sdelay $0x4  }
0x67: {  	v61 =	vshll.u32 v3, $0x1  }
0x68: {  	v3 =	vand.u32 $0x7, v3;
	v4 =	vand.u32 $0xFFFFFFF0, v61  }
0x69: {  	v3 =	vor.u32 v3, v4  }
0x6a: {  	v4 =	vperm.xlane v3, v0;
	_ =	sdelay $0x1  }
0x6b: {  	v3 =	vperm.xlane v3, v2;
	v4 =	vadd.s32 v1, v4;
	_ =	sdelay $0x1  }
0x6c: {  	v3 =	vadd.s32 v1, v3;
	_ =	sdelay $0x2  }
0x6d: {  	[tilespmem:s28], [sflag:$0x2] =	stream.indirect_vreg.gather [hbm4b:s5+s3], $0x80, v4, vm0, $0xb8;
	[tilespmem:$0x18F00] =	vst v63  }
0x6e: {  	_ = 	snop  }
0x6f: {  	[tilespmem:s29], [sflag:$0x2] =	stream.indirect_vreg.gather [hbm4b:s5+s3], $0x80, v3, vm0, $0xb8;
	[tilespmem:$0x18F00] =	vst v63  }
0x70: {  	v3 =	vld [tilespmem:$0x27B0];
	_ =	sdelay $0x4  }
0x71: {  	v62 =	vshll.u32 v3, $0x1  }
0x72: {  	v3 =	vand.u32 $0x7, v3;
	v4 =	vand.u32 $0xFFFFFFF0, v62  }
0x73: {  	v3 =	vor.u32 v3, v4  }
0x74: {  	v4 =	vperm.xlane v3, v0;
	_ =	sdelay $0x1  }
0x75: {  	v3 =	vperm.xlane v3, v2;
	v4 =	vadd.s32 v1, v4;
	_ =	sdelay $0x1  }
0x76: {  	v3 =	vadd.s32 v1, v3;
	_ =	sdelay $0x2  }
0x77: {  	[tilespmem:s30], [sflag:$0x2] =	stream.indirect_vreg.gather [hbm4b:s5+s3], $0x80, v4, vm0, $0xb8;
	[tilespmem:$0x18F00] =	vst v63  }
0x78: {  	_ = 	snop  }
0x79: {  	[tilespmem:s31], [sflag:$0x2] =	stream.indirect_vreg.gather [hbm4b:s5+s3], $0x80, v3, vm0, $0xb8;
	[tilespmem:$0x18F00] =	vst v63  }
0x7a: {  	v3 =	vld [tilespmem:$0x27C0];
	_ =	sdelay $0x4  }
0x7b: {  	v63 =	vshll.u32 v3, $0x1  }
0x7c: {  	v3 =	vand.u32 $0x7, v3;
	v4 =	vand.u32 $0xFFFFFFF0, v63  }
0x7d: {  	v3 =	vor.u32 v3, v4  }
0x7e: {  	v4 =	vperm.xlane v3, v0;
	_ =	sdelay $0x1  }
0x7f: {  	v3 =	vperm.xlane v3, v2;
	v4 =	vadd.s32 v1, v4;
	_ =	sdelay $0x1  }
0x80: {  	v3 =	vadd.s32 v1, v3;
	_ =	sdelay $0x2  }
0x81: {  	[tilespmem:s1], [sflag:$0x2] =	stream.indirect_vreg.gather [hbm4b:s5+s3], $0x80, v4, vm0, $0xb8;
	[tilespmem:$0x18F00] =	vst v63  }
0x82: {  	s18 =	simm.s32 $0x0  }
0x83: {  	[tilespmem:s0], [sflag:$0x2] =	stream.indirect_vreg.gather [hbm4b:s5+s3], $0x80, v3, vm0, $0xb8;
	[tilespmem:$0x18F00] =	vst v63  }
.LBB2_2:
0x84: {  	s14 =	smul.u32 $0xA0, s18;
	_ =	sdelay $0x1  }
0x85: {  	v3 =	vld [tilespmem:s14+$0x50];
	_ =	sdelay $0x4  }
0x86: {  	v4 =	vshll.u32 v3, $0x1  }
0x87: {  	v3 =	vand.u32 $0x7, v3;
	v4 =	vand.u32 $0xFFFFFFF0, v4  }
0x88: {  	v3 =	vor.u32 v3, v4  }
0x89: {  	v4 =	vperm.xlane v3, v0;
	_ =	sdelay $0x1  }
0x8a: {  	v3 =	vperm.xlane v3, v2;
	v4 =	vadd.s32 v1, v4;
	_ =	sdelay $0x1  }
0x8b: {  	v3 =	vadd.s32 v1, v3;
	_ =	sdelay $0x1  }
0x8c: {  	s19 =	simm.s32 $0x0  }
0x8d: {  	[tilespmem:s12], [sflag:$0x3] =	stream.indirect_vreg.gather [hbm4b:s5+s19], $0x80, v4, vm0, $0xb8;
	[tilespmem:$0x18F00] =	vst v63  }
0x8e: {  	s10 =	simm.s32 $0xF700  }
0x8f: {  	[tilespmem:s10], [sflag:$0x3] =	stream.indirect_vreg.gather [hbm4b:s5+s19], $0x80, v3, vm0, $0xb8;
	[tilespmem:$0x18F00] =	vst v63  }
0x90: {  	v3 =	vld [tilespmem:s14+$0x60];
	_ =	sdelay $0x4  }
0x91: {  	v4 =	vshll.u32 v3, $0x1  }
0x92: {  	v3 =	vand.u32 $0x7, v3;
	v4 =	vand.u32 $0xFFFFFFF0, v4  }
0x93: {  	v3 =	vor.u32 v3, v4  }
0x94: {  	v4 =	vperm.xlane v3, v0;
	_ =	sdelay $0x1  }
0x95: {  	v3 =	vperm.xlane v3, v2;
	v4 =	vadd.s32 v1, v4;
	_ =	sdelay $0x1  }
0x96: {  	v3 =	vadd.s32 v1, v3;
	_ =	sdelay $0x1  }
0x97: {  	s21 =	simm.s32 $0xFF00  }
0x98: {  	[tilespmem:s21], [sflag:$0x3] =	stream.indirect_vreg.gather [hbm4b:s5+s19], $0x80, v4, vm0, $0xb8;
	[tilespmem:$0x18F00] =	vst v63  }
0x99: {  	s22 =	simm.s32 $0x10700  }
0x9a: {  	[tilespmem:s22], [sflag:$0x3] =	stream.indirect_vreg.gather [hbm4b:s5+s19], $0x80, v3, vm0, $0xb8;
	[tilespmem:$0x18F00] =	vst v63  }
0x9b: {  	v3 =	vld [tilespmem:s14+$0x70];
	_ =	sdelay $0x4  }
0x9c: {  	v4 =	vshll.u32 v3, $0x1  }
0x9d: {  	v3 =	vand.u32 $0x7, v3;
	v4 =	vand.u32 $0xFFFFFFF0, v4  }
0x9e: {  	v3 =	vor.u32 v3, v4  }
0x9f: {  	v4 =	vperm.xlane v3, v0;
	_ =	sdelay $0x1  }
0xa0: {  	v3 =	vperm.xlane v3, v2;
	v4 =	vadd.s32 v1, v4;
	_ =	sdelay $0x1  }
0xa1: {  	v3 =	vadd.s32 v1, v3;
	_ =	sdelay $0x1  }
0xa2: {  	s15 =	simm.s32 $0x10F00  }
0xa3: {  	[tilespmem:s15], [sflag:$0x3] =	stream.indirect_vreg.gather [hbm4b:s5+s19], $0x80, v4, vm0, $0xb8;
	[tilespmem:$0x18F00] =	vst v63  }
0xa4: {  	s20 =	simm.s32 $0x11700  }
0xa5: {  	[tilespmem:s20], [sflag:$0x3] =	stream.indirect_vreg.gather [hbm4b:s5+s19], $0x80, v3, vm0, $0xb8;
	[tilespmem:$0x18F00] =	vst v63  }
0xa6: {  	v3 =	vld [tilespmem:s14+$0x80];
	_ =	sdelay $0x4  }
0xa7: {  	v4 =	vshll.u32 v3, $0x1  }
0xa8: {  	v3 =	vand.u32 $0x7, v3;
	v4 =	vand.u32 $0xFFFFFFF0, v4  }
0xa9: {  	v3 =	vor.u32 v3, v4  }
0xaa: {  	v4 =	vperm.xlane v3, v0;
	_ =	sdelay $0x1  }
0xab: {  	v3 =	vperm.xlane v3, v2;
	v4 =	vadd.s32 v1, v4;
	_ =	sdelay $0x1  }
0xac: {  	v3 =	vadd.s32 v1, v3;
	_ =	sdelay $0x1  }
0xad: {  	s21 =	simm.s32 $0x11F00  }
0xae: {  	[tilespmem:s21], [sflag:$0x3] =	stream.indirect_vreg.gather [hbm4b:s5+s19], $0x80, v4, vm0, $0xb8;
	[tilespmem:$0x18F00] =	vst v63  }
0xaf: {  	s22 =	simm.s32 $0x12700  }
0xb0: {  	[tilespmem:s22], [sflag:$0x3] =	stream.indirect_vreg.gather [hbm4b:s5+s19], $0x80, v3, vm0, $0xb8;
	[tilespmem:$0x18F00] =	vst v63  }
0xb1: {  	v3 =	vld [tilespmem:s14+$0x90];
	_ =	sdelay $0x4  }
0xb2: {  	v4 =	vshll.u32 v3, $0x1  }
0xb3: {  	v3 =	vand.u32 $0x7, v3;
	v4 =	vand.u32 $0xFFFFFFF0, v4  }
0xb4: {  	v3 =	vor.u32 v3, v4  }
0xb5: {  	v4 =	vperm.xlane v3, v0;
	_ =	sdelay $0x1  }
0xb6: {  	v3 =	vperm.xlane v3, v2;
	v4 =	vadd.s32 v1, v4;
	_ =	sdelay $0x1  }
0xb7: {  	v3 =	vadd.s32 v1, v3;
	_ =	sdelay $0x1  }
0xb8: {  	s15 =	simm.s32 $0x12F00  }
0xb9: {  	[tilespmem:s15], [sflag:$0x3] =	stream.indirect_vreg.gather [hbm4b:s5+s19], $0x80, v4, vm0, $0xb8;
	[tilespmem:$0x18F00] =	vst v63  }
0xba: {  	s20 =	simm.s32 $0x13700  }
0xbb: {  	[tilespmem:s20], [sflag:$0x3] =	stream.indirect_vreg.gather [hbm4b:s5+s19], $0x80, v3, vm0, $0xb8;
	[tilespmem:$0x18F00] =	vst v63  }
0xbc: {  	v3 =	vld [tilespmem:s14+$0x27D0];
	_ =	sdelay $0x4  }
0xbd: {  	v4 =	vshll.u32 v3, $0x1  }
0xbe: {  	v3 =	vand.u32 $0x7, v3;
	v4 =	vand.u32 $0xFFFFFFF0, v4  }
0xbf: {  	v3 =	vor.u32 v3, v4  }
0xc0: {  	v4 =	vperm.xlane v3, v0;
	_ =	sdelay $0x1  }
0xc1: {  	v3 =	vperm.xlane v3, v2;
	v4 =	vadd.s32 v1, v4;
	_ =	sdelay $0x1  }
0xc2: {  	v3 =	vadd.s32 v1, v3;
	_ =	sdelay $0x1  }
0xc3: {  	s21 =	simm.s32 $0x13F00  }
0xc4: {  	[tilespmem:s21], [sflag:$0x4] =	stream.indirect_vreg.gather [hbm4b:s5+s19], $0x80, v4, vm0, $0xb8;
	[tilespmem:$0x18F00] =	vst v63  }
0xc5: {  	s22 =	simm.s32 $0x14700  }
0xc6: {  	[tilespmem:s22], [sflag:$0x4] =	stream.indirect_vreg.gather [hbm4b:s5+s19], $0x80, v3, vm0, $0xb8;
	[tilespmem:$0x18F00] =	vst v63  }
0xc7: {  	v3 =	vld [tilespmem:s14+$0x27E0];
	_ =	sdelay $0x4  }
0xc8: {  	v4 =	vshll.u32 v3, $0x1  }
0xc9: {  	v3 =	vand.u32 $0x7, v3;
	v4 =	vand.u32 $0xFFFFFFF0, v4  }
0xca: {  	v3 =	vor.u32 v3, v4  }
0xcb: {  	v4 =	vperm.xlane v3, v0;
	_ =	sdelay $0x1  }
0xcc: {  	v3 =	vperm.xlane v3, v2;
	v4 =	vadd.s32 v1, v4;
	_ =	sdelay $0x1  }
0xcd: {  	v3 =	vadd.s32 v1, v3;
	_ =	sdelay $0x1  }
0xce: {  	s15 =	simm.s32 $0x14F00  }
0xcf: {  	[tilespmem:s15], [sflag:$0x4] =	stream.indirect_vreg.gather [hbm4b:s5+s19], $0x80, v4, vm0, $0xb8;
	[tilespmem:$0x18F00] =	vst v63  }
0xd0: {  	s20 =	simm.s32 $0x15700  }
0xd1: {  	[tilespmem:s20], [sflag:$0x4] =	stream.indirect_vreg.gather [hbm4b:s5+s19], $0x80, v3, vm0, $0xb8;
	[tilespmem:$0x18F00] =	vst v63  }
0xd2: {  	v3 =	vld [tilespmem:s14+$0x27F0];
	_ =	sdelay $0x4  }
0xd3: {  	v4 =	vshll.u32 v3, $0x1  }
0xd4: {  	v3 =	vand.u32 $0x7, v3;
	v4 =	vand.u32 $0xFFFFFFF0, v4  }
0xd5: {  	v3 =	vor.u32 v3, v4  }
0xd6: {  	v4 =	vperm.xlane v3, v0;
	_ =	sdelay $0x1  }
0xd7: {  	v3 =	vperm.xlane v3, v2;
	v4 =	vadd.s32 v1, v4;
	_ =	sdelay $0x1  }
0xd8: {  	v3 =	vadd.s32 v1, v3;
	_ =	sdelay $0x1  }
0xd9: {  	s21 =	simm.s32 $0x15F00  }
0xda: {  	[tilespmem:s21], [sflag:$0x4] =	stream.indirect_vreg.gather [hbm4b:s5+s19], $0x80, v4, vm0, $0xb8;
	[tilespmem:$0x18F00] =	vst v63  }
0xdb: {  	s22 =	simm.s32 $0x16700  }
0xdc: {  	[tilespmem:s22], [sflag:$0x4] =	stream.indirect_vreg.gather [hbm4b:s5+s19], $0x80, v3, vm0, $0xb8;
	[tilespmem:$0x18F00] =	vst v63  }
0xdd: {  	v3 =	vld [tilespmem:s14+$0x2800];
	_ =	sdelay $0x4  }
0xde: {  	v4 =	vshll.u32 v3, $0x1  }
0xdf: {  	v3 =	vand.u32 $0x7, v3;
	v4 =	vand.u32 $0xFFFFFFF0, v4  }
0xe0: {  	v3 =	vor.u32 v3, v4  }
0xe1: {  	v4 =	vperm.xlane v3, v0;
	_ =	sdelay $0x1  }
0xe2: {  	v3 =	vperm.xlane v3, v2;
	v4 =	vadd.s32 v1, v4;
	_ =	sdelay $0x1  }
0xe3: {  	v3 =	vadd.s32 v1, v3;
	_ =	sdelay $0x1  }
0xe4: {  	s15 =	simm.s32 $0x16F00  }
0xe5: {  	[tilespmem:s15], [sflag:$0x4] =	stream.indirect_vreg.gather [hbm4b:s5+s19], $0x80, v4, vm0, $0xb8;
	[tilespmem:$0x18F00] =	vst v63  }
0xe6: {  	s20 =	simm.s32 $0x17700  }
0xe7: {  	[tilespmem:s20], [sflag:$0x4] =	stream.indirect_vreg.gather [hbm4b:s5+s19], $0x80, v3, vm0, $0xb8;
	[tilespmem:$0x18F00] =	vst v63  }
0xe8: {  	v3 =	vld [tilespmem:s14+$0x2810];
	_ =	sdelay $0x4  }
0xe9: {  	v4 =	vshll.u32 v3, $0x1  }
0xea: {  	v3 =	vand.u32 $0x7, v3;
	v4 =	vand.u32 $0xFFFFFFF0, v4  }
0xeb: {  	v3 =	vor.u32 v3, v4  }
0xec: {  	v4 =	vperm.xlane v3, v0;
	_ =	sdelay $0x1  }
0xed: {  	v3 =	vperm.xlane v3, v2;
	v4 =	vadd.s32 v1, v4;
	_ =	sdelay $0x1  }
0xee: {  	v3 =	vadd.s32 v1, v3;
	_ =	sdelay $0x1  }
0xef: {  	s21 =	simm.s32 $0x17F00  }
0xf0: {  	[tilespmem:s21], [sflag:$0x4] =	stream.indirect_vreg.gather [hbm4b:s5+s19], $0x80, v4, vm0, $0xb8;
	[tilespmem:$0x18F00] =	vst v63  }
0xf1: {  	_ = 	snop  }
0xf2: {  	[tilespmem:s7], [sflag:$0x4] =	stream.indirect_vreg.gather [hbm4b:s5+s19], $0x80, v3, vm0, $0xb8;
	[tilespmem:$0x18F00] =	vst v63  }
0xf3: {  	_ =	swait.ge [sflag:s16], $0x5000  }
0xf4: {  	[sflag:s16] =	ssyncset.done $0x0  }
0xf5: {  	[sflag:s16] =	ssyncadd.s32 $0xFFFFB000  }
0xf6: {  	_ =	swait.ge [sflag:s8], $0x5000  }
0xf7: {  	s22 =	sand.u32 $0x7800, s19;
	s19 =	sand.u32 $0x380, s19;
	[sflag:s8] =	ssyncset.done $0x0  }
0xf8: {  	s20 =	sor.u32 s19, s22;
	[sflag:s8] =	ssyncadd.s32 $0xFFFFB000  }
0xf9: {  	v10 =	vld [tilespmem:s20+$0x9F00]  }
0xfa: {  	v11 =	vld [tilespmem:s20+$0x9F10]  }
0xfb: {  	v12 =	vld [tilespmem:s20+$0x9F20]  }
0xfc: {  	v13 =	vld [tilespmem:s20+$0x9F30]  }
0xfd: {  	v14 =	vld [tilespmem:s20+$0x9F40]  }
0xfe: {  	v15 =	vld [tilespmem:s20+$0x9F50]  }
0xff: {  	v16 =	vld [tilespmem:s20+$0x9F60]  }
0x100: {  	v17 =	vld [tilespmem:s20+$0x9F70]  }
0x101: {  	v18 =	vld [tilespmem:s20+$0xA300]  }
0x102: {  	v9 =	vld [tilespmem:s20+$0xA310]  }
0x103: {  	v8 =	vld [tilespmem:s20+$0xA320]  }
0x104: {  	v7 =	vld [tilespmem:s20+$0xA330]  }
0x105: {  	v6 =	vld [tilespmem:s20+$0xA340]  }
0x106: {  	v5 =	vld [tilespmem:s20+$0xA350]  }
0x107: {  	v4 =	vld [tilespmem:s20+$0xA360]  }
0x108: {  	v3 =	vld [tilespmem:s20+$0xA370]  }
0x109: {  	v19 =	vld [tilespmem:s20+$0x4F00]  }
0x10a: {  	v20 =	vld [tilespmem:s20+$0x4F10]  }
0x10b: {  	v21 =	vld [tilespmem:s20+$0x4F20]  }
0x10c: {  	v22 =	vld [tilespmem:s20+$0x4F30]  }
0x10d: {  	v23 =	vld [tilespmem:s20+$0x4F40]  }
0x10e: {  	v10 =	vadd.f32 v10, v19;
	v19 =	vld [tilespmem:s20+$0x4F50]  }
0x10f: {  	v61 =	vld [tilespmem:s20+$0x4F60];
	v11 =	vadd.f32 v11, v20  }
0x110: {  	v62 =	vld [tilespmem:s20+$0x4F70];
	[tilespmem:s20+$0x4F00] =	vst v10;
	v10 =	vadd.f32 v12, v21  }
0x111: {  	v63 =	vld [tilespmem:s20+$0x5300];
	[tilespmem:s20+$0x4F10] =	vst v11;
	v11 =	vadd.f32 v13, v22  }
0x112: {  	v13 =	vld [tilespmem:s20+$0x5310];
	[tilespmem:s20+$0x4F20] =	vst v10;
	v10 =	vadd.f32 v14, v23  }
0x113: {  	v12 =	vld [tilespmem:s20+$0x5320];
	[tilespmem:s20+$0x4F30] =	vst v11;
	v11 =	vadd.f32 v15, v19  }
0x114: {  	v14 =	vadd.f32 v16, v61;
	[tilespmem:s20+$0x4F40] =	vst v10;
	v10 =	vld [tilespmem:s20+$0x5330]  }
0x115: {  	v16 =	vadd.f32 v17, v62;
	[tilespmem:s20+$0x4F50] =	vst v11;
	v11 =	vld [tilespmem:s20+$0x5340]  }
0x116: {  	s10 =	simm.s32 $0x100;
	s21 =	simm.s32 $0x80;
	s19 =	sadd.s32 $0x50, s14;
	v15 =	vadd.f32 v18, v63;
	[tilespmem:s20+$0x4F60] =	vst v14;
	v14 =	vld [tilespmem:s20+$0x5350]  }
.LBB2_3:
0x117: {  	s22 =	sand.u32 $0x7800, s10;
	s15 =	sand.u32 $0x380, s21;
	p0 =	sne.s32 s10, $0x4F00;
	[tilespmem:s20+$0x4F70] =	vst v16;
	v9 =	vadd.f32 v9, v13;
	v13 =	vld [tilespmem:s20+$0x5360]  }
0x118: {  	s15 =	sor.u32 s15, s22;
	[tilespmem:s20+$0x5300] =	vst v15;
	v8 =	vadd.f32 v8, v12;
	v12 =	vld [tilespmem:s20+$0x5370]  }
0x119: {  	v15 =	vld [tilespmem:s15+$0x9F00];
	[tilespmem:s20+$0x5310] =	vst v9;
	v7 =	vadd.f32 v7, v10  }
0x11a: {  	v10 =	vld [tilespmem:s15+$0x9F10];
	[tilespmem:s20+$0x5320] =	vst v8;
	v6 =	vadd.f32 v6, v11  }
0x11b: {  	v11 =	vld [tilespmem:s15+$0x9F20];
	[tilespmem:s20+$0x5330] =	vst v7;
	v5 =	vadd.f32 v5, v14  }
0x11c: {  	v14 =	vld [tilespmem:s15+$0x9F30];
	[tilespmem:s20+$0x5340] =	vst v6;
	v4 =	vadd.f32 v4, v13  }
0x11d: {  	v13 =	vld [tilespmem:s15+$0x9F40];
	[tilespmem:s20+$0x5350] =	vst v5;
	v3 =	vadd.f32 v3, v12  }
0x11e: {  	v12 =	vld [tilespmem:s15+$0x9F50];
	[tilespmem:s20+$0x5360] =	vst v4  }
0x11f: {  	v16 =	vld [tilespmem:s15+$0x9F60];
	[tilespmem:s20+$0x5370] =	vst v3;
	s20 =	smov.u32 s15  }
0x120: {  	v17 =	vld [tilespmem:s20+$0x9F70]  }
0x121: {  	v18 =	vld [tilespmem:s20+$0xA300]  }
0x122: {  	v9 =	vld [tilespmem:s20+$0xA310]  }
0x123: {  	v8 =	vld [tilespmem:s20+$0xA320]  }
0x124: {  	v7 =	vld [tilespmem:s20+$0xA330]  }
0x125: {  	v6 =	vld [tilespmem:s20+$0xA340]  }
0x126: {  	v5 =	vld [tilespmem:s20+$0xA350]  }
0x127: {  	v4 =	vld [tilespmem:s20+$0xA360]  }
0x128: {  	v3 =	vld [tilespmem:s20+$0xA370]  }
0x129: {  	v19 =	vld [tilespmem:s20+$0x4F00]  }
0x12a: {  	v20 =	vld [tilespmem:s20+$0x4F10]  }
0x12b: {  	v21 =	vld [tilespmem:s20+$0x4F20]  }
0x12c: {  	v22 =	vld [tilespmem:s20+$0x4F30]  }
0x12d: {  	v23 =	vld [tilespmem:s20+$0x4F40]  }
0x12e: {  	v15 =	vadd.f32 v15, v19;
	v19 =	vld [tilespmem:s20+$0x4F50]  }
0x12f: {  	v10 =	vadd.f32 v10, v20;
	v20 =	vld [tilespmem:s20+$0x4F60]  }
0x130: {  	[tilespmem:s20+$0x4F00] =	vst v15;
	v11 =	vadd.f32 v11, v21;
	v15 =	vld [tilespmem:s20+$0x4F70]  }
0x131: {  	[tilespmem:s20+$0x4F10] =	vst v10;
	v10 =	vadd.f32 v14, v22;
	v14 =	vld [tilespmem:s20+$0x5300]  }
.Ltmp0:
0x132: {  	[tilespmem:s20+$0x4F20] =	vst v11;
	v11 =	vadd.f32 v13, v23;
	v13 =	vld [tilespmem:s20+$0x5310];
	(pc) =	sbr.rel @p0 .LBB2_3-.Ltmp0, $4  }
0x133: {  	[tilespmem:s20+$0x4F30] =	vst v10;
	v19 =	vadd.f32 v12, v19;
	v12 =	vld [tilespmem:s20+$0x5320]  }
0x134: {  	[tilespmem:s20+$0x4F40] =	vst v11;
	v20 =	vadd.f32 v16, v20;
	v10 =	vld [tilespmem:s20+$0x5330]  }
0x135: {  	[tilespmem:s20+$0x4F50] =	vst v19;
	v16 =	vadd.f32 v17, v15;
	v11 =	vld [tilespmem:s20+$0x5340]  }
0x136: {  	s21 =	sadd.s32 $0x80, s21;
	s10 =	sadd.s32 $0x100, s10;
	[tilespmem:s20+$0x4F60] =	vst v20;
	v15 =	vadd.f32 v18, v14;
	v14 =	vld [tilespmem:s20+$0x5350]  }
0x137: {  	[tilespmem:s20+$0x4F70] =	vst v16;
	v9 =	vadd.f32 v9, v13;
	v13 =	vld [tilespmem:s20+$0x5360]  }
0x138: {  	[tilespmem:s20+$0x5300] =	vst v15;
	v8 =	vadd.f32 v8, v12;
	v12 =	vld [tilespmem:s20+$0x5370]  }
0x139: {  	[tilespmem:s20+$0x5310] =	vst v9;
	v7 =	vadd.f32 v7, v10  }
0x13a: {  	[tilespmem:s20+$0x5320] =	vst v8;
	v6 =	vadd.f32 v6, v11  }
0x13b: {  	s10 =	sadd.s32 s2, s14;
	[tilespmem:s20+$0x5330] =	vst v7;
	v5 =	vadd.f32 v5, v14  }
0x13c: {  	s10 =	sshll.u32 s10, $0x8;
	[tilespmem:s20+$0x5340] =	vst v6;
	v4 =	vadd.f32 v4, v13  }
0x13d: {  	s10 =	sadd.s32 s4, s10;
	[tilespmem:s20+$0x5350] =	vst v5;
	v3 =	vadd.f32 v3, v12  }
0x13e: {  	s10 =	sshrl.u32 s10, $0x3;
	[tilespmem:s20+$0x5360] =	vst v4  }
0x13f: {  	s10 =	sadd.s32 s6, s10;
	[tilespmem:s20+$0x5370] =	vst v3;
	s20 =	simm.s32 $0x0  }
0x140: {  	[hbm4b:s10+s20] =	stream.linear.scatter [tilespmem:s13], [sflag:$0x5], $0x5000, $0x38;
	[tilespmem:$0x18F00] =	vst v63  }
0x141: {  	_ =	swait.ge [sflag:s11], $0x5000  }
0x142: {  	[sflag:s11] =	ssyncset.done $0x0  }
0x143: {  	[sflag:s11] =	ssyncadd.s32 $0xFFFFB000  }
0x144: {  	v3 =	vld [tilespmem:s14+$0xA0];
	_ =	sdelay $0x4  }
0x145: {  	v4 =	vshll.u32 v3, $0x1  }
0x146: {  	v3 =	vand.u32 $0x7, v3;
	v4 =	vand.u32 $0xFFFFFFF0, v4  }
0x147: {  	v3 =	vor.u32 v3, v4  }
0x148: {  	v4 =	vperm.xlane v3, v0;
	_ =	sdelay $0x1  }
0x149: {  	v3 =	vperm.xlane v3, v2;
	v4 =	vadd.s32 v1, v4;
	_ =	sdelay $0x1  }
0x14a: {  	v3 =	vadd.s32 v1, v3;
	_ =	sdelay $0x2  }
0x14b: {  	[tilespmem:s13], [sflag:$0x1] =	stream.indirect_vreg.gather [hbm4b:s5+s20], $0x80, v4, vm0, $0xb8;
	[tilespmem:$0x18F00] =	vst v63  }
0x14c: {  	s21 =	simm.s32 $0x5700  }
0x14d: {  	[tilespmem:s21], [sflag:$0x1] =	stream.indirect_vreg.gather [hbm4b:s5+s20], $0x80, v3, vm0, $0xb8;
	[tilespmem:$0x18F00] =	vst v63  }
0x14e: {  	v3 =	vld [tilespmem:s14+$0xB0];
	_ =	sdelay $0x4  }
0x14f: {  	v4 =	vshll.u32 v3, $0x1  }
0x150: {  	v3 =	vand.u32 $0x7, v3;
	v4 =	vand.u32 $0xFFFFFFF0, v4  }
0x151: {  	v3 =	vor.u32 v3, v4  }
0x152: {  	v4 =	vperm.xlane v3, v0;
	_ =	sdelay $0x1  }
0x153: {  	v3 =	vperm.xlane v3, v2;
	v4 =	vadd.s32 v1, v4;
	_ =	sdelay $0x1  }
0x154: {  	v3 =	vadd.s32 v1, v3;
	_ =	sdelay $0x1  }
0x155: {  	s22 =	simm.s32 $0x5F00  }
0x156: {  	[tilespmem:s22], [sflag:$0x1] =	stream.indirect_vreg.gather [hbm4b:s5+s20], $0x80, v4, vm0, $0xb8;
	[tilespmem:$0x18F00] =	vst v63  }
0x157: {  	s15 =	simm.s32 $0x6700  }
0x158: {  	[tilespmem:s15], [sflag:$0x1] =	stream.indirect_vreg.gather [hbm4b:s5+s20], $0x80, v3, vm0, $0xb8;
	[tilespmem:$0x18F00] =	vst v63  }
0x159: {  	v3 =	vld [tilespmem:s14+$0xC0];
	_ =	sdelay $0x4  }
0x15a: {  	v4 =	vshll.u32 v3, $0x1  }
0x15b: {  	v3 =	vand.u32 $0x7, v3;
	v4 =	vand.u32 $0xFFFFFFF0, v4  }
0x15c: {  	v3 =	vor.u32 v3, v4  }
0x15d: {  	v4 =	vperm.xlane v3, v0;
	_ =	sdelay $0x1  }
0x15e: {  	v3 =	vperm.xlane v3, v2;
	v4 =	vadd.s32 v1, v4;
	_ =	sdelay $0x1  }
0x15f: {  	v3 =	vadd.s32 v1, v3;
	_ =	sdelay $0x1  }
0x160: {  	s21 =	simm.s32 $0x6F00  }
0x161: {  	[tilespmem:s21], [sflag:$0x1] =	stream.indirect_vreg.gather [hbm4b:s5+s20], $0x80, v4, vm0, $0xb8;
	[tilespmem:$0x18F00] =	vst v63  }
0x162: {  	s22 =	simm.s32 $0x7700  }
0x163: {  	[tilespmem:s22], [sflag:$0x1] =	stream.indirect_vreg.gather [hbm4b:s5+s20], $0x80, v3, vm0, $0xb8;
	[tilespmem:$0x18F00] =	vst v63  }
0x164: {  	v3 =	vld [tilespmem:s14+$0xD0];
	_ =	sdelay $0x4  }
0x165: {  	v4 =	vshll.u32 v3, $0x1  }
0x166: {  	v3 =	vand.u32 $0x7, v3;
	v4 =	vand.u32 $0xFFFFFFF0, v4  }
0x167: {  	v3 =	vor.u32 v3, v4  }
0x168: {  	v4 =	vperm.xlane v3, v0;
	_ =	sdelay $0x1  }
0x169: {  	v3 =	vperm.xlane v3, v2;
	v4 =	vadd.s32 v1, v4;
	_ =	sdelay $0x1  }
0x16a: {  	v3 =	vadd.s32 v1, v3;
	_ =	sdelay $0x1  }
0x16b: {  	s15 =	simm.s32 $0x7F00  }
0x16c: {  	[tilespmem:s15], [sflag:$0x1] =	stream.indirect_vreg.gather [hbm4b:s5+s20], $0x80, v4, vm0, $0xb8;
	[tilespmem:$0x18F00] =	vst v63  }
0x16d: {  	s21 =	simm.s32 $0x8700  }
0x16e: {  	[tilespmem:s21], [sflag:$0x1] =	stream.indirect_vreg.gather [hbm4b:s5+s20], $0x80, v3, vm0, $0xb8;
	[tilespmem:$0x18F00] =	vst v63  }
0x16f: {  	v3 =	vld [tilespmem:s14+$0xE0];
	_ =	sdelay $0x4  }
0x170: {  	v4 =	vshll.u32 v3, $0x1  }
0x171: {  	v3 =	vand.u32 $0x7, v3;
	v4 =	vand.u32 $0xFFFFFFF0, v4  }
0x172: {  	v3 =	vor.u32 v3, v4  }
0x173: {  	v4 =	vperm.xlane v3, v0;
	_ =	sdelay $0x1  }
0x174: {  	v3 =	vperm.xlane v3, v2;
	v4 =	vadd.s32 v1, v4;
	_ =	sdelay $0x1  }
0x175: {  	v3 =	vadd.s32 v1, v3;
	_ =	sdelay $0x1  }
0x176: {  	s22 =	simm.s32 $0x8F00  }
0x177: {  	[tilespmem:s22], [sflag:$0x1] =	stream.indirect_vreg.gather [hbm4b:s5+s20], $0x80, v4, vm0, $0xb8;
	[tilespmem:$0x18F00] =	vst v63  }
0x178: {  	s15 =	simm.s32 $0x9700  }
0x179: {  	[tilespmem:s15], [sflag:$0x1] =	stream.indirect_vreg.gather [hbm4b:s5+s20], $0x80, v3, vm0, $0xb8;
	[tilespmem:$0x18F00] =	vst v63  }
0x17a: {  	v3 =	vld [tilespmem:s14+$0x2820];
	_ =	sdelay $0x4  }
0x17b: {  	v4 =	vshll.u32 v3, $0x1  }
0x17c: {  	v3 =	vand.u32 $0x7, v3;
	v4 =	vand.u32 $0xFFFFFFF0, v4  }
0x17d: {  	v3 =	vor.u32 v3, v4  }
0x17e: {  	v4 =	vperm.xlane v3, v0;
	_ =	sdelay $0x1  }
0x17f: {  	v3 =	vperm.xlane v3, v2;
	v4 =	vadd.s32 v1, v4;
	_ =	sdelay $0x1  }
0x180: {  	v3 =	vadd.s32 v1, v3;
	_ =	sdelay $0x2  }
0x181: {  	[tilespmem:s23], [sflag:$0x2] =	stream.indirect_vreg.gather [hbm4b:s5+s20], $0x80, v4, vm0, $0xb8;
	[tilespmem:$0x18F00] =	vst v63  }
0x182: {  	_ = 	snop  }
0x183: {  	[tilespmem:s24], [sflag:$0x2] =	stream.indirect_vreg.gather [hbm4b:s5+s20], $0x80, v3, vm0, $0xb8;
	[tilespmem:$0x18F00] =	vst v63  }
0x184: {  	v3 =	vld [tilespmem:s14+$0x2830];
	_ =	sdelay $0x4  }
0x185: {  	v4 =	vshll.u32 v3, $0x1  }
0x186: {  	v3 =	vand.u32 $0x7, v3;
	v4 =	vand.u32 $0xFFFFFFF0, v4  }
0x187: {  	v3 =	vor.u32 v3, v4  }
0x188: {  	v4 =	vperm.xlane v3, v0;
	_ =	sdelay $0x1  }
0x189: {  	v3 =	vperm.xlane v3, v2;
	v4 =	vadd.s32 v1, v4;
	_ =	sdelay $0x1  }
0x18a: {  	v3 =	vadd.s32 v1, v3;
	_ =	sdelay $0x2  }
0x18b: {  	[tilespmem:s25], [sflag:$0x2] =	stream.indirect_vreg.gather [hbm4b:s5+s20], $0x80, v4, vm0, $0xb8;
	[tilespmem:$0x18F00] =	vst v63  }
0x18c: {  	_ = 	snop  }
0x18d: {  	[tilespmem:s26], [sflag:$0x2] =	stream.indirect_vreg.gather [hbm4b:s5+s20], $0x80, v3, vm0, $0xb8;
	[tilespmem:$0x18F00] =	vst v63  }
0x18e: {  	v3 =	vld [tilespmem:s14+$0x2840];
	_ =	sdelay $0x4  }
0x18f: {  	v4 =	vshll.u32 v3, $0x1  }
0x190: {  	v3 =	vand.u32 $0x7, v3;
	v4 =	vand.u32 $0xFFFFFFF0, v4  }
0x191: {  	v3 =	vor.u32 v3, v4  }
0x192: {  	v4 =	vperm.xlane v3, v0;
	_ =	sdelay $0x1  }
0x193: {  	v3 =	vperm.xlane v3, v2;
	v4 =	vadd.s32 v1, v4;
	_ =	sdelay $0x1  }
0x194: {  	v3 =	vadd.s32 v1, v3;
	_ =	sdelay $0x2  }
0x195: {  	[tilespmem:s28], [sflag:$0x2] =	stream.indirect_vreg.gather [hbm4b:s5+s20], $0x80, v4, vm0, $0xb8;
	[tilespmem:$0x18F00] =	vst v63  }
0x196: {  	_ = 	snop  }
0x197: {  	[tilespmem:s29], [sflag:$0x2] =	stream.indirect_vreg.gather [hbm4b:s5+s20], $0x80, v3, vm0, $0xb8;
	[tilespmem:$0x18F00] =	vst v63  }
0x198: {  	v3 =	vld [tilespmem:s14+$0x2850];
	_ =	sdelay $0x4  }
0x199: {  	v4 =	vshll.u32 v3, $0x1  }
0x19a: {  	v3 =	vand.u32 $0x7, v3;
	v4 =	vand.u32 $0xFFFFFFF0, v4  }
0x19b: {  	v3 =	vor.u32 v3, v4  }
0x19c: {  	v4 =	vperm.xlane v3, v0;
	_ =	sdelay $0x1  }
0x19d: {  	v3 =	vperm.xlane v3, v2;
	v4 =	vadd.s32 v1, v4;
	_ =	sdelay $0x1  }
0x19e: {  	v3 =	vadd.s32 v1, v3;
	_ =	sdelay $0x2  }
0x19f: {  	[tilespmem:s30], [sflag:$0x2] =	stream.indirect_vreg.gather [hbm4b:s5+s20], $0x80, v4, vm0, $0xb8;
	[tilespmem:$0x18F00] =	vst v63  }
0x1a0: {  	_ = 	snop  }
0x1a1: {  	[tilespmem:s31], [sflag:$0x2] =	stream.indirect_vreg.gather [hbm4b:s5+s20], $0x80, v3, vm0, $0xb8;
	[tilespmem:$0x18F00] =	vst v63  }
0x1a2: {  	v3 =	vld [tilespmem:s14+$0x2860];
	_ =	sdelay $0x4  }
0x1a3: {  	v4 =	vshll.u32 v3, $0x1  }
0x1a4: {  	v3 =	vand.u32 $0x7, v3;
	v4 =	vand.u32 $0xFFFFFFF0, v4  }
0x1a5: {  	v3 =	vor.u32 v3, v4  }
0x1a6: {  	v4 =	vperm.xlane v3, v0;
	_ =	sdelay $0x1  }
0x1a7: {  	v3 =	vperm.xlane v3, v2;
	v4 =	vadd.s32 v1, v4;
	_ =	sdelay $0x1  }
0x1a8: {  	v3 =	vadd.s32 v1, v3;
	_ =	sdelay $0x2  }
0x1a9: {  	[tilespmem:s1], [sflag:$0x2] =	stream.indirect_vreg.gather [hbm4b:s5+s20], $0x80, v4, vm0, $0xb8;
	[tilespmem:$0x18F00] =	vst v63  }
0x1aa: {  	_ = 	snop  }
0x1ab: {  	[tilespmem:s0], [sflag:$0x2] =	stream.indirect_vreg.gather [hbm4b:s5+s20], $0x80, v3, vm0, $0xb8;
	[tilespmem:$0x18F00] =	vst v63  }
0x1ac: {  	_ =	swait.ge [sflag:s17], $0x5000  }
0x1ad: {  	[sflag:s17] =	ssyncset.done $0x0  }
0x1ae: {  	[sflag:s17] =	ssyncadd.s32 $0xFFFFB000  }
0x1af: {  	_ =	swait.ge [sflag:s9], $0x5000  }
0x1b0: {  	s21 =	sand.u32 $0x7800, s20;
	s22 =	sand.u32 $0x380, s20;
	[sflag:s9] =	ssyncset.done $0x0  }
0x1b1: {  	s14 =	sor.u32 s22, s21;
	[sflag:s9] =	ssyncadd.s32 $0xFFFFB000  }
0x1b2: {  	v10 =	vld [tilespmem:s14+$0x13F00]  }
0x1b3: {  	v11 =	vld [tilespmem:s14+$0x13F10]  }
0x1b4: {  	v12 =	vld [tilespmem:s14+$0x13F20]  }
0x1b5: {  	v13 =	vld [tilespmem:s14+$0x13F30]  }
0x1b6: {  	v14 =	vld [tilespmem:s14+$0x13F40]  }
0x1b7: {  	v15 =	vld [tilespmem:s14+$0x13F50]  }
0x1b8: {  	v16 =	vld [tilespmem:s14+$0x13F60]  }
0x1b9: {  	v17 =	vld [tilespmem:s14+$0x13F70]  }
0x1ba: {  	v18 =	vld [tilespmem:s14+$0x14300]  }
0x1bb: {  	v9 =	vld [tilespmem:s14+$0x14310]  }
0x1bc: {  	v8 =	vld [tilespmem:s14+$0x14320]  }
0x1bd: {  	v7 =	vld [tilespmem:s14+$0x14330]  }
0x1be: {  	v6 =	vld [tilespmem:s14+$0x14340]  }
0x1bf: {  	v5 =	vld [tilespmem:s14+$0x14350]  }
0x1c0: {  	v4 =	vld [tilespmem:s14+$0x14360]  }
0x1c1: {  	v3 =	vld [tilespmem:s14+$0x14370]  }
0x1c2: {  	v19 =	vld [tilespmem:s14+$0xEF00]  }
0x1c3: {  	v20 =	vld [tilespmem:s14+$0xEF10]  }
0x1c4: {  	v21 =	vld [tilespmem:s14+$0xEF20]  }
0x1c5: {  	v22 =	vld [tilespmem:s14+$0xEF30]  }
0x1c6: {  	v23 =	vld [tilespmem:s14+$0xEF40]  }
0x1c7: {  	v10 =	vadd.f32 v10, v19;
	v19 =	vld [tilespmem:s14+$0xEF50]  }
0x1c8: {  	v61 =	vld [tilespmem:s14+$0xEF60];
	v11 =	vadd.f32 v11, v20  }
0x1c9: {  	v62 =	vld [tilespmem:s14+$0xEF70];
	[tilespmem:s14+$0xEF00] =	vst v10;
	v10 =	vadd.f32 v12, v21  }
0x1ca: {  	v63 =	vld [tilespmem:s14+$0xF300];
	[tilespmem:s14+$0xEF10] =	vst v11;
	v11 =	vadd.f32 v13, v22  }
0x1cb: {  	v13 =	vld [tilespmem:s14+$0xF310];
	[tilespmem:s14+$0xEF20] =	vst v10;
	v10 =	vadd.f32 v14, v23  }
0x1cc: {  	v12 =	vld [tilespmem:s14+$0xF320];
	[tilespmem:s14+$0xEF30] =	vst v11;
	v11 =	vadd.f32 v15, v19  }
0x1cd: {  	v14 =	vadd.f32 v16, v61;
	[tilespmem:s14+$0xEF40] =	vst v10;
	v10 =	vld [tilespmem:s14+$0xF330]  }
0x1ce: {  	v16 =	vadd.f32 v17, v62;
	[tilespmem:s14+$0xEF50] =	vst v11;
	v11 =	vld [tilespmem:s14+$0xF340]  }
0x1cf: {  	s10 =	simm.s32 $0x100;
	s20 =	simm.s32 $0x80;
	v15 =	vadd.f32 v18, v63;
	[tilespmem:s14+$0xEF60] =	vst v14;
	v14 =	vld [tilespmem:s14+$0xF350]  }
.LBB2_5:
0x1d0: {  	s15 =	sand.u32 $0x7800, s10;
	s21 =	sand.u32 $0x380, s20;
	p0 =	sne.s32 s10, $0x4F00;
	[tilespmem:s14+$0xEF70] =	vst v16;
	v9 =	vadd.f32 v9, v13;
	v13 =	vld [tilespmem:s14+$0xF360]  }
0x1d1: {  	s15 =	sor.u32 s21, s15;
	[tilespmem:s14+$0xF300] =	vst v15;
	v8 =	vadd.f32 v8, v12;
	v12 =	vld [tilespmem:s14+$0xF370]  }
0x1d2: {  	v15 =	vld [tilespmem:s15+$0x13F00];
	[tilespmem:s14+$0xF310] =	vst v9;
	v7 =	vadd.f32 v7, v10  }
0x1d3: {  	v10 =	vld [tilespmem:s15+$0x13F10];
	[tilespmem:s14+$0xF320] =	vst v8;
	v6 =	vadd.f32 v6, v11  }
0x1d4: {  	v11 =	vld [tilespmem:s15+$0x13F20];
	[tilespmem:s14+$0xF330] =	vst v7;
	v5 =	vadd.f32 v5, v14  }
0x1d5: {  	v14 =	vld [tilespmem:s15+$0x13F30];
	[tilespmem:s14+$0xF340] =	vst v6;
	v4 =	vadd.f32 v4, v13  }
0x1d6: {  	v13 =	vld [tilespmem:s15+$0x13F40];
	[tilespmem:s14+$0xF350] =	vst v5;
	v3 =	vadd.f32 v3, v12  }
0x1d7: {  	v12 =	vld [tilespmem:s15+$0x13F50];
	[tilespmem:s14+$0xF360] =	vst v4  }
0x1d8: {  	v16 =	vld [tilespmem:s15+$0x13F60];
	[tilespmem:s14+$0xF370] =	vst v3;
	s14 =	smov.u32 s15  }
0x1d9: {  	v17 =	vld [tilespmem:s14+$0x13F70]  }
0x1da: {  	v18 =	vld [tilespmem:s14+$0x14300]  }
0x1db: {  	v9 =	vld [tilespmem:s14+$0x14310]  }
0x1dc: {  	v8 =	vld [tilespmem:s14+$0x14320]  }
0x1dd: {  	v7 =	vld [tilespmem:s14+$0x14330]  }
0x1de: {  	v6 =	vld [tilespmem:s14+$0x14340]  }
0x1df: {  	v5 =	vld [tilespmem:s14+$0x14350]  }
0x1e0: {  	v4 =	vld [tilespmem:s14+$0x14360]  }
0x1e1: {  	v3 =	vld [tilespmem:s14+$0x14370]  }
0x1e2: {  	v19 =	vld [tilespmem:s14+$0xEF00]  }
0x1e3: {  	v20 =	vld [tilespmem:s14+$0xEF10]  }
0x1e4: {  	v21 =	vld [tilespmem:s14+$0xEF20]  }
0x1e5: {  	v22 =	vld [tilespmem:s14+$0xEF30]  }
0x1e6: {  	v23 =	vld [tilespmem:s14+$0xEF40]  }
0x1e7: {  	v15 =	vadd.f32 v15, v19;
	v19 =	vld [tilespmem:s14+$0xEF50]  }
0x1e8: {  	v10 =	vadd.f32 v10, v20;
	v20 =	vld [tilespmem:s14+$0xEF60]  }
0x1e9: {  	[tilespmem:s14+$0xEF00] =	vst v15;
	v11 =	vadd.f32 v11, v21;
	v15 =	vld [tilespmem:s14+$0xEF70]  }
0x1ea: {  	[tilespmem:s14+$0xEF10] =	vst v10;
	v10 =	vadd.f32 v14, v22;
	v14 =	vld [tilespmem:s14+$0xF300]  }
.Ltmp1:
0x1eb: {  	[tilespmem:s14+$0xEF20] =	vst v11;
	v11 =	vadd.f32 v13, v23;
	v13 =	vld [tilespmem:s14+$0xF310];
	(pc) =	sbr.rel @p0 .LBB2_5-.Ltmp1, $4  }
0x1ec: {  	[tilespmem:s14+$0xEF30] =	vst v10;
	v19 =	vadd.f32 v12, v19;
	v12 =	vld [tilespmem:s14+$0xF320]  }
0x1ed: {  	[tilespmem:s14+$0xEF40] =	vst v11;
	v20 =	vadd.f32 v16, v20;
	v10 =	vld [tilespmem:s14+$0xF330]  }
0x1ee: {  	[tilespmem:s14+$0xEF50] =	vst v19;
	v16 =	vadd.f32 v17, v15;
	v11 =	vld [tilespmem:s14+$0xF340]  }
0x1ef: {  	s20 =	sadd.s32 $0x80, s20;
	s10 =	sadd.s32 $0x100, s10;
	[tilespmem:s14+$0xEF60] =	vst v20;
	v15 =	vadd.f32 v18, v14;
	v14 =	vld [tilespmem:s14+$0xF350]  }
0x1f0: {  	[tilespmem:s14+$0xEF70] =	vst v16;
	v9 =	vadd.f32 v9, v13;
	v62 =	vld [tilespmem:s14+$0xF360]  }
0x1f1: {  	v63 =	vld [tilespmem:s14+$0xF370];
	[tilespmem:s14+$0xF300] =	vst v15;
	v8 =	vadd.f32 v8, v12  }
0x1f2: {  	[tilespmem:s14+$0xF310] =	vst v9;
	v7 =	vadd.f32 v7, v10  }
0x1f3: {  	[tilespmem:s14+$0xF320] =	vst v8;
	v6 =	vadd.f32 v6, v11  }
0x1f4: {  	s10 =	sadd.s32 s2, s19;
	[tilespmem:s14+$0xF330] =	vst v7;
	v5 =	vadd.f32 v5, v14  }
0x1f5: {  	s10 =	sshll.u32 s10, $0x8;
	[tilespmem:s14+$0xF340] =	vst v6;
	v4 =	vadd.f32 v4, v62  }
0x1f6: {  	s18 =	sadd.s32 $0x1, s18;
	s10 =	sadd.s32 s4, s10;
	v3 =	vadd.f32 v3, v63;
	[tilespmem:s14+$0xF350] =	vst v5  }
0x1f7: {  	p0 =	sne.s32 s18, $0x3E;
	s10 =	sshrl.u32 s10, $0x3;
	[tilespmem:s14+$0xF360] =	vst v4  }
.Ltmp2:
0x1f8: {  	s10 =	sadd.s32 s6, s10;
	[tilespmem:s14+$0xF370] =	vst v3;
	(pc) =	sbr.rel @p0 .LBB2_2-.Ltmp2, $4  }
0x1f9: {  	[hbm4b:s10+s3] =	stream.linear.scatter [tilespmem:s12], [sflag:$0x5], $0x5000, $0x38;
	[tilespmem:$0x18F00] =	vst v63  }
0x1fa: {  	_ =	swait.ge [sflag:s11], $0x5000  }
0x1fb: {  	[sflag:s11] =	ssyncset.done $0x0  }
0x1fc: {  	[sflag:s11] =	ssyncadd.s32 $0xFFFFB000  }
0x1fd: {  	_ =	swait.ge [sflag:s16], $0x5000  }
0x1fe: {  	[sflag:s16] =	ssyncset.done $0x0  }
0x1ff: {  	[sflag:s16] =	ssyncadd.s32 $0xFFFFB000  }
0x200: {  	s10 =	simm.s32 $0x0;
	_ =	swait.ge [sflag:s8], $0x5000  }
0x201: {  	s14 =	sand.u32 $0x7800, s10;
	s10 =	sand.u32 $0x380, s10;
	[sflag:s8] =	ssyncset.done $0x0  }
0x202: {  	s14 =	sor.u32 s10, s14;
	[sflag:s8] =	ssyncadd.s32 $0xFFFFB000  }
0x203: {  	v10 =	vld [tilespmem:s14+$0x9F00]  }
0x204: {  	v11 =	vld [tilespmem:s14+$0x9F10]  }
0x205: {  	v12 =	vld [tilespmem:s14+$0x9F20]  }
0x206: {  	v13 =	vld [tilespmem:s14+$0x9F30]  }
0x207: {  	v14 =	vld [tilespmem:s14+$0x9F40]  }
0x208: {  	v15 =	vld [tilespmem:s14+$0x9F50]  }
0x209: {  	v16 =	vld [tilespmem:s14+$0x9F60]  }
0x20a: {  	v17 =	vld [tilespmem:s14+$0x9F70]  }
0x20b: {  	v18 =	vld [tilespmem:s14+$0xA300]  }
0x20c: {  	v9 =	vld [tilespmem:s14+$0xA310]  }
0x20d: {  	v8 =	vld [tilespmem:s14+$0xA320]  }
0x20e: {  	v7 =	vld [tilespmem:s14+$0xA330]  }
0x20f: {  	v6 =	vld [tilespmem:s14+$0xA340]  }
0x210: {  	v5 =	vld [tilespmem:s14+$0xA350]  }
0x211: {  	v4 =	vld [tilespmem:s14+$0xA360]  }
0x212: {  	v3 =	vld [tilespmem:s14+$0xA370]  }
0x213: {  	v19 =	vld [tilespmem:s14+$0x4F00]  }
0x214: {  	v20 =	vld [tilespmem:s14+$0x4F10]  }
0x215: {  	v21 =	vld [tilespmem:s14+$0x4F20]  }
0x216: {  	v22 =	vld [tilespmem:s14+$0x4F30]  }
0x217: {  	v23 =	vld [tilespmem:s14+$0x4F40]  }
0x218: {  	v10 =	vadd.f32 v10, v19;
	v19 =	vld [tilespmem:s14+$0x4F50]  }
0x219: {  	v61 =	vld [tilespmem:s14+$0x4F60];
	v11 =	vadd.f32 v11, v20  }
0x21a: {  	v62 =	vld [tilespmem:s14+$0x4F70];
	[tilespmem:s14+$0x4F00] =	vst v10;
	v10 =	vadd.f32 v12, v21  }
0x21b: {  	v63 =	vld [tilespmem:s14+$0x5300];
	[tilespmem:s14+$0x4F10] =	vst v11;
	v11 =	vadd.f32 v13, v22  }
0x21c: {  	v13 =	vld [tilespmem:s14+$0x5310];
	[tilespmem:s14+$0x4F20] =	vst v10;
	v10 =	vadd.f32 v14, v23  }
0x21d: {  	v12 =	vld [tilespmem:s14+$0x5320];
	[tilespmem:s14+$0x4F30] =	vst v11;
	v11 =	vadd.f32 v15, v19  }
0x21e: {  	v14 =	vadd.f32 v16, v61;
	[tilespmem:s14+$0x4F40] =	vst v10;
	v10 =	vld [tilespmem:s14+$0x5330]  }
0x21f: {  	v16 =	vadd.f32 v17, v62;
	[tilespmem:s14+$0x4F50] =	vst v11;
	v11 =	vld [tilespmem:s14+$0x5340]  }
0x220: {  	s18 =	simm.s32 $0x80;
	s10 =	simm.s32 $0x100;
	v15 =	vadd.f32 v18, v63;
	[tilespmem:s14+$0x4F60] =	vst v14;
	v14 =	vld [tilespmem:s14+$0x5350]  }
.LBB2_8:
0x221: {  	s15 =	sand.u32 $0x7800, s10;
	s19 =	sand.u32 $0x380, s18;
	p0 =	sne.s32 s10, $0x4F00;
	[tilespmem:s14+$0x4F70] =	vst v16;
	v9 =	vadd.f32 v9, v13;
	v13 =	vld [tilespmem:s14+$0x5360]  }
0x222: {  	s15 =	sor.u32 s19, s15;
	[tilespmem:s14+$0x5300] =	vst v15;
	v8 =	vadd.f32 v8, v12;
	v12 =	vld [tilespmem:s14+$0x5370]  }
0x223: {  	v15 =	vld [tilespmem:s15+$0x9F00];
	[tilespmem:s14+$0x5310] =	vst v9;
	v7 =	vadd.f32 v7, v10  }
0x224: {  	v10 =	vld [tilespmem:s15+$0x9F10];
	[tilespmem:s14+$0x5320] =	vst v8;
	v6 =	vadd.f32 v6, v11  }
0x225: {  	v11 =	vld [tilespmem:s15+$0x9F20];
	[tilespmem:s14+$0x5330] =	vst v7;
	v5 =	vadd.f32 v5, v14  }
0x226: {  	v14 =	vld [tilespmem:s15+$0x9F30];
	[tilespmem:s14+$0x5340] =	vst v6;
	v4 =	vadd.f32 v4, v13  }
0x227: {  	v13 =	vld [tilespmem:s15+$0x9F40];
	[tilespmem:s14+$0x5350] =	vst v5;
	v3 =	vadd.f32 v3, v12  }
0x228: {  	v12 =	vld [tilespmem:s15+$0x9F50];
	[tilespmem:s14+$0x5360] =	vst v4  }
0x229: {  	v16 =	vld [tilespmem:s15+$0x9F60];
	[tilespmem:s14+$0x5370] =	vst v3;
	s14 =	smov.u32 s15  }
0x22a: {  	v17 =	vld [tilespmem:s14+$0x9F70]  }
0x22b: {  	v18 =	vld [tilespmem:s14+$0xA300]  }
0x22c: {  	v9 =	vld [tilespmem:s14+$0xA310]  }
0x22d: {  	v8 =	vld [tilespmem:s14+$0xA320]  }
0x22e: {  	v7 =	vld [tilespmem:s14+$0xA330]  }
0x22f: {  	v6 =	vld [tilespmem:s14+$0xA340]  }
0x230: {  	v5 =	vld [tilespmem:s14+$0xA350]  }
0x231: {  	v4 =	vld [tilespmem:s14+$0xA360]  }
0x232: {  	v3 =	vld [tilespmem:s14+$0xA370]  }
0x233: {  	v19 =	vld [tilespmem:s14+$0x4F00]  }
0x234: {  	v20 =	vld [tilespmem:s14+$0x4F10]  }
0x235: {  	v21 =	vld [tilespmem:s14+$0x4F20]  }
0x236: {  	v22 =	vld [tilespmem:s14+$0x4F30]  }
0x237: {  	v23 =	vld [tilespmem:s14+$0x4F40]  }
0x238: {  	v15 =	vadd.f32 v15, v19;
	v19 =	vld [tilespmem:s14+$0x4F50]  }
0x239: {  	v10 =	vadd.f32 v10, v20;
	v20 =	vld [tilespmem:s14+$0x4F60]  }
0x23a: {  	[tilespmem:s14+$0x4F00] =	vst v15;
	v11 =	vadd.f32 v11, v21;
	v15 =	vld [tilespmem:s14+$0x4F70]  }
0x23b: {  	[tilespmem:s14+$0x4F10] =	vst v10;
	v10 =	vadd.f32 v14, v22;
	v14 =	vld [tilespmem:s14+$0x5300]  }
.Ltmp3:
0x23c: {  	[tilespmem:s14+$0x4F20] =	vst v11;
	v11 =	vadd.f32 v13, v23;
	v13 =	vld [tilespmem:s14+$0x5310];
	(pc) =	sbr.rel @p0 .LBB2_8-.Ltmp3, $4  }
0x23d: {  	[tilespmem:s14+$0x4F30] =	vst v10;
	v19 =	vadd.f32 v12, v19;
	v12 =	vld [tilespmem:s14+$0x5320]  }
0x23e: {  	[tilespmem:s14+$0x4F40] =	vst v11;
	v20 =	vadd.f32 v16, v20;
	v10 =	vld [tilespmem:s14+$0x5330]  }
0x23f: {  	[tilespmem:s14+$0x4F50] =	vst v19;
	v16 =	vadd.f32 v17, v15;
	v11 =	vld [tilespmem:s14+$0x5340]  }
0x240: {  	s18 =	sadd.s32 $0x80, s18;
	s10 =	sadd.s32 $0x100, s10;
	[tilespmem:s14+$0x4F60] =	vst v20;
	v15 =	vadd.f32 v18, v14;
	v14 =	vld [tilespmem:s14+$0x5350]  }
0x241: {  	[tilespmem:s14+$0x4F70] =	vst v16;
	v9 =	vadd.f32 v9, v13;
	v62 =	vld [tilespmem:s14+$0x5360]  }
0x242: {  	v63 =	vld [tilespmem:s14+$0x5370];
	[tilespmem:s14+$0x5300] =	vst v15;
	v8 =	vadd.f32 v8, v12  }
0x243: {  	[tilespmem:s14+$0x5310] =	vst v9;
	v7 =	vadd.f32 v7, v10  }
0x244: {  	[tilespmem:s14+$0x5320] =	vst v8;
	v6 =	vadd.f32 v6, v11  }
0x245: {  	[tilespmem:s14+$0x5330] =	vst v7;
	v5 =	vadd.f32 v5, v14  }
0x246: {  	[tilespmem:s14+$0x5340] =	vst v6;
	v4 =	vadd.f32 v4, v62  }
0x247: {  	v3 =	vadd.f32 v3, v63;
	[tilespmem:s14+$0x5350] =	vst v5  }
0x248: {  	[tilespmem:s14+$0x5360] =	vst v4  }
0x249: {  	s10 =	rddreg [dreg:$0x4];
	[tilespmem:s14+$0x5370] =	vst v3  }
0x24a: {  	[hbm4b:s10+s3] =	stream.linear.scatter [tilespmem:s13], [sflag:$0x5], $0x5000, $0x38;
	[tilespmem:$0x18F00] =	vst v63  }
0x24b: {  	_ =	swait.ge [sflag:s11], $0x5000  }
0x24c: {  	s21 =	rddreg [dreg:$0x6]  }
0x24d: {  	s22 =	rddreg [dreg:$0x5];
	s14 =	sadd.s32 $0x1, s21  }
0x24e: {  	p0 =	sne.s32 s14, s22  }
.Ltmp4:
0x24f: {  	_ = 	snop;
	(pc) =	sbr.rel @p0 .LBB2_1-.Ltmp4, $3  }
0x250: {  	_ =	sdelay $0x1  }
0x251: {  	[sflag:s11] =	ssyncset.done $0x0  }
0x252: {  	[sflag:s11] =	ssyncadd.s32 $0xFFFFB000  }
0x253: {  	_ =	sfence.sel $0x180000  }
0x254: {  	[bflag:$0x0] =	sbarrier.arrive $0xFFFF  }
0x255: {  	_ =	strace $0x90000047  }
0x256: {  	s0 =	stileid.u32;
	[bflag:$0x2] =	sbarrier.arrive $0xFFFF  }
0x257: {  	p0 =	sne.s32 s0, $0x0;
	s0 =	rddreg [dreg:$0x1]  }
0x258: {  	s0 =	sadd.s32 @!p0 $0x100000, s0  }
0x259: {  	[sflag:s0] =	ssyncadd.tile.s32 @!p0 $0x1;
	_ =	shalt  }
.Lfunc_end2:
_tile_overlayer_lowered:
.L_overlay_start_2:
0x25a: {  	(tag) =	ssettag $0x2  }
0x25b: {  	s0 =	rddreg [dreg:$0x0];
	s2 =	stileid.u32  }
0x25c: {  	s1 =	rddreg [dreg:$0x1];
	p0 =	sne.s32 s2, $0x0  }
0x25d: {  	s3 =	rddreg [dreg:$0x2];
	[bflag:$0x3] =	sbarrier.arrive $0xFFFF;
	s2 =	simm.s32 @!p0 $0x1C05  }
0x25e: {  	[timem:s3], [sflag:s2] =	dma.local @!p0 [hbm:s0], s1  }
0x25f: {  	s0 =	simm.s32 @!p0 $0x5  }
0x260: {  	_ =	swait.ge @!p0 [sflag:s0], s1  }
0x261: {  	s1 =	ssub.s32 @!p0 $0x0, s1;
	[sflag:s0] =	ssyncset.done @!p0 $0x0  }
0x262: {  	[sflag:s0] =	ssyncadd.s32 @!p0 s1  }
0x263: {  	[bflag:$0x3] =	sbarrier.arrive $0xFFFF  }
0x264: {  	_ =	shalt  }

// kernel: kernel.15.cloned.1.call-start
scs
__scs_entry_jumppad:
0x0: {  	(pc) =	sbr.rel $0x88, $3  }
0x1: {  	(tag) =	ssettag $0x0;
	lr =	simm.s32 $0x1  }
0x2: {  	[smem:$0x3F93] =	sst lr;
	_ =	strace $0xD0000000  }
0x3: {  	_ = 	snop  }
0x4: {  	_ = 	snop  }
0x5: {  	_ = 	snop  }
0x6: {  	_ = 	snop  }
0x7: {  	_ = 	snop  }
__scs_overlays_trampoline_lowered:
0x8: {  	[smem:$0x3FA2] =	sst s0  }
0x9: {  	[smem:$0x3FA3] =	sst s1  }
0xa: {  	[smem:$0x3FA4] =	sst s2  }
0xb: {  	[smem:$0x3FA5] =	sst s3  }
0xc: {  	[smem:$0x3FA6] =	sst s4  }
0xd: {  	[smem:$0x3FA7] =	sst s5  }
0xe: {  	[smem:$0x3FA8] =	sst s6  }
0xf: {  	[smem:$0x3FA9] =	sst s7  }
0x10: {  	[smem:$0x3FAA] =	sst s8  }
0x11: {  	[smem:$0x3FAB] =	sst s9;
	s0 =	simm.s32 @!p0 $0x0  }
0x12: {  	s1 =	sld [smem:$0x3F91];
	s0 =	simm.s32 @p0 $0x1  }
0x13: {  	[smem:$0x3FAC] =	sst s0;
	s0 =	simm.s32 @!p1 $0x0  }
0x14: {  	s2 =	sld [smem:$0x3F90];
	s0 =	simm.s32 @p1 $0x1  }
0x15: {  	[smem:$0x3FAD] =	sst s0;
	s0 =	simm.s32 @!p2 $0x0  }
0x16: {  	s3 =	sld [smem:$0x3FDB];
	s0 =	simm.s32 @p2 $0x1  }
0x17: {  	s4 =	simm.s32 $0x1BF5;
	[smem:$0x3FAF] =	sst s0  }
0x18: {  	s0 =	sld [smem:$0x3F92];
	_ =	swait.ge [sflag:s4], $0x0  }
0x19: {  	s7 =	sld [smem:$0x3F93]  }
0x1a: {  	s8 =	sadd.s32 $0xFFFFE003, lr  }
0x1b: {  	s9 =	sadd.s32 $0xFFFFFEF7, lr;
	s5 =	simm.s32 $0xFFFFFFFF;
	p2 =	slt.u32 s8, $0xFFFFF086  }
0x1c: {  	p1 =	slt.u32 s9, $0xF7A;
	s5 =	simm.s32 @!p2 $0x0  }
0x1d: {  	s5 =	simm.s32 @p1 $0x1;
	p0 =	seq.s32 s7, s2  }
0x1e: {  	s7 =	smul.u32 @!p0 $0xF7A, s2;
	p2 =	seq.s32 @!p0 s5, $0x0  }
0x1f: {  	s9 =	smul.u32 $0xF7A, s1;
	s8 =	simm.s32 @!p0 $0x1BF5;
	p2 =	por !p2, p0  }
0x20: {  	[sflag:s8] =	ssyncset.s32 @!p0 $0xFFFFF086;
	s6 =	sadd.s32 @!p0 s3, s7;
	s7 =	simm.s32 @!p0 $0x108  }
0x21: {  	s3 =	sadd.s32 s3, s9;
	s6 =	sadd.s32 @!p0 $0x88, s6;
	s7 =	simm.s32 @p2 $0x1082  }
0x22: {  	[simem:s7], [sflag:s8] =	dma.local @!p0 [hbm:s6], $0xF7A  }
0x23: {  	s9 =	sor.u32 $0xD0000000, s2;
	s6 =	simm.s32 $0x108;
	_ =	swait.ge @!p0 [sflag:s8], $0x0  }
0x24: {  	s3 =	sadd.s32 $0x88, s3;
	s6 =	simm.s32 @!p1 $0x1082;
	[sflag:s4] =	ssyncset.s32 $0xFFFFF086  }
0x25: {  	[simem:s6], [sflag:s4] =	dma.local [hbm:s3], $0xF7A  }
0x26: {  	[smem:$0x3F93] =	sst s1;
	(tag) =	ssettag s2;
	_ =	strace s9  }
0x27: {  	s1 =	sld [smem:$0x3FA3]  }
0x28: {  	s2 =	sld [smem:$0x3FA4]  }
0x29: {  	s4 =	sld [smem:$0x3FA6]  }
0x2a: {  	p0 =	seq.s32 s5, $0x0;
	s5 =	sld [smem:$0x3FA7]  }
0x2b: {  	s6 =	sld [smem:$0x3FA8]  }
0x2c: {  	s7 =	sld [smem:$0x3FA9]  }
0x2d: {  	s3 =	simm.s32 $0x108;
	s8 =	sld [smem:$0x3FAA]  }
0x2e: {  	s3 =	simm.s32 @!p0 $0x1082;
	s9 =	sld [smem:$0x3FAB]  }
0x2f: {  	lr =	sadd.s32 s0, s3;
	s0 =	sld [smem:$0x3FA2]  }
0x30: {  	s3 =	sld [smem:$0x3FA5]  }
0x31: {  	[smem:$0x3FAE] =	sst s10  }
0x32: {  	s10 =	sld [smem:$0x3FAC];
	_ =	sdelay $0x3  }
0x33: {  	p0 =	seq.s32 s10, $0x1;
	s10 =	sld [smem:$0x3FAE];
	_ =	sdelay $0x3  }
0x34: {  	[smem:$0x3FAE] =	sst s10  }
0x35: {  	s10 =	sld [smem:$0x3FAD];
	_ =	sdelay $0x3  }
0x36: {  	p1 =	seq.s32 s10, $0x1;
	s10 =	sld [smem:$0x3FAE];
	_ =	sdelay $0x3  }
0x37: {  	[smem:$0x3FAE] =	sst s10  }
0x38: {  	s10 =	sld [smem:$0x3FAF]  }
0x39: {  	_ = 	snop;
	(pc) =	sbr.ind lr, $3  }
0x3a: {  	_ = 	snop  }
0x3b: {  	_ = 	snop  }
0x3c: {  	p2 =	seq.s32 s10, $0x1;
	s10 =	sld [smem:$0x3FAE]  }
0x3d: {  	_ =	shalt  }
0x3e: {  	_ =	shalt  }
0x3f: {  	_ =	shalt  }
0x40: {  	_ =	shalt  }
0x41: {  	_ =	shalt  }
0x42: {  	_ =	shalt  }
0x43: {  	_ =	shalt  }
0x44: {  	_ =	shalt  }
0x45: {  	_ =	shalt  }
0x46: {  	_ =	shalt  }
0x47: {  	_ =	shalt  }
0x48: {  	_ =	shalt  }
0x49: {  	_ =	shalt  }
0x4a: {  	_ =	shalt  }
0x4b: {  	_ =	shalt  }
0x4c: {  	_ =	shalt  }
0x4d: {  	_ =	shalt  }
0x4e: {  	_ =	shalt  }
0x4f: {  	_ =	shalt  }
0x50: {  	_ =	shalt  }
0x51: {  	_ =	shalt  }
0x52: {  	_ =	shalt  }
0x53: {  	_ =	shalt  }
0x54: {  	_ =	shalt  }
0x55: {  	_ =	shalt  }
0x56: {  	_ =	shalt  }
0x57: {  	_ =	shalt  }
0x58: {  	_ =	shalt  }
0x59: {  	_ =	shalt  }
0x5a: {  	_ =	shalt  }
0x5b: {  	_ =	shalt  }
0x5c: {  	_ =	shalt  }
0x5d: {  	_ =	shalt  }
0x5e: {  	_ =	shalt  }
0x5f: {  	_ =	shalt  }
0x60: {  	_ =	shalt  }
0x61: {  	_ =	shalt  }
0x62: {  	_ =	shalt  }
0x63: {  	_ =	shalt  }
0x64: {  	_ =	shalt  }
0x65: {  	_ =	shalt  }
0x66: {  	_ =	shalt  }
0x67: {  	_ =	shalt  }
0x68: {  	_ =	shalt  }
0x69: {  	_ =	shalt  }
0x6a: {  	_ =	shalt  }
0x6b: {  	_ =	shalt  }
0x6c: {  	_ =	shalt  }
0x6d: {  	_ =	shalt  }
0x6e: {  	_ =	shalt  }
0x6f: {  	_ =	shalt  }
0x70: {  	_ =	shalt  }
0x71: {  	_ =	shalt  }
0x72: {  	_ =	shalt  }
0x73: {  	_ =	shalt  }
0x74: {  	_ =	shalt  }
0x75: {  	_ =	shalt  }
0x76: {  	_ =	shalt  }
0x77: {  	_ =	shalt  }
0x78: {  	_ =	shalt  }
0x79: {  	_ =	shalt  }
0x7a: {  	_ =	shalt  }
0x7b: {  	_ =	shalt  }
0x7c: {  	_ =	shalt  }
0x7d: {  	_ =	shalt  }
0x7e: {  	_ =	shalt  }
0x7f: {  	_ =	shalt  }
0x80: {  	_ =	shalt  }
0x81: {  	_ =	shalt  }
0x82: {  	_ =	shalt  }
0x83: {  	_ =	shalt  }
0x84: {  	_ =	shalt  }
0x85: {  	_ =	shalt  }
0x86: {  	_ =	shalt  }
0x87: {  	_ =	shalt  }
.Lfunc_end0:
.L_simem_size_0:
called_computation.1_lowered:
.L_overlay_start_0:
0x88: {  	s2 =	sld [smem:$0x3FD9]  }
0x89: {  	s3 =	sld [smem:$0x3FFE];
	_ =	sdelay $0x1  }
0x8a: {  	s1 =	srdreg.scid  }
0x8b: {  	s0 =	sand.u32 $0x1, s1  }
0x8c: {  	s16 =	sshll.u32 s0, $0xA;
	s2 =	sadd.s32 s3, s2  }
0x8d: {  	s2 =	sadd.s32 s2, s16  }
0x8e: {  	[smem:$0x3FBA] =	sst s2  }
0x8f: {  	_ = 	snop  }
0x90: {  	(tm) =	ssettm $0x1  }
0x91: {  	s17 =	sld [smem:$0x3FFB];
	_ =	sdelay $0x3  }
0x92: {  	_ =	strace s17  }
0x93: {  	s2 =	sld [smem:$0x3FFC];
	_ =	sdelay $0x3  }
0x94: {  	_ =	strace s2  }
0x95: {  	s2 =	sld [smem:$0x3FFD];
	_ =	sdelay $0x3  }
0x96: {  	_ =	strace s2  }
0x97: {  	_ =	strace $0x8FFFFFFF  }
0x98: {  	s18 =	sld [smem:$0x3FDB];
	_ =	sdelay $0x1  }
0x99: {  	s19 =	simm.s32 $_scs_section_size  }
0x9a: {  	s4 =	simm.s32 $_size__tile_overlayer_lowered;
	s5 =	simm.s32 $_tile_overlayer_lowered  }
0x9b: {  	s22 =	simm.s32 $0x1BFF;
	s21 =	sshll.u32 s5, $0x1;
	s2 =	sadd.s32 s19, s18  }
0x9c: {  	s6 =	simm.s32 $0x0;
	s20 =	sshll.u32 s4, $0x1;
	s4 =	sadd.s32 s21, s2  }
0x9d: {  	[timem:s6], [sflag:s22] =	dma.local [hbm:s4], s20  }
0x9e: {  	_ =	swait.ge [sflag:s22], s20  }
0x9f: {  	s3 =	ssub.s32 $0x0, s20;
	[sflag:s22] =	ssyncset.done $0x0  }
0xa0: {  	[sflag:s22] =	ssyncadd.s32 s3;
	_ =	sdelay $0x1  }
0xa1: {  	s23 =	simm.s32 $0x1B8B  }
0xa2: {  	_ =	swait.ge [sflag:s23], $0x1  }
0xa3: {  	[sflag:s23] =	ssyncset.done $0x0  }
0xa4: {  	s25 =	simm.s32 $0x1B8E;
	s24 =	sld [smem:$0x3FFE];
	[sflag:s23] =	ssyncadd.s32 $0xFFFFFFFF  }
0xa5: {  	s26 =	simm.s32 $execute0_lowered;
	[smem:$0x3FD2] =	sst s25  }
0xa6: {  	s4 =	sshll.u32 s26, $0x1;
	_ =	strace $0x80000049;
	[dreg:$0x1] =	wrdreg $0xFFFFFFFF  }
0xa7: {  	s28 =	simm.s32 $_size_execute0_lowered;
	s2 =	sadd.s32 s2, s4;
	[dreg:$0x0] =	wrdreg $0x0  }
0xa8: {  	s4 =	sshll.u32 s28, $0x1;
	[dreg:$0x2] =	wrdreg s2  }
0xa9: {  	[dreg:$0x3] =	wrdreg s4  }
0xaa: {  	[dreg:$0x4] =	wrdreg $0xC0  }
0xab: {  	_ =	task [dreg:s6], $0x5FFFF  }
0xac: {  	[dreg:$0x1] =	wrdreg $0xFFFFFFFF  }
0xad: {  	[dreg:$0x0] =	wrdreg $0x60  }
0xae: {  	[dreg:$0x2] =	wrdreg s24  }
0xaf: {  	[dreg:$0x3] =	wrdreg $0x79000  }
0xb0: {  	[dreg:$0x4] =	wrdreg $0x9  }
0xb1: {  	_ =	task.clear_ibuf [dreg:s6], $0x5FFFF;
	_ =	strace $0x90000049  }
0xb2: {  	s29 =	simm.s32 $0x9;
	_ =	strace $0x8000004B  }
0xb3: {  	_ =	swait.ge [sflag:s29], $0x1  }
0xb4: {  	[sflag:s29] =	ssyncadd.s32 $0xFFFFFFFF  }
0xb5: {  	_ =	strace $0x9000004B  }
0xb6: {  	_ =	sfence  }
0xb7: {  	s30 =	sld [smem:$0x0];
	_ =	sdelay $0x2  }
0xb8: {  	s31 =	sshll.u32 s1, $0xD;
	s1 =	sshrl.u32 s1, $0x2  }
0xb9: {  	s3 =	sand.u32 $0x4000, s31;
	s1 =	sadd.s32 s1, s30  }
0xba: {  	s0 =	sor.u32 s3, s0;
	s1 =	sshll.u32 s1, $0x11  }
0xbb: {  	s0 =	sor.u32 s1, s0  }
0xbc: {  	s0 =	sadd.s32 $0x8F2B, s0  }
0xbd: {  	[sflag:s0] =	ssyncadd.remote.s32 $0x1  }
0xbe: {  	_ =	sfence.sel $0xFFFF  }
0xbf: {  	[dreg:$0x0] =	wrdreg $0xFFFFFFFF;
	(pc) =	sbr.abs _section_cstart, $3  }
0xc0: {  	[dreg:$0x1] =	wrdreg $0xFFFFFFFF  }
0xc1: {  	_ =	task.clear_ibuf [dreg:s6], $0x2FFFF;
	_ =	strace $0x9FFFFFFF  }
0xc2: {  	(tm) =	ssettm $0x7FFFFFFF  }
0xc3: {  	_ =	shalt  }
tec
execute0_lowered:
.L_overlay_start_1:
0x0: {  	(tag) =	ssettag $0x1  }
0x1: {  	s0 =	rddreg [dreg:$0x0]  }
0x2: {  	s1 =	rddreg [dreg:$0x1];
	s3 =	simm.s32 $0x0  }
0x3: {  	s18 =	stileid.u32;
	s2 =	srdreg.scid;
	s28 =	simm.s32 $0x5100  }
0x4: {  	s29 =	simm.s32 $0x5;
	s30 =	simm.s32 $0x100;
	s5 =	smul.u32 $0x2710, s18  }
0x5: {  	s31 =	simm.s32 $0x80;
	[smem:$0x7FF] =	sst s3;
	s10 =	smul.u32 $0x138800, s18  }
0x6: {  	s4 =	sadd.s32 $0xEAA400, s0;
	s20 =	sand.u32 $0x1, s2;
	s21 =	smul.u32 $0x2800, s18  }
0x7: {  	s6 =	sadd.s32 $0x4400, s0;
	s11 =	sor.u32 $0x30, s18;
	s8 =	smul.u32 $0x1388000, s20  }
0x8: {  	s7 =	sadd.s32 $0x2B600, s0;
	s12 =	sor.u32 $0x40, s18;
	s24 =	smul.u32 $0x2800, s11  }
0x9: {  	s13 =	sor.u32 $0x50, s18;
	s19 =	sor.u32 $0x60, s18;
	s26 =	smul.u32 $0x2800, s12  }
0xa: {  	_ =	strace $0x8000004A;
	s2 =	ssub.s32 $0x2, s20;
	s17 =	smul.u32 $0x2800, s13  }
0xb: {  	s12 =	smul.u32 $0xA000, s12;
	s5 =	sshrl.u32 s5, $0x3;
	s9 =	sshrl.u32 s2, $0x1  }
0xc: {  	s5 =	sadd.s32 s6, s5;
	s0 =	sadd.s32 s10, s8;
	s8 =	sor.u32 $0x10, s18  }
0xd: {  	s2 =	ssub.s32 s2, s9;
	s10 =	sor.u32 $0x20, s18;
	s14 =	smul.u32 $0x2800, s8  }
0xe: {  	s5 =	sadd.s32 $0x13880, s5;
	s15 =	smul.u32 $0x2800, s10;
	s2 =	smax.u32 s2, $0x1  }
0xf: {  	[dreg:$0x3] =	wrdreg s5;
	s5 =	smul.u32 $0x138800, s20;
	s20 =	sor.u32 $0x70, s18  }
0x10: {  	s8 =	smul.u32 $0xA000, s8;
	[dreg:$0xd] =	wrdreg s2;
	p0 =	sgt.u32 s20, $0x7C  }
0x11: {  	s9 =	sadd.s32 s5, s21;
	s22 =	sadd.s32 s5, s14;
	s23 =	sadd.s32 s5, s15  }
0x12: {  	s16 =	sadd.s32 s5, s24;
	s15 =	sadd.s32 s5, s17;
	s17 =	smul.u32 $0x2800, s20  }
0x13: {  	s14 =	sadd.s32 s5, s26;
	s24 =	smul.u32 $0x4E2, s18;
	s9 =	sshrl.u32 s9, $0x3  }
0x14: {  	s26 =	sshrl.u32 s0, $0x3;
	s25 =	sshrl.u32 s23, $0x3;
	s9 =	sadd.s32 s7, s9  }
0x15: {  	s14 =	sshrl.u32 s14, $0x3;
	[dreg:$0x4] =	wrdreg s9;
	s9 =	sshrl.u32 s22, $0x3  }
0x16: {  	s21 =	sadd.s32 s7, s14;
	s14 =	smul.u32 $0xA000, s13;
	s9 =	sadd.s32 s7, s9  }
0x17: {  	[dreg:$0x5] =	wrdreg s9;
	s9 =	sadd.s32 s7, s25;
	s25 =	smul.u32 $0xA000, s18  }
0x18: {  	s6 =	sadd.s32 s24, s6;
	[dreg:$0x8] =	wrdreg s21;
	s18 =	smul.u32 $0xA000, s19  }
0x19: {  	[dreg:$0x6] =	wrdreg s9;
	s9 =	sshrl.u32 s16, $0x3;
	s16 =	smul.u32 $0x2800, s19  }
0x1a: {  	s22 =	sshrl.u32 s15, $0x3;
	s19 =	smul.u32 $0xA000, s20;
	s9 =	sadd.s32 s7, s9  }
0x1b: {  	[dreg:$0x7] =	wrdreg s9;
	s9 =	sadd.s32 s7, s22;
	s23 =	sadd.s32 s5, s16  }
0x1c: {  	s5 =	sadd.s32 s5, s17;
	s17 =	sshrl.u32 s12, $0x2;
	s22 =	sshrl.u32 s18, $0x2  }
0x1d: {  	s12 =	sadd.s32 $0x5000, s0;
	[dreg:$0x9] =	wrdreg s9;
	s9 =	sshrl.u32 s23, $0x3  }
0x1e: {  	s5 =	sshrl.u32 s5, $0x3;
	s20 =	sadd.s32 s17, s1;
	s9 =	sadd.s32 s7, s9  }
0x1f: {  	s23 =	sshrl.u32 s19, $0x2;
	s5 =	sadd.s32 s7, s5;
	[dreg:$0xa] =	wrdreg s9  }
0x20: {  	s22 =	sadd.s32 s22, s1;
	s7 =	sadd.s32 s4, s26;
	[dreg:$0xb] =	wrdreg s5  }
0x21: {  	s23 =	sadd.s32 s23, s1;
	[dreg:$0xc] =	wrdreg s7;
	s9 =	smul.u32 $0xA000, s10  }
0x22: {  	s5 =	sshrl.u32 s25, $0x2;
	s10 =	smul.u32 $0xA000, s11;
	s11 =	sshrl.u32 s8, $0x2  }
0x23: {  	s25 =	sadd.s32 $0x2800, s0;
	s0 =	simm.s32 $0x2900;
	s8 =	simm.s32 $0x2  }
0x24: {  	s15 =	sadd.s32 s5, s1;
	s16 =	sadd.s32 s11, s1;
	s5 =	sshrl.u32 s14, $0x2  }
0x25: {  	s26 =	sshrl.u32 s25, $0x3;
	s25 =	sadd.s32 $0x13894, s6;
	s6 =	simm.s32 $0x50  }
0x26: {  	s7 =	sshrl.u32 s9, $0x2;
	s2 =	sshrl.u32 s10, $0x2;
	s21 =	sadd.s32 s5, s1  }
0x27: {  	s26 =	sadd.s32 s26, s4;
	s5 =	simm.s32 $0x3;
	s9 =	simm.s32 $0x4  }
0x28: {  	s10 =	simm.s32 $0x0;
	s24 =	sadd.s32 s7, s1;
	s2 =	sadd.s32 s2, s1  }
0x29: {  	v0 =	vimm.f32 $0.0e+00;
	s7 =	simm.s32 $0x6;
	[dreg:$0xe] =	wrdreg s2;
	s2 =	simm.s32 $0x1  }
.LBB2_1:
0x2a: {  	s11 =	simm.s32 $0x0;
	s13 =	simm.s32 $0x200  }
.LBB2_2:
0x2b: {  	p1 =	sne.s32 s13, $0x9E00;
	[tilespmem:s11+$0x5170] =	vst v0  }
0x2c: {  	[tilespmem:s11+$0x5100] =	vst v0  }
0x2d: {  	[tilespmem:s11+$0x5110] =	vst v0  }
.Ltmp0:
0x2e: {  	[tilespmem:s11+$0x5120] =	vst v0;
	(pc) =	sbr.rel @p1 .LBB2_2-.Ltmp0, $4  }
0x2f: {  	[tilespmem:s11+$0x5130] =	vst v0  }
0x30: {  	[tilespmem:s11+$0x5140] =	vst v0  }
0x31: {  	[tilespmem:s11+$0x5150] =	vst v0  }
0x32: {  	[tilespmem:s11+$0x5160] =	vst v0;
	s11 =	sshra.s32 s13, $0x2;
	s13 =	sadd.s32 $0x200, s13  }
0x33: {  	[tilespmem:s11+$0x5170] =	vst v0  }
0x34: {  	[tilespmem:s11+$0x5100] =	vst v0  }
0x35: {  	[tilespmem:s11+$0x5110] =	vst v0  }
0x36: {  	[tilespmem:s11+$0x5120] =	vst v0  }
0x37: {  	[tilespmem:s11+$0x5130] =	vst v0  }
0x38: {  	[tilespmem:s11+$0x5140] =	vst v0  }
0x39: {  	[tilespmem:s11+$0x5150] =	vst v0  }
0x3a: {  	[tilespmem:s11+$0x5160] =	vst v0  }
0x3b: {  	[spmem:s15] =	stream.linear.scatter [tilespmem:s28], [sflag:$0x5], $0x2800, $0x38;
	[tilespmem:$0x1B180] =	vst v63  }
0x3c: {  	_ =	swait.ge [sflag:s29], $0x2800  }
0x3d: {  	[sflag:s29] =	ssyncset.done $0x0  }
0x3e: {  	[sflag:s29] =	ssyncadd.s32 $0xFFFFD800  }
0x3f: {  	[spmem:s16] =	stream.linear.scatter [tilespmem:s28], [sflag:$0x5], $0x2800, $0x38;
	[tilespmem:$0x1B180] =	vst v63  }
0x40: {  	_ =	swait.ge [sflag:s29], $0x2800  }
0x41: {  	[sflag:s29] =	ssyncset.done $0x0  }
0x42: {  	[sflag:s29] =	ssyncadd.s32 $0xFFFFD800  }
0x43: {  	[spmem:s24] =	stream.linear.scatter [tilespmem:s28], [sflag:$0x5], $0x2800, $0x38;
	[tilespmem:$0x1B180] =	vst v63  }
0x44: {  	_ =	swait.ge [sflag:s29], $0x2800  }
0x45: {  	[sflag:s29] =	ssyncset.done $0x0  }
0x46: {  	s18 =	smov.u32 s16;
	s16 =	rddreg [dreg:$0xe];
	[sflag:s29] =	ssyncadd.s32 $0xFFFFD800  }
0x47: {  	[spmem:s16] =	stream.linear.scatter [tilespmem:s28], [sflag:$0x5], $0x2800, $0x38;
	[tilespmem:$0x1B180] =	vst v63  }
0x48: {  	_ =	swait.ge [sflag:s29], $0x2800  }
0x49: {  	[sflag:s29] =	ssyncset.done $0x0  }
0x4a: {  	[sflag:s29] =	ssyncadd.s32 $0xFFFFD800  }
0x4b: {  	[spmem:s20] =	stream.linear.scatter [tilespmem:s28], [sflag:$0x5], $0x2800, $0x38;
	[tilespmem:$0x1B180] =	vst v63  }
0x4c: {  	_ =	swait.ge [sflag:s29], $0x2800  }
0x4d: {  	[sflag:s29] =	ssyncset.done $0x0  }
0x4e: {  	[sflag:s29] =	ssyncadd.s32 $0xFFFFD800  }
0x4f: {  	[spmem:s21] =	stream.linear.scatter [tilespmem:s28], [sflag:$0x5], $0x2800, $0x38;
	[tilespmem:$0x1B180] =	vst v63  }
0x50: {  	_ =	swait.ge [sflag:s29], $0x2800  }
0x51: {  	[sflag:s29] =	ssyncset.done $0x0  }
0x52: {  	[sflag:s29] =	ssyncadd.s32 $0xFFFFD800  }
0x53: {  	[spmem:s22] =	stream.linear.scatter [tilespmem:s28], [sflag:$0x5], $0x2800, $0x38;
	[tilespmem:$0x1B180] =	vst v63  }
0x54: {  	_ =	swait.ge [sflag:s29], $0x2800  }
0x55: {  	[sflag:s29] =	ssyncset.done $0x0  }
0x56: {  	s11 =	simm.s32 @!p0 $0x5100;
	[sflag:s29] =	ssyncadd.s32 $0xFFFFD800  }
0x57: {  	[spmem:s23] =	stream.linear.scatter @!p0 [tilespmem:s11], [sflag:$0x5], $0x2800, $0x38;
	[tilespmem:$0x1B180] =	vst v63  }
0x58: {  	s11 =	simm.s32 @!p0 $0x5  }
0x59: {  	_ =	swait.ge @!p0 [sflag:s11], $0x2800  }
0x5a: {  	[sflag:s11] =	ssyncset.done @!p0 $0x0  }
0x5b: {  	[sflag:s11] =	ssyncadd.s32 @!p0 $0xFFFFD800  }
0x5c: {  	[bflag:$0x0] =	sbarrier.arrive $0xFFFF  }
0x5d: {  	s19 =	smov.u32 s24;
	s24 =	simm.s32 $0x0;
	s13 =	rddreg [dreg:$0x3]  }
0x5e: {  	[tilespmem:s24], [sflag:$0x1] =	stream.linear.gather [hbm4b:s13+s24], $0x50, $0x38;
	[tilespmem:$0x1B180] =	vst v63  }
0x5f: {  	s14 =	rddreg [dreg:$0xc]  }
0x60: {  	[tilespmem:s30], [sflag:$0x3] =	stream.linear.gather [hbm4b:s14+s24], $0x2800, $0x38;
	[tilespmem:$0x1B180] =	vst v63  }
0x61: {  	s17 =	smov.u32 s15;
	s15 =	sadd.s32 $0xFFFFFFF6, s25  }
0x62: {  	[tilespmem:s31], [sflag:$0x2] =	stream.linear.gather [hbm4b:s15+s3], $0x50, $0x38;
	[tilespmem:$0x1B180] =	vst v63  }
0x63: {  	s16 =	sadd.s32 $0x0, s26  }
0x64: {  	[tilespmem:s0], [sflag:$0x4] =	stream.linear.gather [hbm4b:s16+s3], $0x2800, $0x38;
	[tilespmem:$0x1B180] =	vst v63  }
0x65: {  	_ =	swait.ge [sflag:s2], $0x50  }
0x66: {  	[sflag:s2] =	ssyncset.done $0x0  }
0x67: {  	[sflag:s2] =	ssyncadd.s32 $0xFFFFFFB0  }
0x68: {  	_ =	swait.ge [sflag:s5], $0x2800  }
0x69: {  	[sflag:s5] =	ssyncset.done $0x0  }
0x6a: {  	[sflag:s5] =	ssyncadd.s32 $0xFFFFD800  }
0x6b: {  	[spmem:s1] =	stream.indirect.scatter.add.f32 [tilespmem:s30], [sflag:$0x6], $0x80, s3, s6, $0xb8;
	[tilespmem:$0x1B180] =	vst v63  }
0x6c: {  	_ =	swait.ge [sflag:s7], $0x2800  }
0x6d: {  	[sflag:s7] =	ssyncset.done $0x0  }
0x6e: {  	s24 =	sshrl.u32 s12, $0x3;
	[sflag:s7] =	ssyncadd.s32 $0xFFFFD800  }
0x6f: {  	[tilespmem:s3], [sflag:$0x1] =	stream.linear.gather [hbm4b:s25+s3], $0x50, $0x38;
	[tilespmem:$0x1B180] =	vst v63  }
0x70: {  	s11 =	sadd.s32 s4, s24  }
0x71: {  	[tilespmem:s30], [sflag:$0x3] =	stream.linear.gather [hbm4b:s11+s3], $0x2800, $0x38;
	[tilespmem:$0x1B180] =	vst v63  }
0x72: {  	_ =	swait.ge [sflag:s8], $0x50  }
0x73: {  	[sflag:s8] =	ssyncset.done $0x0  }
0x74: {  	[sflag:s8] =	ssyncadd.s32 $0xFFFFFFB0  }
0x75: {  	_ =	swait.ge [sflag:s9], $0x2800  }
0x76: {  	[sflag:s9] =	ssyncset.done $0x0  }
0x77: {  	[sflag:s9] =	ssyncadd.s32 $0xFFFFD800  }
0x78: {  	[spmem:s1] =	stream.indirect.scatter.add.f32 [tilespmem:s0], [sflag:$0x5], $0x80, s31, s6, $0xb8;
	[tilespmem:$0x1B180] =	vst v63  }
0x79: {  	s13 =	simm.s32 $0xA00;
	s14 =	simm.s32 $0x1400;
	_ =	swait.ge [sflag:s29], $0x2800  }
0x7a: {  	s24 =	smov.u32 s12;
	s11 =	sadd.s32 $0x14, s25;
	[sflag:s29] =	ssyncset.done $0x0  }
.LBB2_4:
0x7b: {  	s15 =	sadd.s32 $0xFFFFFFF6, s11  }
0x7c: {  	[sflag:s29] =	ssyncadd.s32 $0xFFFFD800;
	s24 =	sadd.s32 $0x5000, s24;
	s16 =	smov.u32 s14  }
0x7d: {  	[tilespmem:s31], [sflag:$0x2] =	stream.linear.gather [hbm4b:s15+s3], $0x50, $0x38;
	[tilespmem:$0x1B180] =	vst v63  }
0x7e: {  	p1 =	sne.s32 s14, $0x26200;
	s14 =	sadd.s32 $0xA00, s14;
	s13 =	sadd.s32 s13, s26  }
0x7f: {  	[tilespmem:s0], [sflag:$0x4] =	stream.linear.gather [hbm4b:s13+s3], $0x2800, $0x38;
	[tilespmem:$0x1B180] =	vst v63  }
0x80: {  	s13 =	smov.u32 s16;
	_ =	swait.ge [sflag:s2], $0x50  }
0x81: {  	[sflag:s2] =	ssyncset.done $0x0  }
0x82: {  	[sflag:s2] =	ssyncadd.s32 $0xFFFFFFB0  }
0x83: {  	_ =	swait.ge [sflag:s5], $0x2800  }
0x84: {  	[sflag:s5] =	ssyncset.done $0x0  }
0x85: {  	[sflag:s5] =	ssyncadd.s32 $0xFFFFD800  }
0x86: {  	[spmem:s1] =	stream.indirect.scatter.add.f32 [tilespmem:s30], [sflag:$0x6], $0x80, s3, s6, $0xb8;
	[tilespmem:$0x1B180] =	vst v63  }
0x87: {  	_ =	swait.ge [sflag:s7], $0x2800  }
0x88: {  	[sflag:s7] =	ssyncset.done $0x0  }
0x89: {  	s15 =	sshrl.u32 s24, $0x3;
	[sflag:s7] =	ssyncadd.s32 $0xFFFFD800  }
0x8a: {  	[tilespmem:s3], [sflag:$0x1] =	stream.linear.gather [hbm4b:s11+s3], $0x50, $0x38;
	[tilespmem:$0x1B180] =	vst v63  }
0x8b: {  	s15 =	sadd.s32 s4, s15  }
0x8c: {  	[tilespmem:s30], [sflag:$0x3] =	stream.linear.gather [hbm4b:s15+s3], $0x2800, $0x38;
	[tilespmem:$0x1B180] =	vst v63  }
0x8d: {  	_ =	swait.ge [sflag:s8], $0x50  }
0x8e: {  	[sflag:s8] =	ssyncset.done $0x0  }
0x8f: {  	[sflag:s8] =	ssyncadd.s32 $0xFFFFFFB0  }
0x90: {  	_ =	swait.ge [sflag:s9], $0x2800  }
.Ltmp1:
0x91: {  	[sflag:s9] =	ssyncset.done $0x0;
	(pc) =	sbr.rel @p1 .LBB2_4-.Ltmp1, $4  }
0x92: {  	[sflag:s9] =	ssyncadd.s32 $0xFFFFD800  }
0x93: {  	[spmem:s1] =	stream.indirect.scatter.add.f32 [tilespmem:s0], [sflag:$0x5], $0x80, s31, s6, $0xb8;
	[tilespmem:$0x1B180] =	vst v63  }
0x94: {  	_ =	swait.ge [sflag:s29], $0x2800  }
0x95: {  	s11 =	sadd.s32 $0x14, s11;
	[sflag:s29] =	ssyncset.done $0x0  }
0x96: {  	s14 =	sadd.s32 $0xFFFFFFF6, s11;
	[sflag:s29] =	ssyncadd.s32 $0xFFFFD800  }
0x97: {  	[tilespmem:s31], [sflag:$0x2] =	stream.linear.gather [hbm4b:s14+s3], $0x50, $0x38;
	[tilespmem:$0x1B180] =	vst v63  }
0x98: {  	s13 =	sadd.s32 s13, s26  }
0x99: {  	[tilespmem:s0], [sflag:$0x4] =	stream.linear.gather [hbm4b:s13+s3], $0x2800, $0x38;
	[tilespmem:$0x1B180] =	vst v63  }
0x9a: {  	_ =	swait.ge [sflag:s2], $0x50  }
0x9b: {  	[sflag:s2] =	ssyncset.done $0x0  }
0x9c: {  	[sflag:s2] =	ssyncadd.s32 $0xFFFFFFB0  }
0x9d: {  	_ =	swait.ge [sflag:s5], $0x2800  }
0x9e: {  	[sflag:s5] =	ssyncset.done $0x0  }
0x9f: {  	[sflag:s5] =	ssyncadd.s32 $0xFFFFD800  }
0xa0: {  	[spmem:s1] =	stream.indirect.scatter.add.f32 [tilespmem:s30], [sflag:$0x6], $0x80, s3, s6, $0xb8;
	[tilespmem:$0x1B180] =	vst v63  }
0xa1: {  	_ =	swait.ge [sflag:s7], $0x2800  }
0xa2: {  	s24 =	sadd.s32 $0x5000, s24;
	[sflag:s7] =	ssyncset.done $0x0  }
0xa3: {  	s13 =	sshrl.u32 s24, $0x3;
	[sflag:s7] =	ssyncadd.s32 $0xFFFFD800  }
0xa4: {  	[tilespmem:s3], [sflag:$0x1] =	stream.linear.gather [hbm4b:s11+s3], $0x50, $0x38;
	[tilespmem:$0x1B180] =	vst v63  }
0xa5: {  	s14 =	sadd.s32 s4, s13  }
0xa6: {  	[tilespmem:s30], [sflag:$0x3] =	stream.linear.gather [hbm4b:s14+s3], $0x2800, $0x38;
	[tilespmem:$0x1B180] =	vst v63  }
0xa7: {  	_ =	swait.ge [sflag:s8], $0x50  }
0xa8: {  	[sflag:s8] =	ssyncset.done $0x0  }
0xa9: {  	[sflag:s8] =	ssyncadd.s32 $0xFFFFFFB0  }
0xaa: {  	_ =	swait.ge [sflag:s9], $0x2800  }
0xab: {  	[sflag:s9] =	ssyncset.done $0x0  }
0xac: {  	[sflag:s9] =	ssyncadd.s32 $0xFFFFD800  }
0xad: {  	[spmem:s1] =	stream.indirect.scatter.add.f32 [tilespmem:s0], [sflag:$0x5], $0x80, s31, s6, $0xb8;
	[tilespmem:$0x1B180] =	vst v63  }
0xae: {  	_ =	swait.ge [sflag:s29], $0x2800  }
0xaf: {  	[sflag:s29] =	ssyncset.done $0x0  }
0xb0: {  	[sflag:s29] =	ssyncadd.s32 $0xFFFFD800  }
0xb1: {  	_ =	swait.ge [sflag:s2], $0x50  }
0xb2: {  	[sflag:s2] =	ssyncset.done $0x0  }
0xb3: {  	[sflag:s2] =	ssyncadd.s32 $0xFFFFFFB0  }
0xb4: {  	_ =	swait.ge [sflag:s5], $0x2800  }
0xb5: {  	[sflag:s5] =	ssyncset.done $0x0  }
0xb6: {  	[sflag:s5] =	ssyncadd.s32 $0xFFFFD800  }
0xb7: {  	[spmem:s1] =	stream.indirect.scatter.add.f32 [tilespmem:s30], [sflag:$0x5], $0x80, s3, s6, $0xb8;
	[tilespmem:$0x1B180] =	vst v63  }
0xb8: {  	_ =	swait.ge [sflag:s29], $0x2800  }
0xb9: {  	[sflag:s29] =	ssyncset.done $0x0  }
0xba: {  	s15 =	stileid.u32;
	[sflag:s29] =	ssyncadd.s32 $0xFFFFD800  }
0xbb: {  	s16 =	sshrl.u32 s17, $0x3;
	s11 =	sshll.u32 s15, $0x6;
	[bflag:$0x0] =	sbarrier.arrive $0xFFFF  }
0xbc: {  	s15 =	smov.u32 s17;
	s11 =	sor.u32 $0x1C05, s11;
	s17 =	rddreg [dreg:$0x4]  }
0xbd: {  	[hbm:s17], [sflag:s11] =	dma.local [spmem:s16], $0x500  }
0xbe: {  	_ =	swait.ge [sflag:s29], $0x500  }
0xbf: {  	s16 =	smov.u32 s18;
	[sflag:s29] =	ssyncset.done $0x0  }
0xc0: {  	s18 =	sshrl.u32 s18, $0x3;
	s24 =	rddreg [dreg:$0x5];
	[sflag:s29] =	ssyncadd.s32 $0xFFFFFB00  }
0xc1: {  	[hbm:s24], [sflag:s11] =	dma.local [spmem:s18], $0x500  }
0xc2: {  	_ =	swait.ge [sflag:s29], $0x500  }
0xc3: {  	[sflag:s29] =	ssyncset.done $0x0  }
0xc4: {  	s14 =	sshrl.u32 s19, $0x3;
	s17 =	rddreg [dreg:$0x6];
	[sflag:s29] =	ssyncadd.s32 $0xFFFFFB00  }
0xc5: {  	[hbm:s17], [sflag:s11] =	dma.local [spmem:s14], $0x500  }
0xc6: {  	_ =	swait.ge [sflag:s29], $0x500  }
0xc7: {  	s24 =	smov.u32 s19;
	[sflag:s29] =	ssyncset.done $0x0;
	s18 =	rddreg [dreg:$0xe]  }
0xc8: {  	s19 =	rddreg [dreg:$0x7];
	[sflag:s29] =	ssyncadd.s32 $0xFFFFFB00;
	s13 =	sshrl.u32 s18, $0x3  }
0xc9: {  	[hbm:s19], [sflag:s11] =	dma.local [spmem:s13], $0x500  }
0xca: {  	_ =	swait.ge [sflag:s29], $0x500  }
0xcb: {  	[sflag:s29] =	ssyncset.done $0x0  }
0xcc: {  	s14 =	sshrl.u32 s20, $0x3;
	s17 =	rddreg [dreg:$0x8];
	[sflag:s29] =	ssyncadd.s32 $0xFFFFFB00  }
0xcd: {  	[hbm:s17], [sflag:s11] =	dma.local [spmem:s14], $0x500  }
0xce: {  	_ =	swait.ge [sflag:s29], $0x500  }
0xcf: {  	[sflag:s29] =	ssyncset.done $0x0  }
0xd0: {  	s18 =	sshrl.u32 s21, $0x3;
	s19 =	rddreg [dreg:$0x9];
	[sflag:s29] =	ssyncadd.s32 $0xFFFFFB00  }
0xd1: {  	[hbm:s19], [sflag:s11] =	dma.local [spmem:s18], $0x500  }
0xd2: {  	_ =	swait.ge [sflag:s29], $0x500  }
0xd3: {  	[sflag:s29] =	ssyncset.done $0x0  }
0xd4: {  	s17 =	sshrl.u32 s22, $0x3;
	s18 =	rddreg [dreg:$0xa];
	[sflag:s29] =	ssyncadd.s32 $0xFFFFFB00  }
0xd5: {  	[hbm:s18], [sflag:s11] =	dma.local [spmem:s17], $0x500  }
0xd6: {  	_ =	swait.ge [sflag:s29], $0x500  }
0xd7: {  	[sflag:s29] =	ssyncset.done $0x0  }
0xd8: {  	s13 =	sshrl.u32 @!p0 s23, $0x3;
	s14 =	rddreg [dreg:$0xb];
	[sflag:s29] =	ssyncadd.s32 $0xFFFFFB00  }
0xd9: {  	[hbm:s14], [sflag:s11] =	dma.local @!p0 [spmem:s13], $0x500  }
0xda: {  	s11 =	simm.s32 @!p0 $0x5  }
0xdb: {  	_ =	swait.ge @!p0 [sflag:s11], $0x500  }
0xdc: {  	s10 =	sadd.s32 $0x1, s10;
	s19 =	rddreg [dreg:$0xd]  }
0xdd: {  	p1 =	sne.s32 s10, s19  }
.Ltmp2:
0xde: {  	_ = 	snop;
	(pc) =	sbr.rel @p1 .LBB2_1-.Ltmp2, $3  }
0xdf: {  	_ =	sdelay $0x1  }
0xe0: {  	[sflag:s11] =	ssyncset.done @!p0 $0x0  }
0xe1: {  	[sflag:s11] =	ssyncadd.s32 @!p0 $0xFFFFFB00  }
0xe2: {  	_ =	sfence.sel $0x180000  }
0xe3: {  	[bflag:$0x0] =	sbarrier.arrive $0xFFFF  }
0xe4: {  	_ =	strace $0x9000004A  }
0xe5: {  	s0 =	stileid.u32;
	[bflag:$0x2] =	sbarrier.arrive $0xFFFF  }
0xe6: {  	p0 =	sne.s32 s0, $0x0;
	s0 =	rddreg [dreg:$0x2]  }
0xe7: {  	s0 =	sadd.s32 @!p0 $0x100000, s0  }
0xe8: {  	[sflag:s0] =	ssyncadd.tile.s32 @!p0 $0x1;
	_ =	shalt  }
.Lfunc_end2:
_tile_overlayer_lowered:
.L_overlay_start_2:
0xe9: {  	(tag) =	ssettag $0x2  }
0xea: {  	s0 =	rddreg [dreg:$0x0];
	s2 =	stileid.u32  }
0xeb: {  	s1 =	rddreg [dreg:$0x1];
	p0 =	sne.s32 s2, $0x0  }
0xec: {  	s3 =	rddreg [dreg:$0x2];
	[bflag:$0x3] =	sbarrier.arrive $0xFFFF;
	s2 =	simm.s32 @!p0 $0x1C05  }
0xed: {  	[timem:s3], [sflag:s2] =	dma.local @!p0 [hbm:s0], s1  }
0xee: {  	s0 =	simm.s32 @!p0 $0x5  }
0xef: {  	_ =	swait.ge @!p0 [sflag:s0], s1  }
0xf0: {  	s1 =	ssub.s32 @!p0 $0x0, s1;
	[sflag:s0] =	ssyncset.done @!p0 $0x0  }
0xf1: {  	[sflag:s0] =	ssyncadd.s32 @!p0 s1  }
0xf2: {  	[bflag:$0x3] =	sbarrier.arrive $0xFFFF  }
0xf3: {  	_ =	shalt  }

// kernel: kernel.18.cloned.1.call-start
scs
__scs_entry_jumppad:
0x0: {  	(pc) =	sbr.rel $0x88, $3  }
0x1: {  	(tag) =	ssettag $0x0;
	lr =	simm.s32 $0x1  }
0x2: {  	[smem:$0x3F93] =	sst lr;
	_ =	strace $0xD0000000  }
0x3: {  	_ = 	snop  }
0x4: {  	_ = 	snop  }
0x5: {  	_ = 	snop  }
0x6: {  	_ = 	snop  }
0x7: {  	_ = 	snop  }
__scs_overlays_trampoline_lowered:
0x8: {  	[smem:$0x3FA2] =	sst s0  }
0x9: {  	[smem:$0x3FA3] =	sst s1  }
0xa: {  	[smem:$0x3FA4] =	sst s2  }
0xb: {  	[smem:$0x3FA5] =	sst s3  }
0xc: {  	[smem:$0x3FA6] =	sst s4  }
0xd: {  	[smem:$0x3FA7] =	sst s5  }
0xe: {  	[smem:$0x3FA8] =	sst s6  }
0xf: {  	[smem:$0x3FA9] =	sst s7  }
0x10: {  	[smem:$0x3FAA] =	sst s8  }
0x11: {  	[smem:$0x3FAB] =	sst s9;
	s0 =	simm.s32 @!p0 $0x0  }
0x12: {  	s1 =	sld [smem:$0x3F91];
	s0 =	simm.s32 @p0 $0x1  }
0x13: {  	[smem:$0x3FAC] =	sst s0;
	s0 =	simm.s32 @!p1 $0x0  }
0x14: {  	s2 =	sld [smem:$0x3F90];
	s0 =	simm.s32 @p1 $0x1  }
0x15: {  	[smem:$0x3FAD] =	sst s0;
	s0 =	simm.s32 @!p2 $0x0  }
0x16: {  	s3 =	sld [smem:$0x3FDB];
	s0 =	simm.s32 @p2 $0x1  }
0x17: {  	s4 =	simm.s32 $0x1BF5;
	[smem:$0x3FAF] =	sst s0  }
0x18: {  	s0 =	sld [smem:$0x3F92];
	_ =	swait.ge [sflag:s4], $0x0  }
0x19: {  	s7 =	sld [smem:$0x3F93]  }
0x1a: {  	s8 =	sadd.s32 $0xFFFFE003, lr  }
0x1b: {  	s9 =	sadd.s32 $0xFFFFFEF7, lr;
	s5 =	simm.s32 $0xFFFFFFFF;
	p2 =	slt.u32 s8, $0xFFFFF086  }
0x1c: {  	p1 =	slt.u32 s9, $0xF7A;
	s5 =	simm.s32 @!p2 $0x0  }
0x1d: {  	s5 =	simm.s32 @p1 $0x1;
	p0 =	seq.s32 s7, s2  }
0x1e: {  	s7 =	smul.u32 @!p0 $0xF7A, s2;
	p2 =	seq.s32 @!p0 s5, $0x0  }
0x1f: {  	s9 =	smul.u32 $0xF7A, s1;
	s8 =	simm.s32 @!p0 $0x1BF5;
	p2 =	por !p2, p0  }
0x20: {  	[sflag:s8] =	ssyncset.s32 @!p0 $0xFFFFF086;
	s6 =	sadd.s32 @!p0 s3, s7;
	s7 =	simm.s32 @!p0 $0x108  }
0x21: {  	s3 =	sadd.s32 s3, s9;
	s6 =	sadd.s32 @!p0 $0x88, s6;
	s7 =	simm.s32 @p2 $0x1082  }
0x22: {  	[simem:s7], [sflag:s8] =	dma.local @!p0 [hbm:s6], $0xF7A  }
0x23: {  	s9 =	sor.u32 $0xD0000000, s2;
	s6 =	simm.s32 $0x108;
	_ =	swait.ge @!p0 [sflag:s8], $0x0  }
0x24: {  	s3 =	sadd.s32 $0x88, s3;
	s6 =	simm.s32 @!p1 $0x1082;
	[sflag:s4] =	ssyncset.s32 $0xFFFFF086  }
0x25: {  	[simem:s6], [sflag:s4] =	dma.local [hbm:s3], $0xF7A  }
0x26: {  	[smem:$0x3F93] =	sst s1;
	(tag) =	ssettag s2;
	_ =	strace s9  }
0x27: {  	s1 =	sld [smem:$0x3FA3]  }
0x28: {  	s2 =	sld [smem:$0x3FA4]  }
0x29: {  	s4 =	sld [smem:$0x3FA6]  }
0x2a: {  	p0 =	seq.s32 s5, $0x0;
	s5 =	sld [smem:$0x3FA7]  }
0x2b: {  	s6 =	sld [smem:$0x3FA8]  }
0x2c: {  	s7 =	sld [smem:$0x3FA9]  }
0x2d: {  	s3 =	simm.s32 $0x108;
	s8 =	sld [smem:$0x3FAA]  }
0x2e: {  	s3 =	simm.s32 @!p0 $0x1082;
	s9 =	sld [smem:$0x3FAB]  }
0x2f: {  	lr =	sadd.s32 s0, s3;
	s0 =	sld [smem:$0x3FA2]  }
0x30: {  	s3 =	sld [smem:$0x3FA5]  }
0x31: {  	[smem:$0x3FAE] =	sst s10  }
0x32: {  	s10 =	sld [smem:$0x3FAC];
	_ =	sdelay $0x3  }
0x33: {  	p0 =	seq.s32 s10, $0x1;
	s10 =	sld [smem:$0x3FAE];
	_ =	sdelay $0x3  }
0x34: {  	[smem:$0x3FAE] =	sst s10  }
0x35: {  	s10 =	sld [smem:$0x3FAD];
	_ =	sdelay $0x3  }
0x36: {  	p1 =	seq.s32 s10, $0x1;
	s10 =	sld [smem:$0x3FAE];
	_ =	sdelay $0x3  }
0x37: {  	[smem:$0x3FAE] =	sst s10  }
0x38: {  	s10 =	sld [smem:$0x3FAF]  }
0x39: {  	_ = 	snop;
	(pc) =	sbr.ind lr, $3  }
0x3a: {  	_ = 	snop  }
0x3b: {  	_ = 	snop  }
0x3c: {  	p2 =	seq.s32 s10, $0x1;
	s10 =	sld [smem:$0x3FAE]  }
0x3d: {  	_ =	shalt  }
0x3e: {  	_ =	shalt  }
0x3f: {  	_ =	shalt  }
0x40: {  	_ =	shalt  }
0x41: {  	_ =	shalt  }
0x42: {  	_ =	shalt  }
0x43: {  	_ =	shalt  }
0x44: {  	_ =	shalt  }
0x45: {  	_ =	shalt  }
0x46: {  	_ =	shalt  }
0x47: {  	_ =	shalt  }
0x48: {  	_ =	shalt  }
0x49: {  	_ =	shalt  }
0x4a: {  	_ =	shalt  }
0x4b: {  	_ =	shalt  }
0x4c: {  	_ =	shalt  }
0x4d: {  	_ =	shalt  }
0x4e: {  	_ =	shalt  }
0x4f: {  	_ =	shalt  }
0x50: {  	_ =	shalt  }
0x51: {  	_ =	shalt  }
0x52: {  	_ =	shalt  }
0x53: {  	_ =	shalt  }
0x54: {  	_ =	shalt  }
0x55: {  	_ =	shalt  }
0x56: {  	_ =	shalt  }
0x57: {  	_ =	shalt  }
0x58: {  	_ =	shalt  }
0x59: {  	_ =	shalt  }
0x5a: {  	_ =	shalt  }
0x5b: {  	_ =	shalt  }
0x5c: {  	_ =	shalt  }
0x5d: {  	_ =	shalt  }
0x5e: {  	_ =	shalt  }
0x5f: {  	_ =	shalt  }
0x60: {  	_ =	shalt  }
0x61: {  	_ =	shalt  }
0x62: {  	_ =	shalt  }
0x63: {  	_ =	shalt  }
0x64: {  	_ =	shalt  }
0x65: {  	_ =	shalt  }
0x66: {  	_ =	shalt  }
0x67: {  	_ =	shalt  }
0x68: {  	_ =	shalt  }
0x69: {  	_ =	shalt  }
0x6a: {  	_ =	shalt  }
0x6b: {  	_ =	shalt  }
0x6c: {  	_ =	shalt  }
0x6d: {  	_ =	shalt  }
0x6e: {  	_ =	shalt  }
0x6f: {  	_ =	shalt  }
0x70: {  	_ =	shalt  }
0x71: {  	_ =	shalt  }
0x72: {  	_ =	shalt  }
0x73: {  	_ =	shalt  }
0x74: {  	_ =	shalt  }
0x75: {  	_ =	shalt  }
0x76: {  	_ =	shalt  }
0x77: {  	_ =	shalt  }
0x78: {  	_ =	shalt  }
0x79: {  	_ =	shalt  }
0x7a: {  	_ =	shalt  }
0x7b: {  	_ =	shalt  }
0x7c: {  	_ =	shalt  }
0x7d: {  	_ =	shalt  }
0x7e: {  	_ =	shalt  }
0x7f: {  	_ =	shalt  }
0x80: {  	_ =	shalt  }
0x81: {  	_ =	shalt  }
0x82: {  	_ =	shalt  }
0x83: {  	_ =	shalt  }
0x84: {  	_ =	shalt  }
0x85: {  	_ =	shalt  }
0x86: {  	_ =	shalt  }
0x87: {  	_ =	shalt  }
.Lfunc_end0:
.L_simem_size_0:
called_computation.2_lowered:
.L_overlay_start_0:
0x88: {  	s2 =	sld [smem:$0x3FD9]  }
0x89: {  	s3 =	sld [smem:$0x3FFE];
	_ =	sdelay $0x1  }
0x8a: {  	s1 =	srdreg.scid  }
0x8b: {  	s0 =	sand.u32 $0x1, s1  }
0x8c: {  	s16 =	sshll.u32 s0, $0xA;
	s2 =	sadd.s32 s3, s2  }
0x8d: {  	s2 =	sadd.s32 s2, s16  }
0x8e: {  	[smem:$0x3FBA] =	sst s2  }
0x8f: {  	_ = 	snop  }
0x90: {  	(tm) =	ssettm $0x1  }
0x91: {  	s17 =	sld [smem:$0x3FFB];
	_ =	sdelay $0x3  }
0x92: {  	_ =	strace s17  }
0x93: {  	s2 =	sld [smem:$0x3FFC];
	_ =	sdelay $0x3  }
0x94: {  	_ =	strace s2  }
0x95: {  	s2 =	sld [smem:$0x3FFD];
	_ =	sdelay $0x3  }
0x96: {  	_ =	strace s2  }
0x97: {  	_ =	strace $0x8FFFFFFF  }
0x98: {  	s18 =	sld [smem:$0x3FDB];
	_ =	sdelay $0x1  }
0x99: {  	s19 =	simm.s32 $_scs_section_size  }
0x9a: {  	s4 =	simm.s32 $_size__tile_overlayer_lowered;
	s5 =	simm.s32 $_tile_overlayer_lowered  }
0x9b: {  	s22 =	simm.s32 $0x1BFF;
	s21 =	sshll.u32 s5, $0x1;
	s2 =	sadd.s32 s19, s18  }
0x9c: {  	s6 =	simm.s32 $0x0;
	s20 =	sshll.u32 s4, $0x1;
	s4 =	sadd.s32 s21, s2  }
0x9d: {  	[timem:s6], [sflag:s22] =	dma.local [hbm:s4], s20  }
0x9e: {  	_ =	swait.ge [sflag:s22], s20  }
0x9f: {  	s3 =	ssub.s32 $0x0, s20;
	[sflag:s22] =	ssyncset.done $0x0  }
0xa0: {  	[sflag:s22] =	ssyncadd.s32 s3;
	_ =	sdelay $0x1  }
0xa1: {  	s23 =	simm.s32 $0x1B8B  }
0xa2: {  	_ =	swait.ge [sflag:s23], $0x1  }
0xa3: {  	[sflag:s23] =	ssyncset.done $0x0  }
0xa4: {  	s25 =	simm.s32 $0x1B8E;
	s24 =	sld [smem:$0x3FFE];
	[sflag:s23] =	ssyncadd.s32 $0xFFFFFFFF  }
0xa5: {  	s26 =	simm.s32 $execute0_lowered;
	[smem:$0x3FD2] =	sst s25  }
0xa6: {  	s4 =	sshll.u32 s26, $0x1;
	_ =	strace $0x8000004C;
	[dreg:$0x1] =	wrdreg $0xFFFFFFFF  }
0xa7: {  	s28 =	simm.s32 $_size_execute0_lowered;
	s2 =	sadd.s32 s2, s4;
	[dreg:$0x0] =	wrdreg $0x0  }
0xa8: {  	s4 =	sshll.u32 s28, $0x1;
	[dreg:$0x2] =	wrdreg s2  }
0xa9: {  	[dreg:$0x3] =	wrdreg s4  }
0xaa: {  	[dreg:$0x4] =	wrdreg $0xC0  }
0xab: {  	_ =	task [dreg:s6], $0x5FFFF  }
0xac: {  	[dreg:$0x1] =	wrdreg $0xFFFFFFFF  }
0xad: {  	[dreg:$0x0] =	wrdreg $0x60  }
0xae: {  	[dreg:$0x2] =	wrdreg s24  }
0xaf: {  	[dreg:$0x3] =	wrdreg $0x9  }
0xb0: {  	_ =	task.clear_ibuf [dreg:s6], $0x4FFFF;
	_ =	strace $0x9000004C  }
0xb1: {  	s29 =	simm.s32 $0x9;
	_ =	strace $0x8000004E  }
0xb2: {  	_ =	swait.ge [sflag:s29], $0x1  }
0xb3: {  	[sflag:s29] =	ssyncadd.s32 $0xFFFFFFFF  }
0xb4: {  	_ =	strace $0x9000004E  }
0xb5: {  	_ =	sfence  }
0xb6: {  	s30 =	sld [smem:$0x0];
	_ =	sdelay $0x2  }
0xb7: {  	s31 =	sshll.u32 s1, $0xD;
	s1 =	sshrl.u32 s1, $0x2  }
0xb8: {  	s3 =	sand.u32 $0x4000, s31;
	s1 =	sadd.s32 s1, s30  }
0xb9: {  	s0 =	sor.u32 s3, s0;
	s1 =	sshll.u32 s1, $0x11  }
0xba: {  	s0 =	sor.u32 s1, s0  }
0xbb: {  	s0 =	sadd.s32 $0x8F2B, s0  }
0xbc: {  	[sflag:s0] =	ssyncadd.remote.s32 $0x1  }
0xbd: {  	_ =	sfence.sel $0xFFFF  }
0xbe: {  	[dreg:$0x0] =	wrdreg $0xFFFFFFFF;
	(pc) =	sbr.abs _section_cstart, $3  }
0xbf: {  	[dreg:$0x1] =	wrdreg $0xFFFFFFFF  }
0xc0: {  	_ =	task.clear_ibuf [dreg:s6], $0x2FFFF;
	_ =	strace $0x9FFFFFFF  }
0xc1: {  	(tm) =	ssettm $0x7FFFFFFF  }
tec
execute0_lowered:
.L_overlay_start_1:
0x0: {  	(tag) =	ssettag $0x1  }
0x1: {  	s0 =	srdreg.scid  }
0x2: {  	s5 =	stileid.u32;
	s1 =	rddreg [dreg:$0x0];
	s3 =	simm.s32 $0x0  }
0x3: {  	s11 =	simm.s32 $0x5;
	s13 =	simm.s32 $0x4F00;
	s23 =	simm.s32 $0x9F00  }
0x4: {  	s24 =	simm.s32 $0xA700;
	s25 =	simm.s32 $0xAF00;
	s28 =	simm.s32 $0xBF00  }
0x5: {  	s29 =	simm.s32 $0xC700;
	s30 =	simm.s32 $0xCF00;
	s31 =	simm.s32 $0xD700  }
0x6: {  	s12 =	simm.s32 $0xEF00;
	s16 =	simm.s32 $0x1;
	s2 =	smul.u32 $0x2710, s5  }
0x7: {  	s17 =	simm.s32 $0x3;
	s0 =	sand.u32 $0x1, s0;
	s7 =	smul.u32 $0x271000, s5  }
0x8: {  	s14 =	simm.s32 $0x0;
	[smem:$0x7FF] =	sst s3;
	s6 =	smul.u32 $0x27100, s0  }
0x9: {  	s5 =	sadd.s32 $0x1B2000, s1;
	s4 =	smul.u32 $0x2710000, s0;
	s0 =	ssub.s32 $0x2, s0  }
0xa: {  	_ =	strace $0x8000004D;
	s9 =	sshrl.u32 s0, $0x1;
	s6 =	sadd.s32 s2, s6  }
0xb: {  	s7 =	sadd.s32 s4, s7;
	s0 =	ssub.s32 s0, s9;
	s8 =	sshrl.u32 s6, $0x3  }
0xc: {  	s6 =	sadd.s32 $0xEAA400, s1;
	s0 =	smax.u32 s0, $0x1;
	s1 =	sadd.s32 s8, s1  }
0xd: {  	s7 =	sshrl.u32 s7, $0x3;
	[dreg:$0x5] =	wrdreg s0;
	s8 =	sadd.s32 $0x4400, s1  }
0xe: {  	s7 =	sadd.s32 s6, s7;
	s1 =	sadd.s32 $0xE040, s1;
	[dreg:$0x2] =	wrdreg s8  }
0xf: {  	v2 =	vlaneseq.u32;
	s9 =	simm.s32 $0x4;
	s26 =	sadd.s32 $0x4D800, s7;
	[dreg:$0x3] =	wrdreg s1  }
0x10: {  	vm0 =	vmmov $0xffff;
	v1 =	vshrl.u32 v2, $0x3;
	s0 =	simm.s32 $0xE700;
	s7 =	simm.s32 $0x18700;
	[dreg:$0x4] =	wrdreg s26  }
0x11: {  	v0 =	vand.u32 $0x7, v2;
	v2 =	vor.u32 $0x8, v2;
	v1 =	vmul.u32 $0x8, v1;
	s26 =	simm.s32 $0xB700;
	s1 =	simm.s32 $0xDF00;
	s8 =	simm.s32 $0x2  }
.LBB2_1:
0x12: {  	[dreg:$0x6] =	wrdreg s14  }
0x13: {  	s10 =	rddreg [dreg:$0x2]  }
0x14: {  	[tilespmem:s3], [sflag:$0x5] =	stream.linear.gather [hbm4b:s10+s3], $0x2710, $0x38;
	[tilespmem:$0x18F00] =	vst v63  }
0x15: {  	_ =	swait.ge [sflag:s11], $0x2710  }
0x16: {  	[sflag:s11] =	ssyncset.done $0x0  }
0x17: {  	s20 =	simm.s32 $0x2780;
	s19 =	rddreg [dreg:$0x3];
	[sflag:s11] =	ssyncadd.s32 $0xFFFFD8F0  }
0x18: {  	[tilespmem:s20], [sflag:$0x5] =	stream.linear.gather [hbm4b:s19+s3], $0x2710, $0x38;
	[tilespmem:$0x18F00] =	vst v63  }
0x19: {  	_ =	swait.ge [sflag:s11], $0x2710  }
0x1a: {  	[sflag:s11] =	ssyncset.done $0x0  }
0x1b: {  	[sflag:s11] =	ssyncadd.s32 $0xFFFFD8F0  }
0x1c: {  	v3 =	vld [tilespmem:$0x0];
	_ =	sdelay $0x4  }
0x1d: {  	v4 =	vshll.u32 v3, $0x1  }
0x1e: {  	v3 =	vand.u32 $0x7, v3;
	v4 =	vand.u32 $0xFFFFFFF0, v4  }
0x1f: {  	v3 =	vor.u32 v3, v4  }
0x20: {  	v4 =	vperm.xlane v3, v0;
	_ =	sdelay $0x1  }
0x21: {  	v3 =	vperm.xlane v3, v2;
	v4 =	vadd.s32 v1, v4;
	_ =	sdelay $0x1  }
0x22: {  	v3 =	vadd.s32 v1, v3;
	_ =	sdelay $0x2  }
0x23: {  	[tilespmem:s13], [sflag:$0x1] =	stream.indirect_vreg.gather [hbm4b:s5+s3], $0x80, v4, vm0, $0xb8;
	[tilespmem:$0x18F00] =	vst v63  }
0x24: {  	s21 =	simm.s32 $0x5700  }
0x25: {  	[tilespmem:s21], [sflag:$0x1] =	stream.indirect_vreg.gather [hbm4b:s5+s3], $0x80, v3, vm0, $0xb8;
	[tilespmem:$0x18F00] =	vst v63  }
0x26: {  	v3 =	vld [tilespmem:$0x10];
	_ =	sdelay $0x4  }
0x27: {  	v55 =	vshll.u32 v3, $0x1  }
0x28: {  	v3 =	vand.u32 $0x7, v3;
	v4 =	vand.u32 $0xFFFFFFF0, v55  }
0x29: {  	v3 =	vor.u32 v3, v4  }
0x2a: {  	v4 =	vperm.xlane v3, v0;
	_ =	sdelay $0x1  }
0x2b: {  	v3 =	vperm.xlane v3, v2;
	v4 =	vadd.s32 v1, v4;
	_ =	sdelay $0x1  }
0x2c: {  	v3 =	vadd.s32 v1, v3;
	_ =	sdelay $0x1  }
0x2d: {  	s22 =	simm.s32 $0x5F00  }
0x2e: {  	[tilespmem:s22], [sflag:$0x1] =	stream.indirect_vreg.gather [hbm4b:s5+s3], $0x80, v4, vm0, $0xb8;
	[tilespmem:$0x18F00] =	vst v63  }
0x2f: {  	s14 =	simm.s32 $0x6700  }
0x30: {  	[tilespmem:s14], [sflag:$0x1] =	stream.indirect_vreg.gather [hbm4b:s5+s3], $0x80, v3, vm0, $0xb8;
	[tilespmem:$0x18F00] =	vst v63  }
0x31: {  	v3 =	vld [tilespmem:$0x20];
	_ =	sdelay $0x4  }
0x32: {  	v56 =	vshll.u32 v3, $0x1  }
0x33: {  	v3 =	vand.u32 $0x7, v3;
	v4 =	vand.u32 $0xFFFFFFF0, v56  }
0x34: {  	v3 =	vor.u32 v3, v4  }
0x35: {  	v4 =	vperm.xlane v3, v0;
	_ =	sdelay $0x1  }
0x36: {  	v3 =	vperm.xlane v3, v2;
	v4 =	vadd.s32 v1, v4;
	_ =	sdelay $0x1  }
0x37: {  	v3 =	vadd.s32 v1, v3;
	_ =	sdelay $0x1  }
0x38: {  	s15 =	simm.s32 $0x6F00  }
0x39: {  	[tilespmem:s15], [sflag:$0x1] =	stream.indirect_vreg.gather [hbm4b:s5+s3], $0x80, v4, vm0, $0xb8;
	[tilespmem:$0x18F00] =	vst v63  }
0x3a: {  	s18 =	simm.s32 $0x7700  }
0x3b: {  	[tilespmem:s18], [sflag:$0x1] =	stream.indirect_vreg.gather [hbm4b:s5+s3], $0x80, v3, vm0, $0xb8;
	[tilespmem:$0x18F00] =	vst v63  }
0x3c: {  	v3 =	vld [tilespmem:$0x30];
	_ =	sdelay $0x4  }
0x3d: {  	v57 =	vshll.u32 v3, $0x1  }
0x3e: {  	v3 =	vand.u32 $0x7, v3;
	v4 =	vand.u32 $0xFFFFFFF0, v57  }
0x3f: {  	v3 =	vor.u32 v3, v4  }
0x40: {  	v4 =	vperm.xlane v3, v0;
	_ =	sdelay $0x1  }
0x41: {  	v3 =	vperm.xlane v3, v2;
	v4 =	vadd.s32 v1, v4;
	_ =	sdelay $0x1  }
0x42: {  	v3 =	vadd.s32 v1, v3;
	_ =	sdelay $0x1  }
0x43: {  	s19 =	simm.s32 $0x7F00  }
0x44: {  	[tilespmem:s19], [sflag:$0x1] =	stream.indirect_vreg.gather [hbm4b:s5+s3], $0x80, v4, vm0, $0xb8;
	[tilespmem:$0x18F00] =	vst v63  }
0x45: {  	s20 =	simm.s32 $0x8700  }
0x46: {  	[tilespmem:s20], [sflag:$0x1] =	stream.indirect_vreg.gather [hbm4b:s5+s3], $0x80, v3, vm0, $0xb8;
	[tilespmem:$0x18F00] =	vst v63  }
0x47: {  	v3 =	vld [tilespmem:$0x40];
	_ =	sdelay $0x4  }
0x48: {  	v58 =	vshll.u32 v3, $0x1  }
0x49: {  	v3 =	vand.u32 $0x7, v3;
	v4 =	vand.u32 $0xFFFFFFF0, v58  }
0x4a: {  	v3 =	vor.u32 v3, v4  }
0x4b: {  	v4 =	vperm.xlane v3, v0;
	_ =	sdelay $0x1  }
0x4c: {  	v3 =	vperm.xlane v3, v2;
	v4 =	vadd.s32 v1, v4;
	_ =	sdelay $0x1  }
0x4d: {  	v3 =	vadd.s32 v1, v3;
	_ =	sdelay $0x1  }
0x4e: {  	s21 =	simm.s32 $0x8F00  }
0x4f: {  	[tilespmem:s21], [sflag:$0x1] =	stream.indirect_vreg.gather [hbm4b:s5+s3], $0x80, v4, vm0, $0xb8;
	[tilespmem:$0x18F00] =	vst v63  }
0x50: {  	s22 =	simm.s32 $0x9700  }
0x51: {  	[tilespmem:s22], [sflag:$0x1] =	stream.indirect_vreg.gather [hbm4b:s5+s3], $0x80, v3, vm0, $0xb8;
	[tilespmem:$0x18F00] =	vst v63  }
0x52: {  	v3 =	vld [tilespmem:$0x2780];
	_ =	sdelay $0x4  }
0x53: {  	v59 =	vshll.u32 v3, $0x1  }
0x54: {  	v3 =	vand.u32 $0x7, v3;
	v4 =	vand.u32 $0xFFFFFFF0, v59  }
0x55: {  	v3 =	vor.u32 v3, v4  }
0x56: {  	v4 =	vperm.xlane v3, v0;
	_ =	sdelay $0x1  }
0x57: {  	v3 =	vperm.xlane v3, v2;
	v4 =	vadd.s32 v1, v4;
	_ =	sdelay $0x1  }
0x58: {  	v3 =	vadd.s32 v1, v3;
	_ =	sdelay $0x2  }
0x59: {  	[tilespmem:s23], [sflag:$0x2] =	stream.indirect_vreg.gather [hbm4b:s5+s3], $0x80, v4, vm0, $0xb8;
	[tilespmem:$0x18F00] =	vst v63  }
0x5a: {  	_ = 	snop  }
0x5b: {  	[tilespmem:s24], [sflag:$0x2] =	stream.indirect_vreg.gather [hbm4b:s5+s3], $0x80, v3, vm0, $0xb8;
	[tilespmem:$0x18F00] =	vst v63  }
0x5c: {  	v3 =	vld [tilespmem:$0x2790];
	_ =	sdelay $0x4  }
0x5d: {  	v60 =	vshll.u32 v3, $0x1  }
0x5e: {  	v3 =	vand.u32 $0x7, v3;
	v4 =	vand.u32 $0xFFFFFFF0, v60  }
0x5f: {  	v3 =	vor.u32 v3, v4  }
0x60: {  	v4 =	vperm.xlane v3, v0;
	_ =	sdelay $0x1  }
0x61: {  	v3 =	vperm.xlane v3, v2;
	v4 =	vadd.s32 v1, v4;
	_ =	sdelay $0x1  }
0x62: {  	v3 =	vadd.s32 v1, v3;
	_ =	sdelay $0x2  }
0x63: {  	[tilespmem:s25], [sflag:$0x2] =	stream.indirect_vreg.gather [hbm4b:s5+s3], $0x80, v4, vm0, $0xb8;
	[tilespmem:$0x18F00] =	vst v63  }
0x64: {  	_ = 	snop  }
0x65: {  	[tilespmem:s26], [sflag:$0x2] =	stream.indirect_vreg.gather [hbm4b:s5+s3], $0x80, v3, vm0, $0xb8;
	[tilespmem:$0x18F00] =	vst v63  }
0x66: {  	v3 =	vld [tilespmem:$0x27A0];
	_ =	sdelay $0x4  }
0x67: {  	v61 =	vshll.u32 v3, $0x1  }
0x68: {  	v3 =	vand.u32 $0x7, v3;
	v4 =	vand.u32 $0xFFFFFFF0, v61  }
0x69: {  	v3 =	vor.u32 v3, v4  }
0x6a: {  	v4 =	vperm.xlane v3, v0;
	_ =	sdelay $0x1  }
0x6b: {  	v3 =	vperm.xlane v3, v2;
	v4 =	vadd.s32 v1, v4;
	_ =	sdelay $0x1  }
0x6c: {  	v3 =	vadd.s32 v1, v3;
	_ =	sdelay $0x2  }
0x6d: {  	[tilespmem:s28], [sflag:$0x2] =	stream.indirect_vreg.gather [hbm4b:s5+s3], $0x80, v4, vm0, $0xb8;
	[tilespmem:$0x18F00] =	vst v63  }
0x6e: {  	_ = 	snop  }
0x6f: {  	[tilespmem:s29], [sflag:$0x2] =	stream.indirect_vreg.gather [hbm4b:s5+s3], $0x80, v3, vm0, $0xb8;
	[tilespmem:$0x18F00] =	vst v63  }
0x70: {  	v3 =	vld [tilespmem:$0x27B0];
	_ =	sdelay $0x4  }
0x71: {  	v62 =	vshll.u32 v3, $0x1  }
0x72: {  	v3 =	vand.u32 $0x7, v3;
	v4 =	vand.u32 $0xFFFFFFF0, v62  }
0x73: {  	v3 =	vor.u32 v3, v4  }
0x74: {  	v4 =	vperm.xlane v3, v0;
	_ =	sdelay $0x1  }
0x75: {  	v3 =	vperm.xlane v3, v2;
	v4 =	vadd.s32 v1, v4;
	_ =	sdelay $0x1  }
0x76: {  	v3 =	vadd.s32 v1, v3;
	_ =	sdelay $0x2  }
0x77: {  	[tilespmem:s30], [sflag:$0x2] =	stream.indirect_vreg.gather [hbm4b:s5+s3], $0x80, v4, vm0, $0xb8;
	[tilespmem:$0x18F00] =	vst v63  }
0x78: {  	_ = 	snop  }
0x79: {  	[tilespmem:s31], [sflag:$0x2] =	stream.indirect_vreg.gather [hbm4b:s5+s3], $0x80, v3, vm0, $0xb8;
	[tilespmem:$0x18F00] =	vst v63  }
0x7a: {  	v3 =	vld [tilespmem:$0x27C0];
	_ =	sdelay $0x4  }
0x7b: {  	v63 =	vshll.u32 v3, $0x1  }
0x7c: {  	v3 =	vand.u32 $0x7, v3;
	v4 =	vand.u32 $0xFFFFFFF0, v63  }
0x7d: {  	v3 =	vor.u32 v3, v4  }
0x7e: {  	v4 =	vperm.xlane v3, v0;
	_ =	sdelay $0x1  }
0x7f: {  	v3 =	vperm.xlane v3, v2;
	v4 =	vadd.s32 v1, v4;
	_ =	sdelay $0x1  }
0x80: {  	v3 =	vadd.s32 v1, v3;
	_ =	sdelay $0x2  }
0x81: {  	[tilespmem:s1], [sflag:$0x2] =	stream.indirect_vreg.gather [hbm4b:s5+s3], $0x80, v4, vm0, $0xb8;
	[tilespmem:$0x18F00] =	vst v63  }
0x82: {  	s18 =	simm.s32 $0x0  }
0x83: {  	[tilespmem:s0], [sflag:$0x2] =	stream.indirect_vreg.gather [hbm4b:s5+s3], $0x80, v3, vm0, $0xb8;
	[tilespmem:$0x18F00] =	vst v63  }
.LBB2_2:
0x84: {  	s14 =	smul.u32 $0xA0, s18;
	_ =	sdelay $0x1  }
0x85: {  	v3 =	vld [tilespmem:s14+$0x50];
	_ =	sdelay $0x4  }
0x86: {  	v4 =	vshll.u32 v3, $0x1  }
0x87: {  	v3 =	vand.u32 $0x7, v3;
	v4 =	vand.u32 $0xFFFFFFF0, v4  }
0x88: {  	v3 =	vor.u32 v3, v4  }
0x89: {  	v4 =	vperm.xlane v3, v0;
	_ =	sdelay $0x1  }
0x8a: {  	v3 =	vperm.xlane v3, v2;
	v4 =	vadd.s32 v1, v4;
	_ =	sdelay $0x1  }
0x8b: {  	v3 =	vadd.s32 v1, v3;
	_ =	sdelay $0x1  }
0x8c: {  	s19 =	simm.s32 $0x0  }
0x8d: {  	[tilespmem:s12], [sflag:$0x3] =	stream.indirect_vreg.gather [hbm4b:s5+s19], $0x80, v4, vm0, $0xb8;
	[tilespmem:$0x18F00] =	vst v63  }
0x8e: {  	s10 =	simm.s32 $0xF700  }
0x8f: {  	[tilespmem:s10], [sflag:$0x3] =	stream.indirect_vreg.gather [hbm4b:s5+s19], $0x80, v3, vm0, $0xb8;
	[tilespmem:$0x18F00] =	vst v63  }
0x90: {  	v3 =	vld [tilespmem:s14+$0x60];
	_ =	sdelay $0x4  }
0x91: {  	v4 =	vshll.u32 v3, $0x1  }
0x92: {  	v3 =	vand.u32 $0x7, v3;
	v4 =	vand.u32 $0xFFFFFFF0, v4  }
0x93: {  	v3 =	vor.u32 v3, v4  }
0x94: {  	v4 =	vperm.xlane v3, v0;
	_ =	sdelay $0x1  }
0x95: {  	v3 =	vperm.xlane v3, v2;
	v4 =	vadd.s32 v1, v4;
	_ =	sdelay $0x1  }
0x96: {  	v3 =	vadd.s32 v1, v3;
	_ =	sdelay $0x1  }
0x97: {  	s21 =	simm.s32 $0xFF00  }
0x98: {  	[tilespmem:s21], [sflag:$0x3] =	stream.indirect_vreg.gather [hbm4b:s5+s19], $0x80, v4, vm0, $0xb8;
	[tilespmem:$0x18F00] =	vst v63  }
0x99: {  	s22 =	simm.s32 $0x10700  }
0x9a: {  	[tilespmem:s22], [sflag:$0x3] =	stream.indirect_vreg.gather [hbm4b:s5+s19], $0x80, v3, vm0, $0xb8;
	[tilespmem:$0x18F00] =	vst v63  }
0x9b: {  	v3 =	vld [tilespmem:s14+$0x70];
	_ =	sdelay $0x4  }
0x9c: {  	v4 =	vshll.u32 v3, $0x1  }
0x9d: {  	v3 =	vand.u32 $0x7, v3;
	v4 =	vand.u32 $0xFFFFFFF0, v4  }
0x9e: {  	v3 =	vor.u32 v3, v4  }
0x9f: {  	v4 =	vperm.xlane v3, v0;
	_ =	sdelay $0x1  }
0xa0: {  	v3 =	vperm.xlane v3, v2;
	v4 =	vadd.s32 v1, v4;
	_ =	sdelay $0x1  }
0xa1: {  	v3 =	vadd.s32 v1, v3;
	_ =	sdelay $0x1  }
0xa2: {  	s15 =	simm.s32 $0x10F00  }
0xa3: {  	[tilespmem:s15], [sflag:$0x3] =	stream.indirect_vreg.gather [hbm4b:s5+s19], $0x80, v4, vm0, $0xb8;
	[tilespmem:$0x18F00] =	vst v63  }
0xa4: {  	s20 =	simm.s32 $0x11700  }
0xa5: {  	[tilespmem:s20], [sflag:$0x3] =	stream.indirect_vreg.gather [hbm4b:s5+s19], $0x80, v3, vm0, $0xb8;
	[tilespmem:$0x18F00] =	vst v63  }
0xa6: {  	v3 =	vld [tilespmem:s14+$0x80];
	_ =	sdelay $0x4  }
0xa7: {  	v4 =	vshll.u32 v3, $0x1  }
0xa8: {  	v3 =	vand.u32 $0x7, v3;
	v4 =	vand.u32 $0xFFFFFFF0, v4  }
0xa9: {  	v3 =	vor.u32 v3, v4  }
0xaa: {  	v4 =	vperm.xlane v3, v0;
	_ =	sdelay $0x1  }
0xab: {  	v3 =	vperm.xlane v3, v2;
	v4 =	vadd.s32 v1, v4;
	_ =	sdelay $0x1  }
0xac: {  	v3 =	vadd.s32 v1, v3;
	_ =	sdelay $0x1  }
0xad: {  	s21 =	simm.s32 $0x11F00  }
0xae: {  	[tilespmem:s21], [sflag:$0x3] =	stream.indirect_vreg.gather [hbm4b:s5+s19], $0x80, v4, vm0, $0xb8;
	[tilespmem:$0x18F00] =	vst v63  }
0xaf: {  	s22 =	simm.s32 $0x12700  }
0xb0: {  	[tilespmem:s22], [sflag:$0x3] =	stream.indirect_vreg.gather [hbm4b:s5+s19], $0x80, v3, vm0, $0xb8;
	[tilespmem:$0x18F00] =	vst v63  }
0xb1: {  	v3 =	vld [tilespmem:s14+$0x90];
	_ =	sdelay $0x4  }
0xb2: {  	v4 =	vshll.u32 v3, $0x1  }
0xb3: {  	v3 =	vand.u32 $0x7, v3;
	v4 =	vand.u32 $0xFFFFFFF0, v4  }
0xb4: {  	v3 =	vor.u32 v3, v4  }
0xb5: {  	v4 =	vperm.xlane v3, v0;
	_ =	sdelay $0x1  }
0xb6: {  	v3 =	vperm.xlane v3, v2;
	v4 =	vadd.s32 v1, v4;
	_ =	sdelay $0x1  }
0xb7: {  	v3 =	vadd.s32 v1, v3;
	_ =	sdelay $0x1  }
0xb8: {  	s15 =	simm.s32 $0x12F00  }
0xb9: {  	[tilespmem:s15], [sflag:$0x3] =	stream.indirect_vreg.gather [hbm4b:s5+s19], $0x80, v4, vm0, $0xb8;
	[tilespmem:$0x18F00] =	vst v63  }
0xba: {  	s20 =	simm.s32 $0x13700  }
0xbb: {  	[tilespmem:s20], [sflag:$0x3] =	stream.indirect_vreg.gather [hbm4b:s5+s19], $0x80, v3, vm0, $0xb8;
	[tilespmem:$0x18F00] =	vst v63  }
0xbc: {  	v3 =	vld [tilespmem:s14+$0x27D0];
	_ =	sdelay $0x4  }
0xbd: {  	v4 =	vshll.u32 v3, $0x1  }
0xbe: {  	v3 =	vand.u32 $0x7, v3;
	v4 =	vand.u32 $0xFFFFFFF0, v4  }
0xbf: {  	v3 =	vor.u32 v3, v4  }
0xc0: {  	v4 =	vperm.xlane v3, v0;
	_ =	sdelay $0x1  }
0xc1: {  	v3 =	vperm.xlane v3, v2;
	v4 =	vadd.s32 v1, v4;
	_ =	sdelay $0x1  }
0xc2: {  	v3 =	vadd.s32 v1, v3;
	_ =	sdelay $0x1  }
0xc3: {  	s21 =	simm.s32 $0x13F00  }
0xc4: {  	[tilespmem:s21], [sflag:$0x4] =	stream.indirect_vreg.gather [hbm4b:s5+s19], $0x80, v4, vm0, $0xb8;
	[tilespmem:$0x18F00] =	vst v63  }
0xc5: {  	s22 =	simm.s32 $0x14700  }
0xc6: {  	[tilespmem:s22], [sflag:$0x4] =	stream.indirect_vreg.gather [hbm4b:s5+s19], $0x80, v3, vm0, $0xb8;
	[tilespmem:$0x18F00] =	vst v63  }
0xc7: {  	v3 =	vld [tilespmem:s14+$0x27E0];
	_ =	sdelay $0x4  }
0xc8: {  	v4 =	vshll.u32 v3, $0x1  }
0xc9: {  	v3 =	vand.u32 $0x7, v3;
	v4 =	vand.u32 $0xFFFFFFF0, v4  }
0xca: {  	v3 =	vor.u32 v3, v4  }
0xcb: {  	v4 =	vperm.xlane v3, v0;
	_ =	sdelay $0x1  }
0xcc: {  	v3 =	vperm.xlane v3, v2;
	v4 =	vadd.s32 v1, v4;
	_ =	sdelay $0x1  }
0xcd: {  	v3 =	vadd.s32 v1, v3;
	_ =	sdelay $0x1  }
0xce: {  	s15 =	simm.s32 $0x14F00  }
0xcf: {  	[tilespmem:s15], [sflag:$0x4] =	stream.indirect_vreg.gather [hbm4b:s5+s19], $0x80, v4, vm0, $0xb8;
	[tilespmem:$0x18F00] =	vst v63  }
0xd0: {  	s20 =	simm.s32 $0x15700  }
0xd1: {  	[tilespmem:s20], [sflag:$0x4] =	stream.indirect_vreg.gather [hbm4b:s5+s19], $0x80, v3, vm0, $0xb8;
	[tilespmem:$0x18F00] =	vst v63  }
0xd2: {  	v3 =	vld [tilespmem:s14+$0x27F0];
	_ =	sdelay $0x4  }
0xd3: {  	v4 =	vshll.u32 v3, $0x1  }
0xd4: {  	v3 =	vand.u32 $0x7, v3;
	v4 =	vand.u32 $0xFFFFFFF0, v4  }
0xd5: {  	v3 =	vor.u32 v3, v4  }
0xd6: {  	v4 =	vperm.xlane v3, v0;
	_ =	sdelay $0x1  }
0xd7: {  	v3 =	vperm.xlane v3, v2;
	v4 =	vadd.s32 v1, v4;
	_ =	sdelay $0x1  }
0xd8: {  	v3 =	vadd.s32 v1, v3;
	_ =	sdelay $0x1  }
0xd9: {  	s21 =	simm.s32 $0x15F00  }
0xda: {  	[tilespmem:s21], [sflag:$0x4] =	stream.indirect_vreg.gather [hbm4b:s5+s19], $0x80, v4, vm0, $0xb8;
	[tilespmem:$0x18F00] =	vst v63  }
0xdb: {  	s22 =	simm.s32 $0x16700  }
0xdc: {  	[tilespmem:s22], [sflag:$0x4] =	stream.indirect_vreg.gather [hbm4b:s5+s19], $0x80, v3, vm0, $0xb8;
	[tilespmem:$0x18F00] =	vst v63  }
0xdd: {  	v3 =	vld [tilespmem:s14+$0x2800];
	_ =	sdelay $0x4  }
0xde: {  	v4 =	vshll.u32 v3, $0x1  }
0xdf: {  	v3 =	vand.u32 $0x7, v3;
	v4 =	vand.u32 $0xFFFFFFF0, v4  }
0xe0: {  	v3 =	vor.u32 v3, v4  }
0xe1: {  	v4 =	vperm.xlane v3, v0;
	_ =	sdelay $0x1  }
0xe2: {  	v3 =	vperm.xlane v3, v2;
	v4 =	vadd.s32 v1, v4;
	_ =	sdelay $0x1  }
0xe3: {  	v3 =	vadd.s32 v1, v3;
	_ =	sdelay $0x1  }
0xe4: {  	s15 =	simm.s32 $0x16F00  }
0xe5: {  	[tilespmem:s15], [sflag:$0x4] =	stream.indirect_vreg.gather [hbm4b:s5+s19], $0x80, v4, vm0, $0xb8;
	[tilespmem:$0x18F00] =	vst v63  }
0xe6: {  	s20 =	simm.s32 $0x17700  }
0xe7: {  	[tilespmem:s20], [sflag:$0x4] =	stream.indirect_vreg.gather [hbm4b:s5+s19], $0x80, v3, vm0, $0xb8;
	[tilespmem:$0x18F00] =	vst v63  }
0xe8: {  	v3 =	vld [tilespmem:s14+$0x2810];
	_ =	sdelay $0x4  }
0xe9: {  	v4 =	vshll.u32 v3, $0x1  }
0xea: {  	v3 =	vand.u32 $0x7, v3;
	v4 =	vand.u32 $0xFFFFFFF0, v4  }
0xeb: {  	v3 =	vor.u32 v3, v4  }
0xec: {  	v4 =	vperm.xlane v3, v0;
	_ =	sdelay $0x1  }
0xed: {  	v3 =	vperm.xlane v3, v2;
	v4 =	vadd.s32 v1, v4;
	_ =	sdelay $0x1  }
0xee: {  	v3 =	vadd.s32 v1, v3;
	_ =	sdelay $0x1  }
0xef: {  	s21 =	simm.s32 $0x17F00  }
0xf0: {  	[tilespmem:s21], [sflag:$0x4] =	stream.indirect_vreg.gather [hbm4b:s5+s19], $0x80, v4, vm0, $0xb8;
	[tilespmem:$0x18F00] =	vst v63  }
0xf1: {  	_ = 	snop  }
0xf2: {  	[tilespmem:s7], [sflag:$0x4] =	stream.indirect_vreg.gather [hbm4b:s5+s19], $0x80, v3, vm0, $0xb8;
	[tilespmem:$0x18F00] =	vst v63  }
0xf3: {  	_ =	swait.ge [sflag:s16], $0x5000  }
0xf4: {  	[sflag:s16] =	ssyncset.done $0x0  }
0xf5: {  	[sflag:s16] =	ssyncadd.s32 $0xFFFFB000  }
0xf6: {  	_ =	swait.ge [sflag:s8], $0x5000  }
0xf7: {  	s22 =	sand.u32 $0x7800, s19;
	s19 =	sand.u32 $0x380, s19;
	[sflag:s8] =	ssyncset.done $0x0  }
0xf8: {  	s20 =	sor.u32 s19, s22;
	[sflag:s8] =	ssyncadd.s32 $0xFFFFB000  }
0xf9: {  	v10 =	vld [tilespmem:s20+$0x9F00]  }
0xfa: {  	v11 =	vld [tilespmem:s20+$0x9F10]  }
0xfb: {  	v12 =	vld [tilespmem:s20+$0x9F20]  }
0xfc: {  	v13 =	vld [tilespmem:s20+$0x9F30]  }
0xfd: {  	v14 =	vld [tilespmem:s20+$0x9F40]  }
0xfe: {  	v15 =	vld [tilespmem:s20+$0x9F50]  }
0xff: {  	v16 =	vld [tilespmem:s20+$0x9F60]  }
0x100: {  	v17 =	vld [tilespmem:s20+$0x9F70]  }
0x101: {  	v18 =	vld [tilespmem:s20+$0xA300]  }
0x102: {  	v9 =	vld [tilespmem:s20+$0xA310]  }
0x103: {  	v8 =	vld [tilespmem:s20+$0xA320]  }
0x104: {  	v7 =	vld [tilespmem:s20+$0xA330]  }
0x105: {  	v6 =	vld [tilespmem:s20+$0xA340]  }
0x106: {  	v5 =	vld [tilespmem:s20+$0xA350]  }
0x107: {  	v4 =	vld [tilespmem:s20+$0xA360]  }
0x108: {  	v3 =	vld [tilespmem:s20+$0xA370]  }
0x109: {  	v19 =	vld [tilespmem:s20+$0x4F00]  }
0x10a: {  	v20 =	vld [tilespmem:s20+$0x4F10]  }
0x10b: {  	v21 =	vld [tilespmem:s20+$0x4F20]  }
0x10c: {  	v22 =	vld [tilespmem:s20+$0x4F30]  }
0x10d: {  	v23 =	vld [tilespmem:s20+$0x4F40]  }
0x10e: {  	v10 =	vadd.f32 v10, v19;
	v19 =	vld [tilespmem:s20+$0x4F50]  }
0x10f: {  	v61 =	vld [tilespmem:s20+$0x4F60];
	v11 =	vadd.f32 v11, v20  }
0x110: {  	v62 =	vld [tilespmem:s20+$0x4F70];
	[tilespmem:s20+$0x4F00] =	vst v10;
	v10 =	vadd.f32 v12, v21  }
0x111: {  	v63 =	vld [tilespmem:s20+$0x5300];
	[tilespmem:s20+$0x4F10] =	vst v11;
	v11 =	vadd.f32 v13, v22  }
0x112: {  	v13 =	vld [tilespmem:s20+$0x5310];
	[tilespmem:s20+$0x4F20] =	vst v10;
	v10 =	vadd.f32 v14, v23  }
0x113: {  	v12 =	vld [tilespmem:s20+$0x5320];
	[tilespmem:s20+$0x4F30] =	vst v11;
	v11 =	vadd.f32 v15, v19  }
0x114: {  	v14 =	vadd.f32 v16, v61;
	[tilespmem:s20+$0x4F40] =	vst v10;
	v10 =	vld [tilespmem:s20+$0x5330]  }
0x115: {  	v16 =	vadd.f32 v17, v62;
	[tilespmem:s20+$0x4F50] =	vst v11;
	v11 =	vld [tilespmem:s20+$0x5340]  }
0x116: {  	s10 =	simm.s32 $0x100;
	s21 =	simm.s32 $0x80;
	s19 =	sadd.s32 $0x50, s14;
	v15 =	vadd.f32 v18, v63;
	[tilespmem:s20+$0x4F60] =	vst v14;
	v14 =	vld [tilespmem:s20+$0x5350]  }
.LBB2_3:
0x117: {  	s22 =	sand.u32 $0x7800, s10;
	s15 =	sand.u32 $0x380, s21;
	p0 =	sne.s32 s10, $0x4F00;
	[tilespmem:s20+$0x4F70] =	vst v16;
	v9 =	vadd.f32 v9, v13;
	v13 =	vld [tilespmem:s20+$0x5360]  }
0x118: {  	s15 =	sor.u32 s15, s22;
	[tilespmem:s20+$0x5300] =	vst v15;
	v8 =	vadd.f32 v8, v12;
	v12 =	vld [tilespmem:s20+$0x5370]  }
0x119: {  	v15 =	vld [tilespmem:s15+$0x9F00];
	[tilespmem:s20+$0x5310] =	vst v9;
	v7 =	vadd.f32 v7, v10  }
0x11a: {  	v10 =	vld [tilespmem:s15+$0x9F10];
	[tilespmem:s20+$0x5320] =	vst v8;
	v6 =	vadd.f32 v6, v11  }
0x11b: {  	v11 =	vld [tilespmem:s15+$0x9F20];
	[tilespmem:s20+$0x5330] =	vst v7;
	v5 =	vadd.f32 v5, v14  }
0x11c: {  	v14 =	vld [tilespmem:s15+$0x9F30];
	[tilespmem:s20+$0x5340] =	vst v6;
	v4 =	vadd.f32 v4, v13  }
0x11d: {  	v13 =	vld [tilespmem:s15+$0x9F40];
	[tilespmem:s20+$0x5350] =	vst v5;
	v3 =	vadd.f32 v3, v12  }
0x11e: {  	v12 =	vld [tilespmem:s15+$0x9F50];
	[tilespmem:s20+$0x5360] =	vst v4  }
0x11f: {  	v16 =	vld [tilespmem:s15+$0x9F60];
	[tilespmem:s20+$0x5370] =	vst v3;
	s20 =	smov.u32 s15  }
0x120: {  	v17 =	vld [tilespmem:s20+$0x9F70]  }
0x121: {  	v18 =	vld [tilespmem:s20+$0xA300]  }
0x122: {  	v9 =	vld [tilespmem:s20+$0xA310]  }
0x123: {  	v8 =	vld [tilespmem:s20+$0xA320]  }
0x124: {  	v7 =	vld [tilespmem:s20+$0xA330]  }
0x125: {  	v6 =	vld [tilespmem:s20+$0xA340]  }
0x126: {  	v5 =	vld [tilespmem:s20+$0xA350]  }
0x127: {  	v4 =	vld [tilespmem:s20+$0xA360]  }
0x128: {  	v3 =	vld [tilespmem:s20+$0xA370]  }
0x129: {  	v19 =	vld [tilespmem:s20+$0x4F00]  }
0x12a: {  	v20 =	vld [tilespmem:s20+$0x4F10]  }
0x12b: {  	v21 =	vld [tilespmem:s20+$0x4F20]  }
0x12c: {  	v22 =	vld [tilespmem:s20+$0x4F30]  }
0x12d: {  	v23 =	vld [tilespmem:s20+$0x4F40]  }
0x12e: {  	v15 =	vadd.f32 v15, v19;
	v19 =	vld [tilespmem:s20+$0x4F50]  }
0x12f: {  	v10 =	vadd.f32 v10, v20;
	v20 =	vld [tilespmem:s20+$0x4F60]  }
0x130: {  	[tilespmem:s20+$0x4F00] =	vst v15;
	v11 =	vadd.f32 v11, v21;
	v15 =	vld [tilespmem:s20+$0x4F70]  }
0x131: {  	[tilespmem:s20+$0x4F10] =	vst v10;
	v10 =	vadd.f32 v14, v22;
	v14 =	vld [tilespmem:s20+$0x5300]  }
.Ltmp0:
0x132: {  	[tilespmem:s20+$0x4F20] =	vst v11;
	v11 =	vadd.f32 v13, v23;
	v13 =	vld [tilespmem:s20+$0x5310];
	(pc) =	sbr.rel @p0 .LBB2_3-.Ltmp0, $4  }
0x133: {  	[tilespmem:s20+$0x4F30] =	vst v10;
	v19 =	vadd.f32 v12, v19;
	v12 =	vld [tilespmem:s20+$0x5320]  }
0x134: {  	[tilespmem:s20+$0x4F40] =	vst v11;
	v20 =	vadd.f32 v16, v20;
	v10 =	vld [tilespmem:s20+$0x5330]  }
0x135: {  	[tilespmem:s20+$0x4F50] =	vst v19;
	v16 =	vadd.f32 v17, v15;
	v11 =	vld [tilespmem:s20+$0x5340]  }
0x136: {  	s21 =	sadd.s32 $0x80, s21;
	s10 =	sadd.s32 $0x100, s10;
	[tilespmem:s20+$0x4F60] =	vst v20;
	v15 =	vadd.f32 v18, v14;
	v14 =	vld [tilespmem:s20+$0x5350]  }
0x137: {  	[tilespmem:s20+$0x4F70] =	vst v16;
	v9 =	vadd.f32 v9, v13;
	v13 =	vld [tilespmem:s20+$0x5360]  }
0x138: {  	[tilespmem:s20+$0x5300] =	vst v15;
	v8 =	vadd.f32 v8, v12;
	v12 =	vld [tilespmem:s20+$0x5370]  }
0x139: {  	[tilespmem:s20+$0x5310] =	vst v9;
	v7 =	vadd.f32 v7, v10  }
0x13a: {  	[tilespmem:s20+$0x5320] =	vst v8;
	v6 =	vadd.f32 v6, v11  }
0x13b: {  	s10 =	sadd.s32 s2, s14;
	[tilespmem:s20+$0x5330] =	vst v7;
	v5 =	vadd.f32 v5, v14  }
0x13c: {  	s10 =	sshll.u32 s10, $0x8;
	[tilespmem:s20+$0x5340] =	vst v6;
	v4 =	vadd.f32 v4, v13  }
0x13d: {  	s10 =	sadd.s32 s4, s10;
	[tilespmem:s20+$0x5350] =	vst v5;
	v3 =	vadd.f32 v3, v12  }
0x13e: {  	s10 =	sshrl.u32 s10, $0x3;
	[tilespmem:s20+$0x5360] =	vst v4  }
0x13f: {  	s10 =	sadd.s32 s6, s10;
	[tilespmem:s20+$0x5370] =	vst v3;
	s20 =	simm.s32 $0x0  }
0x140: {  	[hbm4b:s10+s20] =	stream.linear.scatter [tilespmem:s13], [sflag:$0x5], $0x5000, $0x38;
	[tilespmem:$0x18F00] =	vst v63  }
0x141: {  	_ =	swait.ge [sflag:s11], $0x5000  }
0x142: {  	[sflag:s11] =	ssyncset.done $0x0  }
0x143: {  	[sflag:s11] =	ssyncadd.s32 $0xFFFFB000  }
0x144: {  	v3 =	vld [tilespmem:s14+$0xA0];
	_ =	sdelay $0x4  }
0x145: {  	v4 =	vshll.u32 v3, $0x1  }
0x146: {  	v3 =	vand.u32 $0x7, v3;
	v4 =	vand.u32 $0xFFFFFFF0, v4  }
0x147: {  	v3 =	vor.u32 v3, v4  }
0x148: {  	v4 =	vperm.xlane v3, v0;
	_ =	sdelay $0x1  }
0x149: {  	v3 =	vperm.xlane v3, v2;
	v4 =	vadd.s32 v1, v4;
	_ =	sdelay $0x1  }
0x14a: {  	v3 =	vadd.s32 v1, v3;
	_ =	sdelay $0x2  }
0x14b: {  	[tilespmem:s13], [sflag:$0x1] =	stream.indirect_vreg.gather [hbm4b:s5+s20], $0x80, v4, vm0, $0xb8;
	[tilespmem:$0x18F00] =	vst v63  }
0x14c: {  	s21 =	simm.s32 $0x5700  }
0x14d: {  	[tilespmem:s21], [sflag:$0x1] =	stream.indirect_vreg.gather [hbm4b:s5+s20], $0x80, v3, vm0, $0xb8;
	[tilespmem:$0x18F00] =	vst v63  }
0x14e: {  	v3 =	vld [tilespmem:s14+$0xB0];
	_ =	sdelay $0x4  }
0x14f: {  	v4 =	vshll.u32 v3, $0x1  }
0x150: {  	v3 =	vand.u32 $0x7, v3;
	v4 =	vand.u32 $0xFFFFFFF0, v4  }
0x151: {  	v3 =	vor.u32 v3, v4  }
0x152: {  	v4 =	vperm.xlane v3, v0;
	_ =	sdelay $0x1  }
0x153: {  	v3 =	vperm.xlane v3, v2;
	v4 =	vadd.s32 v1, v4;
	_ =	sdelay $0x1  }
0x154: {  	v3 =	vadd.s32 v1, v3;
	_ =	sdelay $0x1  }
0x155: {  	s22 =	simm.s32 $0x5F00  }
0x156: {  	[tilespmem:s22], [sflag:$0x1] =	stream.indirect_vreg.gather [hbm4b:s5+s20], $0x80, v4, vm0, $0xb8;
	[tilespmem:$0x18F00] =	vst v63  }
0x157: {  	s15 =	simm.s32 $0x6700  }
0x158: {  	[tilespmem:s15], [sflag:$0x1] =	stream.indirect_vreg.gather [hbm4b:s5+s20], $0x80, v3, vm0, $0xb8;
	[tilespmem:$0x18F00] =	vst v63  }
0x159: {  	v3 =	vld [tilespmem:s14+$0xC0];
	_ =	sdelay $0x4  }
0x15a: {  	v4 =	vshll.u32 v3, $0x1  }
0x15b: {  	v3 =	vand.u32 $0x7, v3;
	v4 =	vand.u32 $0xFFFFFFF0, v4  }
0x15c: {  	v3 =	vor.u32 v3, v4  }
0x15d: {  	v4 =	vperm.xlane v3, v0;
	_ =	sdelay $0x1  }
0x15e: {  	v3 =	vperm.xlane v3, v2;
	v4 =	vadd.s32 v1, v4;
	_ =	sdelay $0x1  }
0x15f: {  	v3 =	vadd.s32 v1, v3;
	_ =	sdelay $0x1  }
0x160: {  	s21 =	simm.s32 $0x6F00  }
0x161: {  	[tilespmem:s21], [sflag:$0x1] =	stream.indirect_vreg.gather [hbm4b:s5+s20], $0x80, v4, vm0, $0xb8;
	[tilespmem:$0x18F00] =	vst v63  }
0x162: {  	s22 =	simm.s32 $0x7700  }
0x163: {  	[tilespmem:s22], [sflag:$0x1] =	stream.indirect_vreg.gather [hbm4b:s5+s20], $0x80, v3, vm0, $0xb8;
	[tilespmem:$0x18F00] =	vst v63  }
0x164: {  	v3 =	vld [tilespmem:s14+$0xD0];
	_ =	sdelay $0x4  }
0x165: {  	v4 =	vshll.u32 v3, $0x1  }
0x166: {  	v3 =	vand.u32 $0x7, v3;
	v4 =	vand.u32 $0xFFFFFFF0, v4  }
0x167: {  	v3 =	vor.u32 v3, v4  }
0x168: {  	v4 =	vperm.xlane v3, v0;
	_ =	sdelay $0x1  }
0x169: {  	v3 =	vperm.xlane v3, v2;
	v4 =	vadd.s32 v1, v4;
	_ =	sdelay $0x1  }
0x16a: {  	v3 =	vadd.s32 v1, v3;
	_ =	sdelay $0x1  }
0x16b: {  	s15 =	simm.s32 $0x7F00  }
0x16c: {  	[tilespmem:s15], [sflag:$0x1] =	stream.indirect_vreg.gather [hbm4b:s5+s20], $0x80, v4, vm0, $0xb8;
	[tilespmem:$0x18F00] =	vst v63  }
0x16d: {  	s21 =	simm.s32 $0x8700  }
0x16e: {  	[tilespmem:s21], [sflag:$0x1] =	stream.indirect_vreg.gather [hbm4b:s5+s20], $0x80, v3, vm0, $0xb8;
	[tilespmem:$0x18F00] =	vst v63  }
0x16f: {  	v3 =	vld [tilespmem:s14+$0xE0];
	_ =	sdelay $0x4  }
0x170: {  	v4 =	vshll.u32 v3, $0x1  }
0x171: {  	v3 =	vand.u32 $0x7, v3;
	v4 =	vand.u32 $0xFFFFFFF0, v4  }
0x172: {  	v3 =	vor.u32 v3, v4  }
0x173: {  	v4 =	vperm.xlane v3, v0;
	_ =	sdelay $0x1  }
0x174: {  	v3 =	vperm.xlane v3, v2;
	v4 =	vadd.s32 v1, v4;
	_ =	sdelay $0x1  }
0x175: {  	v3 =	vadd.s32 v1, v3;
	_ =	sdelay $0x1  }
0x176: {  	s22 =	simm.s32 $0x8F00  }
0x177: {  	[tilespmem:s22], [sflag:$0x1] =	stream.indirect_vreg.gather [hbm4b:s5+s20], $0x80, v4, vm0, $0xb8;
	[tilespmem:$0x18F00] =	vst v63  }
0x178: {  	s15 =	simm.s32 $0x9700  }
0x179: {  	[tilespmem:s15], [sflag:$0x1] =	stream.indirect_vreg.gather [hbm4b:s5+s20], $0x80, v3, vm0, $0xb8;
	[tilespmem:$0x18F00] =	vst v63  }
0x17a: {  	v3 =	vld [tilespmem:s14+$0x2820];
	_ =	sdelay $0x4  }
0x17b: {  	v4 =	vshll.u32 v3, $0x1  }
0x17c: {  	v3 =	vand.u32 $0x7, v3;
	v4 =	vand.u32 $0xFFFFFFF0, v4  }
0x17d: {  	v3 =	vor.u32 v3, v4  }
0x17e: {  	v4 =	vperm.xlane v3, v0;
	_ =	sdelay $0x1  }
0x17f: {  	v3 =	vperm.xlane v3, v2;
	v4 =	vadd.s32 v1, v4;
	_ =	sdelay $0x1  }
0x180: {  	v3 =	vadd.s32 v1, v3;
	_ =	sdelay $0x2  }
0x181: {  	[tilespmem:s23], [sflag:$0x2] =	stream.indirect_vreg.gather [hbm4b:s5+s20], $0x80, v4, vm0, $0xb8;
	[tilespmem:$0x18F00] =	vst v63  }
0x182: {  	_ = 	snop  }
0x183: {  	[tilespmem:s24], [sflag:$0x2] =	stream.indirect_vreg.gather [hbm4b:s5+s20], $0x80, v3, vm0, $0xb8;
	[tilespmem:$0x18F00] =	vst v63  }
0x184: {  	v3 =	vld [tilespmem:s14+$0x2830];
	_ =	sdelay $0x4  }
0x185: {  	v4 =	vshll.u32 v3, $0x1  }
0x186: {  	v3 =	vand.u32 $0x7, v3;
	v4 =	vand.u32 $0xFFFFFFF0, v4  }
0x187: {  	v3 =	vor.u32 v3, v4  }
0x188: {  	v4 =	vperm.xlane v3, v0;
	_ =	sdelay $0x1  }
0x189: {  	v3 =	vperm.xlane v3, v2;
	v4 =	vadd.s32 v1, v4;
	_ =	sdelay $0x1  }
0x18a: {  	v3 =	vadd.s32 v1, v3;
	_ =	sdelay $0x2  }
0x18b: {  	[tilespmem:s25], [sflag:$0x2] =	stream.indirect_vreg.gather [hbm4b:s5+s20], $0x80, v4, vm0, $0xb8;
	[tilespmem:$0x18F00] =	vst v63  }
0x18c: {  	_ = 	snop  }
0x18d: {  	[tilespmem:s26], [sflag:$0x2] =	stream.indirect_vreg.gather [hbm4b:s5+s20], $0x80, v3, vm0, $0xb8;
	[tilespmem:$0x18F00] =	vst v63  }
0x18e: {  	v3 =	vld [tilespmem:s14+$0x2840];
	_ =	sdelay $0x4  }
0x18f: {  	v4 =	vshll.u32 v3, $0x1  }
0x190: {  	v3 =	vand.u32 $0x7, v3;
	v4 =	vand.u32 $0xFFFFFFF0, v4  }
0x191: {  	v3 =	vor.u32 v3, v4  }
0x192: {  	v4 =	vperm.xlane v3, v0;
	_ =	sdelay $0x1  }
0x193: {  	v3 =	vperm.xlane v3, v2;
	v4 =	vadd.s32 v1, v4;
	_ =	sdelay $0x1  }
0x194: {  	v3 =	vadd.s32 v1, v3;
	_ =	sdelay $0x2  }
0x195: {  	[tilespmem:s28], [sflag:$0x2] =	stream.indirect_vreg.gather [hbm4b:s5+s20], $0x80, v4, vm0, $0xb8;
	[tilespmem:$0x18F00] =	vst v63  }
0x196: {  	_ = 	snop  }
0x197: {  	[tilespmem:s29], [sflag:$0x2] =	stream.indirect_vreg.gather [hbm4b:s5+s20], $0x80, v3, vm0, $0xb8;
	[tilespmem:$0x18F00] =	vst v63  }
0x198: {  	v3 =	vld [tilespmem:s14+$0x2850];
	_ =	sdelay $0x4  }
0x199: {  	v4 =	vshll.u32 v3, $0x1  }
0x19a: {  	v3 =	vand.u32 $0x7, v3;
	v4 =	vand.u32 $0xFFFFFFF0, v4  }
0x19b: {  	v3 =	vor.u32 v3, v4  }
0x19c: {  	v4 =	vperm.xlane v3, v0;
	_ =	sdelay $0x1  }
0x19d: {  	v3 =	vperm.xlane v3, v2;
	v4 =	vadd.s32 v1, v4;
	_ =	sdelay $0x1  }
0x19e: {  	v3 =	vadd.s32 v1, v3;
	_ =	sdelay $0x2  }
0x19f: {  	[tilespmem:s30], [sflag:$0x2] =	stream.indirect_vreg.gather [hbm4b:s5+s20], $0x80, v4, vm0, $0xb8;
	[tilespmem:$0x18F00] =	vst v63  }
0x1a0: {  	_ = 	snop  }
0x1a1: {  	[tilespmem:s31], [sflag:$0x2] =	stream.indirect_vreg.gather [hbm4b:s5+s20], $0x80, v3, vm0, $0xb8;
	[tilespmem:$0x18F00] =	vst v63  }
0x1a2: {  	v3 =	vld [tilespmem:s14+$0x2860];
	_ =	sdelay $0x4  }
0x1a3: {  	v4 =	vshll.u32 v3, $0x1  }
0x1a4: {  	v3 =	vand.u32 $0x7, v3;
	v4 =	vand.u32 $0xFFFFFFF0, v4  }
0x1a5: {  	v3 =	vor.u32 v3, v4  }
0x1a6: {  	v4 =	vperm.xlane v3, v0;
	_ =	sdelay $0x1  }
0x1a7: {  	v3 =	vperm.xlane v3, v2;
	v4 =	vadd.s32 v1, v4;
	_ =	sdelay $0x1  }
0x1a8: {  	v3 =	vadd.s32 v1, v3;
	_ =	sdelay $0x2  }
0x1a9: {  	[tilespmem:s1], [sflag:$0x2] =	stream.indirect_vreg.gather [hbm4b:s5+s20], $0x80, v4, vm0, $0xb8;
	[tilespmem:$0x18F00] =	vst v63  }
0x1aa: {  	_ = 	snop  }
0x1ab: {  	[tilespmem:s0], [sflag:$0x2] =	stream.indirect_vreg.gather [hbm4b:s5+s20], $0x80, v3, vm0, $0xb8;
	[tilespmem:$0x18F00] =	vst v63  }
0x1ac: {  	_ =	swait.ge [sflag:s17], $0x5000  }
0x1ad: {  	[sflag:s17] =	ssyncset.done $0x0  }
0x1ae: {  	[sflag:s17] =	ssyncadd.s32 $0xFFFFB000  }
0x1af: {  	_ =	swait.ge [sflag:s9], $0x5000  }
0x1b0: {  	s21 =	sand.u32 $0x7800, s20;
	s22 =	sand.u32 $0x380, s20;
	[sflag:s9] =	ssyncset.done $0x0  }
0x1b1: {  	s14 =	sor.u32 s22, s21;
	[sflag:s9] =	ssyncadd.s32 $0xFFFFB000  }
0x1b2: {  	v10 =	vld [tilespmem:s14+$0x13F00]  }
0x1b3: {  	v11 =	vld [tilespmem:s14+$0x13F10]  }
0x1b4: {  	v12 =	vld [tilespmem:s14+$0x13F20]  }
0x1b5: {  	v13 =	vld [tilespmem:s14+$0x13F30]  }
0x1b6: {  	v14 =	vld [tilespmem:s14+$0x13F40]  }
0x1b7: {  	v15 =	vld [tilespmem:s14+$0x13F50]  }
0x1b8: {  	v16 =	vld [tilespmem:s14+$0x13F60]  }
0x1b9: {  	v17 =	vld [tilespmem:s14+$0x13F70]  }
0x1ba: {  	v18 =	vld [tilespmem:s14+$0x14300]  }
0x1bb: {  	v9 =	vld [tilespmem:s14+$0x14310]  }
0x1bc: {  	v8 =	vld [tilespmem:s14+$0x14320]  }
0x1bd: {  	v7 =	vld [tilespmem:s14+$0x14330]  }
0x1be: {  	v6 =	vld [tilespmem:s14+$0x14340]  }
0x1bf: {  	v5 =	vld [tilespmem:s14+$0x14350]  }
0x1c0: {  	v4 =	vld [tilespmem:s14+$0x14360]  }
0x1c1: {  	v3 =	vld [tilespmem:s14+$0x14370]  }
0x1c2: {  	v19 =	vld [tilespmem:s14+$0xEF00]  }
0x1c3: {  	v20 =	vld [tilespmem:s14+$0xEF10]  }
0x1c4: {  	v21 =	vld [tilespmem:s14+$0xEF20]  }
0x1c5: {  	v22 =	vld [tilespmem:s14+$0xEF30]  }
0x1c6: {  	v23 =	vld [tilespmem:s14+$0xEF40]  }
0x1c7: {  	v10 =	vadd.f32 v10, v19;
	v19 =	vld [tilespmem:s14+$0xEF50]  }
0x1c8: {  	v61 =	vld [tilespmem:s14+$0xEF60];
	v11 =	vadd.f32 v11, v20  }
0x1c9: {  	v62 =	vld [tilespmem:s14+$0xEF70];
	[tilespmem:s14+$0xEF00] =	vst v10;
	v10 =	vadd.f32 v12, v21  }
0x1ca: {  	v63 =	vld [tilespmem:s14+$0xF300];
	[tilespmem:s14+$0xEF10] =	vst v11;
	v11 =	vadd.f32 v13, v22  }
0x1cb: {  	v13 =	vld [tilespmem:s14+$0xF310];
	[tilespmem:s14+$0xEF20] =	vst v10;
	v10 =	vadd.f32 v14, v23  }
0x1cc: {  	v12 =	vld [tilespmem:s14+$0xF320];
	[tilespmem:s14+$0xEF30] =	vst v11;
	v11 =	vadd.f32 v15, v19  }
0x1cd: {  	v14 =	vadd.f32 v16, v61;
	[tilespmem:s14+$0xEF40] =	vst v10;
	v10 =	vld [tilespmem:s14+$0xF330]  }
0x1ce: {  	v16 =	vadd.f32 v17, v62;
	[tilespmem:s14+$0xEF50] =	vst v11;
	v11 =	vld [tilespmem:s14+$0xF340]  }
0x1cf: {  	s10 =	simm.s32 $0x100;
	s20 =	simm.s32 $0x80;
	v15 =	vadd.f32 v18, v63;
	[tilespmem:s14+$0xEF60] =	vst v14;
	v14 =	vld [tilespmem:s14+$0xF350]  }
.LBB2_5:
0x1d0: {  	s15 =	sand.u32 $0x7800, s10;
	s21 =	sand.u32 $0x380, s20;
	p0 =	sne.s32 s10, $0x4F00;
	[tilespmem:s14+$0xEF70] =	vst v16;
	v9 =	vadd.f32 v9, v13;
	v13 =	vld [tilespmem:s14+$0xF360]  }
0x1d1: {  	s15 =	sor.u32 s21, s15;
	[tilespmem:s14+$0xF300] =	vst v15;
	v8 =	vadd.f32 v8, v12;
	v12 =	vld [tilespmem:s14+$0xF370]  }
0x1d2: {  	v15 =	vld [tilespmem:s15+$0x13F00];
	[tilespmem:s14+$0xF310] =	vst v9;
	v7 =	vadd.f32 v7, v10  }
0x1d3: {  	v10 =	vld [tilespmem:s15+$0x13F10];
	[tilespmem:s14+$0xF320] =	vst v8;
	v6 =	vadd.f32 v6, v11  }
0x1d4: {  	v11 =	vld [tilespmem:s15+$0x13F20];
	[tilespmem:s14+$0xF330] =	vst v7;
	v5 =	vadd.f32 v5, v14  }
0x1d5: {  	v14 =	vld [tilespmem:s15+$0x13F30];
	[tilespmem:s14+$0xF340] =	vst v6;
	v4 =	vadd.f32 v4, v13  }
0x1d6: {  	v13 =	vld [tilespmem:s15+$0x13F40];
	[tilespmem:s14+$0xF350] =	vst v5;
	v3 =	vadd.f32 v3, v12  }
0x1d7: {  	v12 =	vld [tilespmem:s15+$0x13F50];
	[tilespmem:s14+$0xF360] =	vst v4  }
0x1d8: {  	v16 =	vld [tilespmem:s15+$0x13F60];
	[tilespmem:s14+$0xF370] =	vst v3;
	s14 =	smov.u32 s15  }
0x1d9: {  	v17 =	vld [tilespmem:s14+$0x13F70]  }
0x1da: {  	v18 =	vld [tilespmem:s14+$0x14300]  }
0x1db: {  	v9 =	vld [tilespmem:s14+$0x14310]  }
0x1dc: {  	v8 =	vld [tilespmem:s14+$0x14320]  }
0x1dd: {  	v7 =	vld [tilespmem:s14+$0x14330]  }
0x1de: {  	v6 =	vld [tilespmem:s14+$0x14340]  }
0x1df: {  	v5 =	vld [tilespmem:s14+$0x14350]  }
0x1e0: {  	v4 =	vld [tilespmem:s14+$0x14360]  }
0x1e1: {  	v3 =	vld [tilespmem:s14+$0x14370]  }
0x1e2: {  	v19 =	vld [tilespmem:s14+$0xEF00]  }
0x1e3: {  	v20 =	vld [tilespmem:s14+$0xEF10]  }
0x1e4: {  	v21 =	vld [tilespmem:s14+$0xEF20]  }
0x1e5: {  	v22 =	vld [tilespmem:s14+$0xEF30]  }
0x1e6: {  	v23 =	vld [tilespmem:s14+$0xEF40]  }
0x1e7: {  	v15 =	vadd.f32 v15, v19;
	v19 =	vld [tilespmem:s14+$0xEF50]  }
0x1e8: {  	v10 =	vadd.f32 v10, v20;
	v20 =	vld [tilespmem:s14+$0xEF60]  }
0x1e9: {  	[tilespmem:s14+$0xEF00] =	vst v15;
	v11 =	vadd.f32 v11, v21;
	v15 =	vld [tilespmem:s14+$0xEF70]  }
0x1ea: {  	[tilespmem:s14+$0xEF10] =	vst v10;
	v10 =	vadd.f32 v14, v22;
	v14 =	vld [tilespmem:s14+$0xF300]  }
.Ltmp1:
0x1eb: {  	[tilespmem:s14+$0xEF20] =	vst v11;
	v11 =	vadd.f32 v13, v23;
	v13 =	vld [tilespmem:s14+$0xF310];
	(pc) =	sbr.rel @p0 .LBB2_5-.Ltmp1, $4  }
0x1ec: {  	[tilespmem:s14+$0xEF30] =	vst v10;
	v19 =	vadd.f32 v12, v19;
	v12 =	vld [tilespmem:s14+$0xF320]  }
0x1ed: {  	[tilespmem:s14+$0xEF40] =	vst v11;
	v20 =	vadd.f32 v16, v20;
	v10 =	vld [tilespmem:s14+$0xF330]  }
0x1ee: {  	[tilespmem:s14+$0xEF50] =	vst v19;
	v16 =	vadd.f32 v17, v15;
	v11 =	vld [tilespmem:s14+$0xF340]  }
0x1ef: {  	s20 =	sadd.s32 $0x80, s20;
	s10 =	sadd.s32 $0x100, s10;
	[tilespmem:s14+$0xEF60] =	vst v20;
	v15 =	vadd.f32 v18, v14;
	v14 =	vld [tilespmem:s14+$0xF350]  }
0x1f0: {  	[tilespmem:s14+$0xEF70] =	vst v16;
	v9 =	vadd.f32 v9, v13;
	v62 =	vld [tilespmem:s14+$0xF360]  }
0x1f1: {  	v63 =	vld [tilespmem:s14+$0xF370];
	[tilespmem:s14+$0xF300] =	vst v15;
	v8 =	vadd.f32 v8, v12  }
0x1f2: {  	[tilespmem:s14+$0xF310] =	vst v9;
	v7 =	vadd.f32 v7, v10  }
0x1f3: {  	[tilespmem:s14+$0xF320] =	vst v8;
	v6 =	vadd.f32 v6, v11  }
0x1f4: {  	s10 =	sadd.s32 s2, s19;
	[tilespmem:s14+$0xF330] =	vst v7;
	v5 =	vadd.f32 v5, v14  }
0x1f5: {  	s10 =	sshll.u32 s10, $0x8;
	[tilespmem:s14+$0xF340] =	vst v6;
	v4 =	vadd.f32 v4, v62  }
0x1f6: {  	s18 =	sadd.s32 $0x1, s18;
	s10 =	sadd.s32 s4, s10;
	v3 =	vadd.f32 v3, v63;
	[tilespmem:s14+$0xF350] =	vst v5  }
0x1f7: {  	p0 =	sne.s32 s18, $0x3E;
	s10 =	sshrl.u32 s10, $0x3;
	[tilespmem:s14+$0xF360] =	vst v4  }
.Ltmp2:
0x1f8: {  	s10 =	sadd.s32 s6, s10;
	[tilespmem:s14+$0xF370] =	vst v3;
	(pc) =	sbr.rel @p0 .LBB2_2-.Ltmp2, $4  }
0x1f9: {  	[hbm4b:s10+s3] =	stream.linear.scatter [tilespmem:s12], [sflag:$0x5], $0x5000, $0x38;
	[tilespmem:$0x18F00] =	vst v63  }
0x1fa: {  	_ =	swait.ge [sflag:s11], $0x5000  }
0x1fb: {  	[sflag:s11] =	ssyncset.done $0x0  }
0x1fc: {  	[sflag:s11] =	ssyncadd.s32 $0xFFFFB000  }
0x1fd: {  	_ =	swait.ge [sflag:s16], $0x5000  }
0x1fe: {  	[sflag:s16] =	ssyncset.done $0x0  }
0x1ff: {  	[sflag:s16] =	ssyncadd.s32 $0xFFFFB000  }
0x200: {  	s10 =	simm.s32 $0x0;
	_ =	swait.ge [sflag:s8], $0x5000  }
0x201: {  	s14 =	sand.u32 $0x7800, s10;
	s10 =	sand.u32 $0x380, s10;
	[sflag:s8] =	ssyncset.done $0x0  }
0x202: {  	s14 =	sor.u32 s10, s14;
	[sflag:s8] =	ssyncadd.s32 $0xFFFFB000  }
0x203: {  	v10 =	vld [tilespmem:s14+$0x9F00]  }
0x204: {  	v11 =	vld [tilespmem:s14+$0x9F10]  }
0x205: {  	v12 =	vld [tilespmem:s14+$0x9F20]  }
0x206: {  	v13 =	vld [tilespmem:s14+$0x9F30]  }
0x207: {  	v14 =	vld [tilespmem:s14+$0x9F40]  }
0x208: {  	v15 =	vld [tilespmem:s14+$0x9F50]  }
0x209: {  	v16 =	vld [tilespmem:s14+$0x9F60]  }
0x20a: {  	v17 =	vld [tilespmem:s14+$0x9F70]  }
0x20b: {  	v18 =	vld [tilespmem:s14+$0xA300]  }
0x20c: {  	v9 =	vld [tilespmem:s14+$0xA310]  }
0x20d: {  	v8 =	vld [tilespmem:s14+$0xA320]  }
0x20e: {  	v7 =	vld [tilespmem:s14+$0xA330]  }
0x20f: {  	v6 =	vld [tilespmem:s14+$0xA340]  }
0x210: {  	v5 =	vld [tilespmem:s14+$0xA350]  }
0x211: {  	v4 =	vld [tilespmem:s14+$0xA360]  }
0x212: {  	v3 =	vld [tilespmem:s14+$0xA370]  }
0x213: {  	v19 =	vld [tilespmem:s14+$0x4F00]  }
0x214: {  	v20 =	vld [tilespmem:s14+$0x4F10]  }
0x215: {  	v21 =	vld [tilespmem:s14+$0x4F20]  }
0x216: {  	v22 =	vld [tilespmem:s14+$0x4F30]  }
0x217: {  	v23 =	vld [tilespmem:s14+$0x4F40]  }
0x218: {  	v10 =	vadd.f32 v10, v19;
	v19 =	vld [tilespmem:s14+$0x4F50]  }
0x219: {  	v61 =	vld [tilespmem:s14+$0x4F60];
	v11 =	vadd.f32 v11, v20  }
0x21a: {  	v62 =	vld [tilespmem:s14+$0x4F70];
	[tilespmem:s14+$0x4F00] =	vst v10;
	v10 =	vadd.f32 v12, v21  }
0x21b: {  	v63 =	vld [tilespmem:s14+$0x5300];
	[tilespmem:s14+$0x4F10] =	vst v11;
	v11 =	vadd.f32 v13, v22  }
0x21c: {  	v13 =	vld [tilespmem:s14+$0x5310];
	[tilespmem:s14+$0x4F20] =	vst v10;
	v10 =	vadd.f32 v14, v23  }
0x21d: {  	v12 =	vld [tilespmem:s14+$0x5320];
	[tilespmem:s14+$0x4F30] =	vst v11;
	v11 =	vadd.f32 v15, v19  }
0x21e: {  	v14 =	vadd.f32 v16, v61;
	[tilespmem:s14+$0x4F40] =	vst v10;
	v10 =	vld [tilespmem:s14+$0x5330]  }
0x21f: {  	v16 =	vadd.f32 v17, v62;
	[tilespmem:s14+$0x4F50] =	vst v11;
	v11 =	vld [tilespmem:s14+$0x5340]  }
0x220: {  	s18 =	simm.s32 $0x80;
	s10 =	simm.s32 $0x100;
	v15 =	vadd.f32 v18, v63;
	[tilespmem:s14+$0x4F60] =	vst v14;
	v14 =	vld [tilespmem:s14+$0x5350]  }
.LBB2_8:
0x221: {  	s15 =	sand.u32 $0x7800, s10;
	s19 =	sand.u32 $0x380, s18;
	p0 =	sne.s32 s10, $0x4F00;
	[tilespmem:s14+$0x4F70] =	vst v16;
	v9 =	vadd.f32 v9, v13;
	v13 =	vld [tilespmem:s14+$0x5360]  }
0x222: {  	s15 =	sor.u32 s19, s15;
	[tilespmem:s14+$0x5300] =	vst v15;
	v8 =	vadd.f32 v8, v12;
	v12 =	vld [tilespmem:s14+$0x5370]  }
0x223: {  	v15 =	vld [tilespmem:s15+$0x9F00];
	[tilespmem:s14+$0x5310] =	vst v9;
	v7 =	vadd.f32 v7, v10  }
0x224: {  	v10 =	vld [tilespmem:s15+$0x9F10];
	[tilespmem:s14+$0x5320] =	vst v8;
	v6 =	vadd.f32 v6, v11  }
0x225: {  	v11 =	vld [tilespmem:s15+$0x9F20];
	[tilespmem:s14+$0x5330] =	vst v7;
	v5 =	vadd.f32 v5, v14  }
0x226: {  	v14 =	vld [tilespmem:s15+$0x9F30];
	[tilespmem:s14+$0x5340] =	vst v6;
	v4 =	vadd.f32 v4, v13  }
0x227: {  	v13 =	vld [tilespmem:s15+$0x9F40];
	[tilespmem:s14+$0x5350] =	vst v5;
	v3 =	vadd.f32 v3, v12  }
0x228: {  	v12 =	vld [tilespmem:s15+$0x9F50];
	[tilespmem:s14+$0x5360] =	vst v4  }
0x229: {  	v16 =	vld [tilespmem:s15+$0x9F60];
	[tilespmem:s14+$0x5370] =	vst v3;
	s14 =	smov.u32 s15  }
0x22a: {  	v17 =	vld [tilespmem:s14+$0x9F70]  }
0x22b: {  	v18 =	vld [tilespmem:s14+$0xA300]  }
0x22c: {  	v9 =	vld [tilespmem:s14+$0xA310]  }
0x22d: {  	v8 =	vld [tilespmem:s14+$0xA320]  }
0x22e: {  	v7 =	vld [tilespmem:s14+$0xA330]  }
0x22f: {  	v6 =	vld [tilespmem:s14+$0xA340]  }
0x230: {  	v5 =	vld [tilespmem:s14+$0xA350]  }
0x231: {  	v4 =	vld [tilespmem:s14+$0xA360]  }
0x232: {  	v3 =	vld [tilespmem:s14+$0xA370]  }
0x233: {  	v19 =	vld [tilespmem:s14+$0x4F00]  }
0x234: {  	v20 =	vld [tilespmem:s14+$0x4F10]  }
0x235: {  	v21 =	vld [tilespmem:s14+$0x4F20]  }
0x236: {  	v22 =	vld [tilespmem:s14+$0x4F30]  }
0x237: {  	v23 =	vld [tilespmem:s14+$0x4F40]  }
0x238: {  	v15 =	vadd.f32 v15, v19;
	v19 =	vld [tilespmem:s14+$0x4F50]  }
0x239: {  	v10 =	vadd.f32 v10, v20;
	v20 =	vld [tilespmem:s14+$0x4F60]  }
0x23a: {  	[tilespmem:s14+$0x4F00] =	vst v15;
	v11 =	vadd.f32 v11, v21;
	v15 =	vld [tilespmem:s14+$0x4F70]  }
0x23b: {  	[tilespmem:s14+$0x4F10] =	vst v10;
	v10 =	vadd.f32 v14, v22;
	v14 =	vld [tilespmem:s14+$0x5300]  }
.Ltmp3:
0x23c: {  	[tilespmem:s14+$0x4F20] =	vst v11;
	v11 =	vadd.f32 v13, v23;
	v13 =	vld [tilespmem:s14+$0x5310];
	(pc) =	sbr.rel @p0 .LBB2_8-.Ltmp3, $4  }
0x23d: {  	[tilespmem:s14+$0x4F30] =	vst v10;
	v19 =	vadd.f32 v12, v19;
	v12 =	vld [tilespmem:s14+$0x5320]  }
0x23e: {  	[tilespmem:s14+$0x4F40] =	vst v11;
	v20 =	vadd.f32 v16, v20;
	v10 =	vld [tilespmem:s14+$0x5330]  }
0x23f: {  	[tilespmem:s14+$0x4F50] =	vst v19;
	v16 =	vadd.f32 v17, v15;
	v11 =	vld [tilespmem:s14+$0x5340]  }
0x240: {  	s18 =	sadd.s32 $0x80, s18;
	s10 =	sadd.s32 $0x100, s10;
	[tilespmem:s14+$0x4F60] =	vst v20;
	v15 =	vadd.f32 v18, v14;
	v14 =	vld [tilespmem:s14+$0x5350]  }
0x241: {  	[tilespmem:s14+$0x4F70] =	vst v16;
	v9 =	vadd.f32 v9, v13;
	v62 =	vld [tilespmem:s14+$0x5360]  }
0x242: {  	v63 =	vld [tilespmem:s14+$0x5370];
	[tilespmem:s14+$0x5300] =	vst v15;
	v8 =	vadd.f32 v8, v12  }
0x243: {  	[tilespmem:s14+$0x5310] =	vst v9;
	v7 =	vadd.f32 v7, v10  }
0x244: {  	[tilespmem:s14+$0x5320] =	vst v8;
	v6 =	vadd.f32 v6, v11  }
0x245: {  	[tilespmem:s14+$0x5330] =	vst v7;
	v5 =	vadd.f32 v5, v14  }
0x246: {  	[tilespmem:s14+$0x5340] =	vst v6;
	v4 =	vadd.f32 v4, v62  }
0x247: {  	v3 =	vadd.f32 v3, v63;
	[tilespmem:s14+$0x5350] =	vst v5  }
0x248: {  	[tilespmem:s14+$0x5360] =	vst v4  }
0x249: {  	s10 =	rddreg [dreg:$0x4];
	[tilespmem:s14+$0x5370] =	vst v3  }
0x24a: {  	[hbm4b:s10+s3] =	stream.linear.scatter [tilespmem:s13], [sflag:$0x5], $0x5000, $0x38;
	[tilespmem:$0x18F00] =	vst v63  }
0x24b: {  	_ =	swait.ge [sflag:s11], $0x5000  }
0x24c: {  	s21 =	rddreg [dreg:$0x6]  }
0x24d: {  	s22 =	rddreg [dreg:$0x5];
	s14 =	sadd.s32 $0x1, s21  }
0x24e: {  	p0 =	sne.s32 s14, s22  }
.Ltmp4:
0x24f: {  	_ = 	snop;
	(pc) =	sbr.rel @p0 .LBB2_1-.Ltmp4, $3  }
0x250: {  	_ =	sdelay $0x1  }
0x251: {  	[sflag:s11] =	ssyncset.done $0x0  }
0x252: {  	[sflag:s11] =	ssyncadd.s32 $0xFFFFB000  }
0x253: {  	_ =	sfence.sel $0x180000  }
0x254: {  	[bflag:$0x0] =	sbarrier.arrive $0xFFFF  }
0x255: {  	_ =	strace $0x9000004D  }
0x256: {  	s0 =	stileid.u32;
	[bflag:$0x2] =	sbarrier.arrive $0xFFFF  }
0x257: {  	p0 =	sne.s32 s0, $0x0;
	s0 =	rddreg [dreg:$0x1]  }
0x258: {  	s0 =	sadd.s32 @!p0 $0x100000, s0  }
0x259: {  	[sflag:s0] =	ssyncadd.tile.s32 @!p0 $0x1;
	_ =	shalt  }
.Lfunc_end2:
_tile_overlayer_lowered:
.L_overlay_start_2:
0x25a: {  	(tag) =	ssettag $0x2  }
0x25b: {  	s0 =	rddreg [dreg:$0x0];
	s2 =	stileid.u32  }
0x25c: {  	s1 =	rddreg [dreg:$0x1];
	p0 =	sne.s32 s2, $0x0  }
0x25d: {  	s3 =	rddreg [dreg:$0x2];
	[bflag:$0x3] =	sbarrier.arrive $0xFFFF;
	s2 =	simm.s32 @!p0 $0x1C05  }
0x25e: {  	[timem:s3], [sflag:s2] =	dma.local @!p0 [hbm:s0], s1  }
0x25f: {  	s0 =	simm.s32 @!p0 $0x5  }
0x260: {  	_ =	swait.ge @!p0 [sflag:s0], s1  }
0x261: {  	s1 =	ssub.s32 @!p0 $0x0, s1;
	[sflag:s0] =	ssyncset.done @!p0 $0x0  }
0x262: {  	[sflag:s0] =	ssyncadd.s32 @!p0 s1  }
0x263: {  	[bflag:$0x3] =	sbarrier.arrive $0xFFFF  }
0x264: {  	_ =	shalt  }

// kernel: kernel.21.cloned.1.call-start
scs
__scs_entry_jumppad:
0x0: {  	(pc) =	sbr.rel $0x88, $3  }
0x1: {  	(tag) =	ssettag $0x0;
	lr =	simm.s32 $0x1  }
0x2: {  	[smem:$0x3F93] =	sst lr;
	_ =	strace $0xD0000000  }
0x3: {  	_ = 	snop  }
0x4: {  	_ = 	snop  }
0x5: {  	_ = 	snop  }
0x6: {  	_ = 	snop  }
0x7: {  	_ = 	snop  }
__scs_overlays_trampoline_lowered:
0x8: {  	[smem:$0x3FA2] =	sst s0  }
0x9: {  	[smem:$0x3FA3] =	sst s1  }
0xa: {  	[smem:$0x3FA4] =	sst s2  }
0xb: {  	[smem:$0x3FA5] =	sst s3  }
0xc: {  	[smem:$0x3FA6] =	sst s4  }
0xd: {  	[smem:$0x3FA7] =	sst s5  }
0xe: {  	[smem:$0x3FA8] =	sst s6  }
0xf: {  	[smem:$0x3FA9] =	sst s7  }
0x10: {  	[smem:$0x3FAA] =	sst s8  }
0x11: {  	[smem:$0x3FAB] =	sst s9;
	s0 =	simm.s32 @!p0 $0x0  }
0x12: {  	s1 =	sld [smem:$0x3F91];
	s0 =	simm.s32 @p0 $0x1  }
0x13: {  	[smem:$0x3FAC] =	sst s0;
	s0 =	simm.s32 @!p1 $0x0  }
0x14: {  	s2 =	sld [smem:$0x3F90];
	s0 =	simm.s32 @p1 $0x1  }
0x15: {  	[smem:$0x3FAD] =	sst s0;
	s0 =	simm.s32 @!p2 $0x0  }
0x16: {  	s3 =	sld [smem:$0x3FDB];
	s0 =	simm.s32 @p2 $0x1  }
0x17: {  	s4 =	simm.s32 $0x1BF5;
	[smem:$0x3FAF] =	sst s0  }
0x18: {  	s0 =	sld [smem:$0x3F92];
	_ =	swait.ge [sflag:s4], $0x0  }
0x19: {  	s7 =	sld [smem:$0x3F93]  }
0x1a: {  	s8 =	sadd.s32 $0xFFFFE003, lr  }
0x1b: {  	s9 =	sadd.s32 $0xFFFFFEF7, lr;
	s5 =	simm.s32 $0xFFFFFFFF;
	p2 =	slt.u32 s8, $0xFFFFF086  }
0x1c: {  	p1 =	slt.u32 s9, $0xF7A;
	s5 =	simm.s32 @!p2 $0x0  }
0x1d: {  	s5 =	simm.s32 @p1 $0x1;
	p0 =	seq.s32 s7, s2  }
0x1e: {  	s7 =	smul.u32 @!p0 $0xF7A, s2;
	p2 =	seq.s32 @!p0 s5, $0x0  }
0x1f: {  	s9 =	smul.u32 $0xF7A, s1;
	s8 =	simm.s32 @!p0 $0x1BF5;
	p2 =	por !p2, p0  }
0x20: {  	[sflag:s8] =	ssyncset.s32 @!p0 $0xFFFFF086;
	s6 =	sadd.s32 @!p0 s3, s7;
	s7 =	simm.s32 @!p0 $0x108  }
0x21: {  	s3 =	sadd.s32 s3, s9;
	s6 =	sadd.s32 @!p0 $0x88, s6;
	s7 =	simm.s32 @p2 $0x1082  }
0x22: {  	[simem:s7], [sflag:s8] =	dma.local @!p0 [hbm:s6], $0xF7A  }
0x23: {  	s9 =	sor.u32 $0xD0000000, s2;
	s6 =	simm.s32 $0x108;
	_ =	swait.ge @!p0 [sflag:s8], $0x0  }
0x24: {  	s3 =	sadd.s32 $0x88, s3;
	s6 =	simm.s32 @!p1 $0x1082;
	[sflag:s4] =	ssyncset.s32 $0xFFFFF086  }
0x25: {  	[simem:s6], [sflag:s4] =	dma.local [hbm:s3], $0xF7A  }
0x26: {  	[smem:$0x3F93] =	sst s1;
	(tag) =	ssettag s2;
	_ =	strace s9  }
0x27: {  	s1 =	sld [smem:$0x3FA3]  }
0x28: {  	s2 =	sld [smem:$0x3FA4]  }
0x29: {  	s4 =	sld [smem:$0x3FA6]  }
0x2a: {  	p0 =	seq.s32 s5, $0x0;
	s5 =	sld [smem:$0x3FA7]  }
0x2b: {  	s6 =	sld [smem:$0x3FA8]  }
0x2c: {  	s7 =	sld [smem:$0x3FA9]  }
0x2d: {  	s3 =	simm.s32 $0x108;
	s8 =	sld [smem:$0x3FAA]  }
0x2e: {  	s3 =	simm.s32 @!p0 $0x1082;
	s9 =	sld [smem:$0x3FAB]  }
0x2f: {  	lr =	sadd.s32 s0, s3;
	s0 =	sld [smem:$0x3FA2]  }
0x30: {  	s3 =	sld [smem:$0x3FA5]  }
0x31: {  	[smem:$0x3FAE] =	sst s10  }
0x32: {  	s10 =	sld [smem:$0x3FAC];
	_ =	sdelay $0x3  }
0x33: {  	p0 =	seq.s32 s10, $0x1;
	s10 =	sld [smem:$0x3FAE];
	_ =	sdelay $0x3  }
0x34: {  	[smem:$0x3FAE] =	sst s10  }
0x35: {  	s10 =	sld [smem:$0x3FAD];
	_ =	sdelay $0x3  }
0x36: {  	p1 =	seq.s32 s10, $0x1;
	s10 =	sld [smem:$0x3FAE];
	_ =	sdelay $0x3  }
0x37: {  	[smem:$0x3FAE] =	sst s10  }
0x38: {  	s10 =	sld [smem:$0x3FAF]  }
0x39: {  	_ = 	snop;
	(pc) =	sbr.ind lr, $3  }
0x3a: {  	_ = 	snop  }
0x3b: {  	_ = 	snop  }
0x3c: {  	p2 =	seq.s32 s10, $0x1;
	s10 =	sld [smem:$0x3FAE]  }
0x3d: {  	_ =	shalt  }
0x3e: {  	_ =	shalt  }
0x3f: {  	_ =	shalt  }
0x40: {  	_ =	shalt  }
0x41: {  	_ =	shalt  }
0x42: {  	_ =	shalt  }
0x43: {  	_ =	shalt  }
0x44: {  	_ =	shalt  }
0x45: {  	_ =	shalt  }
0x46: {  	_ =	shalt  }
0x47: {  	_ =	shalt  }
0x48: {  	_ =	shalt  }
0x49: {  	_ =	shalt  }
0x4a: {  	_ =	shalt  }
0x4b: {  	_ =	shalt  }
0x4c: {  	_ =	shalt  }
0x4d: {  	_ =	shalt  }
0x4e: {  	_ =	shalt  }
0x4f: {  	_ =	shalt  }
0x50: {  	_ =	shalt  }
0x51: {  	_ =	shalt  }
0x52: {  	_ =	shalt  }
0x53: {  	_ =	shalt  }
0x54: {  	_ =	shalt  }
0x55: {  	_ =	shalt  }
0x56: {  	_ =	shalt  }
0x57: {  	_ =	shalt  }
0x58: {  	_ =	shalt  }
0x59: {  	_ =	shalt  }
0x5a: {  	_ =	shalt  }
0x5b: {  	_ =	shalt  }
0x5c: {  	_ =	shalt  }
0x5d: {  	_ =	shalt  }
0x5e: {  	_ =	shalt  }
0x5f: {  	_ =	shalt  }
0x60: {  	_ =	shalt  }
0x61: {  	_ =	shalt  }
0x62: {  	_ =	shalt  }
0x63: {  	_ =	shalt  }
0x64: {  	_ =	shalt  }
0x65: {  	_ =	shalt  }
0x66: {  	_ =	shalt  }
0x67: {  	_ =	shalt  }
0x68: {  	_ =	shalt  }
0x69: {  	_ =	shalt  }
0x6a: {  	_ =	shalt  }
0x6b: {  	_ =	shalt  }
0x6c: {  	_ =	shalt  }
0x6d: {  	_ =	shalt  }
0x6e: {  	_ =	shalt  }
0x6f: {  	_ =	shalt  }
0x70: {  	_ =	shalt  }
0x71: {  	_ =	shalt  }
0x72: {  	_ =	shalt  }
0x73: {  	_ =	shalt  }
0x74: {  	_ =	shalt  }
0x75: {  	_ =	shalt  }
0x76: {  	_ =	shalt  }
0x77: {  	_ =	shalt  }
0x78: {  	_ =	shalt  }
0x79: {  	_ =	shalt  }
0x7a: {  	_ =	shalt  }
0x7b: {  	_ =	shalt  }
0x7c: {  	_ =	shalt  }
0x7d: {  	_ =	shalt  }
0x7e: {  	_ =	shalt  }
0x7f: {  	_ =	shalt  }
0x80: {  	_ =	shalt  }
0x81: {  	_ =	shalt  }
0x82: {  	_ =	shalt  }
0x83: {  	_ =	shalt  }
0x84: {  	_ =	shalt  }
0x85: {  	_ =	shalt  }
0x86: {  	_ =	shalt  }
0x87: {  	_ =	shalt  }
.Lfunc_end0:
.L_simem_size_0:
called_computation.3_lowered:
.L_overlay_start_0:
0x88: {  	s2 =	sld [smem:$0x3FD9]  }
0x89: {  	s3 =	sld [smem:$0x3FFE];
	_ =	sdelay $0x1  }
0x8a: {  	s1 =	srdreg.scid  }
0x8b: {  	s0 =	sand.u32 $0x1, s1  }
0x8c: {  	s16 =	sshll.u32 s0, $0xA;
	s2 =	sadd.s32 s3, s2  }
0x8d: {  	s2 =	sadd.s32 s2, s16  }
0x8e: {  	[smem:$0x3FBA] =	sst s2  }
0x8f: {  	_ = 	snop  }
0x90: {  	(tm) =	ssettm $0x1  }
0x91: {  	s17 =	sld [smem:$0x3FFB];
	_ =	sdelay $0x3  }
0x92: {  	_ =	strace s17  }
0x93: {  	s2 =	sld [smem:$0x3FFC];
	_ =	sdelay $0x3  }
0x94: {  	_ =	strace s2  }
0x95: {  	s2 =	sld [smem:$0x3FFD];
	_ =	sdelay $0x3  }
0x96: {  	_ =	strace s2  }
0x97: {  	_ =	strace $0x8FFFFFFF  }
0x98: {  	s18 =	sld [smem:$0x3FDB];
	_ =	sdelay $0x1  }
0x99: {  	s19 =	simm.s32 $_scs_section_size  }
0x9a: {  	s4 =	simm.s32 $_size__tile_overlayer_lowered;
	s5 =	simm.s32 $_tile_overlayer_lowered  }
0x9b: {  	s22 =	simm.s32 $0x1BFF;
	s21 =	sshll.u32 s5, $0x1;
	s2 =	sadd.s32 s19, s18  }
0x9c: {  	s6 =	simm.s32 $0x0;
	s20 =	sshll.u32 s4, $0x1;
	s4 =	sadd.s32 s21, s2  }
0x9d: {  	[timem:s6], [sflag:s22] =	dma.local [hbm:s4], s20  }
0x9e: {  	_ =	swait.ge [sflag:s22], s20  }
0x9f: {  	s3 =	ssub.s32 $0x0, s20;
	[sflag:s22] =	ssyncset.done $0x0  }
0xa0: {  	[sflag:s22] =	ssyncadd.s32 s3;
	_ =	sdelay $0x1  }
0xa1: {  	s23 =	simm.s32 $0x1B8B  }
0xa2: {  	_ =	swait.ge [sflag:s23], $0x1  }
0xa3: {  	[sflag:s23] =	ssyncset.done $0x0  }
0xa4: {  	s25 =	simm.s32 $0x1B8E;
	s24 =	sld [smem:$0x3FFE];
	[sflag:s23] =	ssyncadd.s32 $0xFFFFFFFF  }
0xa5: {  	s26 =	simm.s32 $execute0_lowered;
	[smem:$0x3FD2] =	sst s25  }
0xa6: {  	s4 =	sshll.u32 s26, $0x1;
	_ =	strace $0x8000004F;
	[dreg:$0x1] =	wrdreg $0xFFFFFFFF  }
0xa7: {  	s28 =	simm.s32 $_size_execute0_lowered;
	s2 =	sadd.s32 s2, s4;
	[dreg:$0x0] =	wrdreg $0x0  }
0xa8: {  	s4 =	sshll.u32 s28, $0x1;
	[dreg:$0x2] =	wrdreg s2  }
0xa9: {  	[dreg:$0x3] =	wrdreg s4  }
0xaa: {  	[dreg:$0x4] =	wrdreg $0xC0  }
0xab: {  	_ =	task [dreg:s6], $0x5FFFF  }
0xac: {  	[dreg:$0x1] =	wrdreg $0xFFFFFFFF  }
0xad: {  	[dreg:$0x0] =	wrdreg $0x60  }
0xae: {  	[dreg:$0x2] =	wrdreg s24  }
0xaf: {  	[dreg:$0x3] =	wrdreg $0x79000  }
0xb0: {  	[dreg:$0x4] =	wrdreg $0x9  }
0xb1: {  	_ =	task.clear_ibuf [dreg:s6], $0x5FFFF;
	_ =	strace $0x9000004F  }
0xb2: {  	s29 =	simm.s32 $0x9;
	_ =	strace $0x80000051  }
0xb3: {  	_ =	swait.ge [sflag:s29], $0x1  }
0xb4: {  	[sflag:s29] =	ssyncadd.s32 $0xFFFFFFFF  }
0xb5: {  	_ =	strace $0x90000051  }
0xb6: {  	_ =	sfence  }
0xb7: {  	s30 =	sld [smem:$0x0];
	_ =	sdelay $0x2  }
0xb8: {  	s31 =	sshll.u32 s1, $0xD;
	s1 =	sshrl.u32 s1, $0x2  }
0xb9: {  	s3 =	sand.u32 $0x4000, s31;
	s1 =	sadd.s32 s1, s30  }
0xba: {  	s0 =	sor.u32 s3, s0;
	s1 =	sshll.u32 s1, $0x11  }
0xbb: {  	s0 =	sor.u32 s1, s0  }
0xbc: {  	s0 =	sadd.s32 $0x8F2B, s0  }
0xbd: {  	[sflag:s0] =	ssyncadd.remote.s32 $0x1  }
0xbe: {  	_ =	sfence.sel $0xFFFF  }
0xbf: {  	[dreg:$0x0] =	wrdreg $0xFFFFFFFF;
	(pc) =	sbr.abs _section_cstart, $3  }
0xc0: {  	[dreg:$0x1] =	wrdreg $0xFFFFFFFF  }
0xc1: {  	_ =	task.clear_ibuf [dreg:s6], $0x2FFFF;
	_ =	strace $0x9FFFFFFF  }
0xc2: {  	(tm) =	ssettm $0x7FFFFFFF  }
0xc3: {  	_ =	shalt  }
tec
execute0_lowered:
.L_overlay_start_1:
0x0: {  	(tag) =	ssettag $0x1  }
0x1: {  	s0 =	rddreg [dreg:$0x0]  }
0x2: {  	s1 =	rddreg [dreg:$0x1];
	s3 =	simm.s32 $0x0  }
0x3: {  	s18 =	stileid.u32;
	s2 =	srdreg.scid;
	s28 =	simm.s32 $0x5100  }
0x4: {  	s29 =	simm.s32 $0x5;
	s30 =	simm.s32 $0x100;
	s5 =	smul.u32 $0x2710, s18  }
0x5: {  	s31 =	simm.s32 $0x80;
	[smem:$0x7FF] =	sst s3;
	s10 =	smul.u32 $0x138800, s18  }
0x6: {  	s4 =	sadd.s32 $0x79800, s0;
	s20 =	sand.u32 $0x1, s2;
	s21 =	smul.u32 $0x2800, s18  }
0x7: {  	s6 =	sadd.s32 $0x4400, s0;
	s11 =	sor.u32 $0x30, s18;
	s8 =	smul.u32 $0x1388000, s20  }
0x8: {  	s7 =	sadd.s32 $0x55B800, s0;
	s12 =	sor.u32 $0x40, s18;
	s24 =	smul.u32 $0x2800, s11  }
0x9: {  	s13 =	sor.u32 $0x50, s18;
	s19 =	sor.u32 $0x60, s18;
	s26 =	smul.u32 $0x2800, s12  }
0xa: {  	_ =	strace $0x80000050;
	s2 =	ssub.s32 $0x2, s20;
	s17 =	smul.u32 $0x2800, s13  }
0xb: {  	s12 =	smul.u32 $0xA000, s12;
	s5 =	sshrl.u32 s5, $0x3;
	s9 =	sshrl.u32 s2, $0x1  }
0xc: {  	s5 =	sadd.s32 s6, s5;
	s0 =	sadd.s32 s10, s8;
	s8 =	sor.u32 $0x10, s18  }
0xd: {  	s2 =	ssub.s32 s2, s9;
	s10 =	sor.u32 $0x20, s18;
	s14 =	smul.u32 $0x2800, s8  }
0xe: {  	s5 =	sadd.s32 $0x13880, s5;
	s15 =	smul.u32 $0x2800, s10;
	s2 =	smax.u32 s2, $0x1  }
0xf: {  	[dreg:$0x3] =	wrdreg s5;
	s5 =	smul.u32 $0x138800, s20;
	s20 =	sor.u32 $0x70, s18  }
0x10: {  	s8 =	smul.u32 $0xA000, s8;
	[dreg:$0xd] =	wrdreg s2;
	p0 =	sgt.u32 s20, $0x7C  }
0x11: {  	s9 =	sadd.s32 s5, s21;
	s22 =	sadd.s32 s5, s14;
	s23 =	sadd.s32 s5, s15  }
0x12: {  	s16 =	sadd.s32 s5, s24;
	s15 =	sadd.s32 s5, s17;
	s17 =	smul.u32 $0x2800, s20  }
0x13: {  	s14 =	sadd.s32 s5, s26;
	s24 =	smul.u32 $0x4E2, s18;
	s9 =	sshrl.u32 s9, $0x3  }
0x14: {  	s26 =	sshrl.u32 s0, $0x3;
	s25 =	sshrl.u32 s23, $0x3;
	s9 =	sadd.s32 s7, s9  }
0x15: {  	s14 =	sshrl.u32 s14, $0x3;
	[dreg:$0x4] =	wrdreg s9;
	s9 =	sshrl.u32 s22, $0x3  }
0x16: {  	s21 =	sadd.s32 s7, s14;
	s14 =	smul.u32 $0xA000, s13;
	s9 =	sadd.s32 s7, s9  }
0x17: {  	[dreg:$0x5] =	wrdreg s9;
	s9 =	sadd.s32 s7, s25;
	s25 =	smul.u32 $0xA000, s18  }
0x18: {  	s6 =	sadd.s32 s24, s6;
	[dreg:$0x8] =	wrdreg s21;
	s18 =	smul.u32 $0xA000, s19  }
0x19: {  	[dreg:$0x6] =	wrdreg s9;
	s9 =	sshrl.u32 s16, $0x3;
	s16 =	smul.u32 $0x2800, s19  }
0x1a: {  	s22 =	sshrl.u32 s15, $0x3;
	s19 =	smul.u32 $0xA000, s20;
	s9 =	sadd.s32 s7, s9  }
0x1b: {  	[dreg:$0x7] =	wrdreg s9;
	s9 =	sadd.s32 s7, s22;
	s23 =	sadd.s32 s5, s16  }
0x1c: {  	s5 =	sadd.s32 s5, s17;
	s17 =	sshrl.u32 s12, $0x2;
	s22 =	sshrl.u32 s18, $0x2  }
0x1d: {  	s12 =	sadd.s32 $0x5000, s0;
	[dreg:$0x9] =	wrdreg s9;
	s9 =	sshrl.u32 s23, $0x3  }
0x1e: {  	s5 =	sshrl.u32 s5, $0x3;
	s20 =	sadd.s32 s17, s1;
	s9 =	sadd.s32 s7, s9  }
0x1f: {  	s23 =	sshrl.u32 s19, $0x2;
	s5 =	sadd.s32 s7, s5;
	[dreg:$0xa] =	wrdreg s9  }
0x20: {  	s22 =	sadd.s32 s22, s1;
	s7 =	sadd.s32 s4, s26;
	[dreg:$0xb] =	wrdreg s5  }
0x21: {  	s23 =	sadd.s32 s23, s1;
	[dreg:$0xc] =	wrdreg s7;
	s9 =	smul.u32 $0xA000, s10  }
0x22: {  	s5 =	sshrl.u32 s25, $0x2;
	s10 =	smul.u32 $0xA000, s11;
	s11 =	sshrl.u32 s8, $0x2  }
0x23: {  	s25 =	sadd.s32 $0x2800, s0;
	s0 =	simm.s32 $0x2900;
	s8 =	simm.s32 $0x2  }
0x24: {  	s15 =	sadd.s32 s5, s1;
	s16 =	sadd.s32 s11, s1;
	s5 =	sshrl.u32 s14, $0x2  }
0x25: {  	s26 =	sshrl.u32 s25, $0x3;
	s25 =	sadd.s32 $0x13894, s6;
	s6 =	simm.s32 $0x50  }
0x26: {  	s7 =	sshrl.u32 s9, $0x2;
	s2 =	sshrl.u32 s10, $0x2;
	s21 =	sadd.s32 s5, s1  }
0x27: {  	s26 =	sadd.s32 s26, s4;
	s5 =	simm.s32 $0x3;
	s9 =	simm.s32 $0x4  }
0x28: {  	s10 =	simm.s32 $0x0;
	s24 =	sadd.s32 s7, s1;
	s2 =	sadd.s32 s2, s1  }
0x29: {  	v0 =	vimm.f32 $0.0e+00;
	s7 =	simm.s32 $0x6;
	[dreg:$0xe] =	wrdreg s2;
	s2 =	simm.s32 $0x1  }
.LBB2_1:
0x2a: {  	s11 =	simm.s32 $0x0;
	s13 =	simm.s32 $0x200  }
.LBB2_2:
0x2b: {  	p1 =	sne.s32 s13, $0x9E00;
	[tilespmem:s11+$0x5170] =	vst v0  }
0x2c: {  	[tilespmem:s11+$0x5100] =	vst v0  }
0x2d: {  	[tilespmem:s11+$0x5110] =	vst v0  }
.Ltmp0:
0x2e: {  	[tilespmem:s11+$0x5120] =	vst v0;
	(pc) =	sbr.rel @p1 .LBB2_2-.Ltmp0, $4  }
0x2f: {  	[tilespmem:s11+$0x5130] =	vst v0  }
0x30: {  	[tilespmem:s11+$0x5140] =	vst v0  }
0x31: {  	[tilespmem:s11+$0x5150] =	vst v0  }
0x32: {  	[tilespmem:s11+$0x5160] =	vst v0;
	s11 =	sshra.s32 s13, $0x2;
	s13 =	sadd.s32 $0x200, s13  }
0x33: {  	[tilespmem:s11+$0x5170] =	vst v0  }
0x34: {  	[tilespmem:s11+$0x5100] =	vst v0  }
0x35: {  	[tilespmem:s11+$0x5110] =	vst v0  }
0x36: {  	[tilespmem:s11+$0x5120] =	vst v0  }
0x37: {  	[tilespmem:s11+$0x5130] =	vst v0  }
0x38: {  	[tilespmem:s11+$0x5140] =	vst v0  }
0x39: {  	[tilespmem:s11+$0x5150] =	vst v0  }
0x3a: {  	[tilespmem:s11+$0x5160] =	vst v0  }
0x3b: {  	[spmem:s15] =	stream.linear.scatter [tilespmem:s28], [sflag:$0x5], $0x2800, $0x38;
	[tilespmem:$0x1B180] =	vst v63  }
0x3c: {  	_ =	swait.ge [sflag:s29], $0x2800  }
0x3d: {  	[sflag:s29] =	ssyncset.done $0x0  }
0x3e: {  	[sflag:s29] =	ssyncadd.s32 $0xFFFFD800  }
0x3f: {  	[spmem:s16] =	stream.linear.scatter [tilespmem:s28], [sflag:$0x5], $0x2800, $0x38;
	[tilespmem:$0x1B180] =	vst v63  }
0x40: {  	_ =	swait.ge [sflag:s29], $0x2800  }
0x41: {  	[sflag:s29] =	ssyncset.done $0x0  }
0x42: {  	[sflag:s29] =	ssyncadd.s32 $0xFFFFD800  }
0x43: {  	[spmem:s24] =	stream.linear.scatter [tilespmem:s28], [sflag:$0x5], $0x2800, $0x38;
	[tilespmem:$0x1B180] =	vst v63  }
0x44: {  	_ =	swait.ge [sflag:s29], $0x2800  }
0x45: {  	[sflag:s29] =	ssyncset.done $0x0  }
0x46: {  	s18 =	smov.u32 s16;
	s16 =	rddreg [dreg:$0xe];
	[sflag:s29] =	ssyncadd.s32 $0xFFFFD800  }
0x47: {  	[spmem:s16] =	stream.linear.scatter [tilespmem:s28], [sflag:$0x5], $0x2800, $0x38;
	[tilespmem:$0x1B180] =	vst v63  }
0x48: {  	_ =	swait.ge [sflag:s29], $0x2800  }
0x49: {  	[sflag:s29] =	ssyncset.done $0x0  }
0x4a: {  	[sflag:s29] =	ssyncadd.s32 $0xFFFFD800  }
0x4b: {  	[spmem:s20] =	stream.linear.scatter [tilespmem:s28], [sflag:$0x5], $0x2800, $0x38;
	[tilespmem:$0x1B180] =	vst v63  }
0x4c: {  	_ =	swait.ge [sflag:s29], $0x2800  }
0x4d: {  	[sflag:s29] =	ssyncset.done $0x0  }
0x4e: {  	[sflag:s29] =	ssyncadd.s32 $0xFFFFD800  }
0x4f: {  	[spmem:s21] =	stream.linear.scatter [tilespmem:s28], [sflag:$0x5], $0x2800, $0x38;
	[tilespmem:$0x1B180] =	vst v63  }
0x50: {  	_ =	swait.ge [sflag:s29], $0x2800  }
0x51: {  	[sflag:s29] =	ssyncset.done $0x0  }
0x52: {  	[sflag:s29] =	ssyncadd.s32 $0xFFFFD800  }
0x53: {  	[spmem:s22] =	stream.linear.scatter [tilespmem:s28], [sflag:$0x5], $0x2800, $0x38;
	[tilespmem:$0x1B180] =	vst v63  }
0x54: {  	_ =	swait.ge [sflag:s29], $0x2800  }
0x55: {  	[sflag:s29] =	ssyncset.done $0x0  }
0x56: {  	s11 =	simm.s32 @!p0 $0x5100;
	[sflag:s29] =	ssyncadd.s32 $0xFFFFD800  }
0x57: {  	[spmem:s23] =	stream.linear.scatter @!p0 [tilespmem:s11], [sflag:$0x5], $0x2800, $0x38;
	[tilespmem:$0x1B180] =	vst v63  }
0x58: {  	s11 =	simm.s32 @!p0 $0x5  }
0x59: {  	_ =	swait.ge @!p0 [sflag:s11], $0x2800  }
0x5a: {  	[sflag:s11] =	ssyncset.done @!p0 $0x0  }
0x5b: {  	[sflag:s11] =	ssyncadd.s32 @!p0 $0xFFFFD800  }
0x5c: {  	[bflag:$0x0] =	sbarrier.arrive $0xFFFF  }
0x5d: {  	s19 =	smov.u32 s24;
	s24 =	simm.s32 $0x0;
	s13 =	rddreg [dreg:$0x3]  }
0x5e: {  	[tilespmem:s24], [sflag:$0x1] =	stream.linear.gather [hbm4b:s13+s24], $0x50, $0x38;
	[tilespmem:$0x1B180] =	vst v63  }
0x5f: {  	s14 =	rddreg [dreg:$0xc]  }
0x60: {  	[tilespmem:s30], [sflag:$0x3] =	stream.linear.gather [hbm4b:s14+s24], $0x2800, $0x38;
	[tilespmem:$0x1B180] =	vst v63  }
0x61: {  	s17 =	smov.u32 s15;
	s15 =	sadd.s32 $0xFFFFFFF6, s25  }
0x62: {  	[tilespmem:s31], [sflag:$0x2] =	stream.linear.gather [hbm4b:s15+s3], $0x50, $0x38;
	[tilespmem:$0x1B180] =	vst v63  }
0x63: {  	s16 =	sadd.s32 $0x0, s26  }
0x64: {  	[tilespmem:s0], [sflag:$0x4] =	stream.linear.gather [hbm4b:s16+s3], $0x2800, $0x38;
	[tilespmem:$0x1B180] =	vst v63  }
0x65: {  	_ =	swait.ge [sflag:s2], $0x50  }
0x66: {  	[sflag:s2] =	ssyncset.done $0x0  }
0x67: {  	[sflag:s2] =	ssyncadd.s32 $0xFFFFFFB0  }
0x68: {  	_ =	swait.ge [sflag:s5], $0x2800  }
0x69: {  	[sflag:s5] =	ssyncset.done $0x0  }
0x6a: {  	[sflag:s5] =	ssyncadd.s32 $0xFFFFD800  }
0x6b: {  	[spmem:s1] =	stream.indirect.scatter.add.f32 [tilespmem:s30], [sflag:$0x6], $0x80, s3, s6, $0xb8;
	[tilespmem:$0x1B180] =	vst v63  }
0x6c: {  	_ =	swait.ge [sflag:s7], $0x2800  }
0x6d: {  	[sflag:s7] =	ssyncset.done $0x0  }
0x6e: {  	s24 =	sshrl.u32 s12, $0x3;
	[sflag:s7] =	ssyncadd.s32 $0xFFFFD800  }
0x6f: {  	[tilespmem:s3], [sflag:$0x1] =	stream.linear.gather [hbm4b:s25+s3], $0x50, $0x38;
	[tilespmem:$0x1B180] =	vst v63  }
0x70: {  	s11 =	sadd.s32 s4, s24  }
0x71: {  	[tilespmem:s30], [sflag:$0x3] =	stream.linear.gather [hbm4b:s11+s3], $0x2800, $0x38;
	[tilespmem:$0x1B180] =	vst v63  }
0x72: {  	_ =	swait.ge [sflag:s8], $0x50  }
0x73: {  	[sflag:s8] =	ssyncset.done $0x0  }
0x74: {  	[sflag:s8] =	ssyncadd.s32 $0xFFFFFFB0  }
0x75: {  	_ =	swait.ge [sflag:s9], $0x2800  }
0x76: {  	[sflag:s9] =	ssyncset.done $0x0  }
0x77: {  	[sflag:s9] =	ssyncadd.s32 $0xFFFFD800  }
0x78: {  	[spmem:s1] =	stream.indirect.scatter.add.f32 [tilespmem:s0], [sflag:$0x5], $0x80, s31, s6, $0xb8;
	[tilespmem:$0x1B180] =	vst v63  }
0x79: {  	s13 =	simm.s32 $0xA00;
	s14 =	simm.s32 $0x1400;
	_ =	swait.ge [sflag:s29], $0x2800  }
0x7a: {  	s24 =	smov.u32 s12;
	s11 =	sadd.s32 $0x14, s25;
	[sflag:s29] =	ssyncset.done $0x0  }
.LBB2_4:
0x7b: {  	s15 =	sadd.s32 $0xFFFFFFF6, s11  }
0x7c: {  	[sflag:s29] =	ssyncadd.s32 $0xFFFFD800;
	s24 =	sadd.s32 $0x5000, s24;
	s16 =	smov.u32 s14  }
0x7d: {  	[tilespmem:s31], [sflag:$0x2] =	stream.linear.gather [hbm4b:s15+s3], $0x50, $0x38;
	[tilespmem:$0x1B180] =	vst v63  }
0x7e: {  	p1 =	sne.s32 s14, $0x26200;
	s14 =	sadd.s32 $0xA00, s14;
	s13 =	sadd.s32 s13, s26  }
0x7f: {  	[tilespmem:s0], [sflag:$0x4] =	stream.linear.gather [hbm4b:s13+s3], $0x2800, $0x38;
	[tilespmem:$0x1B180] =	vst v63  }
0x80: {  	s13 =	smov.u32 s16;
	_ =	swait.ge [sflag:s2], $0x50  }
0x81: {  	[sflag:s2] =	ssyncset.done $0x0  }
0x82: {  	[sflag:s2] =	ssyncadd.s32 $0xFFFFFFB0  }
0x83: {  	_ =	swait.ge [sflag:s5], $0x2800  }
0x84: {  	[sflag:s5] =	ssyncset.done $0x0  }
0x85: {  	[sflag:s5] =	ssyncadd.s32 $0xFFFFD800  }
0x86: {  	[spmem:s1] =	stream.indirect.scatter.add.f32 [tilespmem:s30], [sflag:$0x6], $0x80, s3, s6, $0xb8;
	[tilespmem:$0x1B180] =	vst v63  }
0x87: {  	_ =	swait.ge [sflag:s7], $0x2800  }
0x88: {  	[sflag:s7] =	ssyncset.done $0x0  }
0x89: {  	s15 =	sshrl.u32 s24, $0x3;
	[sflag:s7] =	ssyncadd.s32 $0xFFFFD800  }
0x8a: {  	[tilespmem:s3], [sflag:$0x1] =	stream.linear.gather [hbm4b:s11+s3], $0x50, $0x38;
	[tilespmem:$0x1B180] =	vst v63  }
0x8b: {  	s15 =	sadd.s32 s4, s15  }
0x8c: {  	[tilespmem:s30], [sflag:$0x3] =	stream.linear.gather [hbm4b:s15+s3], $0x2800, $0x38;
	[tilespmem:$0x1B180] =	vst v63  }
0x8d: {  	_ =	swait.ge [sflag:s8], $0x50  }
0x8e: {  	[sflag:s8] =	ssyncset.done $0x0  }
0x8f: {  	[sflag:s8] =	ssyncadd.s32 $0xFFFFFFB0  }
0x90: {  	_ =	swait.ge [sflag:s9], $0x2800  }
.Ltmp1:
0x91: {  	[sflag:s9] =	ssyncset.done $0x0;
	(pc) =	sbr.rel @p1 .LBB2_4-.Ltmp1, $4  }
0x92: {  	[sflag:s9] =	ssyncadd.s32 $0xFFFFD800  }
0x93: {  	[spmem:s1] =	stream.indirect.scatter.add.f32 [tilespmem:s0], [sflag:$0x5], $0x80, s31, s6, $0xb8;
	[tilespmem:$0x1B180] =	vst v63  }
0x94: {  	_ =	swait.ge [sflag:s29], $0x2800  }
0x95: {  	s11 =	sadd.s32 $0x14, s11;
	[sflag:s29] =	ssyncset.done $0x0  }
0x96: {  	s14 =	sadd.s32 $0xFFFFFFF6, s11;
	[sflag:s29] =	ssyncadd.s32 $0xFFFFD800  }
0x97: {  	[tilespmem:s31], [sflag:$0x2] =	stream.linear.gather [hbm4b:s14+s3], $0x50, $0x38;
	[tilespmem:$0x1B180] =	vst v63  }
0x98: {  	s13 =	sadd.s32 s13, s26  }
0x99: {  	[tilespmem:s0], [sflag:$0x4] =	stream.linear.gather [hbm4b:s13+s3], $0x2800, $0x38;
	[tilespmem:$0x1B180] =	vst v63  }
0x9a: {  	_ =	swait.ge [sflag:s2], $0x50  }
0x9b: {  	[sflag:s2] =	ssyncset.done $0x0  }
0x9c: {  	[sflag:s2] =	ssyncadd.s32 $0xFFFFFFB0  }
0x9d: {  	_ =	swait.ge [sflag:s5], $0x2800  }
0x9e: {  	[sflag:s5] =	ssyncset.done $0x0  }
0x9f: {  	[sflag:s5] =	ssyncadd.s32 $0xFFFFD800  }
0xa0: {  	[spmem:s1] =	stream.indirect.scatter.add.f32 [tilespmem:s30], [sflag:$0x6], $0x80, s3, s6, $0xb8;
	[tilespmem:$0x1B180] =	vst v63  }
0xa1: {  	_ =	swait.ge [sflag:s7], $0x2800  }
0xa2: {  	s24 =	sadd.s32 $0x5000, s24;
	[sflag:s7] =	ssyncset.done $0x0  }
0xa3: {  	s13 =	sshrl.u32 s24, $0x3;
	[sflag:s7] =	ssyncadd.s32 $0xFFFFD800  }
0xa4: {  	[tilespmem:s3], [sflag:$0x1] =	stream.linear.gather [hbm4b:s11+s3], $0x50, $0x38;
	[tilespmem:$0x1B180] =	vst v63  }
0xa5: {  	s14 =	sadd.s32 s4, s13  }
0xa6: {  	[tilespmem:s30], [sflag:$0x3] =	stream.linear.gather [hbm4b:s14+s3], $0x2800, $0x38;
	[tilespmem:$0x1B180] =	vst v63  }
0xa7: {  	_ =	swait.ge [sflag:s8], $0x50  }
0xa8: {  	[sflag:s8] =	ssyncset.done $0x0  }
0xa9: {  	[sflag:s8] =	ssyncadd.s32 $0xFFFFFFB0  }
0xaa: {  	_ =	swait.ge [sflag:s9], $0x2800  }
0xab: {  	[sflag:s9] =	ssyncset.done $0x0  }
0xac: {  	[sflag:s9] =	ssyncadd.s32 $0xFFFFD800  }
0xad: {  	[spmem:s1] =	stream.indirect.scatter.add.f32 [tilespmem:s0], [sflag:$0x5], $0x80, s31, s6, $0xb8;
	[tilespmem:$0x1B180] =	vst v63  }
0xae: {  	_ =	swait.ge [sflag:s29], $0x2800  }
0xaf: {  	[sflag:s29] =	ssyncset.done $0x0  }
0xb0: {  	[sflag:s29] =	ssyncadd.s32 $0xFFFFD800  }
0xb1: {  	_ =	swait.ge [sflag:s2], $0x50  }
0xb2: {  	[sflag:s2] =	ssyncset.done $0x0  }
0xb3: {  	[sflag:s2] =	ssyncadd.s32 $0xFFFFFFB0  }
0xb4: {  	_ =	swait.ge [sflag:s5], $0x2800  }
0xb5: {  	[sflag:s5] =	ssyncset.done $0x0  }
0xb6: {  	[sflag:s5] =	ssyncadd.s32 $0xFFFFD800  }
0xb7: {  	[spmem:s1] =	stream.indirect.scatter.add.f32 [tilespmem:s30], [sflag:$0x5], $0x80, s3, s6, $0xb8;
	[tilespmem:$0x1B180] =	vst v63  }
0xb8: {  	_ =	swait.ge [sflag:s29], $0x2800  }
0xb9: {  	[sflag:s29] =	ssyncset.done $0x0  }
0xba: {  	s15 =	stileid.u32;
	[sflag:s29] =	ssyncadd.s32 $0xFFFFD800  }
0xbb: {  	s16 =	sshrl.u32 s17, $0x3;
	s11 =	sshll.u32 s15, $0x6;
	[bflag:$0x0] =	sbarrier.arrive $0xFFFF  }
0xbc: {  	s15 =	smov.u32 s17;
	s11 =	sor.u32 $0x1C05, s11;
	s17 =	rddreg [dreg:$0x4]  }
0xbd: {  	[hbm:s17], [sflag:s11] =	dma.local [spmem:s16], $0x500  }
0xbe: {  	_ =	swait.ge [sflag:s29], $0x500  }
0xbf: {  	s16 =	smov.u32 s18;
	[sflag:s29] =	ssyncset.done $0x0  }
0xc0: {  	s18 =	sshrl.u32 s18, $0x3;
	s24 =	rddreg [dreg:$0x5];
	[sflag:s29] =	ssyncadd.s32 $0xFFFFFB00  }
0xc1: {  	[hbm:s24], [sflag:s11] =	dma.local [spmem:s18], $0x500  }
0xc2: {  	_ =	swait.ge [sflag:s29], $0x500  }
0xc3: {  	[sflag:s29] =	ssyncset.done $0x0  }
0xc4: {  	s14 =	sshrl.u32 s19, $0x3;
	s17 =	rddreg [dreg:$0x6];
	[sflag:s29] =	ssyncadd.s32 $0xFFFFFB00  }
0xc5: {  	[hbm:s17], [sflag:s11] =	dma.local [spmem:s14], $0x500  }
0xc6: {  	_ =	swait.ge [sflag:s29], $0x500  }
0xc7: {  	s24 =	smov.u32 s19;
	[sflag:s29] =	ssyncset.done $0x0;
	s18 =	rddreg [dreg:$0xe]  }
0xc8: {  	s19 =	rddreg [dreg:$0x7];
	[sflag:s29] =	ssyncadd.s32 $0xFFFFFB00;
	s13 =	sshrl.u32 s18, $0x3  }
0xc9: {  	[hbm:s19], [sflag:s11] =	dma.local [spmem:s13], $0x500  }
0xca: {  	_ =	swait.ge [sflag:s29], $0x500  }
0xcb: {  	[sflag:s29] =	ssyncset.done $0x0  }
0xcc: {  	s14 =	sshrl.u32 s20, $0x3;
	s17 =	rddreg [dreg:$0x8];
	[sflag:s29] =	ssyncadd.s32 $0xFFFFFB00  }
0xcd: {  	[hbm:s17], [sflag:s11] =	dma.local [spmem:s14], $0x500  }
0xce: {  	_ =	swait.ge [sflag:s29], $0x500  }
0xcf: {  	[sflag:s29] =	ssyncset.done $0x0  }
0xd0: {  	s18 =	sshrl.u32 s21, $0x3;
	s19 =	rddreg [dreg:$0x9];
	[sflag:s29] =	ssyncadd.s32 $0xFFFFFB00  }
0xd1: {  	[hbm:s19], [sflag:s11] =	dma.local [spmem:s18], $0x500  }
0xd2: {  	_ =	swait.ge [sflag:s29], $0x500  }
0xd3: {  	[sflag:s29] =	ssyncset.done $0x0  }
0xd4: {  	s17 =	sshrl.u32 s22, $0x3;
	s18 =	rddreg [dreg:$0xa];
	[sflag:s29] =	ssyncadd.s32 $0xFFFFFB00  }
0xd5: {  	[hbm:s18], [sflag:s11] =	dma.local [spmem:s17], $0x500  }
0xd6: {  	_ =	swait.ge [sflag:s29], $0x500  }
0xd7: {  	[sflag:s29] =	ssyncset.done $0x0  }
0xd8: {  	s13 =	sshrl.u32 @!p0 s23, $0x3;
	s14 =	rddreg [dreg:$0xb];
	[sflag:s29] =	ssyncadd.s32 $0xFFFFFB00  }
0xd9: {  	[hbm:s14], [sflag:s11] =	dma.local @!p0 [spmem:s13], $0x500  }
0xda: {  	s11 =	simm.s32 @!p0 $0x5  }
0xdb: {  	_ =	swait.ge @!p0 [sflag:s11], $0x500  }
0xdc: {  	s10 =	sadd.s32 $0x1, s10;
	s19 =	rddreg [dreg:$0xd]  }
0xdd: {  	p1 =	sne.s32 s10, s19  }
.Ltmp2:
0xde: {  	_ = 	snop;
	(pc) =	sbr.rel @p1 .LBB2_1-.Ltmp2, $3  }
0xdf: {  	_ =	sdelay $0x1  }
0xe0: {  	[sflag:s11] =	ssyncset.done @!p0 $0x0  }
0xe1: {  	[sflag:s11] =	ssyncadd.s32 @!p0 $0xFFFFFB00  }
0xe2: {  	_ =	sfence.sel $0x180000  }
0xe3: {  	[bflag:$0x0] =	sbarrier.arrive $0xFFFF  }
0xe4: {  	_ =	strace $0x90000050  }
0xe5: {  	s0 =	stileid.u32;
	[bflag:$0x2] =	sbarrier.arrive $0xFFFF  }
0xe6: {  	p0 =	sne.s32 s0, $0x0;
	s0 =	rddreg [dreg:$0x2]  }
0xe7: {  	s0 =	sadd.s32 @!p0 $0x100000, s0  }
0xe8: {  	[sflag:s0] =	ssyncadd.tile.s32 @!p0 $0x1;
	_ =	shalt  }
.Lfunc_end2:
_tile_overlayer_lowered:
.L_overlay_start_2:
0xe9: {  	(tag) =	ssettag $0x2  }
0xea: {  	s0 =	rddreg [dreg:$0x0];
	s2 =	stileid.u32  }
0xeb: {  	s1 =	rddreg [dreg:$0x1];
	p0 =	sne.s32 s2, $0x0  }
0xec: {  	s3 =	rddreg [dreg:$0x2];
	[bflag:$0x3] =	sbarrier.arrive $0xFFFF;
	s2 =	simm.s32 @!p0 $0x1C05  }
0xed: {  	[timem:s3], [sflag:s2] =	dma.local @!p0 [hbm:s0], s1  }
0xee: {  	s0 =	simm.s32 @!p0 $0x5  }
0xef: {  	_ =	swait.ge @!p0 [sflag:s0], s1  }
0xf0: {  	s1 =	ssub.s32 @!p0 $0x0, s1;
	[sflag:s0] =	ssyncset.done @!p0 $0x0  }
0xf1: {  	[sflag:s0] =	ssyncadd.s32 @!p0 s1  }
0xf2: {  	[bflag:$0x3] =	sbarrier.arrive $0xFFFF  }
0xf3: {  	_ =	shalt  }

</sc_bundles>
